<compile_context>
chip_gen: v7x
topology: tpu7x:2x2x1
jax: 0.10.2.dev20260603
libtpu: 0.0.44.dev20260713+nightly
codegen_flags: <defaults>
</compile_context>

<pallas_src>
import functools

import jax
import jax.numpy as jnp
from jax import lax
from jax.experimental import pallas as pl
from jax.experimental.pallas import tpu as pltpu
from jax.experimental.pallas import tpu_sc as plsc

N = 10000
D = 128
E = 320000

NC = 2
NS = 16
NW = NC * NS
FPW = D // NW
WPW = FPW // 2
LANES = 16
CH = 3200
NCH = E // CH
GPC = CH // LANES
NEG1_PAIR = -1082081408


def _mlp1_body(x_ref, w_ref, b_ref, g_ref, be_ref, o_ref):
    h = jnp.dot(x_ref[...], w_ref[...], preferred_element_type=jnp.float32,
                precision=lax.Precision.HIGHEST)
    h = h + b_ref[...]
    mu = jnp.mean(h, axis=-1, keepdims=True)
    var = jnp.mean(jnp.square(h - mu), axis=-1, keepdims=True)
    h = (h - mu) / jnp.sqrt(var + 1e-5) * g_ref[...] + be_ref[...]
    o_ref[...] = jnp.maximum(h, 0.0)


def _mlp2_body(h_ref, a_ref, wa_ref, wb_ref, b_ref, g_ref, be_ref, o_ref):
    h = jnp.dot(h_ref[...], wa_ref[...], preferred_element_type=jnp.float32,
                precision=lax.Precision.HIGHEST)
    h = h + jnp.dot(a_ref[...], wb_ref[...], preferred_element_type=jnp.float32,
                    precision=lax.Precision.HIGHEST)
    h = h + b_ref[...]
    mu = jnp.mean(h, axis=-1, keepdims=True)
    var = jnp.mean(jnp.square(h - mu), axis=-1, keepdims=True)
    h = (h - mu) / jnp.sqrt(var + 1e-5) * g_ref[...] + be_ref[...]
    o_ref[...] = jnp.maximum(h, 0.0)


_ROWS = 1000


def _mlp1(x, w, b, g, be):
    vec = pl.BlockSpec((1, D), lambda i: (0, 0))
    return pl.pallas_call(
        _mlp1_body,
        grid=(N // _ROWS,),
        in_specs=[
            pl.BlockSpec((_ROWS, D), lambda i: (i, 0)),
            pl.BlockSpec((D, D), lambda i: (0, 0)),
            vec, vec, vec,
        ],
        out_specs=pl.BlockSpec((_ROWS, D), lambda i: (i, 0)),
        out_shape=jax.ShapeDtypeStruct((N, D), jnp.float32),
    )(x, w, b.reshape(1, D), g.reshape(1, D), be.reshape(1, D))


def _mlp2(h, a, wa, wb, b, g, be):
    vec = pl.BlockSpec((1, D), lambda i: (0, 0))
    return pl.pallas_call(
        _mlp2_body,
        grid=(N // _ROWS,),
        in_specs=[
            pl.BlockSpec((_ROWS, D), lambda i: (i, 0)),
            pl.BlockSpec((_ROWS, D), lambda i: (i, 0)),
            pl.BlockSpec((D, D), lambda i: (0, 0)),
            pl.BlockSpec((D, D), lambda i: (0, 0)),
            vec, vec, vec,
        ],
        out_specs=pl.BlockSpec((_ROWS, D), lambda i: (i, 0)),
        out_shape=jax.ShapeDtypeStruct((N, D), jnp.float32),
    )(h, a, wa, wb, b.reshape(1, D), g.reshape(1, D), be.reshape(1, D))


def _gcn_sc_body(hc, ep, out, hp0, hp1, ap0, ap1, scr0, scr1,
                 pbufa, pbufb, sema, semb):
    wid = lax.axis_index("s") * NC + lax.axis_index("c")
    lane = jnp.arange(LANES, dtype=jnp.int32)
    hps = (hp0, hp1)
    aps = (ap0, ap1)

    for j in range(WPW):
        pltpu.sync_copy(hc.at[wid, j], hps[j])

    def _init(i, carry):
        neg = jnp.full((LANES,), NEG1_PAIR, jnp.int32)
        for j in range(WPW):
            aps[j][pl.ds(i * LANES, LANES)] = neg
        return carry
    lax.fori_loop(0, N // LANES, _init, 0, unroll=8)

    def _start(c, pbuf, sem):
        pltpu.async_copy(ep.at[pl.ds(c * CH, CH)], pbuf, sem)

    def _wait(pbuf, sem):
        pltpu.make_async_copy(ep.at[pl.ds(0, CH)], pbuf, sem).wait()

    def _one_group(pbuf, g, scr):
        p = pbuf[pl.ds(g * LANES, LANES)]
        s = jnp.bitwise_and(p, jnp.int32(16383))
        d = jnp.right_shift(p, jnp.int32(14))
        plsc.store_scatter(scr, [d], lane)
        rb = plsc.load_gather(scr, [d])
        own = rb == lane
        vbs = []
        for j in range(WPW):
            pv = plsc.load_gather(hps[j], [s])
            cv = plsc.load_gather(aps[j], [d])
            vb = plsc.bitcast(pv, jnp.bfloat16)
            cb = plsc.bitcast(cv, jnp.bfloat16)
            mb = jnp.maximum(cb, vb)
            plsc.store_scatter(aps[j], [d], plsc.bitcast(mb, jnp.int32),
                               mask=own)
            vbs.append(vb)
        rem = jnp.logical_not(own)

        @pl.when(jnp.any(rem))
        def _fallback():
            def _cond(c2):
                r, it = c2
                return jnp.logical_and(jnp.any(r), it < LANES)

            def _body(c2):
                r, it = c2
                plsc.store_scatter(scr, [d], lane, mask=r)
                rb2 = plsc.load_gather(scr, [d])
                own2 = jnp.logical_and(rb2 == lane, r)
                for j in range(WPW):
                    cv2 = plsc.load_gather(aps[j], [d])
                    cb2 = plsc.bitcast(cv2, jnp.bfloat16)
                    mb2 = jnp.maximum(cb2, vbs[j])
                    plsc.store_scatter(aps[j], [d],
                                       plsc.bitcast(mb2, jnp.int32),
                                       mask=own2)
                return jnp.logical_and(r, jnp.logical_not(own2)), it + 1

            lax.while_loop(_cond, _body, (rem, jnp.int32(0)))

    def _groups(pbuf):
        def _pair(q, carry):
            _one_group(pbuf, q * 2, scr0)
            _one_group(pbuf, q * 2 + 1, scr1)
            return carry
        lax.fori_loop(0, GPC // 2, _pair, 0, unroll=2)

    _start(0, pbufa, sema)

    def _chunks(i, carry):
        ca = 2 * i
        _start(ca + 1, pbufb, semb)
        _wait(pbufa, sema)
        _groups(pbufa)

        @pl.when(ca + 2 < NCH)
        def _prefetch():
            _start(ca + 2, pbufa, sema)
        _wait(pbufb, semb)
        _groups(pbufb)
        return carry
    lax.fori_loop(0, NCH // 2, _chunks, 0)

    def _fix(i, carry):
        sl = pl.ds(i * LANES, LANES)
        for j in range(WPW):
            ab = plsc.bitcast(aps[j][sl], jnp.bfloat16)
            hb = plsc.bitcast(hps[j][sl], jnp.bfloat16)
            sel = jnp.where(ab < 0, hb, ab)
            aps[j][sl] = plsc.bitcast(sel, jnp.int32)
        return carry
    lax.fori_loop(0, N // LANES, _fix, 0, unroll=8)

    for j in range(WPW):
        pltpu.sync_copy(aps[j], out.at[wid, j])


@functools.partial(
    pl.kernel,
    mesh=plsc.VectorSubcoreMesh(core_axis_name="c", subcore_axis_name="s"),
    out_type=jax.ShapeDtypeStruct((NW, WPW, N), jnp.int32),
    compiler_params=pltpu.CompilerParams(needs_layout_passes=False),
    scratch_types=[
        pltpu.VMEM((N,), jnp.int32),
        pltpu.VMEM((N,), jnp.int32),
        pltpu.VMEM((N,), jnp.int32),
        pltpu.VMEM((N,), jnp.int32),
        pltpu.VMEM((N,), jnp.int32),
        pltpu.VMEM((N,), jnp.int32),
        pltpu.VMEM((CH,), jnp.int32),
        pltpu.VMEM((CH,), jnp.int32),
        pltpu.SemaphoreType.DMA,
        pltpu.SemaphoreType.DMA,
    ],
)
def _gcn_sc(hc, ep, out, hp0, hp1, ap0, ap1, scr0, scr1,
            pbufa, pbufb, sema, semb):
    _gcn_sc_body(hc, ep, out, hp0, hp1, ap0, ap1, scr0, scr1,
                 pbufa, pbufb, sema, semb)


def _to_packed(h):
    hb = h.astype(jnp.bfloat16).T
    hb = hb.reshape(NW, WPW, 2, N).transpose(0, 1, 3, 2)
    return lax.bitcast_convert_type(hb, jnp.int32)


def _from_packed(a):
    ab = lax.bitcast_convert_type(a, jnp.bfloat16)
    ab = ab.transpose(0, 1, 3, 2).reshape(D, N)
    return ab.T.astype(jnp.float32)


def kernel(x, edge_index, W0, b0, g0, be0, W1, b1, g1, be1):
    ei = edge_index.astype(jnp.int32)
    ep = ei[0] + ei[1] * jnp.int32(16384)

    h1 = _mlp1(x, W0, b0, g0, be0)
    a1 = _from_packed(_gcn_sc(_to_packed(h1), ep))
    h2 = _mlp2(h1, a1, W1[:D], W1[D:], b1, g1, be1)
    a2 = _from_packed(_gcn_sc(_to_packed(h2), ep))
    return jnp.concatenate([h2, a2], axis=1)

# --- scband reference (transcript-rebuilt; emitter-appended) ---
"""Pipeline reference for scband-sub-network-63608465654233 (READ-ONLY COPY).

The authoritative reference and input builder live on the scoring server;
editing this copy changes nothing except your own understanding.
"""

import jax, jax.numpy as jnp
import numpy as np

N = 10000
D = 128
E = 320000

def mlp(x, W, b, g, be):
    h = x @ W + b
    mu = jnp.mean(h, axis=-1, keepdims=True)
    var = jnp.var(h, axis=-1, keepdims=True)
    h = (h - mu) / jnp.sqrt(var + 1e-5) * g + be
    return jax.nn.relu(h)

def gcn_layer(x, src, dst):
    # DGL copy_src + max reduce: v_feature[dst] = max over incoming messages
    msg = x[src]
    agg = jax.ops.segment_max(msg, dst, num_segments=N)
    # nodes with no incoming messages keep their original feature (DGL recv semantics)
    agg = jnp.where(jnp.isneginf(agg), x, agg)
    return jnp.concatenate([x, agg], axis=1)

def setup_inputs(seed: int = 0) -> dict:
    key = jax.random.key(seed)
    ks = jax.random.split(key, 12)
    inp = {}
    inp['x'] = jax.random.normal(ks[0], (N, D), dtype=jnp.float32)
    inp['edge_index'] = jax.random.randint(ks[1], (2, E), 0, N, dtype=jnp.int32).astype(jnp.int64)
    s0 = 1.0 / np.sqrt(D)
    inp['W0'] = jax.random.uniform(ks[2], (D, D), minval=-s0, maxval=s0, dtype=jnp.float32)
    inp['b0'] = jax.random.uniform(ks[3], (D,), minval=-s0, maxval=s0, dtype=jnp.float32)
    inp['g0'] = jnp.ones((D,), dtype=jnp.float32)
    inp['be0'] = jnp.zeros((D,), dtype=jnp.float32)
    s1 = 1.0 / np.sqrt(2 * D)
    inp['W1'] = jax.random.uniform(ks[4], (2 * D, D), minval=-s1, maxval=s1, dtype=jnp.float32)
    inp['b1'] = jax.random.uniform(ks[5], (D,), minval=-s1, maxval=s1, dtype=jnp.float32)
    inp['g1'] = jnp.ones((D,), dtype=jnp.float32)
    inp['be1'] = jnp.zeros((D,), dtype=jnp.float32)
    return inp

def reference(x, edge_index, W0, b0, g0, be0, W1, b1, g1, be1):
    src = edge_index[0]
    dst = edge_index[1]
    h = mlp(x, W0, b0, g0, be0)
    h = gcn_layer(h, src, dst)
    h = mlp(h, W1, b1, g1, be1)
    h = gcn_layer(h, src, dst)
    return h

if __name__ == "__main__":
    import jax
    _d = setup_inputs()
    print(jax.jit(kernel)(*tuple(_d.values())))

</pallas_src>

<mosaic_0001>
#map = affine_map<(d0, d1) -> (0, 0, 0)>
#map1 = affine_map<(d0, d1) -> (0)>
module attributes {stable_mosaic.version = 14 : i64} {
  func.func @_gcn_sc(%arg0: i32, %arg1: i32, %arg2: memref<32x2x10000xi32, #tpu.memory_space<hbm>>, %arg3: memref<320000xi32, #tpu.memory_space<hbm>>, %arg4: memref<32x2x10000xi32, #tpu.memory_space<hbm>>, %arg5: memref<10000xi32, #tpu.memory_space<vmem>>, %arg6: memref<10000xi32, #tpu.memory_space<vmem>>, %arg7: memref<10000xi32, #tpu.memory_space<vmem>>, %arg8: memref<10000xi32, #tpu.memory_space<vmem>>, %arg9: memref<10000xi32, #tpu.memory_space<vmem>>, %arg10: memref<10000xi32, #tpu.memory_space<vmem>>, %arg11: memref<3200xi32, #tpu.memory_space<vmem>>, %arg12: memref<3200xi32, #tpu.memory_space<vmem>>, %arg13: memref<!tpu.dma_semaphore, #tpu.memory_space<semaphore_mem>>, %arg14: memref<!tpu.dma_semaphore, #tpu.memory_space<semaphore_mem>>) attributes {dimension_semantics = [#tpu.dimension_semantics<core_parallel>, #tpu.dimension_semantics<subcore_parallel>], iteration_bounds = array<i64: 2, 16>, scalar_prefetch = 0 : i64, scratch_operands = 10 : i64, tpu.core_type = #tpu.core_type<sc_vector_subcore>, window_params = [{transform_indices = #map}, {transform_indices = #map1}, {transform_indices = #map}]} {
    %mul3A = arith.constant 2 : i32
    %mul3A_0 = arith.muli %arg1, %mul3A : i32
    %add3A = arith.addi %mul3A_0, %arg0 : i32
    %iota3A = tpu.iota {dimensions = array<i32: 0>} : vector<16xi32>
    %run_scoped3A = arith.constant 0 : i32
    "tpu.region"() ({
      %run_scoped3A_60 = tpu.sem_alloc : memref<!tpu.dma_semaphore, #tpu.memory_space<semaphore_mem>>
      %dma_start3A_61 = arith.constant 0 : i32
      %dma_start3A_62 = tpu.memref_slice %arg2[%add3A, %run_scoped3A, %dma_start3A_61] : memref<32x2x10000xi32, #tpu.memory_space<hbm>> -> memref<1x1x10000xi32, #tpu.memory_space<hbm>>
      %dma_start3A_63 = tpu.memref_squeeze %dma_start3A_62 : memref<1x1x10000xi32, #tpu.memory_space<hbm>> -> memref<10000xi32, #tpu.memory_space<hbm>>
      %dma_start3A_64 = arith.constant 0 : i32
      %dma_start3A_65 = tpu.memref_slice %arg2[%add3A, %run_scoped3A, %dma_start3A_64] : memref<32x2x10000xi32, #tpu.memory_space<hbm>> -> memref<1x1x10000xi32, #tpu.memory_space<hbm>>
      %dma_start3A_66 = tpu.memref_squeeze %dma_start3A_65 : memref<1x1x10000xi32, #tpu.memory_space<hbm>> -> memref<10000xi32, #tpu.memory_space<hbm>>
      tpu.enqueue_dma source(%dma_start3A_66 : memref<10000xi32, #tpu.memory_space<hbm>>) target(%arg5 : memref<10000xi32, #tpu.memory_space<vmem>>) target_semaphore(%run_scoped3A_60 : memref<!tpu.dma_semaphore, #tpu.memory_space<semaphore_mem>>)
      %dma_wait3A = arith.constant 0 : i32
      %dma_wait3A_67 = tpu.memref_slice %arg2[%add3A, %run_scoped3A, %dma_wait3A] : memref<32x2x10000xi32, #tpu.memory_space<hbm>> -> memref<1x1x10000xi32, #tpu.memory_space<hbm>>
      %dma_wait3A_68 = tpu.memref_squeeze %dma_wait3A_67 : memref<1x1x10000xi32, #tpu.memory_space<hbm>> -> memref<10000xi32, #tpu.memory_space<hbm>>
      %dma_wait3A_69 = arith.constant 0 : i32
      %dma_wait3A_70 = tpu.memref_slice %arg2[%add3A, %run_scoped3A, %dma_wait3A_69] : memref<32x2x10000xi32, #tpu.memory_space<hbm>> -> memref<1x1x10000xi32, #tpu.memory_space<hbm>>
      %dma_wait3A_71 = tpu.memref_squeeze %dma_wait3A_70 : memref<1x1x10000xi32, #tpu.memory_space<hbm>> -> memref<10000xi32, #tpu.memory_space<hbm>>
      tpu.wait_dma2 semaphore(%run_scoped3A_60 : memref<!tpu.dma_semaphore, #tpu.memory_space<semaphore_mem>>) src(%dma_wait3A_71 : memref<10000xi32, #tpu.memory_space<hbm>>) dst(%arg5 : memref<10000xi32, #tpu.memory_space<vmem>>)
      tpu.yield
    }) : () -> ()
    %run_scoped3A_1 = arith.constant 1 : i32
    "tpu.region"() ({
      %run_scoped3A_60 = tpu.sem_alloc : memref<!tpu.dma_semaphore, #tpu.memory_space<semaphore_mem>>
      %dma_start3A_61 = arith.constant 0 : i32
      %dma_start3A_62 = tpu.memref_slice %arg2[%add3A, %run_scoped3A_1, %dma_start3A_61] : memref<32x2x10000xi32, #tpu.memory_space<hbm>> -> memref<1x1x10000xi32, #tpu.memory_space<hbm>>
      %dma_start3A_63 = tpu.memref_squeeze %dma_start3A_62 : memref<1x1x10000xi32, #tpu.memory_space<hbm>> -> memref<10000xi32, #tpu.memory_space<hbm>>
      %dma_start3A_64 = arith.constant 0 : i32
      %dma_start3A_65 = tpu.memref_slice %arg2[%add3A, %run_scoped3A_1, %dma_start3A_64] : memref<32x2x10000xi32, #tpu.memory_space<hbm>> -> memref<1x1x10000xi32, #tpu.memory_space<hbm>>
      %dma_start3A_66 = tpu.memref_squeeze %dma_start3A_65 : memref<1x1x10000xi32, #tpu.memory_space<hbm>> -> memref<10000xi32, #tpu.memory_space<hbm>>
      tpu.enqueue_dma source(%dma_start3A_66 : memref<10000xi32, #tpu.memory_space<hbm>>) target(%arg6 : memref<10000xi32, #tpu.memory_space<vmem>>) target_semaphore(%run_scoped3A_60 : memref<!tpu.dma_semaphore, #tpu.memory_space<semaphore_mem>>)
      %dma_wait3A = arith.constant 0 : i32
      %dma_wait3A_67 = tpu.memref_slice %arg2[%add3A, %run_scoped3A_1, %dma_wait3A] : memref<32x2x10000xi32, #tpu.memory_space<hbm>> -> memref<1x1x10000xi32, #tpu.memory_space<hbm>>
      %dma_wait3A_68 = tpu.memref_squeeze %dma_wait3A_67 : memref<1x1x10000xi32, #tpu.memory_space<hbm>> -> memref<10000xi32, #tpu.memory_space<hbm>>
      %dma_wait3A_69 = arith.constant 0 : i32
      %dma_wait3A_70 = tpu.memref_slice %arg2[%add3A, %run_scoped3A_1, %dma_wait3A_69] : memref<32x2x10000xi32, #tpu.memory_space<hbm>> -> memref<1x1x10000xi32, #tpu.memory_space<hbm>>
      %dma_wait3A_71 = tpu.memref_squeeze %dma_wait3A_70 : memref<1x1x10000xi32, #tpu.memory_space<hbm>> -> memref<10000xi32, #tpu.memory_space<hbm>>
      tpu.wait_dma2 semaphore(%run_scoped3A_60 : memref<!tpu.dma_semaphore, #tpu.memory_space<semaphore_mem>>) src(%dma_wait3A_71 : memref<10000xi32, #tpu.memory_space<hbm>>) dst(%arg6 : memref<10000xi32, #tpu.memory_space<vmem>>)
      tpu.yield
    }) : () -> ()
    %scan3A = arith.constant 0 : i32
    %scan3A_2 = arith.constant 0 : i32
    %scan3A_3 = arith.constant 624 : i32
    %scan3A_4 = arith.addi %scan3A_2, %scan3A_3 : i32
    %scan3A_5 = arith.constant 8 : i32
    scf.for %scan3A_60 = %scan3A_2 to %scan3A_4 step %scan3A_5  : i32 {
      %broadcast_in_dim3A_61 = arith.constant -1082081408 : i32
      %broadcast_in_dim3A_62 = vector.broadcast %broadcast_in_dim3A_61 : i32 to vector<16xi32>
      %mul3A_63 = arith.constant 16 : i32
      %mul3A_64 = arith.muli %scan3A_60, %mul3A_63 : i32
      %swap3A_65 = arith.index_cast %mul3A_64 : i32 to index
      %swap3A_66 = tpu.vector_load %arg7[%swap3A_65] {strides = array<i32>} : memref<10000xi32, #tpu.memory_space<vmem>>, vector<16xi32>,
      tpu.vector_store %arg7[%swap3A_65], %broadcast_in_dim3A_62 {strides = array<i32>} : memref<10000xi32, #tpu.memory_space<vmem>>, vector<16xi32>,
      %mul3A_67 = arith.constant 16 : i32
      %mul3A_68 = arith.muli %scan3A_60, %mul3A_67 : i32
      %swap3A_69 = arith.index_cast %mul3A_68 : i32 to index
      %swap3A_70 = tpu.vector_load %arg8[%swap3A_69] {strides = array<i32>} : memref<10000xi32, #tpu.memory_space<vmem>>, vector<16xi32>,
      tpu.vector_store %arg8[%swap3A_69], %broadcast_in_dim3A_62 {strides = array<i32>} : memref<10000xi32, #tpu.memory_space<vmem>>, vector<16xi32>,
      %scan3A_71 = arith.constant 1 : i32
      %scan3A_72 = arith.addi %scan3A_60, %scan3A_71 : i32
      %broadcast_in_dim3A_73 = arith.constant -1082081408 : i32
      %broadcast_in_dim3A_74 = vector.broadcast %broadcast_in_dim3A_73 : i32 to vector<16xi32>
      %mul3A_75 = arith.constant 16 : i32
      %mul3A_76 = arith.muli %scan3A_72, %mul3A_75 : i32
      %swap3A_77 = arith.index_cast %mul3A_76 : i32 to index
      %swap3A_78 = tpu.vector_load %arg7[%swap3A_77] {strides = array<i32>} : memref<10000xi32, #tpu.memory_space<vmem>>, vector<16xi32>,
      tpu.vector_store %arg7[%swap3A_77], %broadcast_in_dim3A_74 {strides = array<i32>} : memref<10000xi32, #tpu.memory_space<vmem>>, vector<16xi32>,
      %mul3A_79 = arith.constant 16 : i32
      %mul3A_80 = arith.muli %scan3A_72, %mul3A_79 : i32
      %swap3A_81 = arith.index_cast %mul3A_80 : i32 to index
      %swap3A_82 = tpu.vector_load %arg8[%swap3A_81] {strides = array<i32>} : memref<10000xi32, #tpu.memory_space<vmem>>, vector<16xi32>,
      tpu.vector_store %arg8[%swap3A_81], %broadcast_in_dim3A_74 {strides = array<i32>} : memref<10000xi32, #tpu.memory_space<vmem>>, vector<16xi32>,
      %scan3A_83 = arith.constant 2 : i32
      %scan3A_84 = arith.addi %scan3A_60, %scan3A_83 : i32
      %broadcast_in_dim3A_85 = arith.constant -1082081408 : i32
      %broadcast_in_dim3A_86 = vector.broadcast %broadcast_in_dim3A_85 : i32 to vector<16xi32>
      %mul3A_87 = arith.constant 16 : i32
      %mul3A_88 = arith.muli %scan3A_84, %mul3A_87 : i32
      %swap3A_89 = arith.index_cast %mul3A_88 : i32 to index
      %swap3A_90 = tpu.vector_load %arg7[%swap3A_89] {strides = array<i32>} : memref<10000xi32, #tpu.memory_space<vmem>>, vector<16xi32>,
      tpu.vector_store %arg7[%swap3A_89], %broadcast_in_dim3A_86 {strides = array<i32>} : memref<10000xi32, #tpu.memory_space<vmem>>, vector<16xi32>,
      %mul3A_91 = arith.constant 16 : i32
      %mul3A_92 = arith.muli %scan3A_84, %mul3A_91 : i32
      %swap3A_93 = arith.index_cast %mul3A_92 : i32 to index
      %swap3A_94 = tpu.vector_load %arg8[%swap3A_93] {strides = array<i32>} : memref<10000xi32, #tpu.memory_space<vmem>>, vector<16xi32>,
      tpu.vector_store %arg8[%swap3A_93], %broadcast_in_dim3A_86 {strides = array<i32>} : memref<10000xi32, #tpu.memory_space<vmem>>, vector<16xi32>,
      %scan3A_95 = arith.constant 3 : i32
      %scan3A_96 = arith.addi %scan3A_60, %scan3A_95 : i32
      %broadcast_in_dim3A_97 = arith.constant -1082081408 : i32
      %broadcast_in_dim3A_98 = vector.broadcast %broadcast_in_dim3A_97 : i32 to vector<16xi32>
      %mul3A_99 = arith.constant 16 : i32
      %mul3A_100 = arith.muli %scan3A_96, %mul3A_99 : i32
      %swap3A_101 = arith.index_cast %mul3A_100 : i32 to index
      %swap3A_102 = tpu.vector_load %arg7[%swap3A_101] {strides = array<i32>} : memref<10000xi32, #tpu.memory_space<vmem>>, vector<16xi32>,
      tpu.vector_store %arg7[%swap3A_101], %broadcast_in_dim3A_98 {strides = array<i32>} : memref<10000xi32, #tpu.memory_space<vmem>>, vector<16xi32>,
      %mul3A_103 = arith.constant 16 : i32
      %mul3A_104 = arith.muli %scan3A_96, %mul3A_103 : i32
      %swap3A_105 = arith.index_cast %mul3A_104 : i32 to index
      %swap3A_106 = tpu.vector_load %arg8[%swap3A_105] {strides = array<i32>} : memref<10000xi32, #tpu.memory_space<vmem>>, vector<16xi32>,
      tpu.vector_store %arg8[%swap3A_105], %broadcast_in_dim3A_98 {strides = array<i32>} : memref<10000xi32, #tpu.memory_space<vmem>>, vector<16xi32>,
      %scan3A_107 = arith.constant 4 : i32
      %scan3A_108 = arith.addi %scan3A_60, %scan3A_107 : i32
      %broadcast_in_dim3A_109 = arith.constant -1082081408 : i32
      %broadcast_in_dim3A_110 = vector.broadcast %broadcast_in_dim3A_109 : i32 to vector<16xi32>
      %mul3A_111 = arith.constant 16 : i32
      %mul3A_112 = arith.muli %scan3A_108, %mul3A_111 : i32
      %swap3A_113 = arith.index_cast %mul3A_112 : i32 to index
      %swap3A_114 = tpu.vector_load %arg7[%swap3A_113] {strides = array<i32>} : memref<10000xi32, #tpu.memory_space<vmem>>, vector<16xi32>,
      tpu.vector_store %arg7[%swap3A_113], %broadcast_in_dim3A_110 {strides = array<i32>} : memref<10000xi32, #tpu.memory_space<vmem>>, vector<16xi32>,
      %mul3A_115 = arith.constant 16 : i32
      %mul3A_116 = arith.muli %scan3A_108, %mul3A_115 : i32
      %swap3A_117 = arith.index_cast %mul3A_116 : i32 to index
      %swap3A_118 = tpu.vector_load %arg8[%swap3A_117] {strides = array<i32>} : memref<10000xi32, #tpu.memory_space<vmem>>, vector<16xi32>,
      tpu.vector_store %arg8[%swap3A_117], %broadcast_in_dim3A_110 {strides = array<i32>} : memref<10000xi32, #tpu.memory_space<vmem>>, vector<16xi32>,
      %scan3A_119 = arith.constant 5 : i32
      %scan3A_120 = arith.addi %scan3A_60, %scan3A_119 : i32
      %broadcast_in_dim3A_121 = arith.constant -1082081408 : i32
      %broadcast_in_dim3A_122 = vector.broadcast %broadcast_in_dim3A_121 : i32 to vector<16xi32>
      %mul3A_123 = arith.constant 16 : i32
      %mul3A_124 = arith.muli %scan3A_120, %mul3A_123 : i32
      %swap3A_125 = arith.index_cast %mul3A_124 : i32 to index
      %swap3A_126 = tpu.vector_load %arg7[%swap3A_125] {strides = array<i32>} : memref<10000xi32, #tpu.memory_space<vmem>>, vector<16xi32>,
      tpu.vector_store %arg7[%swap3A_125], %broadcast_in_dim3A_122 {strides = array<i32>} : memref<10000xi32, #tpu.memory_space<vmem>>, vector<16xi32>,
      %mul3A_127 = arith.constant 16 : i32
      %mul3A_128 = arith.muli %scan3A_120, %mul3A_127 : i32
      %swap3A_129 = arith.index_cast %mul3A_128 : i32 to index
      %swap3A_130 = tpu.vector_load %arg8[%swap3A_129] {strides = array<i32>} : memref<10000xi32, #tpu.memory_space<vmem>>, vector<16xi32>,
      tpu.vector_store %arg8[%swap3A_129], %broadcast_in_dim3A_122 {strides = array<i32>} : memref<10000xi32, #tpu.memory_space<vmem>>, vector<16xi32>,
      %scan3A_131 = arith.constant 6 : i32
      %scan3A_132 = arith.addi %scan3A_60, %scan3A_131 : i32
      %broadcast_in_dim3A_133 = arith.constant -1082081408 : i32
      %broadcast_in_dim3A_134 = vector.broadcast %broadcast_in_dim3A_133 : i32 to vector<16xi32>
      %mul3A_135 = arith.constant 16 : i32
      %mul3A_136 = arith.muli %scan3A_132, %mul3A_135 : i32
      %swap3A_137 = arith.index_cast %mul3A_136 : i32 to index
      %swap3A_138 = tpu.vector_load %arg7[%swap3A_137] {strides = array<i32>} : memref<10000xi32, #tpu.memory_space<vmem>>, vector<16xi32>,
      tpu.vector_store %arg7[%swap3A_137], %broadcast_in_dim3A_134 {strides = array<i32>} : memref<10000xi32, #tpu.memory_space<vmem>>, vector<16xi32>,
      %mul3A_139 = arith.constant 16 : i32
      %mul3A_140 = arith.muli %scan3A_132, %mul3A_139 : i32
      %swap3A_141 = arith.index_cast %mul3A_140 : i32 to index
      %swap3A_142 = tpu.vector_load %arg8[%swap3A_141] {strides = array<i32>} : memref<10000xi32, #tpu.memory_space<vmem>>, vector<16xi32>,
      tpu.vector_store %arg8[%swap3A_141], %broadcast_in_dim3A_134 {strides = array<i32>} : memref<10000xi32, #tpu.memory_space<vmem>>, vector<16xi32>,
      %scan3A_143 = arith.constant 7 : i32
      %scan3A_144 = arith.addi %scan3A_60, %scan3A_143 : i32
      %broadcast_in_dim3A_145 = arith.constant -1082081408 : i32
      %broadcast_in_dim3A_146 = vector.broadcast %broadcast_in_dim3A_145 : i32 to vector<16xi32>
      %mul3A_147 = arith.constant 16 : i32
      %mul3A_148 = arith.muli %scan3A_144, %mul3A_147 : i32
      %swap3A_149 = arith.index_cast %mul3A_148 : i32 to index
      %swap3A_150 = tpu.vector_load %arg7[%swap3A_149] {strides = array<i32>} : memref<10000xi32, #tpu.memory_space<vmem>>, vector<16xi32>,
      tpu.vector_store %arg7[%swap3A_149], %broadcast_in_dim3A_146 {strides = array<i32>} : memref<10000xi32, #tpu.memory_space<vmem>>, vector<16xi32>,
      %mul3A_151 = arith.constant 16 : i32
      %mul3A_152 = arith.muli %scan3A_144, %mul3A_151 : i32
      %swap3A_153 = arith.index_cast %mul3A_152 : i32 to index
      %swap3A_154 = tpu.vector_load %arg8[%swap3A_153] {strides = array<i32>} : memref<10000xi32, #tpu.memory_space<vmem>>, vector<16xi32>,
      tpu.vector_store %arg8[%swap3A_153], %broadcast_in_dim3A_146 {strides = array<i32>} : memref<10000xi32, #tpu.memory_space<vmem>>, vector<16xi32>,
    }
    %scan3A_6 = arith.constant 624 : i32
    %scan3A_7 = arith.addi %scan3A_2, %scan3A_6 : i32
    %broadcast_in_dim3A = arith.constant -1082081408 : i32
    %broadcast_in_dim3A_8 = vector.broadcast %broadcast_in_dim3A : i32 to vector<16xi32>
    %mul3A_9 = arith.constant 16 : i32
    %mul3A_10 = arith.muli %scan3A_7, %mul3A_9 : i32
    %swap3A = arith.index_cast %mul3A_10 : i32 to index
    %swap3A_11 = tpu.vector_load %arg7[%swap3A] {strides = array<i32>} : memref<10000xi32, #tpu.memory_space<vmem>>, vector<16xi32>,
    tpu.vector_store %arg7[%swap3A], %broadcast_in_dim3A_8 {strides = array<i32>} : memref<10000xi32, #tpu.memory_space<vmem>>, vector<16xi32>,
    %mul3A_12 = arith.constant 16 : i32
    %mul3A_13 = arith.muli %scan3A_7, %mul3A_12 : i32
    %swap3A_14 = arith.index_cast %mul3A_13 : i32 to index
    %swap3A_15 = tpu.vector_load %arg8[%swap3A_14] {strides = array<i32>} : memref<10000xi32, #tpu.memory_space<vmem>>, vector<16xi32>,
    tpu.vector_store %arg8[%swap3A_14], %broadcast_in_dim3A_8 {strides = array<i32>} : memref<10000xi32, #tpu.memory_space<vmem>>, vector<16xi32>,
    %scan3A_16 = arith.constant 625 : i32
    %dma_start3A = arith.constant 0 : i32
    %dma_start3A_17 = tpu.memref_slice %arg3[%dma_start3A] : memref<320000xi32, #tpu.memory_space<hbm>> -> memref<3200xi32, #tpu.memory_space<hbm>>
    %dma_start3A_18 = arith.constant 0 : i32
    %dma_start3A_19 = tpu.memref_slice %arg3[%dma_start3A_18] : memref<320000xi32, #tpu.memory_space<hbm>> -> memref<3200xi32, #tpu.memory_space<hbm>>
    tpu.enqueue_dma source(%dma_start3A_19 : memref<3200xi32, #tpu.memory_space<hbm>>) target(%arg11 : memref<3200xi32, #tpu.memory_space<vmem>>) target_semaphore(%arg13 : memref<!tpu.dma_semaphore, #tpu.memory_space<semaphore_mem>>)
    %scan3A_20 = arith.constant 0 : i32
    %scan3A_21 = arith.constant 0 : i32
    %scan3A_22 = arith.constant 50 : i32
    %scan3A_23 = arith.addi %scan3A_21, %scan3A_22 : i32
    %scan3A_24 = arith.constant 1 : i32
    scf.for %scan3A_60 = %scan3A_21 to %scan3A_23 step %scan3A_24  : i32 {
      %mul3A_61 = arith.constant 2 : i32
      %mul3A_62 = arith.muli %mul3A_61, %scan3A_60 : i32
      %add3A_63 = arith.constant 1 : i32
      %add3A_64 = arith.addi %mul3A_62, %add3A_63 : i32
      %mul3A_65 = arith.constant 3200 : i32
      %mul3A_66 = arith.muli %add3A_64, %mul3A_65 : i32
      %dma_start3A_67 = tpu.memref_slice %arg3[%mul3A_66] : memref<320000xi32, #tpu.memory_space<hbm>> -> memref<3200xi32, #tpu.memory_space<hbm>>
      %dma_start3A_68 = tpu.memref_slice %arg3[%mul3A_66] : memref<320000xi32, #tpu.memory_space<hbm>> -> memref<3200xi32, #tpu.memory_space<hbm>>
      tpu.enqueue_dma source(%dma_start3A_68 : memref<3200xi32, #tpu.memory_space<hbm>>) target(%arg12 : memref<3200xi32, #tpu.memory_space<vmem>>) target_semaphore(%arg14 : memref<!tpu.dma_semaphore, #tpu.memory_space<semaphore_mem>>)
      %dma_wait3A = arith.constant 0 : i32
      %dma_wait3A_69 = tpu.memref_slice %arg3[%dma_wait3A] : memref<320000xi32, #tpu.memory_space<hbm>> -> memref<3200xi32, #tpu.memory_space<hbm>>
      %dma_wait3A_70 = arith.constant 0 : i32
      %dma_wait3A_71 = tpu.memref_slice %arg3[%dma_wait3A_70] : memref<320000xi32, #tpu.memory_space<hbm>> -> memref<3200xi32, #tpu.memory_space<hbm>>
      tpu.wait_dma2 semaphore(%arg13 : memref<!tpu.dma_semaphore, #tpu.memory_space<semaphore_mem>>) src(%dma_wait3A_71 : memref<3200xi32, #tpu.memory_space<hbm>>) dst(%arg11 : memref<3200xi32, #tpu.memory_space<vmem>>)
      %scan3A_72 = arith.constant 0 : i32
      %scan3A_73 = arith.constant 0 : i32
      %scan3A_74 = arith.constant 100 : i32
      %scan3A_75 = arith.addi %scan3A_73, %scan3A_74 : i32
      %scan3A_76 = arith.constant 2 : i32
      scf.for %scan3A_93 = %scan3A_73 to %scan3A_75 step %scan3A_76  : i32 {
        %mul3A_94 = arith.constant 2 : i32
        %mul3A_95 = arith.muli %scan3A_93, %mul3A_94 : i32
        %mul3A_96 = arith.constant 16 : i32
        %mul3A_97 = arith.muli %mul3A_95, %mul3A_96 : i32
        %get3A_98 = arith.index_cast %mul3A_97 : i32 to index
        %get3A_99 = tpu.vector_load %arg11[%get3A_98] {strides = array<i32>} : memref<3200xi32, #tpu.memory_space<vmem>>, vector<16xi32>,
        %and3A = arith.constant 16383 : i32
        %and3A_100 = vector.broadcast %and3A : i32 to vector<16xi32>
        %and3A_101 = arith.andi %get3A_99, %and3A_100 : vector<16xi32>
        %shift_right_arithmetic3A = arith.constant 14 : i32
        %shift_right_arithmetic3A_102 = vector.broadcast %shift_right_arithmetic3A : i32 to vector<16xi32>
        %shift_right_arithmetic3A_103 = arith.shrsi %get3A_99, %shift_right_arithmetic3A_102 : vector<16xi32>
        tpu.vector_store_idx %arg9[%shift_right_arithmetic3A_103], %iota3A : memref<10000xi32, #tpu.memory_space<vmem>>[vector<16xi32>], vector<16xi32>,
        %gather3A = tpu.vector_load_idx %arg9[%shift_right_arithmetic3A_103] : memref<10000xi32, #tpu.memory_space<vmem>>[vector<16xi32>], vector<16xi32>,
        %eq3A = arith.cmpi eq, %gather3A, %iota3A : vector<16xi32>
        %gather3A_104 = tpu.vector_load_idx %arg5[%and3A_101] : memref<10000xi32, #tpu.memory_space<vmem>>[vector<16xi32>], vector<16xi32>,
        %gather3A_105 = tpu.vector_load_idx %arg7[%shift_right_arithmetic3A_103] : memref<10000xi32, #tpu.memory_space<vmem>>[vector<16xi32>], vector<16xi32>,
        %bitcast3A_106 = vector.bitcast %gather3A_104 : vector<16xi32> to vector<32xbf16>
        %bitcast3A_107 = vector.bitcast %gather3A_105 : vector<16xi32> to vector<32xbf16>
        %max3A = arith.maximumf %bitcast3A_107, %bitcast3A_106 : vector<32xbf16>
        %bitcast3A_108 = vector.bitcast %max3A : vector<32xbf16> to vector<16xi32>
        tpu.vector_store_idx %arg7[%shift_right_arithmetic3A_103], %bitcast3A_108 masked %eq3A : memref<10000xi32, #tpu.memory_space<vmem>>[vector<16xi32>], vector<16xi32>, vector<16xi1>
        %gather3A_109 = tpu.vector_load_idx %arg6[%and3A_101] : memref<10000xi32, #tpu.memory_space<vmem>>[vector<16xi32>], vector<16xi32>,
        %gather3A_110 = tpu.vector_load_idx %arg8[%shift_right_arithmetic3A_103] : memref<10000xi32, #tpu.memory_space<vmem>>[vector<16xi32>], vector<16xi32>,
        %bitcast3A_111 = vector.bitcast %gather3A_109 : vector<16xi32> to vector<32xbf16>
        %bitcast3A_112 = vector.bitcast %gather3A_110 : vector<16xi32> to vector<32xbf16>
        %max3A_113 = arith.maximumf %bitcast3A_112, %bitcast3A_111 : vector<32xbf16>
        %bitcast3A_114 = vector.bitcast %max3A_113 : vector<32xbf16> to vector<16xi32>
        tpu.vector_store_idx %arg8[%shift_right_arithmetic3A_103], %bitcast3A_114 masked %eq3A : memref<10000xi32, #tpu.memory_space<vmem>>[vector<16xi32>], vector<16xi32>, vector<16xi1>
        %not3A = arith.constant dense<true> : vector<16xi1>
        %not3A_115 = arith.xori %eq3A, %not3A : vector<16xi1>
        %reduce_or3A = arith.constant 1.000000e+00 : f32
        %reduce_or3A_116 = arith.constant 0.000000e+00 : f32
        %reduce_or3A_117 = vector.broadcast %reduce_or3A : f32 to vector<16xf32>
        %reduce_or3A_118 = vector.broadcast %reduce_or3A_116 : f32 to vector<16xf32>
        %reduce_or3A_119 = arith.select %not3A_115, %reduce_or3A_117, %reduce_or3A_118 : vector<16xi1>, vector<16xf32>
        %reduce_or3A_120 = arith.constant true
        %reduce_or3A_121 = vector.broadcast %reduce_or3A_120 : i1 to vector<16xi1>
        %reduce_or3A_122 = tpu.scan <max>, %reduce_or3A_119 masked %reduce_or3A_121 : vector<16xf32>, vector<16xi1> -> vector<16xf32>
        %reduce_or3A_123 = vector.extract %reduce_or3A_122[15] : f32 from vector<16xf32>
        %reduce_or3A_124 = arith.constant 0.000000e+00 : f32
        %reduce_or3A_125 = arith.cmpf ogt, %reduce_or3A_123, %reduce_or3A_124 : f32
        %convert_element_type3A_126 = arith.extui %reduce_or3A_125 : i1 to i32
        %cond3A_127 = arith.constant 0 : i32
        %cond3A_128 = arith.cmpi ne, %convert_element_type3A_126, %cond3A_127 : i32
        scf.if %cond3A_128 {
          %while3A = arith.constant 0 : i32
          %while3A_261:2 = scf.while (%while3A_262 = %not3A_115, %while3A_263 = %while3A) : (vector<16xi1>, i32) -> (vector<16xi1>, i32) {
            %reduce_or3A_264 = arith.constant 1.000000e+00 : f32
            %reduce_or3A_265 = arith.constant 0.000000e+00 : f32
            %reduce_or3A_266 = vector.broadcast %reduce_or3A_264 : f32 to vector<16xf32>
            %reduce_or3A_267 = vector.broadcast %reduce_or3A_265 : f32 to vector<16xf32>
            %reduce_or3A_268 = arith.select %while3A_262, %reduce_or3A_266, %reduce_or3A_267 : vector<16xi1>, vector<16xf32>
            %reduce_or3A_269 = arith.constant true
            %reduce_or3A_270 = vector.broadcast %reduce_or3A_269 : i1 to vector<16xi1>
            %reduce_or3A_271 = tpu.scan <max>, %reduce_or3A_268 masked %reduce_or3A_270 : vector<16xf32>, vector<16xi1> -> vector<16xf32>
            %reduce_or3A_272 = vector.extract %reduce_or3A_271[15] : f32 from vector<16xf32>
            %reduce_or3A_273 = arith.constant 0.000000e+00 : f32
            %reduce_or3A_274 = arith.cmpf ogt, %reduce_or3A_272, %reduce_or3A_273 : f32
            %lt3A_275 = arith.constant 16 : i32
            %lt3A_276 = arith.cmpi slt, %while3A_263, %lt3A_275 : i32
            %and3A_277 = arith.andi %reduce_or3A_274, %lt3A_276 : i1
            scf.condition(%and3A_277) %while3A_262, %while3A_263 : vector<16xi1>, i32
          } do {
          ^bb0(%while3A_262: vector<16xi1>, %while3A_263: i32):
            tpu.vector_store_idx %arg9[%shift_right_arithmetic3A_103], %iota3A masked %while3A_262 : memref<10000xi32, #tpu.memory_space<vmem>>[vector<16xi32>], vector<16xi32>, vector<16xi1>
            %gather3A_264 = tpu.vector_load_idx %arg9[%shift_right_arithmetic3A_103] : memref<10000xi32, #tpu.memory_space<vmem>>[vector<16xi32>], vector<16xi32>,
            %eq3A_265 = arith.cmpi eq, %gather3A_264, %iota3A : vector<16xi32>
            %and3A_266 = arith.andi %eq3A_265, %while3A_262 : vector<16xi1>
            %gather3A_267 = tpu.vector_load_idx %arg7[%shift_right_arithmetic3A_103] : memref<10000xi32, #tpu.memory_space<vmem>>[vector<16xi32>], vector<16xi32>,
            %bitcast3A_268 = vector.bitcast %gather3A_267 : vector<16xi32> to vector<32xbf16>
            %max3A_269 = arith.maximumf %bitcast3A_268, %bitcast3A_106 : vector<32xbf16>
            %bitcast3A_270 = vector.bitcast %max3A_269 : vector<32xbf16> to vector<16xi32>
            tpu.vector_store_idx %arg7[%shift_right_arithmetic3A_103], %bitcast3A_270 masked %and3A_266 : memref<10000xi32, #tpu.memory_space<vmem>>[vector<16xi32>], vector<16xi32>, vector<16xi1>
            %gather3A_271 = tpu.vector_load_idx %arg8[%shift_right_arithmetic3A_103] : memref<10000xi32, #tpu.memory_space<vmem>>[vector<16xi32>], vector<16xi32>,
            %bitcast3A_272 = vector.bitcast %gather3A_271 : vector<16xi32> to vector<32xbf16>
            %max3A_273 = arith.maximumf %bitcast3A_272, %bitcast3A_111 : vector<32xbf16>
            %bitcast3A_274 = vector.bitcast %max3A_273 : vector<32xbf16> to vector<16xi32>
            tpu.vector_store_idx %arg8[%shift_right_arithmetic3A_103], %bitcast3A_274 masked %and3A_266 : memref<10000xi32, #tpu.memory_space<vmem>>[vector<16xi32>], vector<16xi32>, vector<16xi1>
            %not3A_275 = arith.constant dense<true> : vector<16xi1>
            %not3A_276 = arith.xori %and3A_266, %not3A_275 : vector<16xi1>
            %and3A_277 = arith.andi %while3A_262, %not3A_276 : vector<16xi1>
            %add3A_278 = arith.constant 1 : i32
            %add3A_279 = arith.addi %while3A_263, %add3A_278 : i32
            scf.yield %and3A_277, %add3A_279 : vector<16xi1>, i32
          }
        } else {
        }
        %mul3A_129 = arith.constant 2 : i32
        %mul3A_130 = arith.muli %scan3A_93, %mul3A_129 : i32
        %add3A_131 = arith.constant 1 : i32
        %add3A_132 = arith.addi %mul3A_130, %add3A_131 : i32
        %mul3A_133 = arith.constant 16 : i32
        %mul3A_134 = arith.muli %add3A_132, %mul3A_133 : i32
        %get3A_135 = arith.index_cast %mul3A_134 : i32 to index
        %get3A_136 = tpu.vector_load %arg11[%get3A_135] {strides = array<i32>} : memref<3200xi32, #tpu.memory_space<vmem>>, vector<16xi32>,
        %and3A_137 = arith.constant 16383 : i32
        %and3A_138 = vector.broadcast %and3A_137 : i32 to vector<16xi32>
        %and3A_139 = arith.andi %get3A_136, %and3A_138 : vector<16xi32>
        %shift_right_arithmetic3A_140 = arith.constant 14 : i32
        %shift_right_arithmetic3A_141 = vector.broadcast %shift_right_arithmetic3A_140 : i32 to vector<16xi32>
        %shift_right_arithmetic3A_142 = arith.shrsi %get3A_136, %shift_right_arithmetic3A_141 : vector<16xi32>
        tpu.vector_store_idx %arg10[%shift_right_arithmetic3A_142], %iota3A : memref<10000xi32, #tpu.memory_space<vmem>>[vector<16xi32>], vector<16xi32>,
        %gather3A_143 = tpu.vector_load_idx %arg10[%shift_right_arithmetic3A_142] : memref<10000xi32, #tpu.memory_space<vmem>>[vector<16xi32>], vector<16xi32>,
        %eq3A_144 = arith.cmpi eq, %gather3A_143, %iota3A : vector<16xi32>
        %gather3A_145 = tpu.vector_load_idx %arg5[%and3A_139] : memref<10000xi32, #tpu.memory_space<vmem>>[vector<16xi32>], vector<16xi32>,
        %gather3A_146 = tpu.vector_load_idx %arg7[%shift_right_arithmetic3A_142] : memref<10000xi32, #tpu.memory_space<vmem>>[vector<16xi32>], vector<16xi32>,
        %bitcast3A_147 = vector.bitcast %gather3A_145 : vector<16xi32> to vector<32xbf16>
        %bitcast3A_148 = vector.bitcast %gather3A_146 : vector<16xi32> to vector<32xbf16>
        %max3A_149 = arith.maximumf %bitcast3A_148, %bitcast3A_147 : vector<32xbf16>
        %bitcast3A_150 = vector.bitcast %max3A_149 : vector<32xbf16> to vector<16xi32>
        tpu.vector_store_idx %arg7[%shift_right_arithmetic3A_142], %bitcast3A_150 masked %eq3A_144 : memref<10000xi32, #tpu.memory_space<vmem>>[vector<16xi32>], vector<16xi32>, vector<16xi1>
        %gather3A_151 = tpu.vector_load_idx %arg6[%and3A_139] : memref<10000xi32, #tpu.memory_space<vmem>>[vector<16xi32>], vector<16xi32>,
        %gather3A_152 = tpu.vector_load_idx %arg8[%shift_right_arithmetic3A_142] : memref<10000xi32, #tpu.memory_space<vmem>>[vector<16xi32>], vector<16xi32>,
        %bitcast3A_153 = vector.bitcast %gather3A_151 : vector<16xi32> to vector<32xbf16>
        %bitcast3A_154 = vector.bitcast %gather3A_152 : vector<16xi32> to vector<32xbf16>
        %max3A_155 = arith.maximumf %bitcast3A_154, %bitcast3A_153 : vector<32xbf16>
        %bitcast3A_156 = vector.bitcast %max3A_155 : vector<32xbf16> to vector<16xi32>
        tpu.vector_store_idx %arg8[%shift_right_arithmetic3A_142], %bitcast3A_156 masked %eq3A_144 : memref<10000xi32, #tpu.memory_space<vmem>>[vector<16xi32>], vector<16xi32>, vector<16xi1>
        %not3A_157 = arith.constant dense<true> : vector<16xi1>
        %not3A_158 = arith.xori %eq3A_144, %not3A_157 : vector<16xi1>
        %reduce_or3A_159 = arith.constant 1.000000e+00 : f32
        %reduce_or3A_160 = arith.constant 0.000000e+00 : f32
        %reduce_or3A_161 = vector.broadcast %reduce_or3A_159 : f32 to vector<16xf32>
        %reduce_or3A_162 = vector.broadcast %reduce_or3A_160 : f32 to vector<16xf32>
        %reduce_or3A_163 = arith.select %not3A_158, %reduce_or3A_161, %reduce_or3A_162 : vector<16xi1>, vector<16xf32>
        %reduce_or3A_164 = arith.constant true
        %reduce_or3A_165 = vector.broadcast %reduce_or3A_164 : i1 to vector<16xi1>
        %reduce_or3A_166 = tpu.scan <max>, %reduce_or3A_163 masked %reduce_or3A_165 : vector<16xf32>, vector<16xi1> -> vector<16xf32>
        %reduce_or3A_167 = vector.extract %reduce_or3A_166[15] : f32 from vector<16xf32>
        %reduce_or3A_168 = arith.constant 0.000000e+00 : f32
        %reduce_or3A_169 = arith.cmpf ogt, %reduce_or3A_167, %reduce_or3A_168 : f32
        %convert_element_type3A_170 = arith.extui %reduce_or3A_169 : i1 to i32
        %cond3A_171 = arith.constant 0 : i32
        %cond3A_172 = arith.cmpi ne, %convert_element_type3A_170, %cond3A_171 : i32
        scf.if %cond3A_172 {
          %while3A = arith.constant 0 : i32
          %while3A_261:2 = scf.while (%while3A_262 = %not3A_158, %while3A_263 = %while3A) : (vector<16xi1>, i32) -> (vector<16xi1>, i32) {
            %reduce_or3A_264 = arith.constant 1.000000e+00 : f32
            %reduce_or3A_265 = arith.constant 0.000000e+00 : f32
            %reduce_or3A_266 = vector.broadcast %reduce_or3A_264 : f32 to vector<16xf32>
            %reduce_or3A_267 = vector.broadcast %reduce_or3A_265 : f32 to vector<16xf32>
            %reduce_or3A_268 = arith.select %while3A_262, %reduce_or3A_266, %reduce_or3A_267 : vector<16xi1>, vector<16xf32>
            %reduce_or3A_269 = arith.constant true
            %reduce_or3A_270 = vector.broadcast %reduce_or3A_269 : i1 to vector<16xi1>
            %reduce_or3A_271 = tpu.scan <max>, %reduce_or3A_268 masked %reduce_or3A_270 : vector<16xf32>, vector<16xi1> -> vector<16xf32>
            %reduce_or3A_272 = vector.extract %reduce_or3A_271[15] : f32 from vector<16xf32>
            %reduce_or3A_273 = arith.constant 0.000000e+00 : f32
            %reduce_or3A_274 = arith.cmpf ogt, %reduce_or3A_272, %reduce_or3A_273 : f32
            %lt3A_275 = arith.constant 16 : i32
            %lt3A_276 = arith.cmpi slt, %while3A_263, %lt3A_275 : i32
            %and3A_277 = arith.andi %reduce_or3A_274, %lt3A_276 : i1
            scf.condition(%and3A_277) %while3A_262, %while3A_263 : vector<16xi1>, i32
          } do {
          ^bb0(%while3A_262: vector<16xi1>, %while3A_263: i32):
            tpu.vector_store_idx %arg10[%shift_right_arithmetic3A_142], %iota3A masked %while3A_262 : memref<10000xi32, #tpu.memory_space<vmem>>[vector<16xi32>], vector<16xi32>, vector<16xi1>
            %gather3A_264 = tpu.vector_load_idx %arg10[%shift_right_arithmetic3A_142] : memref<10000xi32, #tpu.memory_space<vmem>>[vector<16xi32>], vector<16xi32>,
            %eq3A_265 = arith.cmpi eq, %gather3A_264, %iota3A : vector<16xi32>
            %and3A_266 = arith.andi %eq3A_265, %while3A_262 : vector<16xi1>
            %gather3A_267 = tpu.vector_load_idx %arg7[%shift_right_arithmetic3A_142] : memref<10000xi32, #tpu.memory_space<vmem>>[vector<16xi32>], vector<16xi32>,
            %bitcast3A_268 = vector.bitcast %gather3A_267 : vector<16xi32> to vector<32xbf16>
            %max3A_269 = arith.maximumf %bitcast3A_268, %bitcast3A_147 : vector<32xbf16>
            %bitcast3A_270 = vector.bitcast %max3A_269 : vector<32xbf16> to vector<16xi32>
            tpu.vector_store_idx %arg7[%shift_right_arithmetic3A_142], %bitcast3A_270 masked %and3A_266 : memref<10000xi32, #tpu.memory_space<vmem>>[vector<16xi32>], vector<16xi32>, vector<16xi1>
            %gather3A_271 = tpu.vector_load_idx %arg8[%shift_right_arithmetic3A_142] : memref<10000xi32, #tpu.memory_space<vmem>>[vector<16xi32>], vector<16xi32>,
            %bitcast3A_272 = vector.bitcast %gather3A_271 : vector<16xi32> to vector<32xbf16>
            %max3A_273 = arith.maximumf %bitcast3A_272, %bitcast3A_153 : vector<32xbf16>
            %bitcast3A_274 = vector.bitcast %max3A_273 : vector<32xbf16> to vector<16xi32>
            tpu.vector_store_idx %arg8[%shift_right_arithmetic3A_142], %bitcast3A_274 masked %and3A_266 : memref<10000xi32, #tpu.memory_space<vmem>>[vector<16xi32>], vector<16xi32>, vector<16xi1>
            %not3A_275 = arith.constant dense<true> : vector<16xi1>
            %not3A_276 = arith.xori %and3A_266, %not3A_275 : vector<16xi1>
            %and3A_277 = arith.andi %while3A_262, %not3A_276 : vector<16xi1>
            %add3A_278 = arith.constant 1 : i32
            %add3A_279 = arith.addi %while3A_263, %add3A_278 : i32
            scf.yield %and3A_277, %add3A_279 : vector<16xi1>, i32
          }
        } else {
        }
        %scan3A_173 = arith.constant 1 : i32
        %scan3A_174 = arith.addi %scan3A_93, %scan3A_173 : i32
        %mul3A_175 = arith.constant 2 : i32
        %mul3A_176 = arith.muli %scan3A_174, %mul3A_175 : i32
        %mul3A_177 = arith.constant 16 : i32
        %mul3A_178 = arith.muli %mul3A_176, %mul3A_177 : i32
        %get3A_179 = arith.index_cast %mul3A_178 : i32 to index
        %get3A_180 = tpu.vector_load %arg11[%get3A_179] {strides = array<i32>} : memref<3200xi32, #tpu.memory_space<vmem>>, vector<16xi32>,
        %and3A_181 = arith.constant 16383 : i32
        %and3A_182 = vector.broadcast %and3A_181 : i32 to vector<16xi32>
        %and3A_183 = arith.andi %get3A_180, %and3A_182 : vector<16xi32>
        %shift_right_arithmetic3A_184 = arith.constant 14 : i32
        %shift_right_arithmetic3A_185 = vector.broadcast %shift_right_arithmetic3A_184 : i32 to vector<16xi32>
        %shift_right_arithmetic3A_186 = arith.shrsi %get3A_180, %shift_right_arithmetic3A_185 : vector<16xi32>
        tpu.vector_store_idx %arg9[%shift_right_arithmetic3A_186], %iota3A : memref<10000xi32, #tpu.memory_space<vmem>>[vector<16xi32>], vector<16xi32>,
        %gather3A_187 = tpu.vector_load_idx %arg9[%shift_right_arithmetic3A_186] : memref<10000xi32, #tpu.memory_space<vmem>>[vector<16xi32>], vector<16xi32>,
        %eq3A_188 = arith.cmpi eq, %gather3A_187, %iota3A : vector<16xi32>
        %gather3A_189 = tpu.vector_load_idx %arg5[%and3A_183] : memref<10000xi32, #tpu.memory_space<vmem>>[vector<16xi32>], vector<16xi32>,
        %gather3A_190 = tpu.vector_load_idx %arg7[%shift_right_arithmetic3A_186] : memref<10000xi32, #tpu.memory_space<vmem>>[vector<16xi32>], vector<16xi32>,
        %bitcast3A_191 = vector.bitcast %gather3A_189 : vector<16xi32> to vector<32xbf16>
        %bitcast3A_192 = vector.bitcast %gather3A_190 : vector<16xi32> to vector<32xbf16>
        %max3A_193 = arith.maximumf %bitcast3A_192, %bitcast3A_191 : vector<32xbf16>
        %bitcast3A_194 = vector.bitcast %max3A_193 : vector<32xbf16> to vector<16xi32>
        tpu.vector_store_idx %arg7[%shift_right_arithmetic3A_186], %bitcast3A_194 masked %eq3A_188 : memref<10000xi32, #tpu.memory_space<vmem>>[vector<16xi32>], vector<16xi32>, vector<16xi1>
        %gather3A_195 = tpu.vector_load_idx %arg6[%and3A_183] : memref<10000xi32, #tpu.memory_space<vmem>>[vector<16xi32>], vector<16xi32>,
        %gather3A_196 = tpu.vector_load_idx %arg8[%shift_right_arithmetic3A_186] : memref<10000xi32, #tpu.memory_space<vmem>>[vector<16xi32>], vector<16xi32>,
        %bitcast3A_197 = vector.bitcast %gather3A_195 : vector<16xi32> to vector<32xbf16>
        %bitcast3A_198 = vector.bitcast %gather3A_196 : vector<16xi32> to vector<32xbf16>
        %max3A_199 = arith.maximumf %bitcast3A_198, %bitcast3A_197 : vector<32xbf16>
        %bitcast3A_200 = vector.bitcast %max3A_199 : vector<32xbf16> to vector<16xi32>
        tpu.vector_store_idx %arg8[%shift_right_arithmetic3A_186], %bitcast3A_200 masked %eq3A_188 : memref<10000xi32, #tpu.memory_space<vmem>>[vector<16xi32>], vector<16xi32>, vector<16xi1>
        %not3A_201 = arith.constant dense<true> : vector<16xi1>
        %not3A_202 = arith.xori %eq3A_188, %not3A_201 : vector<16xi1>
        %reduce_or3A_203 = arith.constant 1.000000e+00 : f32
        %reduce_or3A_204 = arith.constant 0.000000e+00 : f32
        %reduce_or3A_205 = vector.broadcast %reduce_or3A_203 : f32 to vector<16xf32>
        %reduce_or3A_206 = vector.broadcast %reduce_or3A_204 : f32 to vector<16xf32>
        %reduce_or3A_207 = arith.select %not3A_202, %reduce_or3A_205, %reduce_or3A_206 : vector<16xi1>, vector<16xf32>
        %reduce_or3A_208 = arith.constant true
        %reduce_or3A_209 = vector.broadcast %reduce_or3A_208 : i1 to vector<16xi1>
        %reduce_or3A_210 = tpu.scan <max>, %reduce_or3A_207 masked %reduce_or3A_209 : vector<16xf32>, vector<16xi1> -> vector<16xf32>
        %reduce_or3A_211 = vector.extract %reduce_or3A_210[15] : f32 from vector<16xf32>
        %reduce_or3A_212 = arith.constant 0.000000e+00 : f32
        %reduce_or3A_213 = arith.cmpf ogt, %reduce_or3A_211, %reduce_or3A_212 : f32
        %convert_element_type3A_214 = arith.extui %reduce_or3A_213 : i1 to i32
        %cond3A_215 = arith.constant 0 : i32
        %cond3A_216 = arith.cmpi ne, %convert_element_type3A_214, %cond3A_215 : i32
        scf.if %cond3A_216 {
          %while3A = arith.constant 0 : i32
          %while3A_261:2 = scf.while (%while3A_262 = %not3A_202, %while3A_263 = %while3A) : (vector<16xi1>, i32) -> (vector<16xi1>, i32) {
            %reduce_or3A_264 = arith.constant 1.000000e+00 : f32
            %reduce_or3A_265 = arith.constant 0.000000e+00 : f32
            %reduce_or3A_266 = vector.broadcast %reduce_or3A_264 : f32 to vector<16xf32>
            %reduce_or3A_267 = vector.broadcast %reduce_or3A_265 : f32 to vector<16xf32>
            %reduce_or3A_268 = arith.select %while3A_262, %reduce_or3A_266, %reduce_or3A_267 : vector<16xi1>, vector<16xf32>
            %reduce_or3A_269 = arith.constant true
            %reduce_or3A_270 = vector.broadcast %reduce_or3A_269 : i1 to vector<16xi1>
            %reduce_or3A_271 = tpu.scan <max>, %reduce_or3A_268 masked %reduce_or3A_270 : vector<16xf32>, vector<16xi1> -> vector<16xf32>
            %reduce_or3A_272 = vector.extract %reduce_or3A_271[15] : f32 from vector<16xf32>
            %reduce_or3A_273 = arith.constant 0.000000e+00 : f32
            %reduce_or3A_274 = arith.cmpf ogt, %reduce_or3A_272, %reduce_or3A_273 : f32
            %lt3A_275 = arith.constant 16 : i32
            %lt3A_276 = arith.cmpi slt, %while3A_263, %lt3A_275 : i32
            %and3A_277 = arith.andi %reduce_or3A_274, %lt3A_276 : i1
            scf.condition(%and3A_277) %while3A_262, %while3A_263 : vector<16xi1>, i32
          } do {
          ^bb0(%while3A_262: vector<16xi1>, %while3A_263: i32):
            tpu.vector_store_idx %arg9[%shift_right_arithmetic3A_186], %iota3A masked %while3A_262 : memref<10000xi32, #tpu.memory_space<vmem>>[vector<16xi32>], vector<16xi32>, vector<16xi1>
            %gather3A_264 = tpu.vector_load_idx %arg9[%shift_right_arithmetic3A_186] : memref<10000xi32, #tpu.memory_space<vmem>>[vector<16xi32>], vector<16xi32>,
            %eq3A_265 = arith.cmpi eq, %gather3A_264, %iota3A : vector<16xi32>
            %and3A_266 = arith.andi %eq3A_265, %while3A_262 : vector<16xi1>
            %gather3A_267 = tpu.vector_load_idx %arg7[%shift_right_arithmetic3A_186] : memref<10000xi32, #tpu.memory_space<vmem>>[vector<16xi32>], vector<16xi32>,
            %bitcast3A_268 = vector.bitcast %gather3A_267 : vector<16xi32> to vector<32xbf16>
            %max3A_269 = arith.maximumf %bitcast3A_268, %bitcast3A_191 : vector<32xbf16>
            %bitcast3A_270 = vector.bitcast %max3A_269 : vector<32xbf16> to vector<16xi32>
            tpu.vector_store_idx %arg7[%shift_right_arithmetic3A_186], %bitcast3A_270 masked %and3A_266 : memref<10000xi32, #tpu.memory_space<vmem>>[vector<16xi32>], vector<16xi32>, vector<16xi1>
            %gather3A_271 = tpu.vector_load_idx %arg8[%shift_right_arithmetic3A_186] : memref<10000xi32, #tpu.memory_space<vmem>>[vector<16xi32>], vector<16xi32>,
            %bitcast3A_272 = vector.bitcast %gather3A_271 : vector<16xi32> to vector<32xbf16>
            %max3A_273 = arith.maximumf %bitcast3A_272, %bitcast3A_197 : vector<32xbf16>
            %bitcast3A_274 = vector.bitcast %max3A_273 : vector<32xbf16> to vector<16xi32>
            tpu.vector_store_idx %arg8[%shift_right_arithmetic3A_186], %bitcast3A_274 masked %and3A_266 : memref<10000xi32, #tpu.memory_space<vmem>>[vector<16xi32>], vector<16xi32>, vector<16xi1>
            %not3A_275 = arith.constant dense<true> : vector<16xi1>
            %not3A_276 = arith.xori %and3A_266, %not3A_275 : vector<16xi1>
            %and3A_277 = arith.andi %while3A_262, %not3A_276 : vector<16xi1>
            %add3A_278 = arith.constant 1 : i32
            %add3A_279 = arith.addi %while3A_263, %add3A_278 : i32
            scf.yield %and3A_277, %add3A_279 : vector<16xi1>, i32
          }
        } else {
        }
        %mul3A_217 = arith.constant 2 : i32
        %mul3A_218 = arith.muli %scan3A_174, %mul3A_217 : i32
        %add3A_219 = arith.constant 1 : i32
        %add3A_220 = arith.addi %mul3A_218, %add3A_219 : i32
        %mul3A_221 = arith.constant 16 : i32
        %mul3A_222 = arith.muli %add3A_220, %mul3A_221 : i32
        %get3A_223 = arith.index_cast %mul3A_222 : i32 to index
        %get3A_224 = tpu.vector_load %arg11[%get3A_223] {strides = array<i32>} : memref<3200xi32, #tpu.memory_space<vmem>>, vector<16xi32>,
        %and3A_225 = arith.constant 16383 : i32
        %and3A_226 = vector.broadcast %and3A_225 : i32 to vector<16xi32>
        %and3A_227 = arith.andi %get3A_224, %and3A_226 : vector<16xi32>
        %shift_right_arithmetic3A_228 = arith.constant 14 : i32
        %shift_right_arithmetic3A_229 = vector.broadcast %shift_right_arithmetic3A_228 : i32 to vector<16xi32>
        %shift_right_arithmetic3A_230 = arith.shrsi %get3A_224, %shift_right_arithmetic3A_229 : vector<16xi32>
        tpu.vector_store_idx %arg10[%shift_right_arithmetic3A_230], %iota3A : memref<10000xi32, #tpu.memory_space<vmem>>[vector<16xi32>], vector<16xi32>,
        %gather3A_231 = tpu.vector_load_idx %arg10[%shift_right_arithmetic3A_230] : memref<10000xi32, #tpu.memory_space<vmem>>[vector<16xi32>], vector<16xi32>,
        %eq3A_232 = arith.cmpi eq, %gather3A_231, %iota3A : vector<16xi32>
        %gather3A_233 = tpu.vector_load_idx %arg5[%and3A_227] : memref<10000xi32, #tpu.memory_space<vmem>>[vector<16xi32>], vector<16xi32>,
        %gather3A_234 = tpu.vector_load_idx %arg7[%shift_right_arithmetic3A_230] : memref<10000xi32, #tpu.memory_space<vmem>>[vector<16xi32>], vector<16xi32>,
        %bitcast3A_235 = vector.bitcast %gather3A_233 : vector<16xi32> to vector<32xbf16>
        %bitcast3A_236 = vector.bitcast %gather3A_234 : vector<16xi32> to vector<32xbf16>
        %max3A_237 = arith.maximumf %bitcast3A_236, %bitcast3A_235 : vector<32xbf16>
        %bitcast3A_238 = vector.bitcast %max3A_237 : vector<32xbf16> to vector<16xi32>
        tpu.vector_store_idx %arg7[%shift_right_arithmetic3A_230], %bitcast3A_238 masked %eq3A_232 : memref<10000xi32, #tpu.memory_space<vmem>>[vector<16xi32>], vector<16xi32>, vector<16xi1>
        %gather3A_239 = tpu.vector_load_idx %arg6[%and3A_227] : memref<10000xi32, #tpu.memory_space<vmem>>[vector<16xi32>], vector<16xi32>,
        %gather3A_240 = tpu.vector_load_idx %arg8[%shift_right_arithmetic3A_230] : memref<10000xi32, #tpu.memory_space<vmem>>[vector<16xi32>], vector<16xi32>,
        %bitcast3A_241 = vector.bitcast %gather3A_239 : vector<16xi32> to vector<32xbf16>
        %bitcast3A_242 = vector.bitcast %gather3A_240 : vector<16xi32> to vector<32xbf16>
        %max3A_243 = arith.maximumf %bitcast3A_242, %bitcast3A_241 : vector<32xbf16>
        %bitcast3A_244 = vector.bitcast %max3A_243 : vector<32xbf16> to vector<16xi32>
        tpu.vector_store_idx %arg8[%shift_right_arithmetic3A_230], %bitcast3A_244 masked %eq3A_232 : memref<10000xi32, #tpu.memory_space<vmem>>[vector<16xi32>], vector<16xi32>, vector<16xi1>
        %not3A_245 = arith.constant dense<true> : vector<16xi1>
        %not3A_246 = arith.xori %eq3A_232, %not3A_245 : vector<16xi1>
        %reduce_or3A_247 = arith.constant 1.000000e+00 : f32
        %reduce_or3A_248 = arith.constant 0.000000e+00 : f32
        %reduce_or3A_249 = vector.broadcast %reduce_or3A_247 : f32 to vector<16xf32>
        %reduce_or3A_250 = vector.broadcast %reduce_or3A_248 : f32 to vector<16xf32>
        %reduce_or3A_251 = arith.select %not3A_246, %reduce_or3A_249, %reduce_or3A_250 : vector<16xi1>, vector<16xf32>
        %reduce_or3A_252 = arith.constant true
        %reduce_or3A_253 = vector.broadcast %reduce_or3A_252 : i1 to vector<16xi1>
        %reduce_or3A_254 = tpu.scan <max>, %reduce_or3A_251 masked %reduce_or3A_253 : vector<16xf32>, vector<16xi1> -> vector<16xf32>
        %reduce_or3A_255 = vector.extract %reduce_or3A_254[15] : f32 from vector<16xf32>
        %reduce_or3A_256 = arith.constant 0.000000e+00 : f32
        %reduce_or3A_257 = arith.cmpf ogt, %reduce_or3A_255, %reduce_or3A_256 : f32
        %convert_element_type3A_258 = arith.extui %reduce_or3A_257 : i1 to i32
        %cond3A_259 = arith.constant 0 : i32
        %cond3A_260 = arith.cmpi ne, %convert_element_type3A_258, %cond3A_259 : i32
        scf.if %cond3A_260 {
          %while3A = arith.constant 0 : i32
          %while3A_261:2 = scf.while (%while3A_262 = %not3A_246, %while3A_263 = %while3A) : (vector<16xi1>, i32) -> (vector<16xi1>, i32) {
            %reduce_or3A_264 = arith.constant 1.000000e+00 : f32
            %reduce_or3A_265 = arith.constant 0.000000e+00 : f32
            %reduce_or3A_266 = vector.broadcast %reduce_or3A_264 : f32 to vector<16xf32>
            %reduce_or3A_267 = vector.broadcast %reduce_or3A_265 : f32 to vector<16xf32>
            %reduce_or3A_268 = arith.select %while3A_262, %reduce_or3A_266, %reduce_or3A_267 : vector<16xi1>, vector<16xf32>
            %reduce_or3A_269 = arith.constant true
            %reduce_or3A_270 = vector.broadcast %reduce_or3A_269 : i1 to vector<16xi1>
            %reduce_or3A_271 = tpu.scan <max>, %reduce_or3A_268 masked %reduce_or3A_270 : vector<16xf32>, vector<16xi1> -> vector<16xf32>
            %reduce_or3A_272 = vector.extract %reduce_or3A_271[15] : f32 from vector<16xf32>
            %reduce_or3A_273 = arith.constant 0.000000e+00 : f32
            %reduce_or3A_274 = arith.cmpf ogt, %reduce_or3A_272, %reduce_or3A_273 : f32
            %lt3A_275 = arith.constant 16 : i32
            %lt3A_276 = arith.cmpi slt, %while3A_263, %lt3A_275 : i32
            %and3A_277 = arith.andi %reduce_or3A_274, %lt3A_276 : i1
            scf.condition(%and3A_277) %while3A_262, %while3A_263 : vector<16xi1>, i32
          } do {
          ^bb0(%while3A_262: vector<16xi1>, %while3A_263: i32):
            tpu.vector_store_idx %arg10[%shift_right_arithmetic3A_230], %iota3A masked %while3A_262 : memref<10000xi32, #tpu.memory_space<vmem>>[vector<16xi32>], vector<16xi32>, vector<16xi1>
            %gather3A_264 = tpu.vector_load_idx %arg10[%shift_right_arithmetic3A_230] : memref<10000xi32, #tpu.memory_space<vmem>>[vector<16xi32>], vector<16xi32>,
            %eq3A_265 = arith.cmpi eq, %gather3A_264, %iota3A : vector<16xi32>
            %and3A_266 = arith.andi %eq3A_265, %while3A_262 : vector<16xi1>
            %gather3A_267 = tpu.vector_load_idx %arg7[%shift_right_arithmetic3A_230] : memref<10000xi32, #tpu.memory_space<vmem>>[vector<16xi32>], vector<16xi32>,
            %bitcast3A_268 = vector.bitcast %gather3A_267 : vector<16xi32> to vector<32xbf16>
            %max3A_269 = arith.maximumf %bitcast3A_268, %bitcast3A_235 : vector<32xbf16>
            %bitcast3A_270 = vector.bitcast %max3A_269 : vector<32xbf16> to vector<16xi32>
            tpu.vector_store_idx %arg7[%shift_right_arithmetic3A_230], %bitcast3A_270 masked %and3A_266 : memref<10000xi32, #tpu.memory_space<vmem>>[vector<16xi32>], vector<16xi32>, vector<16xi1>
            %gather3A_271 = tpu.vector_load_idx %arg8[%shift_right_arithmetic3A_230] : memref<10000xi32, #tpu.memory_space<vmem>>[vector<16xi32>], vector<16xi32>,
            %bitcast3A_272 = vector.bitcast %gather3A_271 : vector<16xi32> to vector<32xbf16>
            %max3A_273 = arith.maximumf %bitcast3A_272, %bitcast3A_241 : vector<32xbf16>
            %bitcast3A_274 = vector.bitcast %max3A_273 : vector<32xbf16> to vector<16xi32>
            tpu.vector_store_idx %arg8[%shift_right_arithmetic3A_230], %bitcast3A_274 masked %and3A_266 : memref<10000xi32, #tpu.memory_space<vmem>>[vector<16xi32>], vector<16xi32>, vector<16xi1>
            %not3A_275 = arith.constant dense<true> : vector<16xi1>
            %not3A_276 = arith.xori %and3A_266, %not3A_275 : vector<16xi1>
            %and3A_277 = arith.andi %while3A_262, %not3A_276 : vector<16xi1>
            %add3A_278 = arith.constant 1 : i32
            %add3A_279 = arith.addi %while3A_263, %add3A_278 : i32
            scf.yield %and3A_277, %add3A_279 : vector<16xi1>, i32
          }
        } else {
        }
      }
      %scan3A_77 = arith.constant 100 : i32
      %add3A_78 = arith.constant 2 : i32
      %add3A_79 = arith.addi %mul3A_62, %add3A_78 : i32
      %lt3A_80 = arith.constant 100 : i32
      %lt3A_81 = arith.cmpi slt, %add3A_79, %lt3A_80 : i32
      %convert_element_type3A = arith.extui %lt3A_81 : i1 to i32
      %cond3A = arith.constant 0 : i32
      %cond3A_82 = arith.cmpi ne, %convert_element_type3A, %cond3A : i32
      scf.if %cond3A_82 {
        %add3A_93 = arith.constant 2 : i32
        %add3A_94 = arith.addi %mul3A_62, %add3A_93 : i32
        %mul3A_95 = arith.constant 3200 : i32
        %mul3A_96 = arith.muli %add3A_94, %mul3A_95 : i32
        %dma_start3A_97 = tpu.memref_slice %arg3[%mul3A_96] : memref<320000xi32, #tpu.memory_space<hbm>> -> memref<3200xi32, #tpu.memory_space<hbm>>
        %dma_start3A_98 = tpu.memref_slice %arg3[%mul3A_96] : memref<320000xi32, #tpu.memory_space<hbm>> -> memref<3200xi32, #tpu.memory_space<hbm>>
        tpu.enqueue_dma source(%dma_start3A_98 : memref<3200xi32, #tpu.memory_space<hbm>>) target(%arg11 : memref<3200xi32, #tpu.memory_space<vmem>>) target_semaphore(%arg13 : memref<!tpu.dma_semaphore, #tpu.memory_space<semaphore_mem>>)
      } else {
      }
      %dma_wait3A_83 = arith.constant 0 : i32
      %dma_wait3A_84 = tpu.memref_slice %arg3[%dma_wait3A_83] : memref<320000xi32, #tpu.memory_space<hbm>> -> memref<3200xi32, #tpu.memory_space<hbm>>
      %dma_wait3A_85 = arith.constant 0 : i32
      %dma_wait3A_86 = tpu.memref_slice %arg3[%dma_wait3A_85] : memref<320000xi32, #tpu.memory_space<hbm>> -> memref<3200xi32, #tpu.memory_space<hbm>>
      tpu.wait_dma2 semaphore(%arg14 : memref<!tpu.dma_semaphore, #tpu.memory_space<semaphore_mem>>) src(%dma_wait3A_86 : memref<3200xi32, #tpu.memory_space<hbm>>) dst(%arg12 : memref<3200xi32, #tpu.memory_space<vmem>>)
      %scan3A_87 = arith.constant 0 : i32
      %scan3A_88 = arith.constant 0 : i32
      %scan3A_89 = arith.constant 100 : i32
      %scan3A_90 = arith.addi %scan3A_88, %scan3A_89 : i32
      %scan3A_91 = arith.constant 2 : i32
      scf.for %scan3A_93 = %scan3A_88 to %scan3A_90 step %scan3A_91  : i32 {
        %mul3A_94 = arith.constant 2 : i32
        %mul3A_95 = arith.muli %scan3A_93, %mul3A_94 : i32
        %mul3A_96 = arith.constant 16 : i32
        %mul3A_97 = arith.muli %mul3A_95, %mul3A_96 : i32
        %get3A_98 = arith.index_cast %mul3A_97 : i32 to index
        %get3A_99 = tpu.vector_load %arg12[%get3A_98] {strides = array<i32>} : memref<3200xi32, #tpu.memory_space<vmem>>, vector<16xi32>,
        %and3A = arith.constant 16383 : i32
        %and3A_100 = vector.broadcast %and3A : i32 to vector<16xi32>
        %and3A_101 = arith.andi %get3A_99, %and3A_100 : vector<16xi32>
        %shift_right_arithmetic3A = arith.constant 14 : i32
        %shift_right_arithmetic3A_102 = vector.broadcast %shift_right_arithmetic3A : i32 to vector<16xi32>
        %shift_right_arithmetic3A_103 = arith.shrsi %get3A_99, %shift_right_arithmetic3A_102 : vector<16xi32>
        tpu.vector_store_idx %arg9[%shift_right_arithmetic3A_103], %iota3A : memref<10000xi32, #tpu.memory_space<vmem>>[vector<16xi32>], vector<16xi32>,
        %gather3A = tpu.vector_load_idx %arg9[%shift_right_arithmetic3A_103] : memref<10000xi32, #tpu.memory_space<vmem>>[vector<16xi32>], vector<16xi32>,
        %eq3A = arith.cmpi eq, %gather3A, %iota3A : vector<16xi32>
        %gather3A_104 = tpu.vector_load_idx %arg5[%and3A_101] : memref<10000xi32, #tpu.memory_space<vmem>>[vector<16xi32>], vector<16xi32>,
        %gather3A_105 = tpu.vector_load_idx %arg7[%shift_right_arithmetic3A_103] : memref<10000xi32, #tpu.memory_space<vmem>>[vector<16xi32>], vector<16xi32>,
        %bitcast3A_106 = vector.bitcast %gather3A_104 : vector<16xi32> to vector<32xbf16>
        %bitcast3A_107 = vector.bitcast %gather3A_105 : vector<16xi32> to vector<32xbf16>
        %max3A = arith.maximumf %bitcast3A_107, %bitcast3A_106 : vector<32xbf16>
        %bitcast3A_108 = vector.bitcast %max3A : vector<32xbf16> to vector<16xi32>
        tpu.vector_store_idx %arg7[%shift_right_arithmetic3A_103], %bitcast3A_108 masked %eq3A : memref<10000xi32, #tpu.memory_space<vmem>>[vector<16xi32>], vector<16xi32>, vector<16xi1>
        %gather3A_109 = tpu.vector_load_idx %arg6[%and3A_101] : memref<10000xi32, #tpu.memory_space<vmem>>[vector<16xi32>], vector<16xi32>,
        %gather3A_110 = tpu.vector_load_idx %arg8[%shift_right_arithmetic3A_103] : memref<10000xi32, #tpu.memory_space<vmem>>[vector<16xi32>], vector<16xi32>,
        %bitcast3A_111 = vector.bitcast %gather3A_109 : vector<16xi32> to vector<32xbf16>
        %bitcast3A_112 = vector.bitcast %gather3A_110 : vector<16xi32> to vector<32xbf16>
        %max3A_113 = arith.maximumf %bitcast3A_112, %bitcast3A_111 : vector<32xbf16>
        %bitcast3A_114 = vector.bitcast %max3A_113 : vector<32xbf16> to vector<16xi32>
        tpu.vector_store_idx %arg8[%shift_right_arithmetic3A_103], %bitcast3A_114 masked %eq3A : memref<10000xi32, #tpu.memory_space<vmem>>[vector<16xi32>], vector<16xi32>, vector<16xi1>
        %not3A = arith.constant dense<true> : vector<16xi1>
        %not3A_115 = arith.xori %eq3A, %not3A : vector<16xi1>
        %reduce_or3A = arith.constant 1.000000e+00 : f32
        %reduce_or3A_116 = arith.constant 0.000000e+00 : f32
        %reduce_or3A_117 = vector.broadcast %reduce_or3A : f32 to vector<16xf32>
        %reduce_or3A_118 = vector.broadcast %reduce_or3A_116 : f32 to vector<16xf32>
        %reduce_or3A_119 = arith.select %not3A_115, %reduce_or3A_117, %reduce_or3A_118 : vector<16xi1>, vector<16xf32>
        %reduce_or3A_120 = arith.constant true
        %reduce_or3A_121 = vector.broadcast %reduce_or3A_120 : i1 to vector<16xi1>
        %reduce_or3A_122 = tpu.scan <max>, %reduce_or3A_119 masked %reduce_or3A_121 : vector<16xf32>, vector<16xi1> -> vector<16xf32>
        %reduce_or3A_123 = vector.extract %reduce_or3A_122[15] : f32 from vector<16xf32>
        %reduce_or3A_124 = arith.constant 0.000000e+00 : f32
        %reduce_or3A_125 = arith.cmpf ogt, %reduce_or3A_123, %reduce_or3A_124 : f32
        %convert_element_type3A_126 = arith.extui %reduce_or3A_125 : i1 to i32
        %cond3A_127 = arith.constant 0 : i32
        %cond3A_128 = arith.cmpi ne, %convert_element_type3A_126, %cond3A_127 : i32
        scf.if %cond3A_128 {
          %while3A = arith.constant 0 : i32
          %while3A_261:2 = scf.while (%while3A_262 = %not3A_115, %while3A_263 = %while3A) : (vector<16xi1>, i32) -> (vector<16xi1>, i32) {
            %reduce_or3A_264 = arith.constant 1.000000e+00 : f32
            %reduce_or3A_265 = arith.constant 0.000000e+00 : f32
            %reduce_or3A_266 = vector.broadcast %reduce_or3A_264 : f32 to vector<16xf32>
            %reduce_or3A_267 = vector.broadcast %reduce_or3A_265 : f32 to vector<16xf32>
            %reduce_or3A_268 = arith.select %while3A_262, %reduce_or3A_266, %reduce_or3A_267 : vector<16xi1>, vector<16xf32>
            %reduce_or3A_269 = arith.constant true
            %reduce_or3A_270 = vector.broadcast %reduce_or3A_269 : i1 to vector<16xi1>
            %reduce_or3A_271 = tpu.scan <max>, %reduce_or3A_268 masked %reduce_or3A_270 : vector<16xf32>, vector<16xi1> -> vector<16xf32>
            %reduce_or3A_272 = vector.extract %reduce_or3A_271[15] : f32 from vector<16xf32>
            %reduce_or3A_273 = arith.constant 0.000000e+00 : f32
            %reduce_or3A_274 = arith.cmpf ogt, %reduce_or3A_272, %reduce_or3A_273 : f32
            %lt3A_275 = arith.constant 16 : i32
            %lt3A_276 = arith.cmpi slt, %while3A_263, %lt3A_275 : i32
            %and3A_277 = arith.andi %reduce_or3A_274, %lt3A_276 : i1
            scf.condition(%and3A_277) %while3A_262, %while3A_263 : vector<16xi1>, i32
          } do {
          ^bb0(%while3A_262: vector<16xi1>, %while3A_263: i32):
            tpu.vector_store_idx %arg9[%shift_right_arithmetic3A_103], %iota3A masked %while3A_262 : memref<10000xi32, #tpu.memory_space<vmem>>[vector<16xi32>], vector<16xi32>, vector<16xi1>
            %gather3A_264 = tpu.vector_load_idx %arg9[%shift_right_arithmetic3A_103] : memref<10000xi32, #tpu.memory_space<vmem>>[vector<16xi32>], vector<16xi32>,
            %eq3A_265 = arith.cmpi eq, %gather3A_264, %iota3A : vector<16xi32>
            %and3A_266 = arith.andi %eq3A_265, %while3A_262 : vector<16xi1>
            %gather3A_267 = tpu.vector_load_idx %arg7[%shift_right_arithmetic3A_103] : memref<10000xi32, #tpu.memory_space<vmem>>[vector<16xi32>], vector<16xi32>,
            %bitcast3A_268 = vector.bitcast %gather3A_267 : vector<16xi32> to vector<32xbf16>
            %max3A_269 = arith.maximumf %bitcast3A_268, %bitcast3A_106 : vector<32xbf16>
            %bitcast3A_270 = vector.bitcast %max3A_269 : vector<32xbf16> to vector<16xi32>
            tpu.vector_store_idx %arg7[%shift_right_arithmetic3A_103], %bitcast3A_270 masked %and3A_266 : memref<10000xi32, #tpu.memory_space<vmem>>[vector<16xi32>], vector<16xi32>, vector<16xi1>
            %gather3A_271 = tpu.vector_load_idx %arg8[%shift_right_arithmetic3A_103] : memref<10000xi32, #tpu.memory_space<vmem>>[vector<16xi32>], vector<16xi32>,
            %bitcast3A_272 = vector.bitcast %gather3A_271 : vector<16xi32> to vector<32xbf16>
            %max3A_273 = arith.maximumf %bitcast3A_272, %bitcast3A_111 : vector<32xbf16>
            %bitcast3A_274 = vector.bitcast %max3A_273 : vector<32xbf16> to vector<16xi32>
            tpu.vector_store_idx %arg8[%shift_right_arithmetic3A_103], %bitcast3A_274 masked %and3A_266 : memref<10000xi32, #tpu.memory_space<vmem>>[vector<16xi32>], vector<16xi32>, vector<16xi1>
            %not3A_275 = arith.constant dense<true> : vector<16xi1>
            %not3A_276 = arith.xori %and3A_266, %not3A_275 : vector<16xi1>
            %and3A_277 = arith.andi %while3A_262, %not3A_276 : vector<16xi1>
            %add3A_278 = arith.constant 1 : i32
            %add3A_279 = arith.addi %while3A_263, %add3A_278 : i32
            scf.yield %and3A_277, %add3A_279 : vector<16xi1>, i32
          }
        } else {
        }
        %mul3A_129 = arith.constant 2 : i32
        %mul3A_130 = arith.muli %scan3A_93, %mul3A_129 : i32
        %add3A_131 = arith.constant 1 : i32
        %add3A_132 = arith.addi %mul3A_130, %add3A_131 : i32
        %mul3A_133 = arith.constant 16 : i32
        %mul3A_134 = arith.muli %add3A_132, %mul3A_133 : i32
        %get3A_135 = arith.index_cast %mul3A_134 : i32 to index
        %get3A_136 = tpu.vector_load %arg12[%get3A_135] {strides = array<i32>} : memref<3200xi32, #tpu.memory_space<vmem>>, vector<16xi32>,
        %and3A_137 = arith.constant 16383 : i32
        %and3A_138 = vector.broadcast %and3A_137 : i32 to vector<16xi32>
        %and3A_139 = arith.andi %get3A_136, %and3A_138 : vector<16xi32>
        %shift_right_arithmetic3A_140 = arith.constant 14 : i32
        %shift_right_arithmetic3A_141 = vector.broadcast %shift_right_arithmetic3A_140 : i32 to vector<16xi32>
        %shift_right_arithmetic3A_142 = arith.shrsi %get3A_136, %shift_right_arithmetic3A_141 : vector<16xi32>
        tpu.vector_store_idx %arg10[%shift_right_arithmetic3A_142], %iota3A : memref<10000xi32, #tpu.memory_space<vmem>>[vector<16xi32>], vector<16xi32>,
        %gather3A_143 = tpu.vector_load_idx %arg10[%shift_right_arithmetic3A_142] : memref<10000xi32, #tpu.memory_space<vmem>>[vector<16xi32>], vector<16xi32>,
        %eq3A_144 = arith.cmpi eq, %gather3A_143, %iota3A : vector<16xi32>
        %gather3A_145 = tpu.vector_load_idx %arg5[%and3A_139] : memref<10000xi32, #tpu.memory_space<vmem>>[vector<16xi32>], vector<16xi32>,
        %gather3A_146 = tpu.vector_load_idx %arg7[%shift_right_arithmetic3A_142] : memref<10000xi32, #tpu.memory_space<vmem>>[vector<16xi32>], vector<16xi32>,
        %bitcast3A_147 = vector.bitcast %gather3A_145 : vector<16xi32> to vector<32xbf16>
        %bitcast3A_148 = vector.bitcast %gather3A_146 : vector<16xi32> to vector<32xbf16>
        %max3A_149 = arith.maximumf %bitcast3A_148, %bitcast3A_147 : vector<32xbf16>
        %bitcast3A_150 = vector.bitcast %max3A_149 : vector<32xbf16> to vector<16xi32>
        tpu.vector_store_idx %arg7[%shift_right_arithmetic3A_142], %bitcast3A_150 masked %eq3A_144 : memref<10000xi32, #tpu.memory_space<vmem>>[vector<16xi32>], vector<16xi32>, vector<16xi1>
        %gather3A_151 = tpu.vector_load_idx %arg6[%and3A_139] : memref<10000xi32, #tpu.memory_space<vmem>>[vector<16xi32>], vector<16xi32>,
        %gather3A_152 = tpu.vector_load_idx %arg8[%shift_right_arithmetic3A_142] : memref<10000xi32, #tpu.memory_space<vmem>>[vector<16xi32>], vector<16xi32>,
        %bitcast3A_153 = vector.bitcast %gather3A_151 : vector<16xi32> to vector<32xbf16>
        %bitcast3A_154 = vector.bitcast %gather3A_152 : vector<16xi32> to vector<32xbf16>
        %max3A_155 = arith.maximumf %bitcast3A_154, %bitcast3A_153 : vector<32xbf16>
        %bitcast3A_156 = vector.bitcast %max3A_155 : vector<32xbf16> to vector<16xi32>
        tpu.vector_store_idx %arg8[%shift_right_arithmetic3A_142], %bitcast3A_156 masked %eq3A_144 : memref<10000xi32, #tpu.memory_space<vmem>>[vector<16xi32>], vector<16xi32>, vector<16xi1>
        %not3A_157 = arith.constant dense<true> : vector<16xi1>
        %not3A_158 = arith.xori %eq3A_144, %not3A_157 : vector<16xi1>
        %reduce_or3A_159 = arith.constant 1.000000e+00 : f32
        %reduce_or3A_160 = arith.constant 0.000000e+00 : f32
        %reduce_or3A_161 = vector.broadcast %reduce_or3A_159 : f32 to vector<16xf32>
        %reduce_or3A_162 = vector.broadcast %reduce_or3A_160 : f32 to vector<16xf32>
        %reduce_or3A_163 = arith.select %not3A_158, %reduce_or3A_161, %reduce_or3A_162 : vector<16xi1>, vector<16xf32>
        %reduce_or3A_164 = arith.constant true
        %reduce_or3A_165 = vector.broadcast %reduce_or3A_164 : i1 to vector<16xi1>
        %reduce_or3A_166 = tpu.scan <max>, %reduce_or3A_163 masked %reduce_or3A_165 : vector<16xf32>, vector<16xi1> -> vector<16xf32>
        %reduce_or3A_167 = vector.extract %reduce_or3A_166[15] : f32 from vector<16xf32>
        %reduce_or3A_168 = arith.constant 0.000000e+00 : f32
        %reduce_or3A_169 = arith.cmpf ogt, %reduce_or3A_167, %reduce_or3A_168 : f32
        %convert_element_type3A_170 = arith.extui %reduce_or3A_169 : i1 to i32
        %cond3A_171 = arith.constant 0 : i32
        %cond3A_172 = arith.cmpi ne, %convert_element_type3A_170, %cond3A_171 : i32
        scf.if %cond3A_172 {
          %while3A = arith.constant 0 : i32
          %while3A_261:2 = scf.while (%while3A_262 = %not3A_158, %while3A_263 = %while3A) : (vector<16xi1>, i32) -> (vector<16xi1>, i32) {
            %reduce_or3A_264 = arith.constant 1.000000e+00 : f32
            %reduce_or3A_265 = arith.constant 0.000000e+00 : f32
            %reduce_or3A_266 = vector.broadcast %reduce_or3A_264 : f32 to vector<16xf32>
            %reduce_or3A_267 = vector.broadcast %reduce_or3A_265 : f32 to vector<16xf32>
            %reduce_or3A_268 = arith.select %while3A_262, %reduce_or3A_266, %reduce_or3A_267 : vector<16xi1>, vector<16xf32>
            %reduce_or3A_269 = arith.constant true
            %reduce_or3A_270 = vector.broadcast %reduce_or3A_269 : i1 to vector<16xi1>
            %reduce_or3A_271 = tpu.scan <max>, %reduce_or3A_268 masked %reduce_or3A_270 : vector<16xf32>, vector<16xi1> -> vector<16xf32>
            %reduce_or3A_272 = vector.extract %reduce_or3A_271[15] : f32 from vector<16xf32>
            %reduce_or3A_273 = arith.constant 0.000000e+00 : f32
            %reduce_or3A_274 = arith.cmpf ogt, %reduce_or3A_272, %reduce_or3A_273 : f32
            %lt3A_275 = arith.constant 16 : i32
            %lt3A_276 = arith.cmpi slt, %while3A_263, %lt3A_275 : i32
            %and3A_277 = arith.andi %reduce_or3A_274, %lt3A_276 : i1
            scf.condition(%and3A_277) %while3A_262, %while3A_263 : vector<16xi1>, i32
          } do {
          ^bb0(%while3A_262: vector<16xi1>, %while3A_263: i32):
            tpu.vector_store_idx %arg10[%shift_right_arithmetic3A_142], %iota3A masked %while3A_262 : memref<10000xi32, #tpu.memory_space<vmem>>[vector<16xi32>], vector<16xi32>, vector<16xi1>
            %gather3A_264 = tpu.vector_load_idx %arg10[%shift_right_arithmetic3A_142] : memref<10000xi32, #tpu.memory_space<vmem>>[vector<16xi32>], vector<16xi32>,
            %eq3A_265 = arith.cmpi eq, %gather3A_264, %iota3A : vector<16xi32>
            %and3A_266 = arith.andi %eq3A_265, %while3A_262 : vector<16xi1>
            %gather3A_267 = tpu.vector_load_idx %arg7[%shift_right_arithmetic3A_142] : memref<10000xi32, #tpu.memory_space<vmem>>[vector<16xi32>], vector<16xi32>,
            %bitcast3A_268 = vector.bitcast %gather3A_267 : vector<16xi32> to vector<32xbf16>
            %max3A_269 = arith.maximumf %bitcast3A_268, %bitcast3A_147 : vector<32xbf16>
            %bitcast3A_270 = vector.bitcast %max3A_269 : vector<32xbf16> to vector<16xi32>
            tpu.vector_store_idx %arg7[%shift_right_arithmetic3A_142], %bitcast3A_270 masked %and3A_266 : memref<10000xi32, #tpu.memory_space<vmem>>[vector<16xi32>], vector<16xi32>, vector<16xi1>
            %gather3A_271 = tpu.vector_load_idx %arg8[%shift_right_arithmetic3A_142] : memref<10000xi32, #tpu.memory_space<vmem>>[vector<16xi32>], vector<16xi32>,
            %bitcast3A_272 = vector.bitcast %gather3A_271 : vector<16xi32> to vector<32xbf16>
            %max3A_273 = arith.maximumf %bitcast3A_272, %bitcast3A_153 : vector<32xbf16>
            %bitcast3A_274 = vector.bitcast %max3A_273 : vector<32xbf16> to vector<16xi32>
            tpu.vector_store_idx %arg8[%shift_right_arithmetic3A_142], %bitcast3A_274 masked %and3A_266 : memref<10000xi32, #tpu.memory_space<vmem>>[vector<16xi32>], vector<16xi32>, vector<16xi1>
            %not3A_275 = arith.constant dense<true> : vector<16xi1>
            %not3A_276 = arith.xori %and3A_266, %not3A_275 : vector<16xi1>
            %and3A_277 = arith.andi %while3A_262, %not3A_276 : vector<16xi1>
            %add3A_278 = arith.constant 1 : i32
            %add3A_279 = arith.addi %while3A_263, %add3A_278 : i32
            scf.yield %and3A_277, %add3A_279 : vector<16xi1>, i32
          }
        } else {
        }
        %scan3A_173 = arith.constant 1 : i32
        %scan3A_174 = arith.addi %scan3A_93, %scan3A_173 : i32
        %mul3A_175 = arith.constant 2 : i32
        %mul3A_176 = arith.muli %scan3A_174, %mul3A_175 : i32
        %mul3A_177 = arith.constant 16 : i32
        %mul3A_178 = arith.muli %mul3A_176, %mul3A_177 : i32
        %get3A_179 = arith.index_cast %mul3A_178 : i32 to index
        %get3A_180 = tpu.vector_load %arg12[%get3A_179] {strides = array<i32>} : memref<3200xi32, #tpu.memory_space<vmem>>, vector<16xi32>,
        %and3A_181 = arith.constant 16383 : i32
        %and3A_182 = vector.broadcast %and3A_181 : i32 to vector<16xi32>
        %and3A_183 = arith.andi %get3A_180, %and3A_182 : vector<16xi32>
        %shift_right_arithmetic3A_184 = arith.constant 14 : i32
        %shift_right_arithmetic3A_185 = vector.broadcast %shift_right_arithmetic3A_184 : i32 to vector<16xi32>
        %shift_right_arithmetic3A_186 = arith.shrsi %get3A_180, %shift_right_arithmetic3A_185 : vector<16xi32>
        tpu.vector_store_idx %arg9[%shift_right_arithmetic3A_186], %iota3A : memref<10000xi32, #tpu.memory_space<vmem>>[vector<16xi32>], vector<16xi32>,
        %gather3A_187 = tpu.vector_load_idx %arg9[%shift_right_arithmetic3A_186] : memref<10000xi32, #tpu.memory_space<vmem>>[vector<16xi32>], vector<16xi32>,
        %eq3A_188 = arith.cmpi eq, %gather3A_187, %iota3A : vector<16xi32>
        %gather3A_189 = tpu.vector_load_idx %arg5[%and3A_183] : memref<10000xi32, #tpu.memory_space<vmem>>[vector<16xi32>], vector<16xi32>,
        %gather3A_190 = tpu.vector_load_idx %arg7[%shift_right_arithmetic3A_186] : memref<10000xi32, #tpu.memory_space<vmem>>[vector<16xi32>], vector<16xi32>,
        %bitcast3A_191 = vector.bitcast %gather3A_189 : vector<16xi32> to vector<32xbf16>
        %bitcast3A_192 = vector.bitcast %gather3A_190 : vector<16xi32> to vector<32xbf16>
        %max3A_193 = arith.maximumf %bitcast3A_192, %bitcast3A_191 : vector<32xbf16>
        %bitcast3A_194 = vector.bitcast %max3A_193 : vector<32xbf16> to vector<16xi32>
        tpu.vector_store_idx %arg7[%shift_right_arithmetic3A_186], %bitcast3A_194 masked %eq3A_188 : memref<10000xi32, #tpu.memory_space<vmem>>[vector<16xi32>], vector<16xi32>, vector<16xi1>
        %gather3A_195 = tpu.vector_load_idx %arg6[%and3A_183] : memref<10000xi32, #tpu.memory_space<vmem>>[vector<16xi32>], vector<16xi32>,
        %gather3A_196 = tpu.vector_load_idx %arg8[%shift_right_arithmetic3A_186] : memref<10000xi32, #tpu.memory_space<vmem>>[vector<16xi32>], vector<16xi32>,
        %bitcast3A_197 = vector.bitcast %gather3A_195 : vector<16xi32> to vector<32xbf16>
        %bitcast3A_198 = vector.bitcast %gather3A_196 : vector<16xi32> to vector<32xbf16>
        %max3A_199 = arith.maximumf %bitcast3A_198, %bitcast3A_197 : vector<32xbf16>
        %bitcast3A_200 = vector.bitcast %max3A_199 : vector<32xbf16> to vector<16xi32>
        tpu.vector_store_idx %arg8[%shift_right_arithmetic3A_186], %bitcast3A_200 masked %eq3A_188 : memref<10000xi32, #tpu.memory_space<vmem>>[vector<16xi32>], vector<16xi32>, vector<16xi1>
        %not3A_201 = arith.constant dense<true> : vector<16xi1>
        %not3A_202 = arith.xori %eq3A_188, %not3A_201 : vector<16xi1>
        %reduce_or3A_203 = arith.constant 1.000000e+00 : f32
        %reduce_or3A_204 = arith.constant 0.000000e+00 : f32
        %reduce_or3A_205 = vector.broadcast %reduce_or3A_203 : f32 to vector<16xf32>
        %reduce_or3A_206 = vector.broadcast %reduce_or3A_204 : f32 to vector<16xf32>
        %reduce_or3A_207 = arith.select %not3A_202, %reduce_or3A_205, %reduce_or3A_206 : vector<16xi1>, vector<16xf32>
        %reduce_or3A_208 = arith.constant true
        %reduce_or3A_209 = vector.broadcast %reduce_or3A_208 : i1 to vector<16xi1>
        %reduce_or3A_210 = tpu.scan <max>, %reduce_or3A_207 masked %reduce_or3A_209 : vector<16xf32>, vector<16xi1> -> vector<16xf32>
        %reduce_or3A_211 = vector.extract %reduce_or3A_210[15] : f32 from vector<16xf32>
        %reduce_or3A_212 = arith.constant 0.000000e+00 : f32
        %reduce_or3A_213 = arith.cmpf ogt, %reduce_or3A_211, %reduce_or3A_212 : f32
        %convert_element_type3A_214 = arith.extui %reduce_or3A_213 : i1 to i32
        %cond3A_215 = arith.constant 0 : i32
        %cond3A_216 = arith.cmpi ne, %convert_element_type3A_214, %cond3A_215 : i32
        scf.if %cond3A_216 {
          %while3A = arith.constant 0 : i32
          %while3A_261:2 = scf.while (%while3A_262 = %not3A_202, %while3A_263 = %while3A) : (vector<16xi1>, i32) -> (vector<16xi1>, i32) {
            %reduce_or3A_264 = arith.constant 1.000000e+00 : f32
            %reduce_or3A_265 = arith.constant 0.000000e+00 : f32
            %reduce_or3A_266 = vector.broadcast %reduce_or3A_264 : f32 to vector<16xf32>
            %reduce_or3A_267 = vector.broadcast %reduce_or3A_265 : f32 to vector<16xf32>
            %reduce_or3A_268 = arith.select %while3A_262, %reduce_or3A_266, %reduce_or3A_267 : vector<16xi1>, vector<16xf32>
            %reduce_or3A_269 = arith.constant true
            %reduce_or3A_270 = vector.broadcast %reduce_or3A_269 : i1 to vector<16xi1>
            %reduce_or3A_271 = tpu.scan <max>, %reduce_or3A_268 masked %reduce_or3A_270 : vector<16xf32>, vector<16xi1> -> vector<16xf32>
            %reduce_or3A_272 = vector.extract %reduce_or3A_271[15] : f32 from vector<16xf32>
            %reduce_or3A_273 = arith.constant 0.000000e+00 : f32
            %reduce_or3A_274 = arith.cmpf ogt, %reduce_or3A_272, %reduce_or3A_273 : f32
            %lt3A_275 = arith.constant 16 : i32
            %lt3A_276 = arith.cmpi slt, %while3A_263, %lt3A_275 : i32
            %and3A_277 = arith.andi %reduce_or3A_274, %lt3A_276 : i1
            scf.condition(%and3A_277) %while3A_262, %while3A_263 : vector<16xi1>, i32
          } do {
          ^bb0(%while3A_262: vector<16xi1>, %while3A_263: i32):
            tpu.vector_store_idx %arg9[%shift_right_arithmetic3A_186], %iota3A masked %while3A_262 : memref<10000xi32, #tpu.memory_space<vmem>>[vector<16xi32>], vector<16xi32>, vector<16xi1>
            %gather3A_264 = tpu.vector_load_idx %arg9[%shift_right_arithmetic3A_186] : memref<10000xi32, #tpu.memory_space<vmem>>[vector<16xi32>], vector<16xi32>,
            %eq3A_265 = arith.cmpi eq, %gather3A_264, %iota3A : vector<16xi32>
            %and3A_266 = arith.andi %eq3A_265, %while3A_262 : vector<16xi1>
            %gather3A_267 = tpu.vector_load_idx %arg7[%shift_right_arithmetic3A_186] : memref<10000xi32, #tpu.memory_space<vmem>>[vector<16xi32>], vector<16xi32>,
            %bitcast3A_268 = vector.bitcast %gather3A_267 : vector<16xi32> to vector<32xbf16>
            %max3A_269 = arith.maximumf %bitcast3A_268, %bitcast3A_191 : vector<32xbf16>
            %bitcast3A_270 = vector.bitcast %max3A_269 : vector<32xbf16> to vector<16xi32>
            tpu.vector_store_idx %arg7[%shift_right_arithmetic3A_186], %bitcast3A_270 masked %and3A_266 : memref<10000xi32, #tpu.memory_space<vmem>>[vector<16xi32>], vector<16xi32>, vector<16xi1>
            %gather3A_271 = tpu.vector_load_idx %arg8[%shift_right_arithmetic3A_186] : memref<10000xi32, #tpu.memory_space<vmem>>[vector<16xi32>], vector<16xi32>,
            %bitcast3A_272 = vector.bitcast %gather3A_271 : vector<16xi32> to vector<32xbf16>
            %max3A_273 = arith.maximumf %bitcast3A_272, %bitcast3A_197 : vector<32xbf16>
            %bitcast3A_274 = vector.bitcast %max3A_273 : vector<32xbf16> to vector<16xi32>
            tpu.vector_store_idx %arg8[%shift_right_arithmetic3A_186], %bitcast3A_274 masked %and3A_266 : memref<10000xi32, #tpu.memory_space<vmem>>[vector<16xi32>], vector<16xi32>, vector<16xi1>
            %not3A_275 = arith.constant dense<true> : vector<16xi1>
            %not3A_276 = arith.xori %and3A_266, %not3A_275 : vector<16xi1>
            %and3A_277 = arith.andi %while3A_262, %not3A_276 : vector<16xi1>
            %add3A_278 = arith.constant 1 : i32
            %add3A_279 = arith.addi %while3A_263, %add3A_278 : i32
            scf.yield %and3A_277, %add3A_279 : vector<16xi1>, i32
          }
        } else {
        }
        %mul3A_217 = arith.constant 2 : i32
        %mul3A_218 = arith.muli %scan3A_174, %mul3A_217 : i32
        %add3A_219 = arith.constant 1 : i32
        %add3A_220 = arith.addi %mul3A_218, %add3A_219 : i32
        %mul3A_221 = arith.constant 16 : i32
        %mul3A_222 = arith.muli %add3A_220, %mul3A_221 : i32
        %get3A_223 = arith.index_cast %mul3A_222 : i32 to index
        %get3A_224 = tpu.vector_load %arg12[%get3A_223] {strides = array<i32>} : memref<3200xi32, #tpu.memory_space<vmem>>, vector<16xi32>,
        %and3A_225 = arith.constant 16383 : i32
        %and3A_226 = vector.broadcast %and3A_225 : i32 to vector<16xi32>
        %and3A_227 = arith.andi %get3A_224, %and3A_226 : vector<16xi32>
        %shift_right_arithmetic3A_228 = arith.constant 14 : i32
        %shift_right_arithmetic3A_229 = vector.broadcast %shift_right_arithmetic3A_228 : i32 to vector<16xi32>
        %shift_right_arithmetic3A_230 = arith.shrsi %get3A_224, %shift_right_arithmetic3A_229 : vector<16xi32>
        tpu.vector_store_idx %arg10[%shift_right_arithmetic3A_230], %iota3A : memref<10000xi32, #tpu.memory_space<vmem>>[vector<16xi32>], vector<16xi32>,
        %gather3A_231 = tpu.vector_load_idx %arg10[%shift_right_arithmetic3A_230] : memref<10000xi32, #tpu.memory_space<vmem>>[vector<16xi32>], vector<16xi32>,
        %eq3A_232 = arith.cmpi eq, %gather3A_231, %iota3A : vector<16xi32>
        %gather3A_233 = tpu.vector_load_idx %arg5[%and3A_227] : memref<10000xi32, #tpu.memory_space<vmem>>[vector<16xi32>], vector<16xi32>,
        %gather3A_234 = tpu.vector_load_idx %arg7[%shift_right_arithmetic3A_230] : memref<10000xi32, #tpu.memory_space<vmem>>[vector<16xi32>], vector<16xi32>,
        %bitcast3A_235 = vector.bitcast %gather3A_233 : vector<16xi32> to vector<32xbf16>
        %bitcast3A_236 = vector.bitcast %gather3A_234 : vector<16xi32> to vector<32xbf16>
        %max3A_237 = arith.maximumf %bitcast3A_236, %bitcast3A_235 : vector<32xbf16>
        %bitcast3A_238 = vector.bitcast %max3A_237 : vector<32xbf16> to vector<16xi32>
        tpu.vector_store_idx %arg7[%shift_right_arithmetic3A_230], %bitcast3A_238 masked %eq3A_232 : memref<10000xi32, #tpu.memory_space<vmem>>[vector<16xi32>], vector<16xi32>, vector<16xi1>
        %gather3A_239 = tpu.vector_load_idx %arg6[%and3A_227] : memref<10000xi32, #tpu.memory_space<vmem>>[vector<16xi32>], vector<16xi32>,
        %gather3A_240 = tpu.vector_load_idx %arg8[%shift_right_arithmetic3A_230] : memref<10000xi32, #tpu.memory_space<vmem>>[vector<16xi32>], vector<16xi32>,
        %bitcast3A_241 = vector.bitcast %gather3A_239 : vector<16xi32> to vector<32xbf16>
        %bitcast3A_242 = vector.bitcast %gather3A_240 : vector<16xi32> to vector<32xbf16>
        %max3A_243 = arith.maximumf %bitcast3A_242, %bitcast3A_241 : vector<32xbf16>
        %bitcast3A_244 = vector.bitcast %max3A_243 : vector<32xbf16> to vector<16xi32>
        tpu.vector_store_idx %arg8[%shift_right_arithmetic3A_230], %bitcast3A_244 masked %eq3A_232 : memref<10000xi32, #tpu.memory_space<vmem>>[vector<16xi32>], vector<16xi32>, vector<16xi1>
        %not3A_245 = arith.constant dense<true> : vector<16xi1>
        %not3A_246 = arith.xori %eq3A_232, %not3A_245 : vector<16xi1>
        %reduce_or3A_247 = arith.constant 1.000000e+00 : f32
        %reduce_or3A_248 = arith.constant 0.000000e+00 : f32
        %reduce_or3A_249 = vector.broadcast %reduce_or3A_247 : f32 to vector<16xf32>
        %reduce_or3A_250 = vector.broadcast %reduce_or3A_248 : f32 to vector<16xf32>
        %reduce_or3A_251 = arith.select %not3A_246, %reduce_or3A_249, %reduce_or3A_250 : vector<16xi1>, vector<16xf32>
        %reduce_or3A_252 = arith.constant true
        %reduce_or3A_253 = vector.broadcast %reduce_or3A_252 : i1 to vector<16xi1>
        %reduce_or3A_254 = tpu.scan <max>, %reduce_or3A_251 masked %reduce_or3A_253 : vector<16xf32>, vector<16xi1> -> vector<16xf32>
        %reduce_or3A_255 = vector.extract %reduce_or3A_254[15] : f32 from vector<16xf32>
        %reduce_or3A_256 = arith.constant 0.000000e+00 : f32
        %reduce_or3A_257 = arith.cmpf ogt, %reduce_or3A_255, %reduce_or3A_256 : f32
        %convert_element_type3A_258 = arith.extui %reduce_or3A_257 : i1 to i32
        %cond3A_259 = arith.constant 0 : i32
        %cond3A_260 = arith.cmpi ne, %convert_element_type3A_258, %cond3A_259 : i32
        scf.if %cond3A_260 {
          %while3A = arith.constant 0 : i32
          %while3A_261:2 = scf.while (%while3A_262 = %not3A_246, %while3A_263 = %while3A) : (vector<16xi1>, i32) -> (vector<16xi1>, i32) {
            %reduce_or3A_264 = arith.constant 1.000000e+00 : f32
            %reduce_or3A_265 = arith.constant 0.000000e+00 : f32
            %reduce_or3A_266 = vector.broadcast %reduce_or3A_264 : f32 to vector<16xf32>
            %reduce_or3A_267 = vector.broadcast %reduce_or3A_265 : f32 to vector<16xf32>
            %reduce_or3A_268 = arith.select %while3A_262, %reduce_or3A_266, %reduce_or3A_267 : vector<16xi1>, vector<16xf32>
            %reduce_or3A_269 = arith.constant true
            %reduce_or3A_270 = vector.broadcast %reduce_or3A_269 : i1 to vector<16xi1>
            %reduce_or3A_271 = tpu.scan <max>, %reduce_or3A_268 masked %reduce_or3A_270 : vector<16xf32>, vector<16xi1> -> vector<16xf32>
            %reduce_or3A_272 = vector.extract %reduce_or3A_271[15] : f32 from vector<16xf32>
            %reduce_or3A_273 = arith.constant 0.000000e+00 : f32
            %reduce_or3A_274 = arith.cmpf ogt, %reduce_or3A_272, %reduce_or3A_273 : f32
            %lt3A_275 = arith.constant 16 : i32
            %lt3A_276 = arith.cmpi slt, %while3A_263, %lt3A_275 : i32
            %and3A_277 = arith.andi %reduce_or3A_274, %lt3A_276 : i1
            scf.condition(%and3A_277) %while3A_262, %while3A_263 : vector<16xi1>, i32
          } do {
          ^bb0(%while3A_262: vector<16xi1>, %while3A_263: i32):
            tpu.vector_store_idx %arg10[%shift_right_arithmetic3A_230], %iota3A masked %while3A_262 : memref<10000xi32, #tpu.memory_space<vmem>>[vector<16xi32>], vector<16xi32>, vector<16xi1>
            %gather3A_264 = tpu.vector_load_idx %arg10[%shift_right_arithmetic3A_230] : memref<10000xi32, #tpu.memory_space<vmem>>[vector<16xi32>], vector<16xi32>,
            %eq3A_265 = arith.cmpi eq, %gather3A_264, %iota3A : vector<16xi32>
            %and3A_266 = arith.andi %eq3A_265, %while3A_262 : vector<16xi1>
            %gather3A_267 = tpu.vector_load_idx %arg7[%shift_right_arithmetic3A_230] : memref<10000xi32, #tpu.memory_space<vmem>>[vector<16xi32>], vector<16xi32>,
            %bitcast3A_268 = vector.bitcast %gather3A_267 : vector<16xi32> to vector<32xbf16>
            %max3A_269 = arith.maximumf %bitcast3A_268, %bitcast3A_235 : vector<32xbf16>
            %bitcast3A_270 = vector.bitcast %max3A_269 : vector<32xbf16> to vector<16xi32>
            tpu.vector_store_idx %arg7[%shift_right_arithmetic3A_230], %bitcast3A_270 masked %and3A_266 : memref<10000xi32, #tpu.memory_space<vmem>>[vector<16xi32>], vector<16xi32>, vector<16xi1>
            %gather3A_271 = tpu.vector_load_idx %arg8[%shift_right_arithmetic3A_230] : memref<10000xi32, #tpu.memory_space<vmem>>[vector<16xi32>], vector<16xi32>,
            %bitcast3A_272 = vector.bitcast %gather3A_271 : vector<16xi32> to vector<32xbf16>
            %max3A_273 = arith.maximumf %bitcast3A_272, %bitcast3A_241 : vector<32xbf16>
            %bitcast3A_274 = vector.bitcast %max3A_273 : vector<32xbf16> to vector<16xi32>
            tpu.vector_store_idx %arg8[%shift_right_arithmetic3A_230], %bitcast3A_274 masked %and3A_266 : memref<10000xi32, #tpu.memory_space<vmem>>[vector<16xi32>], vector<16xi32>, vector<16xi1>
            %not3A_275 = arith.constant dense<true> : vector<16xi1>
            %not3A_276 = arith.xori %and3A_266, %not3A_275 : vector<16xi1>
            %and3A_277 = arith.andi %while3A_262, %not3A_276 : vector<16xi1>
            %add3A_278 = arith.constant 1 : i32
            %add3A_279 = arith.addi %while3A_263, %add3A_278 : i32
            scf.yield %and3A_277, %add3A_279 : vector<16xi1>, i32
          }
        } else {
        }
      }
      %scan3A_92 = arith.constant 100 : i32
    }
    %scan3A_25 = arith.constant 50 : i32
    %scan3A_26 = arith.constant 0 : i32
    %scan3A_27 = arith.constant 0 : i32
    %scan3A_28 = arith.constant 624 : i32
    %scan3A_29 = arith.addi %scan3A_27, %scan3A_28 : i32
    %scan3A_30 = arith.constant 8 : i32
    scf.for %scan3A_60 = %scan3A_27 to %scan3A_29 step %scan3A_30  : i32 {
      %mul3A_61 = arith.constant 16 : i32
      %mul3A_62 = arith.muli %scan3A_60, %mul3A_61 : i32
      %get3A_63 = arith.index_cast %mul3A_62 : i32 to index
      %get3A_64 = tpu.vector_load %arg7[%get3A_63] {strides = array<i32>} : memref<10000xi32, #tpu.memory_space<vmem>>, vector<16xi32>,
      %bitcast3A_65 = vector.bitcast %get3A_64 : vector<16xi32> to vector<32xbf16>
      %get3A_66 = arith.index_cast %mul3A_62 : i32 to index
      %get3A_67 = tpu.vector_load %arg5[%get3A_66] {strides = array<i32>} : memref<10000xi32, #tpu.memory_space<vmem>>, vector<16xi32>,
      %bitcast3A_68 = vector.bitcast %get3A_67 : vector<16xi32> to vector<32xbf16>
      %lt3A_69 = arith.constant 0.000000e+00 : bf16
      %lt3A_70 = vector.broadcast %lt3A_69 : bf16 to vector<32xbf16>
      %lt3A_71 = arith.cmpf olt, %bitcast3A_65, %lt3A_70 : vector<32xbf16>
      %select_n3A_72 = arith.select %lt3A_71, %bitcast3A_68, %bitcast3A_65 : vector<32xi1>, vector<32xbf16>
      %bitcast3A_73 = vector.bitcast %select_n3A_72 : vector<32xbf16> to vector<16xi32>
      %swap3A_74 = arith.index_cast %mul3A_62 : i32 to index
      %swap3A_75 = tpu.vector_load %arg7[%swap3A_74] {strides = array<i32>} : memref<10000xi32, #tpu.memory_space<vmem>>, vector<16xi32>,
      tpu.vector_store %arg7[%swap3A_74], %bitcast3A_73 {strides = array<i32>} : memref<10000xi32, #tpu.memory_space<vmem>>, vector<16xi32>,
      %get3A_76 = arith.index_cast %mul3A_62 : i32 to index
      %get3A_77 = tpu.vector_load %arg8[%get3A_76] {strides = array<i32>} : memref<10000xi32, #tpu.memory_space<vmem>>, vector<16xi32>,
      %bitcast3A_78 = vector.bitcast %get3A_77 : vector<16xi32> to vector<32xbf16>
      %get3A_79 = arith.index_cast %mul3A_62 : i32 to index
      %get3A_80 = tpu.vector_load %arg6[%get3A_79] {strides = array<i32>} : memref<10000xi32, #tpu.memory_space<vmem>>, vector<16xi32>,
      %bitcast3A_81 = vector.bitcast %get3A_80 : vector<16xi32> to vector<32xbf16>
      %lt3A_82 = arith.constant 0.000000e+00 : bf16
      %lt3A_83 = vector.broadcast %lt3A_82 : bf16 to vector<32xbf16>
      %lt3A_84 = arith.cmpf olt, %bitcast3A_78, %lt3A_83 : vector<32xbf16>
      %select_n3A_85 = arith.select %lt3A_84, %bitcast3A_81, %bitcast3A_78 : vector<32xi1>, vector<32xbf16>
      %bitcast3A_86 = vector.bitcast %select_n3A_85 : vector<32xbf16> to vector<16xi32>
      %swap3A_87 = arith.index_cast %mul3A_62 : i32 to index
      %swap3A_88 = tpu.vector_load %arg8[%swap3A_87] {strides = array<i32>} : memref<10000xi32, #tpu.memory_space<vmem>>, vector<16xi32>,
      tpu.vector_store %arg8[%swap3A_87], %bitcast3A_86 {strides = array<i32>} : memref<10000xi32, #tpu.memory_space<vmem>>, vector<16xi32>,
      %scan3A_89 = arith.constant 1 : i32
      %scan3A_90 = arith.addi %scan3A_60, %scan3A_89 : i32
      %mul3A_91 = arith.constant 16 : i32
      %mul3A_92 = arith.muli %scan3A_90, %mul3A_91 : i32
      %get3A_93 = arith.index_cast %mul3A_92 : i32 to index
      %get3A_94 = tpu.vector_load %arg7[%get3A_93] {strides = array<i32>} : memref<10000xi32, #tpu.memory_space<vmem>>, vector<16xi32>,
      %bitcast3A_95 = vector.bitcast %get3A_94 : vector<16xi32> to vector<32xbf16>
      %get3A_96 = arith.index_cast %mul3A_92 : i32 to index
      %get3A_97 = tpu.vector_load %arg5[%get3A_96] {strides = array<i32>} : memref<10000xi32, #tpu.memory_space<vmem>>, vector<16xi32>,
      %bitcast3A_98 = vector.bitcast %get3A_97 : vector<16xi32> to vector<32xbf16>
      %lt3A_99 = arith.constant 0.000000e+00 : bf16
      %lt3A_100 = vector.broadcast %lt3A_99 : bf16 to vector<32xbf16>
      %lt3A_101 = arith.cmpf olt, %bitcast3A_95, %lt3A_100 : vector<32xbf16>
      %select_n3A_102 = arith.select %lt3A_101, %bitcast3A_98, %bitcast3A_95 : vector<32xi1>, vector<32xbf16>
      %bitcast3A_103 = vector.bitcast %select_n3A_102 : vector<32xbf16> to vector<16xi32>
      %swap3A_104 = arith.index_cast %mul3A_92 : i32 to index
      %swap3A_105 = tpu.vector_load %arg7[%swap3A_104] {strides = array<i32>} : memref<10000xi32, #tpu.memory_space<vmem>>, vector<16xi32>,
      tpu.vector_store %arg7[%swap3A_104], %bitcast3A_103 {strides = array<i32>} : memref<10000xi32, #tpu.memory_space<vmem>>, vector<16xi32>,
      %get3A_106 = arith.index_cast %mul3A_92 : i32 to index
      %get3A_107 = tpu.vector_load %arg8[%get3A_106] {strides = array<i32>} : memref<10000xi32, #tpu.memory_space<vmem>>, vector<16xi32>,
      %bitcast3A_108 = vector.bitcast %get3A_107 : vector<16xi32> to vector<32xbf16>
      %get3A_109 = arith.index_cast %mul3A_92 : i32 to index
      %get3A_110 = tpu.vector_load %arg6[%get3A_109] {strides = array<i32>} : memref<10000xi32, #tpu.memory_space<vmem>>, vector<16xi32>,
      %bitcast3A_111 = vector.bitcast %get3A_110 : vector<16xi32> to vector<32xbf16>
      %lt3A_112 = arith.constant 0.000000e+00 : bf16
      %lt3A_113 = vector.broadcast %lt3A_112 : bf16 to vector<32xbf16>
      %lt3A_114 = arith.cmpf olt, %bitcast3A_108, %lt3A_113 : vector<32xbf16>
      %select_n3A_115 = arith.select %lt3A_114, %bitcast3A_111, %bitcast3A_108 : vector<32xi1>, vector<32xbf16>
      %bitcast3A_116 = vector.bitcast %select_n3A_115 : vector<32xbf16> to vector<16xi32>
      %swap3A_117 = arith.index_cast %mul3A_92 : i32 to index
      %swap3A_118 = tpu.vector_load %arg8[%swap3A_117] {strides = array<i32>} : memref<10000xi32, #tpu.memory_space<vmem>>, vector<16xi32>,
      tpu.vector_store %arg8[%swap3A_117], %bitcast3A_116 {strides = array<i32>} : memref<10000xi32, #tpu.memory_space<vmem>>, vector<16xi32>,
      %scan3A_119 = arith.constant 2 : i32
      %scan3A_120 = arith.addi %scan3A_60, %scan3A_119 : i32
      %mul3A_121 = arith.constant 16 : i32
      %mul3A_122 = arith.muli %scan3A_120, %mul3A_121 : i32
      %get3A_123 = arith.index_cast %mul3A_122 : i32 to index
      %get3A_124 = tpu.vector_load %arg7[%get3A_123] {strides = array<i32>} : memref<10000xi32, #tpu.memory_space<vmem>>, vector<16xi32>,
      %bitcast3A_125 = vector.bitcast %get3A_124 : vector<16xi32> to vector<32xbf16>
      %get3A_126 = arith.index_cast %mul3A_122 : i32 to index
      %get3A_127 = tpu.vector_load %arg5[%get3A_126] {strides = array<i32>} : memref<10000xi32, #tpu.memory_space<vmem>>, vector<16xi32>,
      %bitcast3A_128 = vector.bitcast %get3A_127 : vector<16xi32> to vector<32xbf16>
      %lt3A_129 = arith.constant 0.000000e+00 : bf16
      %lt3A_130 = vector.broadcast %lt3A_129 : bf16 to vector<32xbf16>
      %lt3A_131 = arith.cmpf olt, %bitcast3A_125, %lt3A_130 : vector<32xbf16>
      %select_n3A_132 = arith.select %lt3A_131, %bitcast3A_128, %bitcast3A_125 : vector<32xi1>, vector<32xbf16>
      %bitcast3A_133 = vector.bitcast %select_n3A_132 : vector<32xbf16> to vector<16xi32>
      %swap3A_134 = arith.index_cast %mul3A_122 : i32 to index
      %swap3A_135 = tpu.vector_load %arg7[%swap3A_134] {strides = array<i32>} : memref<10000xi32, #tpu.memory_space<vmem>>, vector<16xi32>,
      tpu.vector_store %arg7[%swap3A_134], %bitcast3A_133 {strides = array<i32>} : memref<10000xi32, #tpu.memory_space<vmem>>, vector<16xi32>,
      %get3A_136 = arith.index_cast %mul3A_122 : i32 to index
      %get3A_137 = tpu.vector_load %arg8[%get3A_136] {strides = array<i32>} : memref<10000xi32, #tpu.memory_space<vmem>>, vector<16xi32>,
      %bitcast3A_138 = vector.bitcast %get3A_137 : vector<16xi32> to vector<32xbf16>
      %get3A_139 = arith.index_cast %mul3A_122 : i32 to index
      %get3A_140 = tpu.vector_load %arg6[%get3A_139] {strides = array<i32>} : memref<10000xi32, #tpu.memory_space<vmem>>, vector<16xi32>,
      %bitcast3A_141 = vector.bitcast %get3A_140 : vector<16xi32> to vector<32xbf16>
      %lt3A_142 = arith.constant 0.000000e+00 : bf16
      %lt3A_143 = vector.broadcast %lt3A_142 : bf16 to vector<32xbf16>
      %lt3A_144 = arith.cmpf olt, %bitcast3A_138, %lt3A_143 : vector<32xbf16>
      %select_n3A_145 = arith.select %lt3A_144, %bitcast3A_141, %bitcast3A_138 : vector<32xi1>, vector<32xbf16>
      %bitcast3A_146 = vector.bitcast %select_n3A_145 : vector<32xbf16> to vector<16xi32>
      %swap3A_147 = arith.index_cast %mul3A_122 : i32 to index
      %swap3A_148 = tpu.vector_load %arg8[%swap3A_147] {strides = array<i32>} : memref<10000xi32, #tpu.memory_space<vmem>>, vector<16xi32>,
      tpu.vector_store %arg8[%swap3A_147], %bitcast3A_146 {strides = array<i32>} : memref<10000xi32, #tpu.memory_space<vmem>>, vector<16xi32>,
      %scan3A_149 = arith.constant 3 : i32
      %scan3A_150 = arith.addi %scan3A_60, %scan3A_149 : i32
      %mul3A_151 = arith.constant 16 : i32
      %mul3A_152 = arith.muli %scan3A_150, %mul3A_151 : i32
      %get3A_153 = arith.index_cast %mul3A_152 : i32 to index
      %get3A_154 = tpu.vector_load %arg7[%get3A_153] {strides = array<i32>} : memref<10000xi32, #tpu.memory_space<vmem>>, vector<16xi32>,
      %bitcast3A_155 = vector.bitcast %get3A_154 : vector<16xi32> to vector<32xbf16>
      %get3A_156 = arith.index_cast %mul3A_152 : i32 to index
      %get3A_157 = tpu.vector_load %arg5[%get3A_156] {strides = array<i32>} : memref<10000xi32, #tpu.memory_space<vmem>>, vector<16xi32>,
      %bitcast3A_158 = vector.bitcast %get3A_157 : vector<16xi32> to vector<32xbf16>
      %lt3A_159 = arith.constant 0.000000e+00 : bf16
      %lt3A_160 = vector.broadcast %lt3A_159 : bf16 to vector<32xbf16>
      %lt3A_161 = arith.cmpf olt, %bitcast3A_155, %lt3A_160 : vector<32xbf16>
      %select_n3A_162 = arith.select %lt3A_161, %bitcast3A_158, %bitcast3A_155 : vector<32xi1>, vector<32xbf16>
      %bitcast3A_163 = vector.bitcast %select_n3A_162 : vector<32xbf16> to vector<16xi32>
      %swap3A_164 = arith.index_cast %mul3A_152 : i32 to index
      %swap3A_165 = tpu.vector_load %arg7[%swap3A_164] {strides = array<i32>} : memref<10000xi32, #tpu.memory_space<vmem>>, vector<16xi32>,
      tpu.vector_store %arg7[%swap3A_164], %bitcast3A_163 {strides = array<i32>} : memref<10000xi32, #tpu.memory_space<vmem>>, vector<16xi32>,
      %get3A_166 = arith.index_cast %mul3A_152 : i32 to index
      %get3A_167 = tpu.vector_load %arg8[%get3A_166] {strides = array<i32>} : memref<10000xi32, #tpu.memory_space<vmem>>, vector<16xi32>,
      %bitcast3A_168 = vector.bitcast %get3A_167 : vector<16xi32> to vector<32xbf16>
      %get3A_169 = arith.index_cast %mul3A_152 : i32 to index
      %get3A_170 = tpu.vector_load %arg6[%get3A_169] {strides = array<i32>} : memref<10000xi32, #tpu.memory_space<vmem>>, vector<16xi32>,
      %bitcast3A_171 = vector.bitcast %get3A_170 : vector<16xi32> to vector<32xbf16>
      %lt3A_172 = arith.constant 0.000000e+00 : bf16
      %lt3A_173 = vector.broadcast %lt3A_172 : bf16 to vector<32xbf16>
      %lt3A_174 = arith.cmpf olt, %bitcast3A_168, %lt3A_173 : vector<32xbf16>
      %select_n3A_175 = arith.select %lt3A_174, %bitcast3A_171, %bitcast3A_168 : vector<32xi1>, vector<32xbf16>
      %bitcast3A_176 = vector.bitcast %select_n3A_175 : vector<32xbf16> to vector<16xi32>
      %swap3A_177 = arith.index_cast %mul3A_152 : i32 to index
      %swap3A_178 = tpu.vector_load %arg8[%swap3A_177] {strides = array<i32>} : memref<10000xi32, #tpu.memory_space<vmem>>, vector<16xi32>,
      tpu.vector_store %arg8[%swap3A_177], %bitcast3A_176 {strides = array<i32>} : memref<10000xi32, #tpu.memory_space<vmem>>, vector<16xi32>,
      %scan3A_179 = arith.constant 4 : i32
      %scan3A_180 = arith.addi %scan3A_60, %scan3A_179 : i32
      %mul3A_181 = arith.constant 16 : i32
      %mul3A_182 = arith.muli %scan3A_180, %mul3A_181 : i32
      %get3A_183 = arith.index_cast %mul3A_182 : i32 to index
      %get3A_184 = tpu.vector_load %arg7[%get3A_183] {strides = array<i32>} : memref<10000xi32, #tpu.memory_space<vmem>>, vector<16xi32>,
      %bitcast3A_185 = vector.bitcast %get3A_184 : vector<16xi32> to vector<32xbf16>
      %get3A_186 = arith.index_cast %mul3A_182 : i32 to index
      %get3A_187 = tpu.vector_load %arg5[%get3A_186] {strides = array<i32>} : memref<10000xi32, #tpu.memory_space<vmem>>, vector<16xi32>,
      %bitcast3A_188 = vector.bitcast %get3A_187 : vector<16xi32> to vector<32xbf16>
      %lt3A_189 = arith.constant 0.000000e+00 : bf16
      %lt3A_190 = vector.broadcast %lt3A_189 : bf16 to vector<32xbf16>
      %lt3A_191 = arith.cmpf olt, %bitcast3A_185, %lt3A_190 : vector<32xbf16>
      %select_n3A_192 = arith.select %lt3A_191, %bitcast3A_188, %bitcast3A_185 : vector<32xi1>, vector<32xbf16>
      %bitcast3A_193 = vector.bitcast %select_n3A_192 : vector<32xbf16> to vector<16xi32>
      %swap3A_194 = arith.index_cast %mul3A_182 : i32 to index
      %swap3A_195 = tpu.vector_load %arg7[%swap3A_194] {strides = array<i32>} : memref<10000xi32, #tpu.memory_space<vmem>>, vector<16xi32>,
      tpu.vector_store %arg7[%swap3A_194], %bitcast3A_193 {strides = array<i32>} : memref<10000xi32, #tpu.memory_space<vmem>>, vector<16xi32>,
      %get3A_196 = arith.index_cast %mul3A_182 : i32 to index
      %get3A_197 = tpu.vector_load %arg8[%get3A_196] {strides = array<i32>} : memref<10000xi32, #tpu.memory_space<vmem>>, vector<16xi32>,
      %bitcast3A_198 = vector.bitcast %get3A_197 : vector<16xi32> to vector<32xbf16>
      %get3A_199 = arith.index_cast %mul3A_182 : i32 to index
      %get3A_200 = tpu.vector_load %arg6[%get3A_199] {strides = array<i32>} : memref<10000xi32, #tpu.memory_space<vmem>>, vector<16xi32>,
      %bitcast3A_201 = vector.bitcast %get3A_200 : vector<16xi32> to vector<32xbf16>
      %lt3A_202 = arith.constant 0.000000e+00 : bf16
      %lt3A_203 = vector.broadcast %lt3A_202 : bf16 to vector<32xbf16>
      %lt3A_204 = arith.cmpf olt, %bitcast3A_198, %lt3A_203 : vector<32xbf16>
      %select_n3A_205 = arith.select %lt3A_204, %bitcast3A_201, %bitcast3A_198 : vector<32xi1>, vector<32xbf16>
      %bitcast3A_206 = vector.bitcast %select_n3A_205 : vector<32xbf16> to vector<16xi32>
      %swap3A_207 = arith.index_cast %mul3A_182 : i32 to index
      %swap3A_208 = tpu.vector_load %arg8[%swap3A_207] {strides = array<i32>} : memref<10000xi32, #tpu.memory_space<vmem>>, vector<16xi32>,
      tpu.vector_store %arg8[%swap3A_207], %bitcast3A_206 {strides = array<i32>} : memref<10000xi32, #tpu.memory_space<vmem>>, vector<16xi32>,
      %scan3A_209 = arith.constant 5 : i32
      %scan3A_210 = arith.addi %scan3A_60, %scan3A_209 : i32
      %mul3A_211 = arith.constant 16 : i32
      %mul3A_212 = arith.muli %scan3A_210, %mul3A_211 : i32
      %get3A_213 = arith.index_cast %mul3A_212 : i32 to index
      %get3A_214 = tpu.vector_load %arg7[%get3A_213] {strides = array<i32>} : memref<10000xi32, #tpu.memory_space<vmem>>, vector<16xi32>,
      %bitcast3A_215 = vector.bitcast %get3A_214 : vector<16xi32> to vector<32xbf16>
      %get3A_216 = arith.index_cast %mul3A_212 : i32 to index
      %get3A_217 = tpu.vector_load %arg5[%get3A_216] {strides = array<i32>} : memref<10000xi32, #tpu.memory_space<vmem>>, vector<16xi32>,
      %bitcast3A_218 = vector.bitcast %get3A_217 : vector<16xi32> to vector<32xbf16>
      %lt3A_219 = arith.constant 0.000000e+00 : bf16
      %lt3A_220 = vector.broadcast %lt3A_219 : bf16 to vector<32xbf16>
      %lt3A_221 = arith.cmpf olt, %bitcast3A_215, %lt3A_220 : vector<32xbf16>
      %select_n3A_222 = arith.select %lt3A_221, %bitcast3A_218, %bitcast3A_215 : vector<32xi1>, vector<32xbf16>
      %bitcast3A_223 = vector.bitcast %select_n3A_222 : vector<32xbf16> to vector<16xi32>
      %swap3A_224 = arith.index_cast %mul3A_212 : i32 to index
      %swap3A_225 = tpu.vector_load %arg7[%swap3A_224] {strides = array<i32>} : memref<10000xi32, #tpu.memory_space<vmem>>, vector<16xi32>,
      tpu.vector_store %arg7[%swap3A_224], %bitcast3A_223 {strides = array<i32>} : memref<10000xi32, #tpu.memory_space<vmem>>, vector<16xi32>,
      %get3A_226 = arith.index_cast %mul3A_212 : i32 to index
      %get3A_227 = tpu.vector_load %arg8[%get3A_226] {strides = array<i32>} : memref<10000xi32, #tpu.memory_space<vmem>>, vector<16xi32>,
      %bitcast3A_228 = vector.bitcast %get3A_227 : vector<16xi32> to vector<32xbf16>
      %get3A_229 = arith.index_cast %mul3A_212 : i32 to index
      %get3A_230 = tpu.vector_load %arg6[%get3A_229] {strides = array<i32>} : memref<10000xi32, #tpu.memory_space<vmem>>, vector<16xi32>,
      %bitcast3A_231 = vector.bitcast %get3A_230 : vector<16xi32> to vector<32xbf16>
      %lt3A_232 = arith.constant 0.000000e+00 : bf16
      %lt3A_233 = vector.broadcast %lt3A_232 : bf16 to vector<32xbf16>
      %lt3A_234 = arith.cmpf olt, %bitcast3A_228, %lt3A_233 : vector<32xbf16>
      %select_n3A_235 = arith.select %lt3A_234, %bitcast3A_231, %bitcast3A_228 : vector<32xi1>, vector<32xbf16>
      %bitcast3A_236 = vector.bitcast %select_n3A_235 : vector<32xbf16> to vector<16xi32>
      %swap3A_237 = arith.index_cast %mul3A_212 : i32 to index
      %swap3A_238 = tpu.vector_load %arg8[%swap3A_237] {strides = array<i32>} : memref<10000xi32, #tpu.memory_space<vmem>>, vector<16xi32>,
      tpu.vector_store %arg8[%swap3A_237], %bitcast3A_236 {strides = array<i32>} : memref<10000xi32, #tpu.memory_space<vmem>>, vector<16xi32>,
      %scan3A_239 = arith.constant 6 : i32
      %scan3A_240 = arith.addi %scan3A_60, %scan3A_239 : i32
      %mul3A_241 = arith.constant 16 : i32
      %mul3A_242 = arith.muli %scan3A_240, %mul3A_241 : i32
      %get3A_243 = arith.index_cast %mul3A_242 : i32 to index
      %get3A_244 = tpu.vector_load %arg7[%get3A_243] {strides = array<i32>} : memref<10000xi32, #tpu.memory_space<vmem>>, vector<16xi32>,
      %bitcast3A_245 = vector.bitcast %get3A_244 : vector<16xi32> to vector<32xbf16>
      %get3A_246 = arith.index_cast %mul3A_242 : i32 to index
      %get3A_247 = tpu.vector_load %arg5[%get3A_246] {strides = array<i32>} : memref<10000xi32, #tpu.memory_space<vmem>>, vector<16xi32>,
      %bitcast3A_248 = vector.bitcast %get3A_247 : vector<16xi32> to vector<32xbf16>
      %lt3A_249 = arith.constant 0.000000e+00 : bf16
      %lt3A_250 = vector.broadcast %lt3A_249 : bf16 to vector<32xbf16>
      %lt3A_251 = arith.cmpf olt, %bitcast3A_245, %lt3A_250 : vector<32xbf16>
      %select_n3A_252 = arith.select %lt3A_251, %bitcast3A_248, %bitcast3A_245 : vector<32xi1>, vector<32xbf16>
      %bitcast3A_253 = vector.bitcast %select_n3A_252 : vector<32xbf16> to vector<16xi32>
      %swap3A_254 = arith.index_cast %mul3A_242 : i32 to index
      %swap3A_255 = tpu.vector_load %arg7[%swap3A_254] {strides = array<i32>} : memref<10000xi32, #tpu.memory_space<vmem>>, vector<16xi32>,
      tpu.vector_store %arg7[%swap3A_254], %bitcast3A_253 {strides = array<i32>} : memref<10000xi32, #tpu.memory_space<vmem>>, vector<16xi32>,
      %get3A_256 = arith.index_cast %mul3A_242 : i32 to index
      %get3A_257 = tpu.vector_load %arg8[%get3A_256] {strides = array<i32>} : memref<10000xi32, #tpu.memory_space<vmem>>, vector<16xi32>,
      %bitcast3A_258 = vector.bitcast %get3A_257 : vector<16xi32> to vector<32xbf16>
      %get3A_259 = arith.index_cast %mul3A_242 : i32 to index
      %get3A_260 = tpu.vector_load %arg6[%get3A_259] {strides = array<i32>} : memref<10000xi32, #tpu.memory_space<vmem>>, vector<16xi32>,
      %bitcast3A_261 = vector.bitcast %get3A_260 : vector<16xi32> to vector<32xbf16>
      %lt3A_262 = arith.constant 0.000000e+00 : bf16
      %lt3A_263 = vector.broadcast %lt3A_262 : bf16 to vector<32xbf16>
      %lt3A_264 = arith.cmpf olt, %bitcast3A_258, %lt3A_263 : vector<32xbf16>
      %select_n3A_265 = arith.select %lt3A_264, %bitcast3A_261, %bitcast3A_258 : vector<32xi1>, vector<32xbf16>
      %bitcast3A_266 = vector.bitcast %select_n3A_265 : vector<32xbf16> to vector<16xi32>
      %swap3A_267 = arith.index_cast %mul3A_242 : i32 to index
      %swap3A_268 = tpu.vector_load %arg8[%swap3A_267] {strides = array<i32>} : memref<10000xi32, #tpu.memory_space<vmem>>, vector<16xi32>,
      tpu.vector_store %arg8[%swap3A_267], %bitcast3A_266 {strides = array<i32>} : memref<10000xi32, #tpu.memory_space<vmem>>, vector<16xi32>,
      %scan3A_269 = arith.constant 7 : i32
      %scan3A_270 = arith.addi %scan3A_60, %scan3A_269 : i32
      %mul3A_271 = arith.constant 16 : i32
      %mul3A_272 = arith.muli %scan3A_270, %mul3A_271 : i32
      %get3A_273 = arith.index_cast %mul3A_272 : i32 to index
      %get3A_274 = tpu.vector_load %arg7[%get3A_273] {strides = array<i32>} : memref<10000xi32, #tpu.memory_space<vmem>>, vector<16xi32>,
      %bitcast3A_275 = vector.bitcast %get3A_274 : vector<16xi32> to vector<32xbf16>
      %get3A_276 = arith.index_cast %mul3A_272 : i32 to index
      %get3A_277 = tpu.vector_load %arg5[%get3A_276] {strides = array<i32>} : memref<10000xi32, #tpu.memory_space<vmem>>, vector<16xi32>,
      %bitcast3A_278 = vector.bitcast %get3A_277 : vector<16xi32> to vector<32xbf16>
      %lt3A_279 = arith.constant 0.000000e+00 : bf16
      %lt3A_280 = vector.broadcast %lt3A_279 : bf16 to vector<32xbf16>
      %lt3A_281 = arith.cmpf olt, %bitcast3A_275, %lt3A_280 : vector<32xbf16>
      %select_n3A_282 = arith.select %lt3A_281, %bitcast3A_278, %bitcast3A_275 : vector<32xi1>, vector<32xbf16>
      %bitcast3A_283 = vector.bitcast %select_n3A_282 : vector<32xbf16> to vector<16xi32>
      %swap3A_284 = arith.index_cast %mul3A_272 : i32 to index
      %swap3A_285 = tpu.vector_load %arg7[%swap3A_284] {strides = array<i32>} : memref<10000xi32, #tpu.memory_space<vmem>>, vector<16xi32>,
      tpu.vector_store %arg7[%swap3A_284], %bitcast3A_283 {strides = array<i32>} : memref<10000xi32, #tpu.memory_space<vmem>>, vector<16xi32>,
      %get3A_286 = arith.index_cast %mul3A_272 : i32 to index
      %get3A_287 = tpu.vector_load %arg8[%get3A_286] {strides = array<i32>} : memref<10000xi32, #tpu.memory_space<vmem>>, vector<16xi32>,
      %bitcast3A_288 = vector.bitcast %get3A_287 : vector<16xi32> to vector<32xbf16>
      %get3A_289 = arith.index_cast %mul3A_272 : i32 to index
      %get3A_290 = tpu.vector_load %arg6[%get3A_289] {strides = array<i32>} : memref<10000xi32, #tpu.memory_space<vmem>>, vector<16xi32>,
      %bitcast3A_291 = vector.bitcast %get3A_290 : vector<16xi32> to vector<32xbf16>
      %lt3A_292 = arith.constant 0.000000e+00 : bf16
      %lt3A_293 = vector.broadcast %lt3A_292 : bf16 to vector<32xbf16>
      %lt3A_294 = arith.cmpf olt, %bitcast3A_288, %lt3A_293 : vector<32xbf16>
      %select_n3A_295 = arith.select %lt3A_294, %bitcast3A_291, %bitcast3A_288 : vector<32xi1>, vector<32xbf16>
      %bitcast3A_296 = vector.bitcast %select_n3A_295 : vector<32xbf16> to vector<16xi32>
      %swap3A_297 = arith.index_cast %mul3A_272 : i32 to index
      %swap3A_298 = tpu.vector_load %arg8[%swap3A_297] {strides = array<i32>} : memref<10000xi32, #tpu.memory_space<vmem>>, vector<16xi32>,
      tpu.vector_store %arg8[%swap3A_297], %bitcast3A_296 {strides = array<i32>} : memref<10000xi32, #tpu.memory_space<vmem>>, vector<16xi32>,
    }
    %scan3A_31 = arith.constant 624 : i32
    %scan3A_32 = arith.addi %scan3A_27, %scan3A_31 : i32
    %mul3A_33 = arith.constant 16 : i32
    %mul3A_34 = arith.muli %scan3A_32, %mul3A_33 : i32
    %get3A = arith.index_cast %mul3A_34 : i32 to index
    %get3A_35 = tpu.vector_load %arg7[%get3A] {strides = array<i32>} : memref<10000xi32, #tpu.memory_space<vmem>>, vector<16xi32>,
    %bitcast3A = vector.bitcast %get3A_35 : vector<16xi32> to vector<32xbf16>
    %get3A_36 = arith.index_cast %mul3A_34 : i32 to index
    %get3A_37 = tpu.vector_load %arg5[%get3A_36] {strides = array<i32>} : memref<10000xi32, #tpu.memory_space<vmem>>, vector<16xi32>,
    %bitcast3A_38 = vector.bitcast %get3A_37 : vector<16xi32> to vector<32xbf16>
    %lt3A = arith.constant 0.000000e+00 : bf16
    %lt3A_39 = vector.broadcast %lt3A : bf16 to vector<32xbf16>
    %lt3A_40 = arith.cmpf olt, %bitcast3A, %lt3A_39 : vector<32xbf16>
    %select_n3A = arith.select %lt3A_40, %bitcast3A_38, %bitcast3A : vector<32xi1>, vector<32xbf16>
    %bitcast3A_41 = vector.bitcast %select_n3A : vector<32xbf16> to vector<16xi32>
    %swap3A_42 = arith.index_cast %mul3A_34 : i32 to index
    %swap3A_43 = tpu.vector_load %arg7[%swap3A_42] {strides = array<i32>} : memref<10000xi32, #tpu.memory_space<vmem>>, vector<16xi32>,
    tpu.vector_store %arg7[%swap3A_42], %bitcast3A_41 {strides = array<i32>} : memref<10000xi32, #tpu.memory_space<vmem>>, vector<16xi32>,
    %get3A_44 = arith.index_cast %mul3A_34 : i32 to index
    %get3A_45 = tpu.vector_load %arg8[%get3A_44] {strides = array<i32>} : memref<10000xi32, #tpu.memory_space<vmem>>, vector<16xi32>,
    %bitcast3A_46 = vector.bitcast %get3A_45 : vector<16xi32> to vector<32xbf16>
    %get3A_47 = arith.index_cast %mul3A_34 : i32 to index
    %get3A_48 = tpu.vector_load %arg6[%get3A_47] {strides = array<i32>} : memref<10000xi32, #tpu.memory_space<vmem>>, vector<16xi32>,
    %bitcast3A_49 = vector.bitcast %get3A_48 : vector<16xi32> to vector<32xbf16>
    %lt3A_50 = arith.constant 0.000000e+00 : bf16
    %lt3A_51 = vector.broadcast %lt3A_50 : bf16 to vector<32xbf16>
    %lt3A_52 = arith.cmpf olt, %bitcast3A_46, %lt3A_51 : vector<32xbf16>
    %select_n3A_53 = arith.select %lt3A_52, %bitcast3A_49, %bitcast3A_46 : vector<32xi1>, vector<32xbf16>
    %bitcast3A_54 = vector.bitcast %select_n3A_53 : vector<32xbf16> to vector<16xi32>
    %swap3A_55 = arith.index_cast %mul3A_34 : i32 to index
    %swap3A_56 = tpu.vector_load %arg8[%swap3A_55] {strides = array<i32>} : memref<10000xi32, #tpu.memory_space<vmem>>, vector<16xi32>,
    tpu.vector_store %arg8[%swap3A_55], %bitcast3A_54 {strides = array<i32>} : memref<10000xi32, #tpu.memory_space<vmem>>, vector<16xi32>,
    %scan3A_57 = arith.constant 625 : i32
    %run_scoped3A_58 = arith.constant 0 : i32
    "tpu.region"() ({
      %run_scoped3A_60 = tpu.sem_alloc : memref<!tpu.dma_semaphore, #tpu.memory_space<semaphore_mem>>
      %dma_start3A_61 = arith.constant 0 : i32
      %dma_start3A_62 = tpu.memref_slice %arg4[%add3A, %run_scoped3A_58, %dma_start3A_61] : memref<32x2x10000xi32, #tpu.memory_space<hbm>> -> memref<1x1x10000xi32, #tpu.memory_space<hbm>>
      %dma_start3A_63 = tpu.memref_squeeze %dma_start3A_62 : memref<1x1x10000xi32, #tpu.memory_space<hbm>> -> memref<10000xi32, #tpu.memory_space<hbm>>
      %dma_start3A_64 = arith.constant 0 : i32
      %dma_start3A_65 = tpu.memref_slice %arg4[%add3A, %run_scoped3A_58, %dma_start3A_64] : memref<32x2x10000xi32, #tpu.memory_space<hbm>> -> memref<1x1x10000xi32, #tpu.memory_space<hbm>>
      %dma_start3A_66 = tpu.memref_squeeze %dma_start3A_65 : memref<1x1x10000xi32, #tpu.memory_space<hbm>> -> memref<10000xi32, #tpu.memory_space<hbm>>
      tpu.enqueue_dma source(%arg7 : memref<10000xi32, #tpu.memory_space<vmem>>) target(%dma_start3A_66 : memref<10000xi32, #tpu.memory_space<hbm>>) target_semaphore(%run_scoped3A_60 : memref<!tpu.dma_semaphore, #tpu.memory_space<semaphore_mem>>)
      %dma_wait3A = arith.constant 0 : i32
      %dma_wait3A_67 = tpu.memref_slice %arg4[%add3A, %run_scoped3A_58, %dma_wait3A] : memref<32x2x10000xi32, #tpu.memory_space<hbm>> -> memref<1x1x10000xi32, #tpu.memory_space<hbm>>
      %dma_wait3A_68 = tpu.memref_squeeze %dma_wait3A_67 : memref<1x1x10000xi32, #tpu.memory_space<hbm>> -> memref<10000xi32, #tpu.memory_space<hbm>>
      %dma_wait3A_69 = arith.constant 0 : i32
      %dma_wait3A_70 = tpu.memref_slice %arg4[%add3A, %run_scoped3A_58, %dma_wait3A_69] : memref<32x2x10000xi32, #tpu.memory_space<hbm>> -> memref<1x1x10000xi32, #tpu.memory_space<hbm>>
      %dma_wait3A_71 = tpu.memref_squeeze %dma_wait3A_70 : memref<1x1x10000xi32, #tpu.memory_space<hbm>> -> memref<10000xi32, #tpu.memory_space<hbm>>
      tpu.wait_dma2 semaphore(%run_scoped3A_60 : memref<!tpu.dma_semaphore, #tpu.memory_space<semaphore_mem>>) src(%arg7 : memref<10000xi32, #tpu.memory_space<vmem>>) dst(%dma_wait3A_71 : memref<10000xi32, #tpu.memory_space<hbm>>)
      tpu.yield
    }) : () -> ()
    %run_scoped3A_59 = arith.constant 1 : i32
    "tpu.region"() ({
      %run_scoped3A_60 = tpu.sem_alloc : memref<!tpu.dma_semaphore, #tpu.memory_space<semaphore_mem>>
      %dma_start3A_61 = arith.constant 0 : i32
      %dma_start3A_62 = tpu.memref_slice %arg4[%add3A, %run_scoped3A_59, %dma_start3A_61] : memref<32x2x10000xi32, #tpu.memory_space<hbm>> -> memref<1x1x10000xi32, #tpu.memory_space<hbm>>
      %dma_start3A_63 = tpu.memref_squeeze %dma_start3A_62 : memref<1x1x10000xi32, #tpu.memory_space<hbm>> -> memref<10000xi32, #tpu.memory_space<hbm>>
      %dma_start3A_64 = arith.constant 0 : i32
      %dma_start3A_65 = tpu.memref_slice %arg4[%add3A, %run_scoped3A_59, %dma_start3A_64] : memref<32x2x10000xi32, #tpu.memory_space<hbm>> -> memref<1x1x10000xi32, #tpu.memory_space<hbm>>
      %dma_start3A_66 = tpu.memref_squeeze %dma_start3A_65 : memref<1x1x10000xi32, #tpu.memory_space<hbm>> -> memref<10000xi32, #tpu.memory_space<hbm>>
      tpu.enqueue_dma source(%arg8 : memref<10000xi32, #tpu.memory_space<vmem>>) target(%dma_start3A_66 : memref<10000xi32, #tpu.memory_space<hbm>>) target_semaphore(%run_scoped3A_60 : memref<!tpu.dma_semaphore, #tpu.memory_space<semaphore_mem>>)
      %dma_wait3A = arith.constant 0 : i32
      %dma_wait3A_67 = tpu.memref_slice %arg4[%add3A, %run_scoped3A_59, %dma_wait3A] : memref<32x2x10000xi32, #tpu.memory_space<hbm>> -> memref<1x1x10000xi32, #tpu.memory_space<hbm>>
      %dma_wait3A_68 = tpu.memref_squeeze %dma_wait3A_67 : memref<1x1x10000xi32, #tpu.memory_space<hbm>> -> memref<10000xi32, #tpu.memory_space<hbm>>
      %dma_wait3A_69 = arith.constant 0 : i32
      %dma_wait3A_70 = tpu.memref_slice %arg4[%add3A, %run_scoped3A_59, %dma_wait3A_69] : memref<32x2x10000xi32, #tpu.memory_space<hbm>> -> memref<1x1x10000xi32, #tpu.memory_space<hbm>>
      %dma_wait3A_71 = tpu.memref_squeeze %dma_wait3A_70 : memref<1x1x10000xi32, #tpu.memory_space<hbm>> -> memref<10000xi32, #tpu.memory_space<hbm>>
      tpu.wait_dma2 semaphore(%run_scoped3A_60 : memref<!tpu.dma_semaphore, #tpu.memory_space<semaphore_mem>>) src(%arg8 : memref<10000xi32, #tpu.memory_space<vmem>>) dst(%dma_wait3A_71 : memref<10000xi32, #tpu.memory_space<hbm>>)
      tpu.yield
    }) : () -> ()
    return
  }
}

#map = affine_map<(d0, d1) -> (0, 0, 0)>
#map1 = affine_map<(d0, d1) -> (0)>
module attributes {stable_mosaic.version = 14 : i64} {
  func.func @_gcn_sc(%arg0: i32, %arg1: i32, %arg2: memref<32x2x10000xi32, #tpu.memory_space<hbm>>, %arg3: memref<320000xi32, #tpu.memory_space<hbm>>, %arg4: memref<32x2x10000xi32, #tpu.memory_space<hbm>>, %arg5: memref<10000xi32, #tpu.memory_space<vmem>>, %arg6: memref<10000xi32, #tpu.memory_space<vmem>>, %arg7: memref<10000xi32, #tpu.memory_space<vmem>>, %arg8: memref<10000xi32, #tpu.memory_space<vmem>>, %arg9: memref<10000xi32, #tpu.memory_space<vmem>>, %arg10: memref<10000xi32, #tpu.memory_space<vmem>>, %arg11: memref<3200xi32, #tpu.memory_space<vmem>>, %arg12: memref<3200xi32, #tpu.memory_space<vmem>>, %arg13: memref<!tpu.dma_semaphore, #tpu.memory_space<semaphore_mem>>, %arg14: memref<!tpu.dma_semaphore, #tpu.memory_space<semaphore_mem>>) attributes {dimension_semantics = [#tpu.dimension_semantics<core_parallel>, #tpu.dimension_semantics<subcore_parallel>], iteration_bounds = array<i64: 2, 16>, scalar_prefetch = 0 : i64, scratch_operands = 10 : i64, tpu.core_type = #tpu.core_type<sc_vector_subcore>, window_params = [{transform_indices = #map}, {transform_indices = #map1}, {transform_indices = #map}]} {
    %mul3A = arith.constant 2 : i32
    %mul3A_0 = arith.muli %arg1, %mul3A : i32
    %add3A = arith.addi %mul3A_0, %arg0 : i32
    %iota3A = tpu.iota {dimensions = array<i32: 0>} : vector<16xi32>
    %run_scoped3A = arith.constant 0 : i32
    "tpu.region"() ({
      %run_scoped3A_60 = tpu.sem_alloc : memref<!tpu.dma_semaphore, #tpu.memory_space<semaphore_mem>>
      %dma_start3A_61 = arith.constant 0 : i32
      %dma_start3A_62 = tpu.memref_slice %arg2[%add3A, %run_scoped3A, %dma_start3A_61] : memref<32x2x10000xi32, #tpu.memory_space<hbm>> -> memref<1x1x10000xi32, #tpu.memory_space<hbm>>
      %dma_start3A_63 = tpu.memref_squeeze %dma_start3A_62 : memref<1x1x10000xi32, #tpu.memory_space<hbm>> -> memref<10000xi32, #tpu.memory_space<hbm>>
      %dma_start3A_64 = arith.constant 0 : i32
      %dma_start3A_65 = tpu.memref_slice %arg2[%add3A, %run_scoped3A, %dma_start3A_64] : memref<32x2x10000xi32, #tpu.memory_space<hbm>> -> memref<1x1x10000xi32, #tpu.memory_space<hbm>>
      %dma_start3A_66 = tpu.memref_squeeze %dma_start3A_65 : memref<1x1x10000xi32, #tpu.memory_space<hbm>> -> memref<10000xi32, #tpu.memory_space<hbm>>
      tpu.enqueue_dma source(%dma_start3A_66 : memref<10000xi32, #tpu.memory_space<hbm>>) target(%arg5 : memref<10000xi32, #tpu.memory_space<vmem>>) target_semaphore(%run_scoped3A_60 : memref<!tpu.dma_semaphore, #tpu.memory_space<semaphore_mem>>)
      %dma_wait3A = arith.constant 0 : i32
      %dma_wait3A_67 = tpu.memref_slice %arg2[%add3A, %run_scoped3A, %dma_wait3A] : memref<32x2x10000xi32, #tpu.memory_space<hbm>> -> memref<1x1x10000xi32, #tpu.memory_space<hbm>>
      %dma_wait3A_68 = tpu.memref_squeeze %dma_wait3A_67 : memref<1x1x10000xi32, #tpu.memory_space<hbm>> -> memref<10000xi32, #tpu.memory_space<hbm>>
      %dma_wait3A_69 = arith.constant 0 : i32
      %dma_wait3A_70 = tpu.memref_slice %arg2[%add3A, %run_scoped3A, %dma_wait3A_69] : memref<32x2x10000xi32, #tpu.memory_space<hbm>> -> memref<1x1x10000xi32, #tpu.memory_space<hbm>>
      %dma_wait3A_71 = tpu.memref_squeeze %dma_wait3A_70 : memref<1x1x10000xi32, #tpu.memory_space<hbm>> -> memref<10000xi32, #tpu.memory_space<hbm>>
      tpu.wait_dma2 semaphore(%run_scoped3A_60 : memref<!tpu.dma_semaphore, #tpu.memory_space<semaphore_mem>>) src(%dma_wait3A_71 : memref<10000xi32, #tpu.memory_space<hbm>>) dst(%arg5 : memref<10000xi32, #tpu.memory_space<vmem>>)
      tpu.yield
    }) : () -> ()
    %run_scoped3A_1 = arith.constant 1 : i32
    "tpu.region"() ({
      %run_scoped3A_60 = tpu.sem_alloc : memref<!tpu.dma_semaphore, #tpu.memory_space<semaphore_mem>>
      %dma_start3A_61 = arith.constant 0 : i32
      %dma_start3A_62 = tpu.memref_slice %arg2[%add3A, %run_scoped3A_1, %dma_start3A_61] : memref<32x2x10000xi32, #tpu.memory_space<hbm>> -> memref<1x1x10000xi32, #tpu.memory_space<hbm>>
      %dma_start3A_63 = tpu.memref_squeeze %dma_start3A_62 : memref<1x1x10000xi32, #tpu.memory_space<hbm>> -> memref<10000xi32, #tpu.memory_space<hbm>>
      %dma_start3A_64 = arith.constant 0 : i32
      %dma_start3A_65 = tpu.memref_slice %arg2[%add3A, %run_scoped3A_1, %dma_start3A_64] : memref<32x2x10000xi32, #tpu.memory_space<hbm>> -> memref<1x1x10000xi32, #tpu.memory_space<hbm>>
      %dma_start3A_66 = tpu.memref_squeeze %dma_start3A_65 : memref<1x1x10000xi32, #tpu.memory_space<hbm>> -> memref<10000xi32, #tpu.memory_space<hbm>>
      tpu.enqueue_dma source(%dma_start3A_66 : memref<10000xi32, #tpu.memory_space<hbm>>) target(%arg6 : memref<10000xi32, #tpu.memory_space<vmem>>) target_semaphore(%run_scoped3A_60 : memref<!tpu.dma_semaphore, #tpu.memory_space<semaphore_mem>>)
      %dma_wait3A = arith.constant 0 : i32
      %dma_wait3A_67 = tpu.memref_slice %arg2[%add3A, %run_scoped3A_1, %dma_wait3A] : memref<32x2x10000xi32, #tpu.memory_space<hbm>> -> memref<1x1x10000xi32, #tpu.memory_space<hbm>>
      %dma_wait3A_68 = tpu.memref_squeeze %dma_wait3A_67 : memref<1x1x10000xi32, #tpu.memory_space<hbm>> -> memref<10000xi32, #tpu.memory_space<hbm>>
      %dma_wait3A_69 = arith.constant 0 : i32
      %dma_wait3A_70 = tpu.memref_slice %arg2[%add3A, %run_scoped3A_1, %dma_wait3A_69] : memref<32x2x10000xi32, #tpu.memory_space<hbm>> -> memref<1x1x10000xi32, #tpu.memory_space<hbm>>
      %dma_wait3A_71 = tpu.memref_squeeze %dma_wait3A_70 : memref<1x1x10000xi32, #tpu.memory_space<hbm>> -> memref<10000xi32, #tpu.memory_space<hbm>>
      tpu.wait_dma2 semaphore(%run_scoped3A_60 : memref<!tpu.dma_semaphore, #tpu.memory_space<semaphore_mem>>) src(%dma_wait3A_71 : memref<10000xi32, #tpu.memory_space<hbm>>) dst(%arg6 : memref<10000xi32, #tpu.memory_space<vmem>>)
      tpu.yield
    }) : () -> ()
    %scan3A = arith.constant 0 : i32
    %scan3A_2 = arith.constant 0 : i32
    %scan3A_3 = arith.constant 624 : i32
    %scan3A_4 = arith.addi %scan3A_2, %scan3A_3 : i32
    %scan3A_5 = arith.constant 8 : i32
    scf.for %scan3A_60 = %scan3A_2 to %scan3A_4 step %scan3A_5  : i32 {
      %broadcast_in_dim3A_61 = arith.constant -1082081408 : i32
      %broadcast_in_dim3A_62 = vector.broadcast %broadcast_in_dim3A_61 : i32 to vector<16xi32>
      %mul3A_63 = arith.constant 16 : i32
      %mul3A_64 = arith.muli %scan3A_60, %mul3A_63 : i32
      %swap3A_65 = arith.index_cast %mul3A_64 : i32 to index
      %swap3A_66 = tpu.vector_load %arg7[%swap3A_65] {strides = array<i32>} : memref<10000xi32, #tpu.memory_space<vmem>>, vector<16xi32>,
      tpu.vector_store %arg7[%swap3A_65], %broadcast_in_dim3A_62 {strides = array<i32>} : memref<10000xi32, #tpu.memory_space<vmem>>, vector<16xi32>,
      %mul3A_67 = arith.constant 16 : i32
      %mul3A_68 = arith.muli %scan3A_60, %mul3A_67 : i32
      %swap3A_69 = arith.index_cast %mul3A_68 : i32 to index
      %swap3A_70 = tpu.vector_load %arg8[%swap3A_69] {strides = array<i32>} : memref<10000xi32, #tpu.memory_space<vmem>>, vector<16xi32>,
      tpu.vector_store %arg8[%swap3A_69], %broadcast_in_dim3A_62 {strides = array<i32>} : memref<10000xi32, #tpu.memory_space<vmem>>, vector<16xi32>,
      %scan3A_71 = arith.constant 1 : i32
      %scan3A_72 = arith.addi %scan3A_60, %scan3A_71 : i32
      %broadcast_in_dim3A_73 = arith.constant -1082081408 : i32
      %broadcast_in_dim3A_74 = vector.broadcast %broadcast_in_dim3A_73 : i32 to vector<16xi32>
      %mul3A_75 = arith.constant 16 : i32
      %mul3A_76 = arith.muli %scan3A_72, %mul3A_75 : i32
      %swap3A_77 = arith.index_cast %mul3A_76 : i32 to index
      %swap3A_78 = tpu.vector_load %arg7[%swap3A_77] {strides = array<i32>} : memref<10000xi32, #tpu.memory_space<vmem>>, vector<16xi32>,
      tpu.vector_store %arg7[%swap3A_77], %broadcast_in_dim3A_74 {strides = array<i32>} : memref<10000xi32, #tpu.memory_space<vmem>>, vector<16xi32>,
      %mul3A_79 = arith.constant 16 : i32
      %mul3A_80 = arith.muli %scan3A_72, %mul3A_79 : i32
      %swap3A_81 = arith.index_cast %mul3A_80 : i32 to index
      %swap3A_82 = tpu.vector_load %arg8[%swap3A_81] {strides = array<i32>} : memref<10000xi32, #tpu.memory_space<vmem>>, vector<16xi32>,
      tpu.vector_store %arg8[%swap3A_81], %broadcast_in_dim3A_74 {strides = array<i32>} : memref<10000xi32, #tpu.memory_space<vmem>>, vector<16xi32>,
      %scan3A_83 = arith.constant 2 : i32
      %scan3A_84 = arith.addi %scan3A_60, %scan3A_83 : i32
      %broadcast_in_dim3A_85 = arith.constant -1082081408 : i32
      %broadcast_in_dim3A_86 = vector.broadcast %broadcast_in_dim3A_85 : i32 to vector<16xi32>
      %mul3A_87 = arith.constant 16 : i32
      %mul3A_88 = arith.muli %scan3A_84, %mul3A_87 : i32
      %swap3A_89 = arith.index_cast %mul3A_88 : i32 to index
      %swap3A_90 = tpu.vector_load %arg7[%swap3A_89] {strides = array<i32>} : memref<10000xi32, #tpu.memory_space<vmem>>, vector<16xi32>,
      tpu.vector_store %arg7[%swap3A_89], %broadcast_in_dim3A_86 {strides = array<i32>} : memref<10000xi32, #tpu.memory_space<vmem>>, vector<16xi32>,
      %mul3A_91 = arith.constant 16 : i32
      %mul3A_92 = arith.muli %scan3A_84, %mul3A_91 : i32
      %swap3A_93 = arith.index_cast %mul3A_92 : i32 to index
      %swap3A_94 = tpu.vector_load %arg8[%swap3A_93] {strides = array<i32>} : memref<10000xi32, #tpu.memory_space<vmem>>, vector<16xi32>,
      tpu.vector_store %arg8[%swap3A_93], %broadcast_in_dim3A_86 {strides = array<i32>} : memref<10000xi32, #tpu.memory_space<vmem>>, vector<16xi32>,
      %scan3A_95 = arith.constant 3 : i32
      %scan3A_96 = arith.addi %scan3A_60, %scan3A_95 : i32
      %broadcast_in_dim3A_97 = arith.constant -1082081408 : i32
      %broadcast_in_dim3A_98 = vector.broadcast %broadcast_in_dim3A_97 : i32 to vector<16xi32>
      %mul3A_99 = arith.constant 16 : i32
      %mul3A_100 = arith.muli %scan3A_96, %mul3A_99 : i32
      %swap3A_101 = arith.index_cast %mul3A_100 : i32 to index
      %swap3A_102 = tpu.vector_load %arg7[%swap3A_101] {strides = array<i32>} : memref<10000xi32, #tpu.memory_space<vmem>>, vector<16xi32>,
      tpu.vector_store %arg7[%swap3A_101], %broadcast_in_dim3A_98 {strides = array<i32>} : memref<10000xi32, #tpu.memory_space<vmem>>, vector<16xi32>,
      %mul3A_103 = arith.constant 16 : i32
      %mul3A_104 = arith.muli %scan3A_96, %mul3A_103 : i32
      %swap3A_105 = arith.index_cast %mul3A_104 : i32 to index
      %swap3A_106 = tpu.vector_load %arg8[%swap3A_105] {strides = array<i32>} : memref<10000xi32, #tpu.memory_space<vmem>>, vector<16xi32>,
      tpu.vector_store %arg8[%swap3A_105], %broadcast_in_dim3A_98 {strides = array<i32>} : memref<10000xi32, #tpu.memory_space<vmem>>, vector<16xi32>,
      %scan3A_107 = arith.constant 4 : i32
      %scan3A_108 = arith.addi %scan3A_60, %scan3A_107 : i32
      %broadcast_in_dim3A_109 = arith.constant -1082081408 : i32
      %broadcast_in_dim3A_110 = vector.broadcast %broadcast_in_dim3A_109 : i32 to vector<16xi32>
      %mul3A_111 = arith.constant 16 : i32
      %mul3A_112 = arith.muli %scan3A_108, %mul3A_111 : i32
      %swap3A_113 = arith.index_cast %mul3A_112 : i32 to index
      %swap3A_114 = tpu.vector_load %arg7[%swap3A_113] {strides = array<i32>} : memref<10000xi32, #tpu.memory_space<vmem>>, vector<16xi32>,
      tpu.vector_store %arg7[%swap3A_113], %broadcast_in_dim3A_110 {strides = array<i32>} : memref<10000xi32, #tpu.memory_space<vmem>>, vector<16xi32>,
      %mul3A_115 = arith.constant 16 : i32
      %mul3A_116 = arith.muli %scan3A_108, %mul3A_115 : i32
      %swap3A_117 = arith.index_cast %mul3A_116 : i32 to index
      %swap3A_118 = tpu.vector_load %arg8[%swap3A_117] {strides = array<i32>} : memref<10000xi32, #tpu.memory_space<vmem>>, vector<16xi32>,
      tpu.vector_store %arg8[%swap3A_117], %broadcast_in_dim3A_110 {strides = array<i32>} : memref<10000xi32, #tpu.memory_space<vmem>>, vector<16xi32>,
      %scan3A_119 = arith.constant 5 : i32
      %scan3A_120 = arith.addi %scan3A_60, %scan3A_119 : i32
      %broadcast_in_dim3A_121 = arith.constant -1082081408 : i32
      %broadcast_in_dim3A_122 = vector.broadcast %broadcast_in_dim3A_121 : i32 to vector<16xi32>
      %mul3A_123 = arith.constant 16 : i32
      %mul3A_124 = arith.muli %scan3A_120, %mul3A_123 : i32
      %swap3A_125 = arith.index_cast %mul3A_124 : i32 to index
      %swap3A_126 = tpu.vector_load %arg7[%swap3A_125] {strides = array<i32>} : memref<10000xi32, #tpu.memory_space<vmem>>, vector<16xi32>,
      tpu.vector_store %arg7[%swap3A_125], %broadcast_in_dim3A_122 {strides = array<i32>} : memref<10000xi32, #tpu.memory_space<vmem>>, vector<16xi32>,
      %mul3A_127 = arith.constant 16 : i32
      %mul3A_128 = arith.muli %scan3A_120, %mul3A_127 : i32
      %swap3A_129 = arith.index_cast %mul3A_128 : i32 to index
      %swap3A_130 = tpu.vector_load %arg8[%swap3A_129] {strides = array<i32>} : memref<10000xi32, #tpu.memory_space<vmem>>, vector<16xi32>,
      tpu.vector_store %arg8[%swap3A_129], %broadcast_in_dim3A_122 {strides = array<i32>} : memref<10000xi32, #tpu.memory_space<vmem>>, vector<16xi32>,
      %scan3A_131 = arith.constant 6 : i32
      %scan3A_132 = arith.addi %scan3A_60, %scan3A_131 : i32
      %broadcast_in_dim3A_133 = arith.constant -1082081408 : i32
      %broadcast_in_dim3A_134 = vector.broadcast %broadcast_in_dim3A_133 : i32 to vector<16xi32>
      %mul3A_135 = arith.constant 16 : i32
      %mul3A_136 = arith.muli %scan3A_132, %mul3A_135 : i32
      %swap3A_137 = arith.index_cast %mul3A_136 : i32 to index
      %swap3A_138 = tpu.vector_load %arg7[%swap3A_137] {strides = array<i32>} : memref<10000xi32, #tpu.memory_space<vmem>>, vector<16xi32>,
      tpu.vector_store %arg7[%swap3A_137], %broadcast_in_dim3A_134 {strides = array<i32>} : memref<10000xi32, #tpu.memory_space<vmem>>, vector<16xi32>,
      %mul3A_139 = arith.constant 16 : i32
      %mul3A_140 = arith.muli %scan3A_132, %mul3A_139 : i32
      %swap3A_141 = arith.index_cast %mul3A_140 : i32 to index
      %swap3A_142 = tpu.vector_load %arg8[%swap3A_141] {strides = array<i32>} : memref<10000xi32, #tpu.memory_space<vmem>>, vector<16xi32>,
      tpu.vector_store %arg8[%swap3A_141], %broadcast_in_dim3A_134 {strides = array<i32>} : memref<10000xi32, #tpu.memory_space<vmem>>, vector<16xi32>,
      %scan3A_143 = arith.constant 7 : i32
      %scan3A_144 = arith.addi %scan3A_60, %scan3A_143 : i32
      %broadcast_in_dim3A_145 = arith.constant -1082081408 : i32
      %broadcast_in_dim3A_146 = vector.broadcast %broadcast_in_dim3A_145 : i32 to vector<16xi32>
      %mul3A_147 = arith.constant 16 : i32
      %mul3A_148 = arith.muli %scan3A_144, %mul3A_147 : i32
      %swap3A_149 = arith.index_cast %mul3A_148 : i32 to index
      %swap3A_150 = tpu.vector_load %arg7[%swap3A_149] {strides = array<i32>} : memref<10000xi32, #tpu.memory_space<vmem>>, vector<16xi32>,
      tpu.vector_store %arg7[%swap3A_149], %broadcast_in_dim3A_146 {strides = array<i32>} : memref<10000xi32, #tpu.memory_space<vmem>>, vector<16xi32>,
      %mul3A_151 = arith.constant 16 : i32
      %mul3A_152 = arith.muli %scan3A_144, %mul3A_151 : i32
      %swap3A_153 = arith.index_cast %mul3A_152 : i32 to index
      %swap3A_154 = tpu.vector_load %arg8[%swap3A_153] {strides = array<i32>} : memref<10000xi32, #tpu.memory_space<vmem>>, vector<16xi32>,
      tpu.vector_store %arg8[%swap3A_153], %broadcast_in_dim3A_146 {strides = array<i32>} : memref<10000xi32, #tpu.memory_space<vmem>>, vector<16xi32>,
    }
    %scan3A_6 = arith.constant 624 : i32
    %scan3A_7 = arith.addi %scan3A_2, %scan3A_6 : i32
    %broadcast_in_dim3A = arith.constant -1082081408 : i32
    %broadcast_in_dim3A_8 = vector.broadcast %broadcast_in_dim3A : i32 to vector<16xi32>
    %mul3A_9 = arith.constant 16 : i32
    %mul3A_10 = arith.muli %scan3A_7, %mul3A_9 : i32
    %swap3A = arith.index_cast %mul3A_10 : i32 to index
    %swap3A_11 = tpu.vector_load %arg7[%swap3A] {strides = array<i32>} : memref<10000xi32, #tpu.memory_space<vmem>>, vector<16xi32>,
    tpu.vector_store %arg7[%swap3A], %broadcast_in_dim3A_8 {strides = array<i32>} : memref<10000xi32, #tpu.memory_space<vmem>>, vector<16xi32>,
    %mul3A_12 = arith.constant 16 : i32
    %mul3A_13 = arith.muli %scan3A_7, %mul3A_12 : i32
    %swap3A_14 = arith.index_cast %mul3A_13 : i32 to index
    %swap3A_15 = tpu.vector_load %arg8[%swap3A_14] {strides = array<i32>} : memref<10000xi32, #tpu.memory_space<vmem>>, vector<16xi32>,
    tpu.vector_store %arg8[%swap3A_14], %broadcast_in_dim3A_8 {strides = array<i32>} : memref<10000xi32, #tpu.memory_space<vmem>>, vector<16xi32>,
    %scan3A_16 = arith.constant 625 : i32
    %dma_start3A = arith.constant 0 : i32
    %dma_start3A_17 = tpu.memref_slice %arg3[%dma_start3A] : memref<320000xi32, #tpu.memory_space<hbm>> -> memref<3200xi32, #tpu.memory_space<hbm>>
    %dma_start3A_18 = arith.constant 0 : i32
    %dma_start3A_19 = tpu.memref_slice %arg3[%dma_start3A_18] : memref<320000xi32, #tpu.memory_space<hbm>> -> memref<3200xi32, #tpu.memory_space<hbm>>
    tpu.enqueue_dma source(%dma_start3A_19 : memref<3200xi32, #tpu.memory_space<hbm>>) target(%arg11 : memref<3200xi32, #tpu.memory_space<vmem>>) target_semaphore(%arg13 : memref<!tpu.dma_semaphore, #tpu.memory_space<semaphore_mem>>)
    %scan3A_20 = arith.constant 0 : i32
    %scan3A_21 = arith.constant 0 : i32
    %scan3A_22 = arith.constant 50 : i32
    %scan3A_23 = arith.addi %scan3A_21, %scan3A_22 : i32
    %scan3A_24 = arith.constant 1 : i32
    scf.for %scan3A_60 = %scan3A_21 to %scan3A_23 step %scan3A_24  : i32 {
      %mul3A_61 = arith.constant 2 : i32
      %mul3A_62 = arith.muli %mul3A_61, %scan3A_60 : i32
      %add3A_63 = arith.constant 1 : i32
      %add3A_64 = arith.addi %mul3A_62, %add3A_63 : i32
      %mul3A_65 = arith.constant 3200 : i32
      %mul3A_66 = arith.muli %add3A_64, %mul3A_65 : i32
      %dma_start3A_67 = tpu.memref_slice %arg3[%mul3A_66] : memref<320000xi32, #tpu.memory_space<hbm>> -> memref<3200xi32, #tpu.memory_space<hbm>>
      %dma_start3A_68 = tpu.memref_slice %arg3[%mul3A_66] : memref<320000xi32, #tpu.memory_space<hbm>> -> memref<3200xi32, #tpu.memory_space<hbm>>
      tpu.enqueue_dma source(%dma_start3A_68 : memref<3200xi32, #tpu.memory_space<hbm>>) target(%arg12 : memref<3200xi32, #tpu.memory_space<vmem>>) target_semaphore(%arg14 : memref<!tpu.dma_semaphore, #tpu.memory_space<semaphore_mem>>)
      %dma_wait3A = arith.constant 0 : i32
      %dma_wait3A_69 = tpu.memref_slice %arg3[%dma_wait3A] : memref<320000xi32, #tpu.memory_space<hbm>> -> memref<3200xi32, #tpu.memory_space<hbm>>
      %dma_wait3A_70 = arith.constant 0 : i32
      %dma_wait3A_71 = tpu.memref_slice %arg3[%dma_wait3A_70] : memref<320000xi32, #tpu.memory_space<hbm>> -> memref<3200xi32, #tpu.memory_space<hbm>>
      tpu.wait_dma2 semaphore(%arg13 : memref<!tpu.dma_semaphore, #tpu.memory_space<semaphore_mem>>) src(%dma_wait3A_71 : memref<3200xi32, #tpu.memory_space<hbm>>) dst(%arg11 : memref<3200xi32, #tpu.memory_space<vmem>>)
      %scan3A_72 = arith.constant 0 : i32
      %scan3A_73 = arith.constant 0 : i32
      %scan3A_74 = arith.constant 100 : i32
      %scan3A_75 = arith.addi %scan3A_73, %scan3A_74 : i32
      %scan3A_76 = arith.constant 2 : i32
      scf.for %scan3A_93 = %scan3A_73 to %scan3A_75 step %scan3A_76  : i32 {
        %mul3A_94 = arith.constant 2 : i32
        %mul3A_95 = arith.muli %scan3A_93, %mul3A_94 : i32
        %mul3A_96 = arith.constant 16 : i32
        %mul3A_97 = arith.muli %mul3A_95, %mul3A_96 : i32
        %get3A_98 = arith.index_cast %mul3A_97 : i32 to index
        %get3A_99 = tpu.vector_load %arg11[%get3A_98] {strides = array<i32>} : memref<3200xi32, #tpu.memory_space<vmem>>, vector<16xi32>,
        %and3A = arith.constant 16383 : i32
        %and3A_100 = vector.broadcast %and3A : i32 to vector<16xi32>
        %and3A_101 = arith.andi %get3A_99, %and3A_100 : vector<16xi32>
        %shift_right_arithmetic3A = arith.constant 14 : i32
        %shift_right_arithmetic3A_102 = vector.broadcast %shift_right_arithmetic3A : i32 to vector<16xi32>
        %shift_right_arithmetic3A_103 = arith.shrsi %get3A_99, %shift_right_arithmetic3A_102 : vector<16xi32>
        tpu.vector_store_idx %arg9[%shift_right_arithmetic3A_103], %iota3A : memref<10000xi32, #tpu.memory_space<vmem>>[vector<16xi32>], vector<16xi32>,
        %gather3A = tpu.vector_load_idx %arg9[%shift_right_arithmetic3A_103] : memref<10000xi32, #tpu.memory_space<vmem>>[vector<16xi32>], vector<16xi32>,
        %eq3A = arith.cmpi eq, %gather3A, %iota3A : vector<16xi32>
        %gather3A_104 = tpu.vector_load_idx %arg5[%and3A_101] : memref<10000xi32, #tpu.memory_space<vmem>>[vector<16xi32>], vector<16xi32>,
        %gather3A_105 = tpu.vector_load_idx %arg7[%shift_right_arithmetic3A_103] : memref<10000xi32, #tpu.memory_space<vmem>>[vector<16xi32>], vector<16xi32>,
        %bitcast3A_106 = vector.bitcast %gather3A_104 : vector<16xi32> to vector<32xbf16>
        %bitcast3A_107 = vector.bitcast %gather3A_105 : vector<16xi32> to vector<32xbf16>
        %max3A = arith.maximumf %bitcast3A_107, %bitcast3A_106 : vector<32xbf16>
        %bitcast3A_108 = vector.bitcast %max3A : vector<32xbf16> to vector<16xi32>
        tpu.vector_store_idx %arg7[%shift_right_arithmetic3A_103], %bitcast3A_108 masked %eq3A : memref<10000xi32, #tpu.memory_space<vmem>>[vector<16xi32>], vector<16xi32>, vector<16xi1>
        %gather3A_109 = tpu.vector_load_idx %arg6[%and3A_101] : memref<10000xi32, #tpu.memory_space<vmem>>[vector<16xi32>], vector<16xi32>,
        %gather3A_110 = tpu.vector_load_idx %arg8[%shift_right_arithmetic3A_103] : memref<10000xi32, #tpu.memory_space<vmem>>[vector<16xi32>], vector<16xi32>,
        %bitcast3A_111 = vector.bitcast %gather3A_109 : vector<16xi32> to vector<32xbf16>
        %bitcast3A_112 = vector.bitcast %gather3A_110 : vector<16xi32> to vector<32xbf16>
        %max3A_113 = arith.maximumf %bitcast3A_112, %bitcast3A_111 : vector<32xbf16>
        %bitcast3A_114 = vector.bitcast %max3A_113 : vector<32xbf16> to vector<16xi32>
        tpu.vector_store_idx %arg8[%shift_right_arithmetic3A_103], %bitcast3A_114 masked %eq3A : memref<10000xi32, #tpu.memory_space<vmem>>[vector<16xi32>], vector<16xi32>, vector<16xi1>
        %not3A = arith.constant dense<true> : vector<16xi1>
        %not3A_115 = arith.xori %eq3A, %not3A : vector<16xi1>
        %reduce_or3A = arith.constant 1.000000e+00 : f32
        %reduce_or3A_116 = arith.constant 0.000000e+00 : f32
        %reduce_or3A_117 = vector.broadcast %reduce_or3A : f32 to vector<16xf32>
        %reduce_or3A_118 = vector.broadcast %reduce_or3A_116 : f32 to vector<16xf32>
        %reduce_or3A_119 = arith.select %not3A_115, %reduce_or3A_117, %reduce_or3A_118 : vector<16xi1>, vector<16xf32>
        %reduce_or3A_120 = arith.constant true
        %reduce_or3A_121 = vector.broadcast %reduce_or3A_120 : i1 to vector<16xi1>
        %reduce_or3A_122 = tpu.scan <max>, %reduce_or3A_119 masked %reduce_or3A_121 : vector<16xf32>, vector<16xi1> -> vector<16xf32>
        %reduce_or3A_123 = vector.extract %reduce_or3A_122[15] : f32 from vector<16xf32>
        %reduce_or3A_124 = arith.constant 0.000000e+00 : f32
        %reduce_or3A_125 = arith.cmpf ogt, %reduce_or3A_123, %reduce_or3A_124 : f32
        %convert_element_type3A_126 = arith.extui %reduce_or3A_125 : i1 to i32
        %cond3A_127 = arith.constant 0 : i32
        %cond3A_128 = arith.cmpi ne, %convert_element_type3A_126, %cond3A_127 : i32
        scf.if %cond3A_128 {
          %while3A = arith.constant 0 : i32
          %while3A_261:2 = scf.while (%while3A_262 = %not3A_115, %while3A_263 = %while3A) : (vector<16xi1>, i32) -> (vector<16xi1>, i32) {
            %reduce_or3A_264 = arith.constant 1.000000e+00 : f32
            %reduce_or3A_265 = arith.constant 0.000000e+00 : f32
            %reduce_or3A_266 = vector.broadcast %reduce_or3A_264 : f32 to vector<16xf32>
            %reduce_or3A_267 = vector.broadcast %reduce_or3A_265 : f32 to vector<16xf32>
            %reduce_or3A_268 = arith.select %while3A_262, %reduce_or3A_266, %reduce_or3A_267 : vector<16xi1>, vector<16xf32>
            %reduce_or3A_269 = arith.constant true
            %reduce_or3A_270 = vector.broadcast %reduce_or3A_269 : i1 to vector<16xi1>
            %reduce_or3A_271 = tpu.scan <max>, %reduce_or3A_268 masked %reduce_or3A_270 : vector<16xf32>, vector<16xi1> -> vector<16xf32>
            %reduce_or3A_272 = vector.extract %reduce_or3A_271[15] : f32 from vector<16xf32>
            %reduce_or3A_273 = arith.constant 0.000000e+00 : f32
            %reduce_or3A_274 = arith.cmpf ogt, %reduce_or3A_272, %reduce_or3A_273 : f32
            %lt3A_275 = arith.constant 16 : i32
            %lt3A_276 = arith.cmpi slt, %while3A_263, %lt3A_275 : i32
            %and3A_277 = arith.andi %reduce_or3A_274, %lt3A_276 : i1
            scf.condition(%and3A_277) %while3A_262, %while3A_263 : vector<16xi1>, i32
          } do {
          ^bb0(%while3A_262: vector<16xi1>, %while3A_263: i32):
            tpu.vector_store_idx %arg9[%shift_right_arithmetic3A_103], %iota3A masked %while3A_262 : memref<10000xi32, #tpu.memory_space<vmem>>[vector<16xi32>], vector<16xi32>, vector<16xi1>
            %gather3A_264 = tpu.vector_load_idx %arg9[%shift_right_arithmetic3A_103] : memref<10000xi32, #tpu.memory_space<vmem>>[vector<16xi32>], vector<16xi32>,
            %eq3A_265 = arith.cmpi eq, %gather3A_264, %iota3A : vector<16xi32>
            %and3A_266 = arith.andi %eq3A_265, %while3A_262 : vector<16xi1>
            %gather3A_267 = tpu.vector_load_idx %arg7[%shift_right_arithmetic3A_103] : memref<10000xi32, #tpu.memory_space<vmem>>[vector<16xi32>], vector<16xi32>,
            %bitcast3A_268 = vector.bitcast %gather3A_267 : vector<16xi32> to vector<32xbf16>
            %max3A_269 = arith.maximumf %bitcast3A_268, %bitcast3A_106 : vector<32xbf16>
            %bitcast3A_270 = vector.bitcast %max3A_269 : vector<32xbf16> to vector<16xi32>
            tpu.vector_store_idx %arg7[%shift_right_arithmetic3A_103], %bitcast3A_270 masked %and3A_266 : memref<10000xi32, #tpu.memory_space<vmem>>[vector<16xi32>], vector<16xi32>, vector<16xi1>
            %gather3A_271 = tpu.vector_load_idx %arg8[%shift_right_arithmetic3A_103] : memref<10000xi32, #tpu.memory_space<vmem>>[vector<16xi32>], vector<16xi32>,
            %bitcast3A_272 = vector.bitcast %gather3A_271 : vector<16xi32> to vector<32xbf16>
            %max3A_273 = arith.maximumf %bitcast3A_272, %bitcast3A_111 : vector<32xbf16>
            %bitcast3A_274 = vector.bitcast %max3A_273 : vector<32xbf16> to vector<16xi32>
            tpu.vector_store_idx %arg8[%shift_right_arithmetic3A_103], %bitcast3A_274 masked %and3A_266 : memref<10000xi32, #tpu.memory_space<vmem>>[vector<16xi32>], vector<16xi32>, vector<16xi1>
            %not3A_275 = arith.constant dense<true> : vector<16xi1>
            %not3A_276 = arith.xori %and3A_266, %not3A_275 : vector<16xi1>
            %and3A_277 = arith.andi %while3A_262, %not3A_276 : vector<16xi1>
            %add3A_278 = arith.constant 1 : i32
            %add3A_279 = arith.addi %while3A_263, %add3A_278 : i32
            scf.yield %and3A_277, %add3A_279 : vector<16xi1>, i32
          }
        } else {
        }
        %mul3A_129 = arith.constant 2 : i32
        %mul3A_130 = arith.muli %scan3A_93, %mul3A_129 : i32
        %add3A_131 = arith.constant 1 : i32
        %add3A_132 = arith.addi %mul3A_130, %add3A_131 : i32
        %mul3A_133 = arith.constant 16 : i32
        %mul3A_134 = arith.muli %add3A_132, %mul3A_133 : i32
        %get3A_135 = arith.index_cast %mul3A_134 : i32 to index
        %get3A_136 = tpu.vector_load %arg11[%get3A_135] {strides = array<i32>} : memref<3200xi32, #tpu.memory_space<vmem>>, vector<16xi32>,
        %and3A_137 = arith.constant 16383 : i32
        %and3A_138 = vector.broadcast %and3A_137 : i32 to vector<16xi32>
        %and3A_139 = arith.andi %get3A_136, %and3A_138 : vector<16xi32>
        %shift_right_arithmetic3A_140 = arith.constant 14 : i32
        %shift_right_arithmetic3A_141 = vector.broadcast %shift_right_arithmetic3A_140 : i32 to vector<16xi32>
        %shift_right_arithmetic3A_142 = arith.shrsi %get3A_136, %shift_right_arithmetic3A_141 : vector<16xi32>
        tpu.vector_store_idx %arg10[%shift_right_arithmetic3A_142], %iota3A : memref<10000xi32, #tpu.memory_space<vmem>>[vector<16xi32>], vector<16xi32>,
        %gather3A_143 = tpu.vector_load_idx %arg10[%shift_right_arithmetic3A_142] : memref<10000xi32, #tpu.memory_space<vmem>>[vector<16xi32>], vector<16xi32>,
        %eq3A_144 = arith.cmpi eq, %gather3A_143, %iota3A : vector<16xi32>
        %gather3A_145 = tpu.vector_load_idx %arg5[%and3A_139] : memref<10000xi32, #tpu.memory_space<vmem>>[vector<16xi32>], vector<16xi32>,
        %gather3A_146 = tpu.vector_load_idx %arg7[%shift_right_arithmetic3A_142] : memref<10000xi32, #tpu.memory_space<vmem>>[vector<16xi32>], vector<16xi32>,
        %bitcast3A_147 = vector.bitcast %gather3A_145 : vector<16xi32> to vector<32xbf16>
        %bitcast3A_148 = vector.bitcast %gather3A_146 : vector<16xi32> to vector<32xbf16>
        %max3A_149 = arith.maximumf %bitcast3A_148, %bitcast3A_147 : vector<32xbf16>
        %bitcast3A_150 = vector.bitcast %max3A_149 : vector<32xbf16> to vector<16xi32>
        tpu.vector_store_idx %arg7[%shift_right_arithmetic3A_142], %bitcast3A_150 masked %eq3A_144 : memref<10000xi32, #tpu.memory_space<vmem>>[vector<16xi32>], vector<16xi32>, vector<16xi1>
        %gather3A_151 = tpu.vector_load_idx %arg6[%and3A_139] : memref<10000xi32, #tpu.memory_space<vmem>>[vector<16xi32>], vector<16xi32>,
        %gather3A_152 = tpu.vector_load_idx %arg8[%shift_right_arithmetic3A_142] : memref<10000xi32, #tpu.memory_space<vmem>>[vector<16xi32>], vector<16xi32>,
        %bitcast3A_153 = vector.bitcast %gather3A_151 : vector<16xi32> to vector<32xbf16>
        %bitcast3A_154 = vector.bitcast %gather3A_152 : vector<16xi32> to vector<32xbf16>
        %max3A_155 = arith.maximumf %bitcast3A_154, %bitcast3A_153 : vector<32xbf16>
        %bitcast3A_156 = vector.bitcast %max3A_155 : vector<32xbf16> to vector<16xi32>
        tpu.vector_store_idx %arg8[%shift_right_arithmetic3A_142], %bitcast3A_156 masked %eq3A_144 : memref<10000xi32, #tpu.memory_space<vmem>>[vector<16xi32>], vector<16xi32>, vector<16xi1>
        %not3A_157 = arith.constant dense<true> : vector<16xi1>
        %not3A_158 = arith.xori %eq3A_144, %not3A_157 : vector<16xi1>
        %reduce_or3A_159 = arith.constant 1.000000e+00 : f32
        %reduce_or3A_160 = arith.constant 0.000000e+00 : f32
        %reduce_or3A_161 = vector.broadcast %reduce_or3A_159 : f32 to vector<16xf32>
        %reduce_or3A_162 = vector.broadcast %reduce_or3A_160 : f32 to vector<16xf32>
        %reduce_or3A_163 = arith.select %not3A_158, %reduce_or3A_161, %reduce_or3A_162 : vector<16xi1>, vector<16xf32>
        %reduce_or3A_164 = arith.constant true
        %reduce_or3A_165 = vector.broadcast %reduce_or3A_164 : i1 to vector<16xi1>
        %reduce_or3A_166 = tpu.scan <max>, %reduce_or3A_163 masked %reduce_or3A_165 : vector<16xf32>, vector<16xi1> -> vector<16xf32>
        %reduce_or3A_167 = vector.extract %reduce_or3A_166[15] : f32 from vector<16xf32>
        %reduce_or3A_168 = arith.constant 0.000000e+00 : f32
        %reduce_or3A_169 = arith.cmpf ogt, %reduce_or3A_167, %reduce_or3A_168 : f32
        %convert_element_type3A_170 = arith.extui %reduce_or3A_169 : i1 to i32
        %cond3A_171 = arith.constant 0 : i32
        %cond3A_172 = arith.cmpi ne, %convert_element_type3A_170, %cond3A_171 : i32
        scf.if %cond3A_172 {
          %while3A = arith.constant 0 : i32
          %while3A_261:2 = scf.while (%while3A_262 = %not3A_158, %while3A_263 = %while3A) : (vector<16xi1>, i32) -> (vector<16xi1>, i32) {
            %reduce_or3A_264 = arith.constant 1.000000e+00 : f32
            %reduce_or3A_265 = arith.constant 0.000000e+00 : f32
            %reduce_or3A_266 = vector.broadcast %reduce_or3A_264 : f32 to vector<16xf32>
            %reduce_or3A_267 = vector.broadcast %reduce_or3A_265 : f32 to vector<16xf32>
            %reduce_or3A_268 = arith.select %while3A_262, %reduce_or3A_266, %reduce_or3A_267 : vector<16xi1>, vector<16xf32>
            %reduce_or3A_269 = arith.constant true
            %reduce_or3A_270 = vector.broadcast %reduce_or3A_269 : i1 to vector<16xi1>
            %reduce_or3A_271 = tpu.scan <max>, %reduce_or3A_268 masked %reduce_or3A_270 : vector<16xf32>, vector<16xi1> -> vector<16xf32>
            %reduce_or3A_272 = vector.extract %reduce_or3A_271[15] : f32 from vector<16xf32>
            %reduce_or3A_273 = arith.constant 0.000000e+00 : f32
            %reduce_or3A_274 = arith.cmpf ogt, %reduce_or3A_272, %reduce_or3A_273 : f32
            %lt3A_275 = arith.constant 16 : i32
            %lt3A_276 = arith.cmpi slt, %while3A_263, %lt3A_275 : i32
            %and3A_277 = arith.andi %reduce_or3A_274, %lt3A_276 : i1
            scf.condition(%and3A_277) %while3A_262, %while3A_263 : vector<16xi1>, i32
          } do {
          ^bb0(%while3A_262: vector<16xi1>, %while3A_263: i32):
            tpu.vector_store_idx %arg10[%shift_right_arithmetic3A_142], %iota3A masked %while3A_262 : memref<10000xi32, #tpu.memory_space<vmem>>[vector<16xi32>], vector<16xi32>, vector<16xi1>
            %gather3A_264 = tpu.vector_load_idx %arg10[%shift_right_arithmetic3A_142] : memref<10000xi32, #tpu.memory_space<vmem>>[vector<16xi32>], vector<16xi32>,
            %eq3A_265 = arith.cmpi eq, %gather3A_264, %iota3A : vector<16xi32>
            %and3A_266 = arith.andi %eq3A_265, %while3A_262 : vector<16xi1>
            %gather3A_267 = tpu.vector_load_idx %arg7[%shift_right_arithmetic3A_142] : memref<10000xi32, #tpu.memory_space<vmem>>[vector<16xi32>], vector<16xi32>,
            %bitcast3A_268 = vector.bitcast %gather3A_267 : vector<16xi32> to vector<32xbf16>
            %max3A_269 = arith.maximumf %bitcast3A_268, %bitcast3A_147 : vector<32xbf16>
            %bitcast3A_270 = vector.bitcast %max3A_269 : vector<32xbf16> to vector<16xi32>
            tpu.vector_store_idx %arg7[%shift_right_arithmetic3A_142], %bitcast3A_270 masked %and3A_266 : memref<10000xi32, #tpu.memory_space<vmem>>[vector<16xi32>], vector<16xi32>, vector<16xi1>
            %gather3A_271 = tpu.vector_load_idx %arg8[%shift_right_arithmetic3A_142] : memref<10000xi32, #tpu.memory_space<vmem>>[vector<16xi32>], vector<16xi32>,
            %bitcast3A_272 = vector.bitcast %gather3A_271 : vector<16xi32> to vector<32xbf16>
            %max3A_273 = arith.maximumf %bitcast3A_272, %bitcast3A_153 : vector<32xbf16>
            %bitcast3A_274 = vector.bitcast %max3A_273 : vector<32xbf16> to vector<16xi32>
            tpu.vector_store_idx %arg8[%shift_right_arithmetic3A_142], %bitcast3A_274 masked %and3A_266 : memref<10000xi32, #tpu.memory_space<vmem>>[vector<16xi32>], vector<16xi32>, vector<16xi1>
            %not3A_275 = arith.constant dense<true> : vector<16xi1>
            %not3A_276 = arith.xori %and3A_266, %not3A_275 : vector<16xi1>
            %and3A_277 = arith.andi %while3A_262, %not3A_276 : vector<16xi1>
            %add3A_278 = arith.constant 1 : i32
            %add3A_279 = arith.addi %while3A_263, %add3A_278 : i32
            scf.yield %and3A_277, %add3A_279 : vector<16xi1>, i32
          }
        } else {
        }
        %scan3A_173 = arith.constant 1 : i32
        %scan3A_174 = arith.addi %scan3A_93, %scan3A_173 : i32
        %mul3A_175 = arith.constant 2 : i32
        %mul3A_176 = arith.muli %scan3A_174, %mul3A_175 : i32
        %mul3A_177 = arith.constant 16 : i32
        %mul3A_178 = arith.muli %mul3A_176, %mul3A_177 : i32
        %get3A_179 = arith.index_cast %mul3A_178 : i32 to index
        %get3A_180 = tpu.vector_load %arg11[%get3A_179] {strides = array<i32>} : memref<3200xi32, #tpu.memory_space<vmem>>, vector<16xi32>,
        %and3A_181 = arith.constant 16383 : i32
        %and3A_182 = vector.broadcast %and3A_181 : i32 to vector<16xi32>
        %and3A_183 = arith.andi %get3A_180, %and3A_182 : vector<16xi32>
        %shift_right_arithmetic3A_184 = arith.constant 14 : i32
        %shift_right_arithmetic3A_185 = vector.broadcast %shift_right_arithmetic3A_184 : i32 to vector<16xi32>
        %shift_right_arithmetic3A_186 = arith.shrsi %get3A_180, %shift_right_arithmetic3A_185 : vector<16xi32>
        tpu.vector_store_idx %arg9[%shift_right_arithmetic3A_186], %iota3A : memref<10000xi32, #tpu.memory_space<vmem>>[vector<16xi32>], vector<16xi32>,
        %gather3A_187 = tpu.vector_load_idx %arg9[%shift_right_arithmetic3A_186] : memref<10000xi32, #tpu.memory_space<vmem>>[vector<16xi32>], vector<16xi32>,
        %eq3A_188 = arith.cmpi eq, %gather3A_187, %iota3A : vector<16xi32>
        %gather3A_189 = tpu.vector_load_idx %arg5[%and3A_183] : memref<10000xi32, #tpu.memory_space<vmem>>[vector<16xi32>], vector<16xi32>,
        %gather3A_190 = tpu.vector_load_idx %arg7[%shift_right_arithmetic3A_186] : memref<10000xi32, #tpu.memory_space<vmem>>[vector<16xi32>], vector<16xi32>,
        %bitcast3A_191 = vector.bitcast %gather3A_189 : vector<16xi32> to vector<32xbf16>
        %bitcast3A_192 = vector.bitcast %gather3A_190 : vector<16xi32> to vector<32xbf16>
        %max3A_193 = arith.maximumf %bitcast3A_192, %bitcast3A_191 : vector<32xbf16>
        %bitcast3A_194 = vector.bitcast %max3A_193 : vector<32xbf16> to vector<16xi32>
        tpu.vector_store_idx %arg7[%shift_right_arithmetic3A_186], %bitcast3A_194 masked %eq3A_188 : memref<10000xi32, #tpu.memory_space<vmem>>[vector<16xi32>], vector<16xi32>, vector<16xi1>
        %gather3A_195 = tpu.vector_load_idx %arg6[%and3A_183] : memref<10000xi32, #tpu.memory_space<vmem>>[vector<16xi32>], vector<16xi32>,
        %gather3A_196 = tpu.vector_load_idx %arg8[%shift_right_arithmetic3A_186] : memref<10000xi32, #tpu.memory_space<vmem>>[vector<16xi32>], vector<16xi32>,
        %bitcast3A_197 = vector.bitcast %gather3A_195 : vector<16xi32> to vector<32xbf16>
        %bitcast3A_198 = vector.bitcast %gather3A_196 : vector<16xi32> to vector<32xbf16>
        %max3A_199 = arith.maximumf %bitcast3A_198, %bitcast3A_197 : vector<32xbf16>
        %bitcast3A_200 = vector.bitcast %max3A_199 : vector<32xbf16> to vector<16xi32>
        tpu.vector_store_idx %arg8[%shift_right_arithmetic3A_186], %bitcast3A_200 masked %eq3A_188 : memref<10000xi32, #tpu.memory_space<vmem>>[vector<16xi32>], vector<16xi32>, vector<16xi1>
        %not3A_201 = arith.constant dense<true> : vector<16xi1>
        %not3A_202 = arith.xori %eq3A_188, %not3A_201 : vector<16xi1>
        %reduce_or3A_203 = arith.constant 1.000000e+00 : f32
        %reduce_or3A_204 = arith.constant 0.000000e+00 : f32
        %reduce_or3A_205 = vector.broadcast %reduce_or3A_203 : f32 to vector<16xf32>
        %reduce_or3A_206 = vector.broadcast %reduce_or3A_204 : f32 to vector<16xf32>
        %reduce_or3A_207 = arith.select %not3A_202, %reduce_or3A_205, %reduce_or3A_206 : vector<16xi1>, vector<16xf32>
        %reduce_or3A_208 = arith.constant true
        %reduce_or3A_209 = vector.broadcast %reduce_or3A_208 : i1 to vector<16xi1>
        %reduce_or3A_210 = tpu.scan <max>, %reduce_or3A_207 masked %reduce_or3A_209 : vector<16xf32>, vector<16xi1> -> vector<16xf32>
        %reduce_or3A_211 = vector.extract %reduce_or3A_210[15] : f32 from vector<16xf32>
        %reduce_or3A_212 = arith.constant 0.000000e+00 : f32
        %reduce_or3A_213 = arith.cmpf ogt, %reduce_or3A_211, %reduce_or3A_212 : f32
        %convert_element_type3A_214 = arith.extui %reduce_or3A_213 : i1 to i32
        %cond3A_215 = arith.constant 0 : i32
        %cond3A_216 = arith.cmpi ne, %convert_element_type3A_214, %cond3A_215 : i32
        scf.if %cond3A_216 {
          %while3A = arith.constant 0 : i32
          %while3A_261:2 = scf.while (%while3A_262 = %not3A_202, %while3A_263 = %while3A) : (vector<16xi1>, i32) -> (vector<16xi1>, i32) {
            %reduce_or3A_264 = arith.constant 1.000000e+00 : f32
            %reduce_or3A_265 = arith.constant 0.000000e+00 : f32
            %reduce_or3A_266 = vector.broadcast %reduce_or3A_264 : f32 to vector<16xf32>
            %reduce_or3A_267 = vector.broadcast %reduce_or3A_265 : f32 to vector<16xf32>
            %reduce_or3A_268 = arith.select %while3A_262, %reduce_or3A_266, %reduce_or3A_267 : vector<16xi1>, vector<16xf32>
            %reduce_or3A_269 = arith.constant true
            %reduce_or3A_270 = vector.broadcast %reduce_or3A_269 : i1 to vector<16xi1>
            %reduce_or3A_271 = tpu.scan <max>, %reduce_or3A_268 masked %reduce_or3A_270 : vector<16xf32>, vector<16xi1> -> vector<16xf32>
            %reduce_or3A_272 = vector.extract %reduce_or3A_271[15] : f32 from vector<16xf32>
            %reduce_or3A_273 = arith.constant 0.000000e+00 : f32
            %reduce_or3A_274 = arith.cmpf ogt, %reduce_or3A_272, %reduce_or3A_273 : f32
            %lt3A_275 = arith.constant 16 : i32
            %lt3A_276 = arith.cmpi slt, %while3A_263, %lt3A_275 : i32
            %and3A_277 = arith.andi %reduce_or3A_274, %lt3A_276 : i1
            scf.condition(%and3A_277) %while3A_262, %while3A_263 : vector<16xi1>, i32
          } do {
          ^bb0(%while3A_262: vector<16xi1>, %while3A_263: i32):
            tpu.vector_store_idx %arg9[%shift_right_arithmetic3A_186], %iota3A masked %while3A_262 : memref<10000xi32, #tpu.memory_space<vmem>>[vector<16xi32>], vector<16xi32>, vector<16xi1>
            %gather3A_264 = tpu.vector_load_idx %arg9[%shift_right_arithmetic3A_186] : memref<10000xi32, #tpu.memory_space<vmem>>[vector<16xi32>], vector<16xi32>,
            %eq3A_265 = arith.cmpi eq, %gather3A_264, %iota3A : vector<16xi32>
            %and3A_266 = arith.andi %eq3A_265, %while3A_262 : vector<16xi1>
            %gather3A_267 = tpu.vector_load_idx %arg7[%shift_right_arithmetic3A_186] : memref<10000xi32, #tpu.memory_space<vmem>>[vector<16xi32>], vector<16xi32>,
            %bitcast3A_268 = vector.bitcast %gather3A_267 : vector<16xi32> to vector<32xbf16>
            %max3A_269 = arith.maximumf %bitcast3A_268, %bitcast3A_191 : vector<32xbf16>
            %bitcast3A_270 = vector.bitcast %max3A_269 : vector<32xbf16> to vector<16xi32>
            tpu.vector_store_idx %arg7[%shift_right_arithmetic3A_186], %bitcast3A_270 masked %and3A_266 : memref<10000xi32, #tpu.memory_space<vmem>>[vector<16xi32>], vector<16xi32>, vector<16xi1>
            %gather3A_271 = tpu.vector_load_idx %arg8[%shift_right_arithmetic3A_186] : memref<10000xi32, #tpu.memory_space<vmem>>[vector<16xi32>], vector<16xi32>,
            %bitcast3A_272 = vector.bitcast %gather3A_271 : vector<16xi32> to vector<32xbf16>
            %max3A_273 = arith.maximumf %bitcast3A_272, %bitcast3A_197 : vector<32xbf16>
            %bitcast3A_274 = vector.bitcast %max3A_273 : vector<32xbf16> to vector<16xi32>
            tpu.vector_store_idx %arg8[%shift_right_arithmetic3A_186], %bitcast3A_274 masked %and3A_266 : memref<10000xi32, #tpu.memory_space<vmem>>[vector<16xi32>], vector<16xi32>, vector<16xi1>
            %not3A_275 = arith.constant dense<true> : vector<16xi1>
            %not3A_276 = arith.xori %and3A_266, %not3A_275 : vector<16xi1>
            %and3A_277 = arith.andi %while3A_262, %not3A_276 : vector<16xi1>
            %add3A_278 = arith.constant 1 : i32
            %add3A_279 = arith.addi %while3A_263, %add3A_278 : i32
            scf.yield %and3A_277, %add3A_279 : vector<16xi1>, i32
          }
        } else {
        }
        %mul3A_217 = arith.constant 2 : i32
        %mul3A_218 = arith.muli %scan3A_174, %mul3A_217 : i32
        %add3A_219 = arith.constant 1 : i32
        %add3A_220 = arith.addi %mul3A_218, %add3A_219 : i32
        %mul3A_221 = arith.constant 16 : i32
        %mul3A_222 = arith.muli %add3A_220, %mul3A_221 : i32
        %get3A_223 = arith.index_cast %mul3A_222 : i32 to index
        %get3A_224 = tpu.vector_load %arg11[%get3A_223] {strides = array<i32>} : memref<3200xi32, #tpu.memory_space<vmem>>, vector<16xi32>,
        %and3A_225 = arith.constant 16383 : i32
        %and3A_226 = vector.broadcast %and3A_225 : i32 to vector<16xi32>
        %and3A_227 = arith.andi %get3A_224, %and3A_226 : vector<16xi32>
        %shift_right_arithmetic3A_228 = arith.constant 14 : i32
        %shift_right_arithmetic3A_229 = vector.broadcast %shift_right_arithmetic3A_228 : i32 to vector<16xi32>
        %shift_right_arithmetic3A_230 = arith.shrsi %get3A_224, %shift_right_arithmetic3A_229 : vector<16xi32>
        tpu.vector_store_idx %arg10[%shift_right_arithmetic3A_230], %iota3A : memref<10000xi32, #tpu.memory_space<vmem>>[vector<16xi32>], vector<16xi32>,
        %gather3A_231 = tpu.vector_load_idx %arg10[%shift_right_arithmetic3A_230] : memref<10000xi32, #tpu.memory_space<vmem>>[vector<16xi32>], vector<16xi32>,
        %eq3A_232 = arith.cmpi eq, %gather3A_231, %iota3A : vector<16xi32>
        %gather3A_233 = tpu.vector_load_idx %arg5[%and3A_227] : memref<10000xi32, #tpu.memory_space<vmem>>[vector<16xi32>], vector<16xi32>,
        %gather3A_234 = tpu.vector_load_idx %arg7[%shift_right_arithmetic3A_230] : memref<10000xi32, #tpu.memory_space<vmem>>[vector<16xi32>], vector<16xi32>,
        %bitcast3A_235 = vector.bitcast %gather3A_233 : vector<16xi32> to vector<32xbf16>
        %bitcast3A_236 = vector.bitcast %gather3A_234 : vector<16xi32> to vector<32xbf16>
        %max3A_237 = arith.maximumf %bitcast3A_236, %bitcast3A_235 : vector<32xbf16>
        %bitcast3A_238 = vector.bitcast %max3A_237 : vector<32xbf16> to vector<16xi32>
        tpu.vector_store_idx %arg7[%shift_right_arithmetic3A_230], %bitcast3A_238 masked %eq3A_232 : memref<10000xi32, #tpu.memory_space<vmem>>[vector<16xi32>], vector<16xi32>, vector<16xi1>
        %gather3A_239 = tpu.vector_load_idx %arg6[%and3A_227] : memref<10000xi32, #tpu.memory_space<vmem>>[vector<16xi32>], vector<16xi32>,
        %gather3A_240 = tpu.vector_load_idx %arg8[%shift_right_arithmetic3A_230] : memref<10000xi32, #tpu.memory_space<vmem>>[vector<16xi32>], vector<16xi32>,
        %bitcast3A_241 = vector.bitcast %gather3A_239 : vector<16xi32> to vector<32xbf16>
        %bitcast3A_242 = vector.bitcast %gather3A_240 : vector<16xi32> to vector<32xbf16>
        %max3A_243 = arith.maximumf %bitcast3A_242, %bitcast3A_241 : vector<32xbf16>
        %bitcast3A_244 = vector.bitcast %max3A_243 : vector<32xbf16> to vector<16xi32>
        tpu.vector_store_idx %arg8[%shift_right_arithmetic3A_230], %bitcast3A_244 masked %eq3A_232 : memref<10000xi32, #tpu.memory_space<vmem>>[vector<16xi32>], vector<16xi32>, vector<16xi1>
        %not3A_245 = arith.constant dense<true> : vector<16xi1>
        %not3A_246 = arith.xori %eq3A_232, %not3A_245 : vector<16xi1>
        %reduce_or3A_247 = arith.constant 1.000000e+00 : f32
        %reduce_or3A_248 = arith.constant 0.000000e+00 : f32
        %reduce_or3A_249 = vector.broadcast %reduce_or3A_247 : f32 to vector<16xf32>
        %reduce_or3A_250 = vector.broadcast %reduce_or3A_248 : f32 to vector<16xf32>
        %reduce_or3A_251 = arith.select %not3A_246, %reduce_or3A_249, %reduce_or3A_250 : vector<16xi1>, vector<16xf32>
        %reduce_or3A_252 = arith.constant true
        %reduce_or3A_253 = vector.broadcast %reduce_or3A_252 : i1 to vector<16xi1>
        %reduce_or3A_254 = tpu.scan <max>, %reduce_or3A_251 masked %reduce_or3A_253 : vector<16xf32>, vector<16xi1> -> vector<16xf32>
        %reduce_or3A_255 = vector.extract %reduce_or3A_254[15] : f32 from vector<16xf32>
        %reduce_or3A_256 = arith.constant 0.000000e+00 : f32
        %reduce_or3A_257 = arith.cmpf ogt, %reduce_or3A_255, %reduce_or3A_256 : f32
        %convert_element_type3A_258 = arith.extui %reduce_or3A_257 : i1 to i32
        %cond3A_259 = arith.constant 0 : i32
        %cond3A_260 = arith.cmpi ne, %convert_element_type3A_258, %cond3A_259 : i32
        scf.if %cond3A_260 {
          %while3A = arith.constant 0 : i32
          %while3A_261:2 = scf.while (%while3A_262 = %not3A_246, %while3A_263 = %while3A) : (vector<16xi1>, i32) -> (vector<16xi1>, i32) {
            %reduce_or3A_264 = arith.constant 1.000000e+00 : f32
            %reduce_or3A_265 = arith.constant 0.000000e+00 : f32
            %reduce_or3A_266 = vector.broadcast %reduce_or3A_264 : f32 to vector<16xf32>
            %reduce_or3A_267 = vector.broadcast %reduce_or3A_265 : f32 to vector<16xf32>
            %reduce_or3A_268 = arith.select %while3A_262, %reduce_or3A_266, %reduce_or3A_267 : vector<16xi1>, vector<16xf32>
            %reduce_or3A_269 = arith.constant true
            %reduce_or3A_270 = vector.broadcast %reduce_or3A_269 : i1 to vector<16xi1>
            %reduce_or3A_271 = tpu.scan <max>, %reduce_or3A_268 masked %reduce_or3A_270 : vector<16xf32>, vector<16xi1> -> vector<16xf32>
            %reduce_or3A_272 = vector.extract %reduce_or3A_271[15] : f32 from vector<16xf32>
            %reduce_or3A_273 = arith.constant 0.000000e+00 : f32
            %reduce_or3A_274 = arith.cmpf ogt, %reduce_or3A_272, %reduce_or3A_273 : f32
            %lt3A_275 = arith.constant 16 : i32
            %lt3A_276 = arith.cmpi slt, %while3A_263, %lt3A_275 : i32
            %and3A_277 = arith.andi %reduce_or3A_274, %lt3A_276 : i1
            scf.condition(%and3A_277) %while3A_262, %while3A_263 : vector<16xi1>, i32
          } do {
          ^bb0(%while3A_262: vector<16xi1>, %while3A_263: i32):
            tpu.vector_store_idx %arg10[%shift_right_arithmetic3A_230], %iota3A masked %while3A_262 : memref<10000xi32, #tpu.memory_space<vmem>>[vector<16xi32>], vector<16xi32>, vector<16xi1>
            %gather3A_264 = tpu.vector_load_idx %arg10[%shift_right_arithmetic3A_230] : memref<10000xi32, #tpu.memory_space<vmem>>[vector<16xi32>], vector<16xi32>,
            %eq3A_265 = arith.cmpi eq, %gather3A_264, %iota3A : vector<16xi32>
            %and3A_266 = arith.andi %eq3A_265, %while3A_262 : vector<16xi1>
            %gather3A_267 = tpu.vector_load_idx %arg7[%shift_right_arithmetic3A_230] : memref<10000xi32, #tpu.memory_space<vmem>>[vector<16xi32>], vector<16xi32>,
            %bitcast3A_268 = vector.bitcast %gather3A_267 : vector<16xi32> to vector<32xbf16>
            %max3A_269 = arith.maximumf %bitcast3A_268, %bitcast3A_235 : vector<32xbf16>
            %bitcast3A_270 = vector.bitcast %max3A_269 : vector<32xbf16> to vector<16xi32>
            tpu.vector_store_idx %arg7[%shift_right_arithmetic3A_230], %bitcast3A_270 masked %and3A_266 : memref<10000xi32, #tpu.memory_space<vmem>>[vector<16xi32>], vector<16xi32>, vector<16xi1>
            %gather3A_271 = tpu.vector_load_idx %arg8[%shift_right_arithmetic3A_230] : memref<10000xi32, #tpu.memory_space<vmem>>[vector<16xi32>], vector<16xi32>,
            %bitcast3A_272 = vector.bitcast %gather3A_271 : vector<16xi32> to vector<32xbf16>
            %max3A_273 = arith.maximumf %bitcast3A_272, %bitcast3A_241 : vector<32xbf16>
            %bitcast3A_274 = vector.bitcast %max3A_273 : vector<32xbf16> to vector<16xi32>
            tpu.vector_store_idx %arg8[%shift_right_arithmetic3A_230], %bitcast3A_274 masked %and3A_266 : memref<10000xi32, #tpu.memory_space<vmem>>[vector<16xi32>], vector<16xi32>, vector<16xi1>
            %not3A_275 = arith.constant dense<true> : vector<16xi1>
            %not3A_276 = arith.xori %and3A_266, %not3A_275 : vector<16xi1>
            %and3A_277 = arith.andi %while3A_262, %not3A_276 : vector<16xi1>
            %add3A_278 = arith.constant 1 : i32
            %add3A_279 = arith.addi %while3A_263, %add3A_278 : i32
            scf.yield %and3A_277, %add3A_279 : vector<16xi1>, i32
          }
        } else {
        }
      }
      %scan3A_77 = arith.constant 100 : i32
      %add3A_78 = arith.constant 2 : i32
      %add3A_79 = arith.addi %mul3A_62, %add3A_78 : i32
      %lt3A_80 = arith.constant 100 : i32
      %lt3A_81 = arith.cmpi slt, %add3A_79, %lt3A_80 : i32
      %convert_element_type3A = arith.extui %lt3A_81 : i1 to i32
      %cond3A = arith.constant 0 : i32
      %cond3A_82 = arith.cmpi ne, %convert_element_type3A, %cond3A : i32
      scf.if %cond3A_82 {
        %add3A_93 = arith.constant 2 : i32
        %add3A_94 = arith.addi %mul3A_62, %add3A_93 : i32
        %mul3A_95 = arith.constant 3200 : i32
        %mul3A_96 = arith.muli %add3A_94, %mul3A_95 : i32
        %dma_start3A_97 = tpu.memref_slice %arg3[%mul3A_96] : memref<320000xi32, #tpu.memory_space<hbm>> -> memref<3200xi32, #tpu.memory_space<hbm>>
        %dma_start3A_98 = tpu.memref_slice %arg3[%mul3A_96] : memref<320000xi32, #tpu.memory_space<hbm>> -> memref<3200xi32, #tpu.memory_space<hbm>>
        tpu.enqueue_dma source(%dma_start3A_98 : memref<3200xi32, #tpu.memory_space<hbm>>) target(%arg11 : memref<3200xi32, #tpu.memory_space<vmem>>) target_semaphore(%arg13 : memref<!tpu.dma_semaphore, #tpu.memory_space<semaphore_mem>>)
      } else {
      }
      %dma_wait3A_83 = arith.constant 0 : i32
      %dma_wait3A_84 = tpu.memref_slice %arg3[%dma_wait3A_83] : memref<320000xi32, #tpu.memory_space<hbm>> -> memref<3200xi32, #tpu.memory_space<hbm>>
      %dma_wait3A_85 = arith.constant 0 : i32
      %dma_wait3A_86 = tpu.memref_slice %arg3[%dma_wait3A_85] : memref<320000xi32, #tpu.memory_space<hbm>> -> memref<3200xi32, #tpu.memory_space<hbm>>
      tpu.wait_dma2 semaphore(%arg14 : memref<!tpu.dma_semaphore, #tpu.memory_space<semaphore_mem>>) src(%dma_wait3A_86 : memref<3200xi32, #tpu.memory_space<hbm>>) dst(%arg12 : memref<3200xi32, #tpu.memory_space<vmem>>)
      %scan3A_87 = arith.constant 0 : i32
      %scan3A_88 = arith.constant 0 : i32
      %scan3A_89 = arith.constant 100 : i32
      %scan3A_90 = arith.addi %scan3A_88, %scan3A_89 : i32
      %scan3A_91 = arith.constant 2 : i32
      scf.for %scan3A_93 = %scan3A_88 to %scan3A_90 step %scan3A_91  : i32 {
        %mul3A_94 = arith.constant 2 : i32
        %mul3A_95 = arith.muli %scan3A_93, %mul3A_94 : i32
        %mul3A_96 = arith.constant 16 : i32
        %mul3A_97 = arith.muli %mul3A_95, %mul3A_96 : i32
        %get3A_98 = arith.index_cast %mul3A_97 : i32 to index
        %get3A_99 = tpu.vector_load %arg12[%get3A_98] {strides = array<i32>} : memref<3200xi32, #tpu.memory_space<vmem>>, vector<16xi32>,
        %and3A = arith.constant 16383 : i32
        %and3A_100 = vector.broadcast %and3A : i32 to vector<16xi32>
        %and3A_101 = arith.andi %get3A_99, %and3A_100 : vector<16xi32>
        %shift_right_arithmetic3A = arith.constant 14 : i32
        %shift_right_arithmetic3A_102 = vector.broadcast %shift_right_arithmetic3A : i32 to vector<16xi32>
        %shift_right_arithmetic3A_103 = arith.shrsi %get3A_99, %shift_right_arithmetic3A_102 : vector<16xi32>
        tpu.vector_store_idx %arg9[%shift_right_arithmetic3A_103], %iota3A : memref<10000xi32, #tpu.memory_space<vmem>>[vector<16xi32>], vector<16xi32>,
        %gather3A = tpu.vector_load_idx %arg9[%shift_right_arithmetic3A_103] : memref<10000xi32, #tpu.memory_space<vmem>>[vector<16xi32>], vector<16xi32>,
        %eq3A = arith.cmpi eq, %gather3A, %iota3A : vector<16xi32>
        %gather3A_104 = tpu.vector_load_idx %arg5[%and3A_101] : memref<10000xi32, #tpu.memory_space<vmem>>[vector<16xi32>], vector<16xi32>,
        %gather3A_105 = tpu.vector_load_idx %arg7[%shift_right_arithmetic3A_103] : memref<10000xi32, #tpu.memory_space<vmem>>[vector<16xi32>], vector<16xi32>,
        %bitcast3A_106 = vector.bitcast %gather3A_104 : vector<16xi32> to vector<32xbf16>
        %bitcast3A_107 = vector.bitcast %gather3A_105 : vector<16xi32> to vector<32xbf16>
        %max3A = arith.maximumf %bitcast3A_107, %bitcast3A_106 : vector<32xbf16>
        %bitcast3A_108 = vector.bitcast %max3A : vector<32xbf16> to vector<16xi32>
        tpu.vector_store_idx %arg7[%shift_right_arithmetic3A_103], %bitcast3A_108 masked %eq3A : memref<10000xi32, #tpu.memory_space<vmem>>[vector<16xi32>], vector<16xi32>, vector<16xi1>
        %gather3A_109 = tpu.vector_load_idx %arg6[%and3A_101] : memref<10000xi32, #tpu.memory_space<vmem>>[vector<16xi32>], vector<16xi32>,
        %gather3A_110 = tpu.vector_load_idx %arg8[%shift_right_arithmetic3A_103] : memref<10000xi32, #tpu.memory_space<vmem>>[vector<16xi32>], vector<16xi32>,
        %bitcast3A_111 = vector.bitcast %gather3A_109 : vector<16xi32> to vector<32xbf16>
        %bitcast3A_112 = vector.bitcast %gather3A_110 : vector<16xi32> to vector<32xbf16>
        %max3A_113 = arith.maximumf %bitcast3A_112, %bitcast3A_111 : vector<32xbf16>
        %bitcast3A_114 = vector.bitcast %max3A_113 : vector<32xbf16> to vector<16xi32>
        tpu.vector_store_idx %arg8[%shift_right_arithmetic3A_103], %bitcast3A_114 masked %eq3A : memref<10000xi32, #tpu.memory_space<vmem>>[vector<16xi32>], vector<16xi32>, vector<16xi1>
        %not3A = arith.constant dense<true> : vector<16xi1>
        %not3A_115 = arith.xori %eq3A, %not3A : vector<16xi1>
        %reduce_or3A = arith.constant 1.000000e+00 : f32
        %reduce_or3A_116 = arith.constant 0.000000e+00 : f32
        %reduce_or3A_117 = vector.broadcast %reduce_or3A : f32 to vector<16xf32>
        %reduce_or3A_118 = vector.broadcast %reduce_or3A_116 : f32 to vector<16xf32>
        %reduce_or3A_119 = arith.select %not3A_115, %reduce_or3A_117, %reduce_or3A_118 : vector<16xi1>, vector<16xf32>
        %reduce_or3A_120 = arith.constant true
        %reduce_or3A_121 = vector.broadcast %reduce_or3A_120 : i1 to vector<16xi1>
        %reduce_or3A_122 = tpu.scan <max>, %reduce_or3A_119 masked %reduce_or3A_121 : vector<16xf32>, vector<16xi1> -> vector<16xf32>
        %reduce_or3A_123 = vector.extract %reduce_or3A_122[15] : f32 from vector<16xf32>
        %reduce_or3A_124 = arith.constant 0.000000e+00 : f32
        %reduce_or3A_125 = arith.cmpf ogt, %reduce_or3A_123, %reduce_or3A_124 : f32
        %convert_element_type3A_126 = arith.extui %reduce_or3A_125 : i1 to i32
        %cond3A_127 = arith.constant 0 : i32
        %cond3A_128 = arith.cmpi ne, %convert_element_type3A_126, %cond3A_127 : i32
        scf.if %cond3A_128 {
          %while3A = arith.constant 0 : i32
          %while3A_261:2 = scf.while (%while3A_262 = %not3A_115, %while3A_263 = %while3A) : (vector<16xi1>, i32) -> (vector<16xi1>, i32) {
            %reduce_or3A_264 = arith.constant 1.000000e+00 : f32
            %reduce_or3A_265 = arith.constant 0.000000e+00 : f32
            %reduce_or3A_266 = vector.broadcast %reduce_or3A_264 : f32 to vector<16xf32>
            %reduce_or3A_267 = vector.broadcast %reduce_or3A_265 : f32 to vector<16xf32>
            %reduce_or3A_268 = arith.select %while3A_262, %reduce_or3A_266, %reduce_or3A_267 : vector<16xi1>, vector<16xf32>
            %reduce_or3A_269 = arith.constant true
            %reduce_or3A_270 = vector.broadcast %reduce_or3A_269 : i1 to vector<16xi1>
            %reduce_or3A_271 = tpu.scan <max>, %reduce_or3A_268 masked %reduce_or3A_270 : vector<16xf32>, vector<16xi1> -> vector<16xf32>
            %reduce_or3A_272 = vector.extract %reduce_or3A_271[15] : f32 from vector<16xf32>
            %reduce_or3A_273 = arith.constant 0.000000e+00 : f32
            %reduce_or3A_274 = arith.cmpf ogt, %reduce_or3A_272, %reduce_or3A_273 : f32
            %lt3A_275 = arith.constant 16 : i32
            %lt3A_276 = arith.cmpi slt, %while3A_263, %lt3A_275 : i32
            %and3A_277 = arith.andi %reduce_or3A_274, %lt3A_276 : i1
            scf.condition(%and3A_277) %while3A_262, %while3A_263 : vector<16xi1>, i32
          } do {
          ^bb0(%while3A_262: vector<16xi1>, %while3A_263: i32):
            tpu.vector_store_idx %arg9[%shift_right_arithmetic3A_103], %iota3A masked %while3A_262 : memref<10000xi32, #tpu.memory_space<vmem>>[vector<16xi32>], vector<16xi32>, vector<16xi1>
            %gather3A_264 = tpu.vector_load_idx %arg9[%shift_right_arithmetic3A_103] : memref<10000xi32, #tpu.memory_space<vmem>>[vector<16xi32>], vector<16xi32>,
            %eq3A_265 = arith.cmpi eq, %gather3A_264, %iota3A : vector<16xi32>
            %and3A_266 = arith.andi %eq3A_265, %while3A_262 : vector<16xi1>
            %gather3A_267 = tpu.vector_load_idx %arg7[%shift_right_arithmetic3A_103] : memref<10000xi32, #tpu.memory_space<vmem>>[vector<16xi32>], vector<16xi32>,
            %bitcast3A_268 = vector.bitcast %gather3A_267 : vector<16xi32> to vector<32xbf16>
            %max3A_269 = arith.maximumf %bitcast3A_268, %bitcast3A_106 : vector<32xbf16>
            %bitcast3A_270 = vector.bitcast %max3A_269 : vector<32xbf16> to vector<16xi32>
            tpu.vector_store_idx %arg7[%shift_right_arithmetic3A_103], %bitcast3A_270 masked %and3A_266 : memref<10000xi32, #tpu.memory_space<vmem>>[vector<16xi32>], vector<16xi32>, vector<16xi1>
            %gather3A_271 = tpu.vector_load_idx %arg8[%shift_right_arithmetic3A_103] : memref<10000xi32, #tpu.memory_space<vmem>>[vector<16xi32>], vector<16xi32>,
            %bitcast3A_272 = vector.bitcast %gather3A_271 : vector<16xi32> to vector<32xbf16>
            %max3A_273 = arith.maximumf %bitcast3A_272, %bitcast3A_111 : vector<32xbf16>
            %bitcast3A_274 = vector.bitcast %max3A_273 : vector<32xbf16> to vector<16xi32>
            tpu.vector_store_idx %arg8[%shift_right_arithmetic3A_103], %bitcast3A_274 masked %and3A_266 : memref<10000xi32, #tpu.memory_space<vmem>>[vector<16xi32>], vector<16xi32>, vector<16xi1>
            %not3A_275 = arith.constant dense<true> : vector<16xi1>
            %not3A_276 = arith.xori %and3A_266, %not3A_275 : vector<16xi1>
            %and3A_277 = arith.andi %while3A_262, %not3A_276 : vector<16xi1>
            %add3A_278 = arith.constant 1 : i32
            %add3A_279 = arith.addi %while3A_263, %add3A_278 : i32
            scf.yield %and3A_277, %add3A_279 : vector<16xi1>, i32
          }
        } else {
        }
        %mul3A_129 = arith.constant 2 : i32
        %mul3A_130 = arith.muli %scan3A_93, %mul3A_129 : i32
        %add3A_131 = arith.constant 1 : i32
        %add3A_132 = arith.addi %mul3A_130, %add3A_131 : i32
        %mul3A_133 = arith.constant 16 : i32
        %mul3A_134 = arith.muli %add3A_132, %mul3A_133 : i32
        %get3A_135 = arith.index_cast %mul3A_134 : i32 to index
        %get3A_136 = tpu.vector_load %arg12[%get3A_135] {strides = array<i32>} : memref<3200xi32, #tpu.memory_space<vmem>>, vector<16xi32>,
        %and3A_137 = arith.constant 16383 : i32
        %and3A_138 = vector.broadcast %and3A_137 : i32 to vector<16xi32>
        %and3A_139 = arith.andi %get3A_136, %and3A_138 : vector<16xi32>
        %shift_right_arithmetic3A_140 = arith.constant 14 : i32
        %shift_right_arithmetic3A_141 = vector.broadcast %shift_right_arithmetic3A_140 : i32 to vector<16xi32>
        %shift_right_arithmetic3A_142 = arith.shrsi %get3A_136, %shift_right_arithmetic3A_141 : vector<16xi32>
        tpu.vector_store_idx %arg10[%shift_right_arithmetic3A_142], %iota3A : memref<10000xi32, #tpu.memory_space<vmem>>[vector<16xi32>], vector<16xi32>,
        %gather3A_143 = tpu.vector_load_idx %arg10[%shift_right_arithmetic3A_142] : memref<10000xi32, #tpu.memory_space<vmem>>[vector<16xi32>], vector<16xi32>,
        %eq3A_144 = arith.cmpi eq, %gather3A_143, %iota3A : vector<16xi32>
        %gather3A_145 = tpu.vector_load_idx %arg5[%and3A_139] : memref<10000xi32, #tpu.memory_space<vmem>>[vector<16xi32>], vector<16xi32>,
        %gather3A_146 = tpu.vector_load_idx %arg7[%shift_right_arithmetic3A_142] : memref<10000xi32, #tpu.memory_space<vmem>>[vector<16xi32>], vector<16xi32>,
        %bitcast3A_147 = vector.bitcast %gather3A_145 : vector<16xi32> to vector<32xbf16>
        %bitcast3A_148 = vector.bitcast %gather3A_146 : vector<16xi32> to vector<32xbf16>
        %max3A_149 = arith.maximumf %bitcast3A_148, %bitcast3A_147 : vector<32xbf16>
        %bitcast3A_150 = vector.bitcast %max3A_149 : vector<32xbf16> to vector<16xi32>
        tpu.vector_store_idx %arg7[%shift_right_arithmetic3A_142], %bitcast3A_150 masked %eq3A_144 : memref<10000xi32, #tpu.memory_space<vmem>>[vector<16xi32>], vector<16xi32>, vector<16xi1>
        %gather3A_151 = tpu.vector_load_idx %arg6[%and3A_139] : memref<10000xi32, #tpu.memory_space<vmem>>[vector<16xi32>], vector<16xi32>,
        %gather3A_152 = tpu.vector_load_idx %arg8[%shift_right_arithmetic3A_142] : memref<10000xi32, #tpu.memory_space<vmem>>[vector<16xi32>], vector<16xi32>,
        %bitcast3A_153 = vector.bitcast %gather3A_151 : vector<16xi32> to vector<32xbf16>
        %bitcast3A_154 = vector.bitcast %gather3A_152 : vector<16xi32> to vector<32xbf16>
        %max3A_155 = arith.maximumf %bitcast3A_154, %bitcast3A_153 : vector<32xbf16>
        %bitcast3A_156 = vector.bitcast %max3A_155 : vector<32xbf16> to vector<16xi32>
        tpu.vector_store_idx %arg8[%shift_right_arithmetic3A_142], %bitcast3A_156 masked %eq3A_144 : memref<10000xi32, #tpu.memory_space<vmem>>[vector<16xi32>], vector<16xi32>, vector<16xi1>
        %not3A_157 = arith.constant dense<true> : vector<16xi1>
        %not3A_158 = arith.xori %eq3A_144, %not3A_157 : vector<16xi1>
        %reduce_or3A_159 = arith.constant 1.000000e+00 : f32
        %reduce_or3A_160 = arith.constant 0.000000e+00 : f32
        %reduce_or3A_161 = vector.broadcast %reduce_or3A_159 : f32 to vector<16xf32>
        %reduce_or3A_162 = vector.broadcast %reduce_or3A_160 : f32 to vector<16xf32>
        %reduce_or3A_163 = arith.select %not3A_158, %reduce_or3A_161, %reduce_or3A_162 : vector<16xi1>, vector<16xf32>
        %reduce_or3A_164 = arith.constant true
        %reduce_or3A_165 = vector.broadcast %reduce_or3A_164 : i1 to vector<16xi1>
        %reduce_or3A_166 = tpu.scan <max>, %reduce_or3A_163 masked %reduce_or3A_165 : vector<16xf32>, vector<16xi1> -> vector<16xf32>
        %reduce_or3A_167 = vector.extract %reduce_or3A_166[15] : f32 from vector<16xf32>
        %reduce_or3A_168 = arith.constant 0.000000e+00 : f32
        %reduce_or3A_169 = arith.cmpf ogt, %reduce_or3A_167, %reduce_or3A_168 : f32
        %convert_element_type3A_170 = arith.extui %reduce_or3A_169 : i1 to i32
        %cond3A_171 = arith.constant 0 : i32
        %cond3A_172 = arith.cmpi ne, %convert_element_type3A_170, %cond3A_171 : i32
        scf.if %cond3A_172 {
          %while3A = arith.constant 0 : i32
          %while3A_261:2 = scf.while (%while3A_262 = %not3A_158, %while3A_263 = %while3A) : (vector<16xi1>, i32) -> (vector<16xi1>, i32) {
            %reduce_or3A_264 = arith.constant 1.000000e+00 : f32
            %reduce_or3A_265 = arith.constant 0.000000e+00 : f32
            %reduce_or3A_266 = vector.broadcast %reduce_or3A_264 : f32 to vector<16xf32>
            %reduce_or3A_267 = vector.broadcast %reduce_or3A_265 : f32 to vector<16xf32>
            %reduce_or3A_268 = arith.select %while3A_262, %reduce_or3A_266, %reduce_or3A_267 : vector<16xi1>, vector<16xf32>
            %reduce_or3A_269 = arith.constant true
            %reduce_or3A_270 = vector.broadcast %reduce_or3A_269 : i1 to vector<16xi1>
            %reduce_or3A_271 = tpu.scan <max>, %reduce_or3A_268 masked %reduce_or3A_270 : vector<16xf32>, vector<16xi1> -> vector<16xf32>
            %reduce_or3A_272 = vector.extract %reduce_or3A_271[15] : f32 from vector<16xf32>
            %reduce_or3A_273 = arith.constant 0.000000e+00 : f32
            %reduce_or3A_274 = arith.cmpf ogt, %reduce_or3A_272, %reduce_or3A_273 : f32
            %lt3A_275 = arith.constant 16 : i32
            %lt3A_276 = arith.cmpi slt, %while3A_263, %lt3A_275 : i32
            %and3A_277 = arith.andi %reduce_or3A_274, %lt3A_276 : i1
            scf.condition(%and3A_277) %while3A_262, %while3A_263 : vector<16xi1>, i32
          } do {
          ^bb0(%while3A_262: vector<16xi1>, %while3A_263: i32):
            tpu.vector_store_idx %arg10[%shift_right_arithmetic3A_142], %iota3A masked %while3A_262 : memref<10000xi32, #tpu.memory_space<vmem>>[vector<16xi32>], vector<16xi32>, vector<16xi1>
            %gather3A_264 = tpu.vector_load_idx %arg10[%shift_right_arithmetic3A_142] : memref<10000xi32, #tpu.memory_space<vmem>>[vector<16xi32>], vector<16xi32>,
            %eq3A_265 = arith.cmpi eq, %gather3A_264, %iota3A : vector<16xi32>
            %and3A_266 = arith.andi %eq3A_265, %while3A_262 : vector<16xi1>
            %gather3A_267 = tpu.vector_load_idx %arg7[%shift_right_arithmetic3A_142] : memref<10000xi32, #tpu.memory_space<vmem>>[vector<16xi32>], vector<16xi32>,
            %bitcast3A_268 = vector.bitcast %gather3A_267 : vector<16xi32> to vector<32xbf16>
            %max3A_269 = arith.maximumf %bitcast3A_268, %bitcast3A_147 : vector<32xbf16>
            %bitcast3A_270 = vector.bitcast %max3A_269 : vector<32xbf16> to vector<16xi32>
            tpu.vector_store_idx %arg7[%shift_right_arithmetic3A_142], %bitcast3A_270 masked %and3A_266 : memref<10000xi32, #tpu.memory_space<vmem>>[vector<16xi32>], vector<16xi32>, vector<16xi1>
            %gather3A_271 = tpu.vector_load_idx %arg8[%shift_right_arithmetic3A_142] : memref<10000xi32, #tpu.memory_space<vmem>>[vector<16xi32>], vector<16xi32>,
            %bitcast3A_272 = vector.bitcast %gather3A_271 : vector<16xi32> to vector<32xbf16>
            %max3A_273 = arith.maximumf %bitcast3A_272, %bitcast3A_153 : vector<32xbf16>
            %bitcast3A_274 = vector.bitcast %max3A_273 : vector<32xbf16> to vector<16xi32>
            tpu.vector_store_idx %arg8[%shift_right_arithmetic3A_142], %bitcast3A_274 masked %and3A_266 : memref<10000xi32, #tpu.memory_space<vmem>>[vector<16xi32>], vector<16xi32>, vector<16xi1>
            %not3A_275 = arith.constant dense<true> : vector<16xi1>
            %not3A_276 = arith.xori %and3A_266, %not3A_275 : vector<16xi1>
            %and3A_277 = arith.andi %while3A_262, %not3A_276 : vector<16xi1>
            %add3A_278 = arith.constant 1 : i32
            %add3A_279 = arith.addi %while3A_263, %add3A_278 : i32
            scf.yield %and3A_277, %add3A_279 : vector<16xi1>, i32
          }
        } else {
        }
        %scan3A_173 = arith.constant 1 : i32
        %scan3A_174 = arith.addi %scan3A_93, %scan3A_173 : i32
        %mul3A_175 = arith.constant 2 : i32
        %mul3A_176 = arith.muli %scan3A_174, %mul3A_175 : i32
        %mul3A_177 = arith.constant 16 : i32
        %mul3A_178 = arith.muli %mul3A_176, %mul3A_177 : i32
        %get3A_179 = arith.index_cast %mul3A_178 : i32 to index
        %get3A_180 = tpu.vector_load %arg12[%get3A_179] {strides = array<i32>} : memref<3200xi32, #tpu.memory_space<vmem>>, vector<16xi32>,
        %and3A_181 = arith.constant 16383 : i32
        %and3A_182 = vector.broadcast %and3A_181 : i32 to vector<16xi32>
        %and3A_183 = arith.andi %get3A_180, %and3A_182 : vector<16xi32>
        %shift_right_arithmetic3A_184 = arith.constant 14 : i32
        %shift_right_arithmetic3A_185 = vector.broadcast %shift_right_arithmetic3A_184 : i32 to vector<16xi32>
        %shift_right_arithmetic3A_186 = arith.shrsi %get3A_180, %shift_right_arithmetic3A_185 : vector<16xi32>
        tpu.vector_store_idx %arg9[%shift_right_arithmetic3A_186], %iota3A : memref<10000xi32, #tpu.memory_space<vmem>>[vector<16xi32>], vector<16xi32>,
        %gather3A_187 = tpu.vector_load_idx %arg9[%shift_right_arithmetic3A_186] : memref<10000xi32, #tpu.memory_space<vmem>>[vector<16xi32>], vector<16xi32>,
        %eq3A_188 = arith.cmpi eq, %gather3A_187, %iota3A : vector<16xi32>
        %gather3A_189 = tpu.vector_load_idx %arg5[%and3A_183] : memref<10000xi32, #tpu.memory_space<vmem>>[vector<16xi32>], vector<16xi32>,
        %gather3A_190 = tpu.vector_load_idx %arg7[%shift_right_arithmetic3A_186] : memref<10000xi32, #tpu.memory_space<vmem>>[vector<16xi32>], vector<16xi32>,
        %bitcast3A_191 = vector.bitcast %gather3A_189 : vector<16xi32> to vector<32xbf16>
        %bitcast3A_192 = vector.bitcast %gather3A_190 : vector<16xi32> to vector<32xbf16>
        %max3A_193 = arith.maximumf %bitcast3A_192, %bitcast3A_191 : vector<32xbf16>
        %bitcast3A_194 = vector.bitcast %max3A_193 : vector<32xbf16> to vector<16xi32>
        tpu.vector_store_idx %arg7[%shift_right_arithmetic3A_186], %bitcast3A_194 masked %eq3A_188 : memref<10000xi32, #tpu.memory_space<vmem>>[vector<16xi32>], vector<16xi32>, vector<16xi1>
        %gather3A_195 = tpu.vector_load_idx %arg6[%and3A_183] : memref<10000xi32, #tpu.memory_space<vmem>>[vector<16xi32>], vector<16xi32>,
        %gather3A_196 = tpu.vector_load_idx %arg8[%shift_right_arithmetic3A_186] : memref<10000xi32, #tpu.memory_space<vmem>>[vector<16xi32>], vector<16xi32>,
        %bitcast3A_197 = vector.bitcast %gather3A_195 : vector<16xi32> to vector<32xbf16>
        %bitcast3A_198 = vector.bitcast %gather3A_196 : vector<16xi32> to vector<32xbf16>
        %max3A_199 = arith.maximumf %bitcast3A_198, %bitcast3A_197 : vector<32xbf16>
        %bitcast3A_200 = vector.bitcast %max3A_199 : vector<32xbf16> to vector<16xi32>
        tpu.vector_store_idx %arg8[%shift_right_arithmetic3A_186], %bitcast3A_200 masked %eq3A_188 : memref<10000xi32, #tpu.memory_space<vmem>>[vector<16xi32>], vector<16xi32>, vector<16xi1>
        %not3A_201 = arith.constant dense<true> : vector<16xi1>
        %not3A_202 = arith.xori %eq3A_188, %not3A_201 : vector<16xi1>
        %reduce_or3A_203 = arith.constant 1.000000e+00 : f32
        %reduce_or3A_204 = arith.constant 0.000000e+00 : f32
        %reduce_or3A_205 = vector.broadcast %reduce_or3A_203 : f32 to vector<16xf32>
        %reduce_or3A_206 = vector.broadcast %reduce_or3A_204 : f32 to vector<16xf32>
        %reduce_or3A_207 = arith.select %not3A_202, %reduce_or3A_205, %reduce_or3A_206 : vector<16xi1>, vector<16xf32>
        %reduce_or3A_208 = arith.constant true
        %reduce_or3A_209 = vector.broadcast %reduce_or3A_208 : i1 to vector<16xi1>
        %reduce_or3A_210 = tpu.scan <max>, %reduce_or3A_207 masked %reduce_or3A_209 : vector<16xf32>, vector<16xi1> -> vector<16xf32>
        %reduce_or3A_211 = vector.extract %reduce_or3A_210[15] : f32 from vector<16xf32>
        %reduce_or3A_212 = arith.constant 0.000000e+00 : f32
        %reduce_or3A_213 = arith.cmpf ogt, %reduce_or3A_211, %reduce_or3A_212 : f32
        %convert_element_type3A_214 = arith.extui %reduce_or3A_213 : i1 to i32
        %cond3A_215 = arith.constant 0 : i32
        %cond3A_216 = arith.cmpi ne, %convert_element_type3A_214, %cond3A_215 : i32
        scf.if %cond3A_216 {
          %while3A = arith.constant 0 : i32
          %while3A_261:2 = scf.while (%while3A_262 = %not3A_202, %while3A_263 = %while3A) : (vector<16xi1>, i32) -> (vector<16xi1>, i32) {
            %reduce_or3A_264 = arith.constant 1.000000e+00 : f32
            %reduce_or3A_265 = arith.constant 0.000000e+00 : f32
            %reduce_or3A_266 = vector.broadcast %reduce_or3A_264 : f32 to vector<16xf32>
            %reduce_or3A_267 = vector.broadcast %reduce_or3A_265 : f32 to vector<16xf32>
            %reduce_or3A_268 = arith.select %while3A_262, %reduce_or3A_266, %reduce_or3A_267 : vector<16xi1>, vector<16xf32>
            %reduce_or3A_269 = arith.constant true
            %reduce_or3A_270 = vector.broadcast %reduce_or3A_269 : i1 to vector<16xi1>
            %reduce_or3A_271 = tpu.scan <max>, %reduce_or3A_268 masked %reduce_or3A_270 : vector<16xf32>, vector<16xi1> -> vector<16xf32>
            %reduce_or3A_272 = vector.extract %reduce_or3A_271[15] : f32 from vector<16xf32>
            %reduce_or3A_273 = arith.constant 0.000000e+00 : f32
            %reduce_or3A_274 = arith.cmpf ogt, %reduce_or3A_272, %reduce_or3A_273 : f32
            %lt3A_275 = arith.constant 16 : i32
            %lt3A_276 = arith.cmpi slt, %while3A_263, %lt3A_275 : i32
            %and3A_277 = arith.andi %reduce_or3A_274, %lt3A_276 : i1
            scf.condition(%and3A_277) %while3A_262, %while3A_263 : vector<16xi1>, i32
          } do {
          ^bb0(%while3A_262: vector<16xi1>, %while3A_263: i32):
            tpu.vector_store_idx %arg9[%shift_right_arithmetic3A_186], %iota3A masked %while3A_262 : memref<10000xi32, #tpu.memory_space<vmem>>[vector<16xi32>], vector<16xi32>, vector<16xi1>
            %gather3A_264 = tpu.vector_load_idx %arg9[%shift_right_arithmetic3A_186] : memref<10000xi32, #tpu.memory_space<vmem>>[vector<16xi32>], vector<16xi32>,
            %eq3A_265 = arith.cmpi eq, %gather3A_264, %iota3A : vector<16xi32>
            %and3A_266 = arith.andi %eq3A_265, %while3A_262 : vector<16xi1>
            %gather3A_267 = tpu.vector_load_idx %arg7[%shift_right_arithmetic3A_186] : memref<10000xi32, #tpu.memory_space<vmem>>[vector<16xi32>], vector<16xi32>,
            %bitcast3A_268 = vector.bitcast %gather3A_267 : vector<16xi32> to vector<32xbf16>
            %max3A_269 = arith.maximumf %bitcast3A_268, %bitcast3A_191 : vector<32xbf16>
            %bitcast3A_270 = vector.bitcast %max3A_269 : vector<32xbf16> to vector<16xi32>
            tpu.vector_store_idx %arg7[%shift_right_arithmetic3A_186], %bitcast3A_270 masked %and3A_266 : memref<10000xi32, #tpu.memory_space<vmem>>[vector<16xi32>], vector<16xi32>, vector<16xi1>
            %gather3A_271 = tpu.vector_load_idx %arg8[%shift_right_arithmetic3A_186] : memref<10000xi32, #tpu.memory_space<vmem>>[vector<16xi32>], vector<16xi32>,
            %bitcast3A_272 = vector.bitcast %gather3A_271 : vector<16xi32> to vector<32xbf16>
            %max3A_273 = arith.maximumf %bitcast3A_272, %bitcast3A_197 : vector<32xbf16>
            %bitcast3A_274 = vector.bitcast %max3A_273 : vector<32xbf16> to vector<16xi32>
            tpu.vector_store_idx %arg8[%shift_right_arithmetic3A_186], %bitcast3A_274 masked %and3A_266 : memref<10000xi32, #tpu.memory_space<vmem>>[vector<16xi32>], vector<16xi32>, vector<16xi1>
            %not3A_275 = arith.constant dense<true> : vector<16xi1>
            %not3A_276 = arith.xori %and3A_266, %not3A_275 : vector<16xi1>
            %and3A_277 = arith.andi %while3A_262, %not3A_276 : vector<16xi1>
            %add3A_278 = arith.constant 1 : i32
            %add3A_279 = arith.addi %while3A_263, %add3A_278 : i32
            scf.yield %and3A_277, %add3A_279 : vector<16xi1>, i32
          }
        } else {
        }
        %mul3A_217 = arith.constant 2 : i32
        %mul3A_218 = arith.muli %scan3A_174, %mul3A_217 : i32
        %add3A_219 = arith.constant 1 : i32
        %add3A_220 = arith.addi %mul3A_218, %add3A_219 : i32
        %mul3A_221 = arith.constant 16 : i32
        %mul3A_222 = arith.muli %add3A_220, %mul3A_221 : i32
        %get3A_223 = arith.index_cast %mul3A_222 : i32 to index
        %get3A_224 = tpu.vector_load %arg12[%get3A_223] {strides = array<i32>} : memref<3200xi32, #tpu.memory_space<vmem>>, vector<16xi32>,
        %and3A_225 = arith.constant 16383 : i32
        %and3A_226 = vector.broadcast %and3A_225 : i32 to vector<16xi32>
        %and3A_227 = arith.andi %get3A_224, %and3A_226 : vector<16xi32>
        %shift_right_arithmetic3A_228 = arith.constant 14 : i32
        %shift_right_arithmetic3A_229 = vector.broadcast %shift_right_arithmetic3A_228 : i32 to vector<16xi32>
        %shift_right_arithmetic3A_230 = arith.shrsi %get3A_224, %shift_right_arithmetic3A_229 : vector<16xi32>
        tpu.vector_store_idx %arg10[%shift_right_arithmetic3A_230], %iota3A : memref<10000xi32, #tpu.memory_space<vmem>>[vector<16xi32>], vector<16xi32>,
        %gather3A_231 = tpu.vector_load_idx %arg10[%shift_right_arithmetic3A_230] : memref<10000xi32, #tpu.memory_space<vmem>>[vector<16xi32>], vector<16xi32>,
        %eq3A_232 = arith.cmpi eq, %gather3A_231, %iota3A : vector<16xi32>
        %gather3A_233 = tpu.vector_load_idx %arg5[%and3A_227] : memref<10000xi32, #tpu.memory_space<vmem>>[vector<16xi32>], vector<16xi32>,
        %gather3A_234 = tpu.vector_load_idx %arg7[%shift_right_arithmetic3A_230] : memref<10000xi32, #tpu.memory_space<vmem>>[vector<16xi32>], vector<16xi32>,
        %bitcast3A_235 = vector.bitcast %gather3A_233 : vector<16xi32> to vector<32xbf16>
        %bitcast3A_236 = vector.bitcast %gather3A_234 : vector<16xi32> to vector<32xbf16>
        %max3A_237 = arith.maximumf %bitcast3A_236, %bitcast3A_235 : vector<32xbf16>
        %bitcast3A_238 = vector.bitcast %max3A_237 : vector<32xbf16> to vector<16xi32>
        tpu.vector_store_idx %arg7[%shift_right_arithmetic3A_230], %bitcast3A_238 masked %eq3A_232 : memref<10000xi32, #tpu.memory_space<vmem>>[vector<16xi32>], vector<16xi32>, vector<16xi1>
        %gather3A_239 = tpu.vector_load_idx %arg6[%and3A_227] : memref<10000xi32, #tpu.memory_space<vmem>>[vector<16xi32>], vector<16xi32>,
        %gather3A_240 = tpu.vector_load_idx %arg8[%shift_right_arithmetic3A_230] : memref<10000xi32, #tpu.memory_space<vmem>>[vector<16xi32>], vector<16xi32>,
        %bitcast3A_241 = vector.bitcast %gather3A_239 : vector<16xi32> to vector<32xbf16>
        %bitcast3A_242 = vector.bitcast %gather3A_240 : vector<16xi32> to vector<32xbf16>
        %max3A_243 = arith.maximumf %bitcast3A_242, %bitcast3A_241 : vector<32xbf16>
        %bitcast3A_244 = vector.bitcast %max3A_243 : vector<32xbf16> to vector<16xi32>
        tpu.vector_store_idx %arg8[%shift_right_arithmetic3A_230], %bitcast3A_244 masked %eq3A_232 : memref<10000xi32, #tpu.memory_space<vmem>>[vector<16xi32>], vector<16xi32>, vector<16xi1>
        %not3A_245 = arith.constant dense<true> : vector<16xi1>
        %not3A_246 = arith.xori %eq3A_232, %not3A_245 : vector<16xi1>
        %reduce_or3A_247 = arith.constant 1.000000e+00 : f32
        %reduce_or3A_248 = arith.constant 0.000000e+00 : f32
        %reduce_or3A_249 = vector.broadcast %reduce_or3A_247 : f32 to vector<16xf32>
        %reduce_or3A_250 = vector.broadcast %reduce_or3A_248 : f32 to vector<16xf32>
        %reduce_or3A_251 = arith.select %not3A_246, %reduce_or3A_249, %reduce_or3A_250 : vector<16xi1>, vector<16xf32>
        %reduce_or3A_252 = arith.constant true
        %reduce_or3A_253 = vector.broadcast %reduce_or3A_252 : i1 to vector<16xi1>
        %reduce_or3A_254 = tpu.scan <max>, %reduce_or3A_251 masked %reduce_or3A_253 : vector<16xf32>, vector<16xi1> -> vector<16xf32>
        %reduce_or3A_255 = vector.extract %reduce_or3A_254[15] : f32 from vector<16xf32>
        %reduce_or3A_256 = arith.constant 0.000000e+00 : f32
        %reduce_or3A_257 = arith.cmpf ogt, %reduce_or3A_255, %reduce_or3A_256 : f32
        %convert_element_type3A_258 = arith.extui %reduce_or3A_257 : i1 to i32
        %cond3A_259 = arith.constant 0 : i32
        %cond3A_260 = arith.cmpi ne, %convert_element_type3A_258, %cond3A_259 : i32
        scf.if %cond3A_260 {
          %while3A = arith.constant 0 : i32
          %while3A_261:2 = scf.while (%while3A_262 = %not3A_246, %while3A_263 = %while3A) : (vector<16xi1>, i32) -> (vector<16xi1>, i32) {
            %reduce_or3A_264 = arith.constant 1.000000e+00 : f32
            %reduce_or3A_265 = arith.constant 0.000000e+00 : f32
            %reduce_or3A_266 = vector.broadcast %reduce_or3A_264 : f32 to vector<16xf32>
            %reduce_or3A_267 = vector.broadcast %reduce_or3A_265 : f32 to vector<16xf32>
            %reduce_or3A_268 = arith.select %while3A_262, %reduce_or3A_266, %reduce_or3A_267 : vector<16xi1>, vector<16xf32>
            %reduce_or3A_269 = arith.constant true
            %reduce_or3A_270 = vector.broadcast %reduce_or3A_269 : i1 to vector<16xi1>
            %reduce_or3A_271 = tpu.scan <max>, %reduce_or3A_268 masked %reduce_or3A_270 : vector<16xf32>, vector<16xi1> -> vector<16xf32>
            %reduce_or3A_272 = vector.extract %reduce_or3A_271[15] : f32 from vector<16xf32>
            %reduce_or3A_273 = arith.constant 0.000000e+00 : f32
            %reduce_or3A_274 = arith.cmpf ogt, %reduce_or3A_272, %reduce_or3A_273 : f32
            %lt3A_275 = arith.constant 16 : i32
            %lt3A_276 = arith.cmpi slt, %while3A_263, %lt3A_275 : i32
            %and3A_277 = arith.andi %reduce_or3A_274, %lt3A_276 : i1
            scf.condition(%and3A_277) %while3A_262, %while3A_263 : vector<16xi1>, i32
          } do {
          ^bb0(%while3A_262: vector<16xi1>, %while3A_263: i32):
            tpu.vector_store_idx %arg10[%shift_right_arithmetic3A_230], %iota3A masked %while3A_262 : memref<10000xi32, #tpu.memory_space<vmem>>[vector<16xi32>], vector<16xi32>, vector<16xi1>
            %gather3A_264 = tpu.vector_load_idx %arg10[%shift_right_arithmetic3A_230] : memref<10000xi32, #tpu.memory_space<vmem>>[vector<16xi32>], vector<16xi32>,
            %eq3A_265 = arith.cmpi eq, %gather3A_264, %iota3A : vector<16xi32>
            %and3A_266 = arith.andi %eq3A_265, %while3A_262 : vector<16xi1>
            %gather3A_267 = tpu.vector_load_idx %arg7[%shift_right_arithmetic3A_230] : memref<10000xi32, #tpu.memory_space<vmem>>[vector<16xi32>], vector<16xi32>,
            %bitcast3A_268 = vector.bitcast %gather3A_267 : vector<16xi32> to vector<32xbf16>
            %max3A_269 = arith.maximumf %bitcast3A_268, %bitcast3A_235 : vector<32xbf16>
            %bitcast3A_270 = vector.bitcast %max3A_269 : vector<32xbf16> to vector<16xi32>
            tpu.vector_store_idx %arg7[%shift_right_arithmetic3A_230], %bitcast3A_270 masked %and3A_266 : memref<10000xi32, #tpu.memory_space<vmem>>[vector<16xi32>], vector<16xi32>, vector<16xi1>
            %gather3A_271 = tpu.vector_load_idx %arg8[%shift_right_arithmetic3A_230] : memref<10000xi32, #tpu.memory_space<vmem>>[vector<16xi32>], vector<16xi32>,
            %bitcast3A_272 = vector.bitcast %gather3A_271 : vector<16xi32> to vector<32xbf16>
            %max3A_273 = arith.maximumf %bitcast3A_272, %bitcast3A_241 : vector<32xbf16>
            %bitcast3A_274 = vector.bitcast %max3A_273 : vector<32xbf16> to vector<16xi32>
            tpu.vector_store_idx %arg8[%shift_right_arithmetic3A_230], %bitcast3A_274 masked %and3A_266 : memref<10000xi32, #tpu.memory_space<vmem>>[vector<16xi32>], vector<16xi32>, vector<16xi1>
            %not3A_275 = arith.constant dense<true> : vector<16xi1>
            %not3A_276 = arith.xori %and3A_266, %not3A_275 : vector<16xi1>
            %and3A_277 = arith.andi %while3A_262, %not3A_276 : vector<16xi1>
            %add3A_278 = arith.constant 1 : i32
            %add3A_279 = arith.addi %while3A_263, %add3A_278 : i32
            scf.yield %and3A_277, %add3A_279 : vector<16xi1>, i32
          }
        } else {
        }
      }
      %scan3A_92 = arith.constant 100 : i32
    }
    %scan3A_25 = arith.constant 50 : i32
    %scan3A_26 = arith.constant 0 : i32
    %scan3A_27 = arith.constant 0 : i32
    %scan3A_28 = arith.constant 624 : i32
    %scan3A_29 = arith.addi %scan3A_27, %scan3A_28 : i32
    %scan3A_30 = arith.constant 8 : i32
    scf.for %scan3A_60 = %scan3A_27 to %scan3A_29 step %scan3A_30  : i32 {
      %mul3A_61 = arith.constant 16 : i32
      %mul3A_62 = arith.muli %scan3A_60, %mul3A_61 : i32
      %get3A_63 = arith.index_cast %mul3A_62 : i32 to index
      %get3A_64 = tpu.vector_load %arg7[%get3A_63] {strides = array<i32>} : memref<10000xi32, #tpu.memory_space<vmem>>, vector<16xi32>,
      %bitcast3A_65 = vector.bitcast %get3A_64 : vector<16xi32> to vector<32xbf16>
      %get3A_66 = arith.index_cast %mul3A_62 : i32 to index
      %get3A_67 = tpu.vector_load %arg5[%get3A_66] {strides = array<i32>} : memref<10000xi32, #tpu.memory_space<vmem>>, vector<16xi32>,
      %bitcast3A_68 = vector.bitcast %get3A_67 : vector<16xi32> to vector<32xbf16>
      %lt3A_69 = arith.constant 0.000000e+00 : bf16
      %lt3A_70 = vector.broadcast %lt3A_69 : bf16 to vector<32xbf16>
      %lt3A_71 = arith.cmpf olt, %bitcast3A_65, %lt3A_70 : vector<32xbf16>
      %select_n3A_72 = arith.select %lt3A_71, %bitcast3A_68, %bitcast3A_65 : vector<32xi1>, vector<32xbf16>
      %bitcast3A_73 = vector.bitcast %select_n3A_72 : vector<32xbf16> to vector<16xi32>
      %swap3A_74 = arith.index_cast %mul3A_62 : i32 to index
      %swap3A_75 = tpu.vector_load %arg7[%swap3A_74] {strides = array<i32>} : memref<10000xi32, #tpu.memory_space<vmem>>, vector<16xi32>,
      tpu.vector_store %arg7[%swap3A_74], %bitcast3A_73 {strides = array<i32>} : memref<10000xi32, #tpu.memory_space<vmem>>, vector<16xi32>,
      %get3A_76 = arith.index_cast %mul3A_62 : i32 to index
      %get3A_77 = tpu.vector_load %arg8[%get3A_76] {strides = array<i32>} : memref<10000xi32, #tpu.memory_space<vmem>>, vector<16xi32>,
      %bitcast3A_78 = vector.bitcast %get3A_77 : vector<16xi32> to vector<32xbf16>
      %get3A_79 = arith.index_cast %mul3A_62 : i32 to index
      %get3A_80 = tpu.vector_load %arg6[%get3A_79] {strides = array<i32>} : memref<10000xi32, #tpu.memory_space<vmem>>, vector<16xi32>,
      %bitcast3A_81 = vector.bitcast %get3A_80 : vector<16xi32> to vector<32xbf16>
      %lt3A_82 = arith.constant 0.000000e+00 : bf16
      %lt3A_83 = vector.broadcast %lt3A_82 : bf16 to vector<32xbf16>
      %lt3A_84 = arith.cmpf olt, %bitcast3A_78, %lt3A_83 : vector<32xbf16>
      %select_n3A_85 = arith.select %lt3A_84, %bitcast3A_81, %bitcast3A_78 : vector<32xi1>, vector<32xbf16>
      %bitcast3A_86 = vector.bitcast %select_n3A_85 : vector<32xbf16> to vector<16xi32>
      %swap3A_87 = arith.index_cast %mul3A_62 : i32 to index
      %swap3A_88 = tpu.vector_load %arg8[%swap3A_87] {strides = array<i32>} : memref<10000xi32, #tpu.memory_space<vmem>>, vector<16xi32>,
      tpu.vector_store %arg8[%swap3A_87], %bitcast3A_86 {strides = array<i32>} : memref<10000xi32, #tpu.memory_space<vmem>>, vector<16xi32>,
      %scan3A_89 = arith.constant 1 : i32
      %scan3A_90 = arith.addi %scan3A_60, %scan3A_89 : i32
      %mul3A_91 = arith.constant 16 : i32
      %mul3A_92 = arith.muli %scan3A_90, %mul3A_91 : i32
      %get3A_93 = arith.index_cast %mul3A_92 : i32 to index
      %get3A_94 = tpu.vector_load %arg7[%get3A_93] {strides = array<i32>} : memref<10000xi32, #tpu.memory_space<vmem>>, vector<16xi32>,
      %bitcast3A_95 = vector.bitcast %get3A_94 : vector<16xi32> to vector<32xbf16>
      %get3A_96 = arith.index_cast %mul3A_92 : i32 to index
      %get3A_97 = tpu.vector_load %arg5[%get3A_96] {strides = array<i32>} : memref<10000xi32, #tpu.memory_space<vmem>>, vector<16xi32>,
      %bitcast3A_98 = vector.bitcast %get3A_97 : vector<16xi32> to vector<32xbf16>
      %lt3A_99 = arith.constant 0.000000e+00 : bf16
      %lt3A_100 = vector.broadcast %lt3A_99 : bf16 to vector<32xbf16>
      %lt3A_101 = arith.cmpf olt, %bitcast3A_95, %lt3A_100 : vector<32xbf16>
      %select_n3A_102 = arith.select %lt3A_101, %bitcast3A_98, %bitcast3A_95 : vector<32xi1>, vector<32xbf16>
      %bitcast3A_103 = vector.bitcast %select_n3A_102 : vector<32xbf16> to vector<16xi32>
      %swap3A_104 = arith.index_cast %mul3A_92 : i32 to index
      %swap3A_105 = tpu.vector_load %arg7[%swap3A_104] {strides = array<i32>} : memref<10000xi32, #tpu.memory_space<vmem>>, vector<16xi32>,
      tpu.vector_store %arg7[%swap3A_104], %bitcast3A_103 {strides = array<i32>} : memref<10000xi32, #tpu.memory_space<vmem>>, vector<16xi32>,
      %get3A_106 = arith.index_cast %mul3A_92 : i32 to index
      %get3A_107 = tpu.vector_load %arg8[%get3A_106] {strides = array<i32>} : memref<10000xi32, #tpu.memory_space<vmem>>, vector<16xi32>,
      %bitcast3A_108 = vector.bitcast %get3A_107 : vector<16xi32> to vector<32xbf16>
      %get3A_109 = arith.index_cast %mul3A_92 : i32 to index
      %get3A_110 = tpu.vector_load %arg6[%get3A_109] {strides = array<i32>} : memref<10000xi32, #tpu.memory_space<vmem>>, vector<16xi32>,
      %bitcast3A_111 = vector.bitcast %get3A_110 : vector<16xi32> to vector<32xbf16>
      %lt3A_112 = arith.constant 0.000000e+00 : bf16
      %lt3A_113 = vector.broadcast %lt3A_112 : bf16 to vector<32xbf16>
      %lt3A_114 = arith.cmpf olt, %bitcast3A_108, %lt3A_113 : vector<32xbf16>
      %select_n3A_115 = arith.select %lt3A_114, %bitcast3A_111, %bitcast3A_108 : vector<32xi1>, vector<32xbf16>
      %bitcast3A_116 = vector.bitcast %select_n3A_115 : vector<32xbf16> to vector<16xi32>
      %swap3A_117 = arith.index_cast %mul3A_92 : i32 to index
      %swap3A_118 = tpu.vector_load %arg8[%swap3A_117] {strides = array<i32>} : memref<10000xi32, #tpu.memory_space<vmem>>, vector<16xi32>,
      tpu.vector_store %arg8[%swap3A_117], %bitcast3A_116 {strides = array<i32>} : memref<10000xi32, #tpu.memory_space<vmem>>, vector<16xi32>,
      %scan3A_119 = arith.constant 2 : i32
      %scan3A_120 = arith.addi %scan3A_60, %scan3A_119 : i32
      %mul3A_121 = arith.constant 16 : i32
      %mul3A_122 = arith.muli %scan3A_120, %mul3A_121 : i32
      %get3A_123 = arith.index_cast %mul3A_122 : i32 to index
      %get3A_124 = tpu.vector_load %arg7[%get3A_123] {strides = array<i32>} : memref<10000xi32, #tpu.memory_space<vmem>>, vector<16xi32>,
      %bitcast3A_125 = vector.bitcast %get3A_124 : vector<16xi32> to vector<32xbf16>
      %get3A_126 = arith.index_cast %mul3A_122 : i32 to index
      %get3A_127 = tpu.vector_load %arg5[%get3A_126] {strides = array<i32>} : memref<10000xi32, #tpu.memory_space<vmem>>, vector<16xi32>,
      %bitcast3A_128 = vector.bitcast %get3A_127 : vector<16xi32> to vector<32xbf16>
      %lt3A_129 = arith.constant 0.000000e+00 : bf16
      %lt3A_130 = vector.broadcast %lt3A_129 : bf16 to vector<32xbf16>
      %lt3A_131 = arith.cmpf olt, %bitcast3A_125, %lt3A_130 : vector<32xbf16>
      %select_n3A_132 = arith.select %lt3A_131, %bitcast3A_128, %bitcast3A_125 : vector<32xi1>, vector<32xbf16>
      %bitcast3A_133 = vector.bitcast %select_n3A_132 : vector<32xbf16> to vector<16xi32>
      %swap3A_134 = arith.index_cast %mul3A_122 : i32 to index
      %swap3A_135 = tpu.vector_load %arg7[%swap3A_134] {strides = array<i32>} : memref<10000xi32, #tpu.memory_space<vmem>>, vector<16xi32>,
      tpu.vector_store %arg7[%swap3A_134], %bitcast3A_133 {strides = array<i32>} : memref<10000xi32, #tpu.memory_space<vmem>>, vector<16xi32>,
      %get3A_136 = arith.index_cast %mul3A_122 : i32 to index
      %get3A_137 = tpu.vector_load %arg8[%get3A_136] {strides = array<i32>} : memref<10000xi32, #tpu.memory_space<vmem>>, vector<16xi32>,
      %bitcast3A_138 = vector.bitcast %get3A_137 : vector<16xi32> to vector<32xbf16>
      %get3A_139 = arith.index_cast %mul3A_122 : i32 to index
      %get3A_140 = tpu.vector_load %arg6[%get3A_139] {strides = array<i32>} : memref<10000xi32, #tpu.memory_space<vmem>>, vector<16xi32>,
      %bitcast3A_141 = vector.bitcast %get3A_140 : vector<16xi32> to vector<32xbf16>
      %lt3A_142 = arith.constant 0.000000e+00 : bf16
      %lt3A_143 = vector.broadcast %lt3A_142 : bf16 to vector<32xbf16>
      %lt3A_144 = arith.cmpf olt, %bitcast3A_138, %lt3A_143 : vector<32xbf16>
      %select_n3A_145 = arith.select %lt3A_144, %bitcast3A_141, %bitcast3A_138 : vector<32xi1>, vector<32xbf16>
      %bitcast3A_146 = vector.bitcast %select_n3A_145 : vector<32xbf16> to vector<16xi32>
      %swap3A_147 = arith.index_cast %mul3A_122 : i32 to index
      %swap3A_148 = tpu.vector_load %arg8[%swap3A_147] {strides = array<i32>} : memref<10000xi32, #tpu.memory_space<vmem>>, vector<16xi32>,
      tpu.vector_store %arg8[%swap3A_147], %bitcast3A_146 {strides = array<i32>} : memref<10000xi32, #tpu.memory_space<vmem>>, vector<16xi32>,
      %scan3A_149 = arith.constant 3 : i32
      %scan3A_150 = arith.addi %scan3A_60, %scan3A_149 : i32
      %mul3A_151 = arith.constant 16 : i32
      %mul3A_152 = arith.muli %scan3A_150, %mul3A_151 : i32
      %get3A_153 = arith.index_cast %mul3A_152 : i32 to index
      %get3A_154 = tpu.vector_load %arg7[%get3A_153] {strides = array<i32>} : memref<10000xi32, #tpu.memory_space<vmem>>, vector<16xi32>,
      %bitcast3A_155 = vector.bitcast %get3A_154 : vector<16xi32> to vector<32xbf16>
      %get3A_156 = arith.index_cast %mul3A_152 : i32 to index
      %get3A_157 = tpu.vector_load %arg5[%get3A_156] {strides = array<i32>} : memref<10000xi32, #tpu.memory_space<vmem>>, vector<16xi32>,
      %bitcast3A_158 = vector.bitcast %get3A_157 : vector<16xi32> to vector<32xbf16>
      %lt3A_159 = arith.constant 0.000000e+00 : bf16
      %lt3A_160 = vector.broadcast %lt3A_159 : bf16 to vector<32xbf16>
      %lt3A_161 = arith.cmpf olt, %bitcast3A_155, %lt3A_160 : vector<32xbf16>
      %select_n3A_162 = arith.select %lt3A_161, %bitcast3A_158, %bitcast3A_155 : vector<32xi1>, vector<32xbf16>
      %bitcast3A_163 = vector.bitcast %select_n3A_162 : vector<32xbf16> to vector<16xi32>
      %swap3A_164 = arith.index_cast %mul3A_152 : i32 to index
      %swap3A_165 = tpu.vector_load %arg7[%swap3A_164] {strides = array<i32>} : memref<10000xi32, #tpu.memory_space<vmem>>, vector<16xi32>,
      tpu.vector_store %arg7[%swap3A_164], %bitcast3A_163 {strides = array<i32>} : memref<10000xi32, #tpu.memory_space<vmem>>, vector<16xi32>,
      %get3A_166 = arith.index_cast %mul3A_152 : i32 to index
      %get3A_167 = tpu.vector_load %arg8[%get3A_166] {strides = array<i32>} : memref<10000xi32, #tpu.memory_space<vmem>>, vector<16xi32>,
      %bitcast3A_168 = vector.bitcast %get3A_167 : vector<16xi32> to vector<32xbf16>
      %get3A_169 = arith.index_cast %mul3A_152 : i32 to index
      %get3A_170 = tpu.vector_load %arg6[%get3A_169] {strides = array<i32>} : memref<10000xi32, #tpu.memory_space<vmem>>, vector<16xi32>,
      %bitcast3A_171 = vector.bitcast %get3A_170 : vector<16xi32> to vector<32xbf16>
      %lt3A_172 = arith.constant 0.000000e+00 : bf16
      %lt3A_173 = vector.broadcast %lt3A_172 : bf16 to vector<32xbf16>
      %lt3A_174 = arith.cmpf olt, %bitcast3A_168, %lt3A_173 : vector<32xbf16>
      %select_n3A_175 = arith.select %lt3A_174, %bitcast3A_171, %bitcast3A_168 : vector<32xi1>, vector<32xbf16>
      %bitcast3A_176 = vector.bitcast %select_n3A_175 : vector<32xbf16> to vector<16xi32>
      %swap3A_177 = arith.index_cast %mul3A_152 : i32 to index
      %swap3A_178 = tpu.vector_load %arg8[%swap3A_177] {strides = array<i32>} : memref<10000xi32, #tpu.memory_space<vmem>>, vector<16xi32>,
      tpu.vector_store %arg8[%swap3A_177], %bitcast3A_176 {strides = array<i32>} : memref<10000xi32, #tpu.memory_space<vmem>>, vector<16xi32>,
      %scan3A_179 = arith.constant 4 : i32
      %scan3A_180 = arith.addi %scan3A_60, %scan3A_179 : i32
      %mul3A_181 = arith.constant 16 : i32
      %mul3A_182 = arith.muli %scan3A_180, %mul3A_181 : i32
      %get3A_183 = arith.index_cast %mul3A_182 : i32 to index
      %get3A_184 = tpu.vector_load %arg7[%get3A_183] {strides = array<i32>} : memref<10000xi32, #tpu.memory_space<vmem>>, vector<16xi32>,
      %bitcast3A_185 = vector.bitcast %get3A_184 : vector<16xi32> to vector<32xbf16>
      %get3A_186 = arith.index_cast %mul3A_182 : i32 to index
      %get3A_187 = tpu.vector_load %arg5[%get3A_186] {strides = array<i32>} : memref<10000xi32, #tpu.memory_space<vmem>>, vector<16xi32>,
      %bitcast3A_188 = vector.bitcast %get3A_187 : vector<16xi32> to vector<32xbf16>
      %lt3A_189 = arith.constant 0.000000e+00 : bf16
      %lt3A_190 = vector.broadcast %lt3A_189 : bf16 to vector<32xbf16>
      %lt3A_191 = arith.cmpf olt, %bitcast3A_185, %lt3A_190 : vector<32xbf16>
      %select_n3A_192 = arith.select %lt3A_191, %bitcast3A_188, %bitcast3A_185 : vector<32xi1>, vector<32xbf16>
      %bitcast3A_193 = vector.bitcast %select_n3A_192 : vector<32xbf16> to vector<16xi32>
      %swap3A_194 = arith.index_cast %mul3A_182 : i32 to index
      %swap3A_195 = tpu.vector_load %arg7[%swap3A_194] {strides = array<i32>} : memref<10000xi32, #tpu.memory_space<vmem>>, vector<16xi32>,
      tpu.vector_store %arg7[%swap3A_194], %bitcast3A_193 {strides = array<i32>} : memref<10000xi32, #tpu.memory_space<vmem>>, vector<16xi32>,
      %get3A_196 = arith.index_cast %mul3A_182 : i32 to index
      %get3A_197 = tpu.vector_load %arg8[%get3A_196] {strides = array<i32>} : memref<10000xi32, #tpu.memory_space<vmem>>, vector<16xi32>,
      %bitcast3A_198 = vector.bitcast %get3A_197 : vector<16xi32> to vector<32xbf16>
      %get3A_199 = arith.index_cast %mul3A_182 : i32 to index
      %get3A_200 = tpu.vector_load %arg6[%get3A_199] {strides = array<i32>} : memref<10000xi32, #tpu.memory_space<vmem>>, vector<16xi32>,
      %bitcast3A_201 = vector.bitcast %get3A_200 : vector<16xi32> to vector<32xbf16>
      %lt3A_202 = arith.constant 0.000000e+00 : bf16
      %lt3A_203 = vector.broadcast %lt3A_202 : bf16 to vector<32xbf16>
      %lt3A_204 = arith.cmpf olt, %bitcast3A_198, %lt3A_203 : vector<32xbf16>
      %select_n3A_205 = arith.select %lt3A_204, %bitcast3A_201, %bitcast3A_198 : vector<32xi1>, vector<32xbf16>
      %bitcast3A_206 = vector.bitcast %select_n3A_205 : vector<32xbf16> to vector<16xi32>
      %swap3A_207 = arith.index_cast %mul3A_182 : i32 to index
      %swap3A_208 = tpu.vector_load %arg8[%swap3A_207] {strides = array<i32>} : memref<10000xi32, #tpu.memory_space<vmem>>, vector<16xi32>,
      tpu.vector_store %arg8[%swap3A_207], %bitcast3A_206 {strides = array<i32>} : memref<10000xi32, #tpu.memory_space<vmem>>, vector<16xi32>,
      %scan3A_209 = arith.constant 5 : i32
      %scan3A_210 = arith.addi %scan3A_60, %scan3A_209 : i32
      %mul3A_211 = arith.constant 16 : i32
      %mul3A_212 = arith.muli %scan3A_210, %mul3A_211 : i32
      %get3A_213 = arith.index_cast %mul3A_212 : i32 to index
      %get3A_214 = tpu.vector_load %arg7[%get3A_213] {strides = array<i32>} : memref<10000xi32, #tpu.memory_space<vmem>>, vector<16xi32>,
      %bitcast3A_215 = vector.bitcast %get3A_214 : vector<16xi32> to vector<32xbf16>
      %get3A_216 = arith.index_cast %mul3A_212 : i32 to index
      %get3A_217 = tpu.vector_load %arg5[%get3A_216] {strides = array<i32>} : memref<10000xi32, #tpu.memory_space<vmem>>, vector<16xi32>,
      %bitcast3A_218 = vector.bitcast %get3A_217 : vector<16xi32> to vector<32xbf16>
      %lt3A_219 = arith.constant 0.000000e+00 : bf16
      %lt3A_220 = vector.broadcast %lt3A_219 : bf16 to vector<32xbf16>
      %lt3A_221 = arith.cmpf olt, %bitcast3A_215, %lt3A_220 : vector<32xbf16>
      %select_n3A_222 = arith.select %lt3A_221, %bitcast3A_218, %bitcast3A_215 : vector<32xi1>, vector<32xbf16>
      %bitcast3A_223 = vector.bitcast %select_n3A_222 : vector<32xbf16> to vector<16xi32>
      %swap3A_224 = arith.index_cast %mul3A_212 : i32 to index
      %swap3A_225 = tpu.vector_load %arg7[%swap3A_224] {strides = array<i32>} : memref<10000xi32, #tpu.memory_space<vmem>>, vector<16xi32>,
      tpu.vector_store %arg7[%swap3A_224], %bitcast3A_223 {strides = array<i32>} : memref<10000xi32, #tpu.memory_space<vmem>>, vector<16xi32>,
      %get3A_226 = arith.index_cast %mul3A_212 : i32 to index
      %get3A_227 = tpu.vector_load %arg8[%get3A_226] {strides = array<i32>} : memref<10000xi32, #tpu.memory_space<vmem>>, vector<16xi32>,
      %bitcast3A_228 = vector.bitcast %get3A_227 : vector<16xi32> to vector<32xbf16>
      %get3A_229 = arith.index_cast %mul3A_212 : i32 to index
      %get3A_230 = tpu.vector_load %arg6[%get3A_229] {strides = array<i32>} : memref<10000xi32, #tpu.memory_space<vmem>>, vector<16xi32>,
      %bitcast3A_231 = vector.bitcast %get3A_230 : vector<16xi32> to vector<32xbf16>
      %lt3A_232 = arith.constant 0.000000e+00 : bf16
      %lt3A_233 = vector.broadcast %lt3A_232 : bf16 to vector<32xbf16>
      %lt3A_234 = arith.cmpf olt, %bitcast3A_228, %lt3A_233 : vector<32xbf16>
      %select_n3A_235 = arith.select %lt3A_234, %bitcast3A_231, %bitcast3A_228 : vector<32xi1>, vector<32xbf16>
      %bitcast3A_236 = vector.bitcast %select_n3A_235 : vector<32xbf16> to vector<16xi32>
      %swap3A_237 = arith.index_cast %mul3A_212 : i32 to index
      %swap3A_238 = tpu.vector_load %arg8[%swap3A_237] {strides = array<i32>} : memref<10000xi32, #tpu.memory_space<vmem>>, vector<16xi32>,
      tpu.vector_store %arg8[%swap3A_237], %bitcast3A_236 {strides = array<i32>} : memref<10000xi32, #tpu.memory_space<vmem>>, vector<16xi32>,
      %scan3A_239 = arith.constant 6 : i32
      %scan3A_240 = arith.addi %scan3A_60, %scan3A_239 : i32
      %mul3A_241 = arith.constant 16 : i32
      %mul3A_242 = arith.muli %scan3A_240, %mul3A_241 : i32
      %get3A_243 = arith.index_cast %mul3A_242 : i32 to index
      %get3A_244 = tpu.vector_load %arg7[%get3A_243] {strides = array<i32>} : memref<10000xi32, #tpu.memory_space<vmem>>, vector<16xi32>,
      %bitcast3A_245 = vector.bitcast %get3A_244 : vector<16xi32> to vector<32xbf16>
      %get3A_246 = arith.index_cast %mul3A_242 : i32 to index
      %get3A_247 = tpu.vector_load %arg5[%get3A_246] {strides = array<i32>} : memref<10000xi32, #tpu.memory_space<vmem>>, vector<16xi32>,
      %bitcast3A_248 = vector.bitcast %get3A_247 : vector<16xi32> to vector<32xbf16>
      %lt3A_249 = arith.constant 0.000000e+00 : bf16
      %lt3A_250 = vector.broadcast %lt3A_249 : bf16 to vector<32xbf16>
      %lt3A_251 = arith.cmpf olt, %bitcast3A_245, %lt3A_250 : vector<32xbf16>
      %select_n3A_252 = arith.select %lt3A_251, %bitcast3A_248, %bitcast3A_245 : vector<32xi1>, vector<32xbf16>
      %bitcast3A_253 = vector.bitcast %select_n3A_252 : vector<32xbf16> to vector<16xi32>
      %swap3A_254 = arith.index_cast %mul3A_242 : i32 to index
      %swap3A_255 = tpu.vector_load %arg7[%swap3A_254] {strides = array<i32>} : memref<10000xi32, #tpu.memory_space<vmem>>, vector<16xi32>,
      tpu.vector_store %arg7[%swap3A_254], %bitcast3A_253 {strides = array<i32>} : memref<10000xi32, #tpu.memory_space<vmem>>, vector<16xi32>,
      %get3A_256 = arith.index_cast %mul3A_242 : i32 to index
      %get3A_257 = tpu.vector_load %arg8[%get3A_256] {strides = array<i32>} : memref<10000xi32, #tpu.memory_space<vmem>>, vector<16xi32>,
      %bitcast3A_258 = vector.bitcast %get3A_257 : vector<16xi32> to vector<32xbf16>
      %get3A_259 = arith.index_cast %mul3A_242 : i32 to index
      %get3A_260 = tpu.vector_load %arg6[%get3A_259] {strides = array<i32>} : memref<10000xi32, #tpu.memory_space<vmem>>, vector<16xi32>,
      %bitcast3A_261 = vector.bitcast %get3A_260 : vector<16xi32> to vector<32xbf16>
      %lt3A_262 = arith.constant 0.000000e+00 : bf16
      %lt3A_263 = vector.broadcast %lt3A_262 : bf16 to vector<32xbf16>
      %lt3A_264 = arith.cmpf olt, %bitcast3A_258, %lt3A_263 : vector<32xbf16>
      %select_n3A_265 = arith.select %lt3A_264, %bitcast3A_261, %bitcast3A_258 : vector<32xi1>, vector<32xbf16>
      %bitcast3A_266 = vector.bitcast %select_n3A_265 : vector<32xbf16> to vector<16xi32>
      %swap3A_267 = arith.index_cast %mul3A_242 : i32 to index
      %swap3A_268 = tpu.vector_load %arg8[%swap3A_267] {strides = array<i32>} : memref<10000xi32, #tpu.memory_space<vmem>>, vector<16xi32>,
      tpu.vector_store %arg8[%swap3A_267], %bitcast3A_266 {strides = array<i32>} : memref<10000xi32, #tpu.memory_space<vmem>>, vector<16xi32>,
      %scan3A_269 = arith.constant 7 : i32
      %scan3A_270 = arith.addi %scan3A_60, %scan3A_269 : i32
      %mul3A_271 = arith.constant 16 : i32
      %mul3A_272 = arith.muli %scan3A_270, %mul3A_271 : i32
      %get3A_273 = arith.index_cast %mul3A_272 : i32 to index
      %get3A_274 = tpu.vector_load %arg7[%get3A_273] {strides = array<i32>} : memref<10000xi32, #tpu.memory_space<vmem>>, vector<16xi32>,
      %bitcast3A_275 = vector.bitcast %get3A_274 : vector<16xi32> to vector<32xbf16>
      %get3A_276 = arith.index_cast %mul3A_272 : i32 to index
      %get3A_277 = tpu.vector_load %arg5[%get3A_276] {strides = array<i32>} : memref<10000xi32, #tpu.memory_space<vmem>>, vector<16xi32>,
      %bitcast3A_278 = vector.bitcast %get3A_277 : vector<16xi32> to vector<32xbf16>
      %lt3A_279 = arith.constant 0.000000e+00 : bf16
      %lt3A_280 = vector.broadcast %lt3A_279 : bf16 to vector<32xbf16>
      %lt3A_281 = arith.cmpf olt, %bitcast3A_275, %lt3A_280 : vector<32xbf16>
      %select_n3A_282 = arith.select %lt3A_281, %bitcast3A_278, %bitcast3A_275 : vector<32xi1>, vector<32xbf16>
      %bitcast3A_283 = vector.bitcast %select_n3A_282 : vector<32xbf16> to vector<16xi32>
      %swap3A_284 = arith.index_cast %mul3A_272 : i32 to index
      %swap3A_285 = tpu.vector_load %arg7[%swap3A_284] {strides = array<i32>} : memref<10000xi32, #tpu.memory_space<vmem>>, vector<16xi32>,
      tpu.vector_store %arg7[%swap3A_284], %bitcast3A_283 {strides = array<i32>} : memref<10000xi32, #tpu.memory_space<vmem>>, vector<16xi32>,
      %get3A_286 = arith.index_cast %mul3A_272 : i32 to index
      %get3A_287 = tpu.vector_load %arg8[%get3A_286] {strides = array<i32>} : memref<10000xi32, #tpu.memory_space<vmem>>, vector<16xi32>,
      %bitcast3A_288 = vector.bitcast %get3A_287 : vector<16xi32> to vector<32xbf16>
      %get3A_289 = arith.index_cast %mul3A_272 : i32 to index
      %get3A_290 = tpu.vector_load %arg6[%get3A_289] {strides = array<i32>} : memref<10000xi32, #tpu.memory_space<vmem>>, vector<16xi32>,
      %bitcast3A_291 = vector.bitcast %get3A_290 : vector<16xi32> to vector<32xbf16>
      %lt3A_292 = arith.constant 0.000000e+00 : bf16
      %lt3A_293 = vector.broadcast %lt3A_292 : bf16 to vector<32xbf16>
      %lt3A_294 = arith.cmpf olt, %bitcast3A_288, %lt3A_293 : vector<32xbf16>
      %select_n3A_295 = arith.select %lt3A_294, %bitcast3A_291, %bitcast3A_288 : vector<32xi1>, vector<32xbf16>
      %bitcast3A_296 = vector.bitcast %select_n3A_295 : vector<32xbf16> to vector<16xi32>
      %swap3A_297 = arith.index_cast %mul3A_272 : i32 to index
      %swap3A_298 = tpu.vector_load %arg8[%swap3A_297] {strides = array<i32>} : memref<10000xi32, #tpu.memory_space<vmem>>, vector<16xi32>,
      tpu.vector_store %arg8[%swap3A_297], %bitcast3A_296 {strides = array<i32>} : memref<10000xi32, #tpu.memory_space<vmem>>, vector<16xi32>,
    }
    %scan3A_31 = arith.constant 624 : i32
    %scan3A_32 = arith.addi %scan3A_27, %scan3A_31 : i32
    %mul3A_33 = arith.constant 16 : i32
    %mul3A_34 = arith.muli %scan3A_32, %mul3A_33 : i32
    %get3A = arith.index_cast %mul3A_34 : i32 to index
    %get3A_35 = tpu.vector_load %arg7[%get3A] {strides = array<i32>} : memref<10000xi32, #tpu.memory_space<vmem>>, vector<16xi32>,
    %bitcast3A = vector.bitcast %get3A_35 : vector<16xi32> to vector<32xbf16>
    %get3A_36 = arith.index_cast %mul3A_34 : i32 to index
    %get3A_37 = tpu.vector_load %arg5[%get3A_36] {strides = array<i32>} : memref<10000xi32, #tpu.memory_space<vmem>>, vector<16xi32>,
    %bitcast3A_38 = vector.bitcast %get3A_37 : vector<16xi32> to vector<32xbf16>
    %lt3A = arith.constant 0.000000e+00 : bf16
    %lt3A_39 = vector.broadcast %lt3A : bf16 to vector<32xbf16>
    %lt3A_40 = arith.cmpf olt, %bitcast3A, %lt3A_39 : vector<32xbf16>
    %select_n3A = arith.select %lt3A_40, %bitcast3A_38, %bitcast3A : vector<32xi1>, vector<32xbf16>
    %bitcast3A_41 = vector.bitcast %select_n3A : vector<32xbf16> to vector<16xi32>
    %swap3A_42 = arith.index_cast %mul3A_34 : i32 to index
    %swap3A_43 = tpu.vector_load %arg7[%swap3A_42] {strides = array<i32>} : memref<10000xi32, #tpu.memory_space<vmem>>, vector<16xi32>,
    tpu.vector_store %arg7[%swap3A_42], %bitcast3A_41 {strides = array<i32>} : memref<10000xi32, #tpu.memory_space<vmem>>, vector<16xi32>,
    %get3A_44 = arith.index_cast %mul3A_34 : i32 to index
    %get3A_45 = tpu.vector_load %arg8[%get3A_44] {strides = array<i32>} : memref<10000xi32, #tpu.memory_space<vmem>>, vector<16xi32>,
    %bitcast3A_46 = vector.bitcast %get3A_45 : vector<16xi32> to vector<32xbf16>
    %get3A_47 = arith.index_cast %mul3A_34 : i32 to index
    %get3A_48 = tpu.vector_load %arg6[%get3A_47] {strides = array<i32>} : memref<10000xi32, #tpu.memory_space<vmem>>, vector<16xi32>,
    %bitcast3A_49 = vector.bitcast %get3A_48 : vector<16xi32> to vector<32xbf16>
    %lt3A_50 = arith.constant 0.000000e+00 : bf16
    %lt3A_51 = vector.broadcast %lt3A_50 : bf16 to vector<32xbf16>
    %lt3A_52 = arith.cmpf olt, %bitcast3A_46, %lt3A_51 : vector<32xbf16>
    %select_n3A_53 = arith.select %lt3A_52, %bitcast3A_49, %bitcast3A_46 : vector<32xi1>, vector<32xbf16>
    %bitcast3A_54 = vector.bitcast %select_n3A_53 : vector<32xbf16> to vector<16xi32>
    %swap3A_55 = arith.index_cast %mul3A_34 : i32 to index
    %swap3A_56 = tpu.vector_load %arg8[%swap3A_55] {strides = array<i32>} : memref<10000xi32, #tpu.memory_space<vmem>>, vector<16xi32>,
    tpu.vector_store %arg8[%swap3A_55], %bitcast3A_54 {strides = array<i32>} : memref<10000xi32, #tpu.memory_space<vmem>>, vector<16xi32>,
    %scan3A_57 = arith.constant 625 : i32
    %run_scoped3A_58 = arith.constant 0 : i32
    "tpu.region"() ({
      %run_scoped3A_60 = tpu.sem_alloc : memref<!tpu.dma_semaphore, #tpu.memory_space<semaphore_mem>>
      %dma_start3A_61 = arith.constant 0 : i32
      %dma_start3A_62 = tpu.memref_slice %arg4[%add3A, %run_scoped3A_58, %dma_start3A_61] : memref<32x2x10000xi32, #tpu.memory_space<hbm>> -> memref<1x1x10000xi32, #tpu.memory_space<hbm>>
      %dma_start3A_63 = tpu.memref_squeeze %dma_start3A_62 : memref<1x1x10000xi32, #tpu.memory_space<hbm>> -> memref<10000xi32, #tpu.memory_space<hbm>>
      %dma_start3A_64 = arith.constant 0 : i32
      %dma_start3A_65 = tpu.memref_slice %arg4[%add3A, %run_scoped3A_58, %dma_start3A_64] : memref<32x2x10000xi32, #tpu.memory_space<hbm>> -> memref<1x1x10000xi32, #tpu.memory_space<hbm>>
      %dma_start3A_66 = tpu.memref_squeeze %dma_start3A_65 : memref<1x1x10000xi32, #tpu.memory_space<hbm>> -> memref<10000xi32, #tpu.memory_space<hbm>>
      tpu.enqueue_dma source(%arg7 : memref<10000xi32, #tpu.memory_space<vmem>>) target(%dma_start3A_66 : memref<10000xi32, #tpu.memory_space<hbm>>) target_semaphore(%run_scoped3A_60 : memref<!tpu.dma_semaphore, #tpu.memory_space<semaphore_mem>>)
      %dma_wait3A = arith.constant 0 : i32
      %dma_wait3A_67 = tpu.memref_slice %arg4[%add3A, %run_scoped3A_58, %dma_wait3A] : memref<32x2x10000xi32, #tpu.memory_space<hbm>> -> memref<1x1x10000xi32, #tpu.memory_space<hbm>>
      %dma_wait3A_68 = tpu.memref_squeeze %dma_wait3A_67 : memref<1x1x10000xi32, #tpu.memory_space<hbm>> -> memref<10000xi32, #tpu.memory_space<hbm>>
      %dma_wait3A_69 = arith.constant 0 : i32
      %dma_wait3A_70 = tpu.memref_slice %arg4[%add3A, %run_scoped3A_58, %dma_wait3A_69] : memref<32x2x10000xi32, #tpu.memory_space<hbm>> -> memref<1x1x10000xi32, #tpu.memory_space<hbm>>
      %dma_wait3A_71 = tpu.memref_squeeze %dma_wait3A_70 : memref<1x1x10000xi32, #tpu.memory_space<hbm>> -> memref<10000xi32, #tpu.memory_space<hbm>>
      tpu.wait_dma2 semaphore(%run_scoped3A_60 : memref<!tpu.dma_semaphore, #tpu.memory_space<semaphore_mem>>) src(%arg7 : memref<10000xi32, #tpu.memory_space<vmem>>) dst(%dma_wait3A_71 : memref<10000xi32, #tpu.memory_space<hbm>>)
      tpu.yield
    }) : () -> ()
    %run_scoped3A_59 = arith.constant 1 : i32
    "tpu.region"() ({
      %run_scoped3A_60 = tpu.sem_alloc : memref<!tpu.dma_semaphore, #tpu.memory_space<semaphore_mem>>
      %dma_start3A_61 = arith.constant 0 : i32
      %dma_start3A_62 = tpu.memref_slice %arg4[%add3A, %run_scoped3A_59, %dma_start3A_61] : memref<32x2x10000xi32, #tpu.memory_space<hbm>> -> memref<1x1x10000xi32, #tpu.memory_space<hbm>>
      %dma_start3A_63 = tpu.memref_squeeze %dma_start3A_62 : memref<1x1x10000xi32, #tpu.memory_space<hbm>> -> memref<10000xi32, #tpu.memory_space<hbm>>
      %dma_start3A_64 = arith.constant 0 : i32
      %dma_start3A_65 = tpu.memref_slice %arg4[%add3A, %run_scoped3A_59, %dma_start3A_64] : memref<32x2x10000xi32, #tpu.memory_space<hbm>> -> memref<1x1x10000xi32, #tpu.memory_space<hbm>>
      %dma_start3A_66 = tpu.memref_squeeze %dma_start3A_65 : memref<1x1x10000xi32, #tpu.memory_space<hbm>> -> memref<10000xi32, #tpu.memory_space<hbm>>
      tpu.enqueue_dma source(%arg8 : memref<10000xi32, #tpu.memory_space<vmem>>) target(%dma_start3A_66 : memref<10000xi32, #tpu.memory_space<hbm>>) target_semaphore(%run_scoped3A_60 : memref<!tpu.dma_semaphore, #tpu.memory_space<semaphore_mem>>)
      %dma_wait3A = arith.constant 0 : i32
      %dma_wait3A_67 = tpu.memref_slice %arg4[%add3A, %run_scoped3A_59, %dma_wait3A] : memref<32x2x10000xi32, #tpu.memory_space<hbm>> -> memref<1x1x10000xi32, #tpu.memory_space<hbm>>
      %dma_wait3A_68 = tpu.memref_squeeze %dma_wait3A_67 : memref<1x1x10000xi32, #tpu.memory_space<hbm>> -> memref<10000xi32, #tpu.memory_space<hbm>>
      %dma_wait3A_69 = arith.constant 0 : i32
      %dma_wait3A_70 = tpu.memref_slice %arg4[%add3A, %run_scoped3A_59, %dma_wait3A_69] : memref<32x2x10000xi32, #tpu.memory_space<hbm>> -> memref<1x1x10000xi32, #tpu.memory_space<hbm>>
      %dma_wait3A_71 = tpu.memref_squeeze %dma_wait3A_70 : memref<1x1x10000xi32, #tpu.memory_space<hbm>> -> memref<10000xi32, #tpu.memory_space<hbm>>
      tpu.wait_dma2 semaphore(%run_scoped3A_60 : memref<!tpu.dma_semaphore, #tpu.memory_space<semaphore_mem>>) src(%arg8 : memref<10000xi32, #tpu.memory_space<vmem>>) dst(%dma_wait3A_71 : memref<10000xi32, #tpu.memory_space<hbm>>)
      tpu.yield
    }) : () -> ()
    return
  }
}

module attributes {stable_mosaic.version = 14 : i64} {
  func.func @_mlp1_body(%arg0: i32, %arg1: memref<1000x128xf32, #tpu.memory_space<vmem>>, %arg2: memref<128x128xf32, #tpu.memory_space<vmem>>, %arg3: memref<1x128xf32, #tpu.memory_space<vmem>>, %arg4: memref<1x128xf32, #tpu.memory_space<vmem>>, %arg5: memref<1x128xf32, #tpu.memory_space<vmem>>, %arg6: memref<1000x128xf32, #tpu.memory_space<vmem>>) attributes {dimension_semantics = [#tpu.dimension_semantics<arbitrary>], iteration_bounds = array<i64: 10>, scalar_prefetch = 0 : i64, scratch_operands = 0 : i64, tpu.core_type = #tpu.core_type<tc>, window_params = [{transform_indices = @transform_0, window_bounds = array<i64: 1000, 128>}, {pipeline_mode = #tpu.pipeline_mode<synchronous>, transform_indices = @transform_1, window_bounds = array<i64: 128, 128>}, {pipeline_mode = #tpu.pipeline_mode<synchronous>, transform_indices = @transform_2, window_bounds = array<i64: 1, 128>}, {pipeline_mode = #tpu.pipeline_mode<synchronous>, transform_indices = @transform_3, window_bounds = array<i64: 1, 128>}, {pipeline_mode = #tpu.pipeline_mode<synchronous>, transform_indices = @transform_4, window_bounds = array<i64: 1, 128>}, {transform_indices = @transform_5, window_bounds = array<i64: 1000, 128>}]} {
    %get3A = arith.constant 0 : index
    %get3A_0 = arith.constant 0 : index
    %get3A_1 = vector.load %arg1[%get3A, %get3A_0] : memref<1000x128xf32, #tpu.memory_space<vmem>>, vector<1000x128xf32>
    %get3A_2 = arith.constant 0 : index
    %get3A_3 = arith.constant 0 : index
    %get3A_4 = vector.load %arg2[%get3A_2, %get3A_3] : memref<128x128xf32, #tpu.memory_space<vmem>>, vector<128x128xf32>
    %dot_general3A = arith.constant dense<0.000000e+00> : vector<1000x128xf32>
    %dot_general3A_5 = tpu.matmul %get3A_1, %get3A_4, %dot_general3A {dimension_numbers = #tpu.dot_dimension_numbers<[1], [0], [0], [1], [0, 0, 1, 1], [], []>, precision = #tpu.contract_precision<fp32>, transpose_lhs_hint = false} : vector<1000x128xf32>, vector<128x128xf32>, vector<1000x128xf32> -> vector<1000x128xf32>
    %get3A_6 = arith.constant 0 : index
    %get3A_7 = arith.constant 0 : index
    %get3A_8 = vector.load %arg3[%get3A_6, %get3A_7] : memref<1x128xf32, #tpu.memory_space<vmem>>, vector<1x128xf32>
    %add3A = vector.broadcast %get3A_8 : vector<1x128xf32> to vector<1000x128xf32>
    %add3A_9 = arith.addf %dot_general3A_5, %add3A : vector<1000x128xf32>
    %reduce_sum3A = arith.constant dense<0.000000e+00> : vector<1000xf32>
    %reduce_sum3A_10 = vector.multi_reduction <add>, %add3A_9, %reduce_sum3A [1] : vector<1000x128xf32> to vector<1000xf32>
    %broadcast_in_dim3A = vector.shape_cast %reduce_sum3A_10 : vector<1000xf32> to vector<1000x1xf32>
    %div3A = arith.constant 1.280000e+02 : f32
    %div3A_11 = vector.broadcast %div3A : f32 to vector<1000x1xf32>
    %div3A_12 = arith.divf %broadcast_in_dim3A, %div3A_11 : vector<1000x1xf32>
    %sub3A = vector.broadcast %div3A_12 : vector<1000x1xf32> to vector<1000x128xf32>
    %sub3A_13 = arith.subf %add3A_9, %sub3A : vector<1000x128xf32>
    %square3A = arith.mulf %sub3A_13, %sub3A_13 : vector<1000x128xf32>
    %reduce_sum3A_14 = arith.constant dense<0.000000e+00> : vector<1000xf32>
    %reduce_sum3A_15 = vector.multi_reduction <add>, %square3A, %reduce_sum3A_14 [1] : vector<1000x128xf32> to vector<1000xf32>
    %broadcast_in_dim3A_16 = vector.shape_cast %reduce_sum3A_15 : vector<1000xf32> to vector<1000x1xf32>
    %div3A_17 = arith.constant 1.280000e+02 : f32
    %div3A_18 = vector.broadcast %div3A_17 : f32 to vector<1000x1xf32>
    %div3A_19 = arith.divf %broadcast_in_dim3A_16, %div3A_18 : vector<1000x1xf32>
    %sub3A_20 = vector.broadcast %div3A_12 : vector<1000x1xf32> to vector<1000x128xf32>
    %sub3A_21 = arith.subf %add3A_9, %sub3A_20 : vector<1000x128xf32>
    %add3A_22 = arith.constant 9.99999974E-6 : f32
    %add3A_23 = vector.broadcast %add3A_22 : f32 to vector<1000x1xf32>
    %add3A_24 = arith.addf %div3A_19, %add3A_23 : vector<1000x1xf32>
    %sqrt3A = math.sqrt %add3A_24 : vector<1000x1xf32>
    %div3A_25 = vector.broadcast %sqrt3A : vector<1000x1xf32> to vector<1000x128xf32>
    %div3A_26 = arith.divf %sub3A_21, %div3A_25 : vector<1000x128xf32>
    %get3A_27 = arith.constant 0 : index
    %get3A_28 = arith.constant 0 : index
    %get3A_29 = vector.load %arg4[%get3A_27, %get3A_28] : memref<1x128xf32, #tpu.memory_space<vmem>>, vector<1x128xf32>
    %mul3A = vector.broadcast %get3A_29 : vector<1x128xf32> to vector<1000x128xf32>
    %mul3A_30 = arith.mulf %div3A_26, %mul3A : vector<1000x128xf32>
    %get3A_31 = arith.constant 0 : index
    %get3A_32 = arith.constant 0 : index
    %get3A_33 = vector.load %arg5[%get3A_31, %get3A_32] : memref<1x128xf32, #tpu.memory_space<vmem>>, vector<1x128xf32>
    %add3A_34 = vector.broadcast %get3A_33 : vector<1x128xf32> to vector<1000x128xf32>
    %add3A_35 = arith.addf %mul3A_30, %add3A_34 : vector<1000x128xf32>
    %max3A = arith.constant 0.000000e+00 : f32
    %max3A_36 = vector.broadcast %max3A : f32 to vector<1000x128xf32>
    %max3A_37 = arith.maximumf %add3A_35, %max3A_36 : vector<1000x128xf32>
    %swap3A = arith.constant 0 : index
    %swap3A_38 = arith.constant 0 : index
    %swap3A_39 = vector.load %arg6[%swap3A, %swap3A_38] : memref<1000x128xf32, #tpu.memory_space<vmem>>, vector<1000x128xf32>
    tpu.vector_store %arg6[%swap3A, %swap3A_38], %max3A_37 {strides = array<i32>} : memref<1000x128xf32, #tpu.memory_space<vmem>>, vector<1000x128xf32>,
    return
  }
  func.func @transform_0(%arg0: i32) -> (i32, i32) {
    %c0_i32 = arith.constant 0 : i32
    %c0_i32_0 = arith.constant 0 : i32
    return %arg0, %c0_i32 : i32, i32
  }
  func.func @transform_1(%arg0: i32) -> (i32, i32) {
    %c0_i32 = arith.constant 0 : i32
    %c0_i32_0 = arith.constant 0 : i32
    %c0_i32_1 = arith.constant 0 : i32
    return %c0_i32, %c0_i32_0 : i32, i32
  }
  func.func @transform_2(%arg0: i32) -> (i32, i32) {
    %c0_i32 = arith.constant 0 : i32
    %c0_i32_0 = arith.constant 0 : i32
    %c0_i32_1 = arith.constant 0 : i32
    return %c0_i32, %c0_i32_0 : i32, i32
  }
  func.func @transform_3(%arg0: i32) -> (i32, i32) {
    %c0_i32 = arith.constant 0 : i32
    %c0_i32_0 = arith.constant 0 : i32
    %c0_i32_1 = arith.constant 0 : i32
    return %c0_i32, %c0_i32_0 : i32, i32
  }
  func.func @transform_4(%arg0: i32) -> (i32, i32) {
    %c0_i32 = arith.constant 0 : i32
    %c0_i32_0 = arith.constant 0 : i32
    %c0_i32_1 = arith.constant 0 : i32
    return %c0_i32, %c0_i32_0 : i32, i32
  }
  func.func @transform_5(%arg0: i32) -> (i32, i32) {
    %c0_i32 = arith.constant 0 : i32
    %c0_i32_0 = arith.constant 0 : i32
    return %arg0, %c0_i32 : i32, i32
  }
}

module attributes {stable_mosaic.version = 14 : i64} {
  func.func @_mlp2_body(%arg0: i32, %arg1: memref<1000x128xf32, #tpu.memory_space<vmem>>, %arg2: memref<1000x128xf32, #tpu.memory_space<vmem>>, %arg3: memref<128x128xf32, #tpu.memory_space<vmem>>, %arg4: memref<128x128xf32, #tpu.memory_space<vmem>>, %arg5: memref<1x128xf32, #tpu.memory_space<vmem>>, %arg6: memref<1x128xf32, #tpu.memory_space<vmem>>, %arg7: memref<1x128xf32, #tpu.memory_space<vmem>>, %arg8: memref<1000x128xf32, #tpu.memory_space<vmem>>) attributes {dimension_semantics = [#tpu.dimension_semantics<arbitrary>], iteration_bounds = array<i64: 10>, scalar_prefetch = 0 : i64, scratch_operands = 0 : i64, tpu.core_type = #tpu.core_type<tc>, window_params = [{transform_indices = @transform_0, window_bounds = array<i64: 1000, 128>}, {transform_indices = @transform_1, window_bounds = array<i64: 1000, 128>}, {pipeline_mode = #tpu.pipeline_mode<synchronous>, transform_indices = @transform_2, window_bounds = array<i64: 128, 128>}, {pipeline_mode = #tpu.pipeline_mode<synchronous>, transform_indices = @transform_3, window_bounds = array<i64: 128, 128>}, {pipeline_mode = #tpu.pipeline_mode<synchronous>, transform_indices = @transform_4, window_bounds = array<i64: 1, 128>}, {pipeline_mode = #tpu.pipeline_mode<synchronous>, transform_indices = @transform_5, window_bounds = array<i64: 1, 128>}, {pipeline_mode = #tpu.pipeline_mode<synchronous>, transform_indices = @transform_6, window_bounds = array<i64: 1, 128>}, {transform_indices = @transform_7, window_bounds = array<i64: 1000, 128>}]} {
    %get3A = arith.constant 0 : index
    %get3A_0 = arith.constant 0 : index
    %get3A_1 = vector.load %arg1[%get3A, %get3A_0] : memref<1000x128xf32, #tpu.memory_space<vmem>>, vector<1000x128xf32>
    %get3A_2 = arith.constant 0 : index
    %get3A_3 = arith.constant 0 : index
    %get3A_4 = vector.load %arg3[%get3A_2, %get3A_3] : memref<128x128xf32, #tpu.memory_space<vmem>>, vector<128x128xf32>
    %dot_general3A = arith.constant dense<0.000000e+00> : vector<1000x128xf32>
    %dot_general3A_5 = tpu.matmul %get3A_1, %get3A_4, %dot_general3A {dimension_numbers = #tpu.dot_dimension_numbers<[1], [0], [0], [1], [0, 0, 1, 1], [], []>, precision = #tpu.contract_precision<fp32>, transpose_lhs_hint = false} : vector<1000x128xf32>, vector<128x128xf32>, vector<1000x128xf32> -> vector<1000x128xf32>
    %get3A_6 = arith.constant 0 : index
    %get3A_7 = arith.constant 0 : index
    %get3A_8 = vector.load %arg2[%get3A_6, %get3A_7] : memref<1000x128xf32, #tpu.memory_space<vmem>>, vector<1000x128xf32>
    %get3A_9 = arith.constant 0 : index
    %get3A_10 = arith.constant 0 : index
    %get3A_11 = vector.load %arg4[%get3A_9, %get3A_10] : memref<128x128xf32, #tpu.memory_space<vmem>>, vector<128x128xf32>
    %dot_general3A_12 = arith.constant dense<0.000000e+00> : vector<1000x128xf32>
    %dot_general3A_13 = tpu.matmul %get3A_8, %get3A_11, %dot_general3A_12 {dimension_numbers = #tpu.dot_dimension_numbers<[1], [0], [0], [1], [0, 0, 1, 1], [], []>, precision = #tpu.contract_precision<fp32>, transpose_lhs_hint = false} : vector<1000x128xf32>, vector<128x128xf32>, vector<1000x128xf32> -> vector<1000x128xf32>
    %add3A = arith.addf %dot_general3A_5, %dot_general3A_13 : vector<1000x128xf32>
    %get3A_14 = arith.constant 0 : index
    %get3A_15 = arith.constant 0 : index
    %get3A_16 = vector.load %arg5[%get3A_14, %get3A_15] : memref<1x128xf32, #tpu.memory_space<vmem>>, vector<1x128xf32>
    %add3A_17 = vector.broadcast %get3A_16 : vector<1x128xf32> to vector<1000x128xf32>
    %add3A_18 = arith.addf %add3A, %add3A_17 : vector<1000x128xf32>
    %reduce_sum3A = arith.constant dense<0.000000e+00> : vector<1000xf32>
    %reduce_sum3A_19 = vector.multi_reduction <add>, %add3A_18, %reduce_sum3A [1] : vector<1000x128xf32> to vector<1000xf32>
    %broadcast_in_dim3A = vector.shape_cast %reduce_sum3A_19 : vector<1000xf32> to vector<1000x1xf32>
    %div3A = arith.constant 1.280000e+02 : f32
    %div3A_20 = vector.broadcast %div3A : f32 to vector<1000x1xf32>
    %div3A_21 = arith.divf %broadcast_in_dim3A, %div3A_20 : vector<1000x1xf32>
    %sub3A = vector.broadcast %div3A_21 : vector<1000x1xf32> to vector<1000x128xf32>
    %sub3A_22 = arith.subf %add3A_18, %sub3A : vector<1000x128xf32>
    %square3A = arith.mulf %sub3A_22, %sub3A_22 : vector<1000x128xf32>
    %reduce_sum3A_23 = arith.constant dense<0.000000e+00> : vector<1000xf32>
    %reduce_sum3A_24 = vector.multi_reduction <add>, %square3A, %reduce_sum3A_23 [1] : vector<1000x128xf32> to vector<1000xf32>
    %broadcast_in_dim3A_25 = vector.shape_cast %reduce_sum3A_24 : vector<1000xf32> to vector<1000x1xf32>
    %div3A_26 = arith.constant 1.280000e+02 : f32
    %div3A_27 = vector.broadcast %div3A_26 : f32 to vector<1000x1xf32>
    %div3A_28 = arith.divf %broadcast_in_dim3A_25, %div3A_27 : vector<1000x1xf32>
    %sub3A_29 = vector.broadcast %div3A_21 : vector<1000x1xf32> to vector<1000x128xf32>
    %sub3A_30 = arith.subf %add3A_18, %sub3A_29 : vector<1000x128xf32>
    %add3A_31 = arith.constant 9.99999974E-6 : f32
    %add3A_32 = vector.broadcast %add3A_31 : f32 to vector<1000x1xf32>
    %add3A_33 = arith.addf %div3A_28, %add3A_32 : vector<1000x1xf32>
    %sqrt3A = math.sqrt %add3A_33 : vector<1000x1xf32>
    %div3A_34 = vector.broadcast %sqrt3A : vector<1000x1xf32> to vector<1000x128xf32>
    %div3A_35 = arith.divf %sub3A_30, %div3A_34 : vector<1000x128xf32>
    %get3A_36 = arith.constant 0 : index
    %get3A_37 = arith.constant 0 : index
    %get3A_38 = vector.load %arg6[%get3A_36, %get3A_37] : memref<1x128xf32, #tpu.memory_space<vmem>>, vector<1x128xf32>
    %mul3A = vector.broadcast %get3A_38 : vector<1x128xf32> to vector<1000x128xf32>
    %mul3A_39 = arith.mulf %div3A_35, %mul3A : vector<1000x128xf32>
    %get3A_40 = arith.constant 0 : index
    %get3A_41 = arith.constant 0 : index
    %get3A_42 = vector.load %arg7[%get3A_40, %get3A_41] : memref<1x128xf32, #tpu.memory_space<vmem>>, vector<1x128xf32>
    %add3A_43 = vector.broadcast %get3A_42 : vector<1x128xf32> to vector<1000x128xf32>
    %add3A_44 = arith.addf %mul3A_39, %add3A_43 : vector<1000x128xf32>
    %max3A = arith.constant 0.000000e+00 : f32
    %max3A_45 = vector.broadcast %max3A : f32 to vector<1000x128xf32>
    %max3A_46 = arith.maximumf %add3A_44, %max3A_45 : vector<1000x128xf32>
    %swap3A = arith.constant 0 : index
    %swap3A_47 = arith.constant 0 : index
    %swap3A_48 = vector.load %arg8[%swap3A, %swap3A_47] : memref<1000x128xf32, #tpu.memory_space<vmem>>, vector<1000x128xf32>
    tpu.vector_store %arg8[%swap3A, %swap3A_47], %max3A_46 {strides = array<i32>} : memref<1000x128xf32, #tpu.memory_space<vmem>>, vector<1000x128xf32>,
    return
  }
  func.func @transform_0(%arg0: i32) -> (i32, i32) {
    %c0_i32 = arith.constant 0 : i32
    %c0_i32_0 = arith.constant 0 : i32
    return %arg0, %c0_i32 : i32, i32
  }
  func.func @transform_1(%arg0: i32) -> (i32, i32) {
    %c0_i32 = arith.constant 0 : i32
    %c0_i32_0 = arith.constant 0 : i32
    return %arg0, %c0_i32 : i32, i32
  }
  func.func @transform_2(%arg0: i32) -> (i32, i32) {
    %c0_i32 = arith.constant 0 : i32
    %c0_i32_0 = arith.constant 0 : i32
    %c0_i32_1 = arith.constant 0 : i32
    return %c0_i32, %c0_i32_0 : i32, i32
  }
  func.func @transform_3(%arg0: i32) -> (i32, i32) {
    %c0_i32 = arith.constant 0 : i32
    %c0_i32_0 = arith.constant 0 : i32
    %c0_i32_1 = arith.constant 0 : i32
    return %c0_i32, %c0_i32_0 : i32, i32
  }
  func.func @transform_4(%arg0: i32) -> (i32, i32) {
    %c0_i32 = arith.constant 0 : i32
    %c0_i32_0 = arith.constant 0 : i32
    %c0_i32_1 = arith.constant 0 : i32
    return %c0_i32, %c0_i32_0 : i32, i32
  }
  func.func @transform_5(%arg0: i32) -> (i32, i32) {
    %c0_i32 = arith.constant 0 : i32
    %c0_i32_0 = arith.constant 0 : i32
    %c0_i32_1 = arith.constant 0 : i32
    return %c0_i32, %c0_i32_0 : i32, i32
  }
  func.func @transform_6(%arg0: i32) -> (i32, i32) {
    %c0_i32 = arith.constant 0 : i32
    %c0_i32_0 = arith.constant 0 : i32
    %c0_i32_1 = arith.constant 0 : i32
    return %c0_i32, %c0_i32_0 : i32, i32
  }
  func.func @transform_7(%arg0: i32) -> (i32, i32) {
    %c0_i32 = arith.constant 0 : i32
    %c0_i32_0 = arith.constant 0 : i32
    return %arg0, %c0_i32 : i32, i32
  }
}

</mosaic_0001>

<sc_bundles>
// kernel: kernel.6.cloned.1.call-start
scs
__scs_entry_jumppad:
0x0: {  	(pc) =	sbr.rel $0x88, $3  }
0x1: {  	(tag) =	ssettag $0x0;
	lr =	simm.s32 $0x1  }
0x2: {  	[smem:$0x3F97] =	sst lr;
	_ =	strace $0xD0000000  }
0x3: {  	_ = 	snop  }
0x4: {  	_ = 	snop  }
0x5: {  	_ = 	snop  }
0x6: {  	_ = 	snop  }
0x7: {  	_ = 	snop  }
__scs_overlays_trampoline_lowered:
0x8: {  	[smem:$0x3FA6] =	sst s0  }
0x9: {  	[smem:$0x3FA7] =	sst s1  }
0xa: {  	[smem:$0x3FA8] =	sst s2  }
0xb: {  	[smem:$0x3FA9] =	sst s3  }
0xc: {  	[smem:$0x3FAA] =	sst s4  }
0xd: {  	[smem:$0x3FAB] =	sst s5  }
0xe: {  	[smem:$0x3FAC] =	sst s6  }
0xf: {  	[smem:$0x3FAD] =	sst s7  }
0x10: {  	[smem:$0x3FAE] =	sst s8  }
0x11: {  	[smem:$0x3FAF] =	sst s9;
	s0 =	simm.s32 @!p0 $0x0  }
0x12: {  	s1 =	sld [smem:$0x3F95];
	s0 =	simm.s32 @p0 $0x1  }
0x13: {  	[smem:$0x3FB0] =	sst s0;
	s0 =	simm.s32 @!p1 $0x0  }
0x14: {  	s2 =	sld [smem:$0x3F94];
	s0 =	simm.s32 @p1 $0x1  }
0x15: {  	[smem:$0x3FB1] =	sst s0;
	s0 =	simm.s32 @!p2 $0x0  }
0x16: {  	s3 =	sld [smem:$0x3FDB];
	s0 =	simm.s32 @p2 $0x1  }
0x17: {  	s4 =	simm.s32 $0x1BF5;
	[smem:$0x3FB3] =	sst s0  }
0x18: {  	s0 =	sld [smem:$0x3F96];
	_ =	swait.ge [sflag:s4], $0x0  }
0x19: {  	s7 =	sld [smem:$0x3F97]  }
0x1a: {  	s8 =	sadd.s32 $0xFFFFE003, lr  }
0x1b: {  	s9 =	sadd.s32 $0xFFFFFEF7, lr;
	s5 =	simm.s32 $0xFFFFFFFF;
	p2 =	slt.u32 s8, $0xFFFFF086  }
0x1c: {  	p1 =	slt.u32 s9, $0xF7A;
	s5 =	simm.s32 @!p2 $0x0  }
0x1d: {  	s5 =	simm.s32 @p1 $0x1;
	p0 =	seq.s32 s7, s2  }
0x1e: {  	s7 =	smul.u32 @!p0 $0xF7A, s2;
	p2 =	seq.s32 @!p0 s5, $0x0  }
0x1f: {  	s9 =	smul.u32 $0xF7A, s1;
	s8 =	simm.s32 @!p0 $0x1BF5;
	p2 =	por !p2, p0  }
0x20: {  	[sflag:s8] =	ssyncset.s32 @!p0 $0xFFFFF086;
	s6 =	sadd.s32 @!p0 s3, s7;
	s7 =	simm.s32 @!p0 $0x108  }
0x21: {  	s3 =	sadd.s32 s3, s9;
	s6 =	sadd.s32 @!p0 $0x88, s6;
	s7 =	simm.s32 @p2 $0x1082  }
0x22: {  	[simem:s7], [sflag:s8] =	dma.local @!p0 [hbm:s6], $0xF7A  }
0x23: {  	s9 =	sor.u32 $0xD0000000, s2;
	s6 =	simm.s32 $0x108;
	_ =	swait.ge @!p0 [sflag:s8], $0x0  }
0x24: {  	s3 =	sadd.s32 $0x88, s3;
	s6 =	simm.s32 @!p1 $0x1082;
	[sflag:s4] =	ssyncset.s32 $0xFFFFF086  }
0x25: {  	[simem:s6], [sflag:s4] =	dma.local [hbm:s3], $0xF7A  }
0x26: {  	[smem:$0x3F97] =	sst s1;
	(tag) =	ssettag s2;
	_ =	strace s9  }
0x27: {  	s1 =	sld [smem:$0x3FA7]  }
0x28: {  	s2 =	sld [smem:$0x3FA8]  }
0x29: {  	s4 =	sld [smem:$0x3FAA]  }
0x2a: {  	p0 =	seq.s32 s5, $0x0;
	s5 =	sld [smem:$0x3FAB]  }
0x2b: {  	s6 =	sld [smem:$0x3FAC]  }
0x2c: {  	s7 =	sld [smem:$0x3FAD]  }
0x2d: {  	s3 =	simm.s32 $0x108;
	s8 =	sld [smem:$0x3FAE]  }
0x2e: {  	s3 =	simm.s32 @!p0 $0x1082;
	s9 =	sld [smem:$0x3FAF]  }
0x2f: {  	lr =	sadd.s32 s0, s3;
	s0 =	sld [smem:$0x3FA6]  }
0x30: {  	s3 =	sld [smem:$0x3FA9]  }
0x31: {  	[smem:$0x3FB2] =	sst s10  }
0x32: {  	s10 =	sld [smem:$0x3FB0];
	_ =	sdelay $0x3  }
0x33: {  	p0 =	seq.s32 s10, $0x1;
	s10 =	sld [smem:$0x3FB2];
	_ =	sdelay $0x3  }
0x34: {  	[smem:$0x3FB2] =	sst s10  }
0x35: {  	s10 =	sld [smem:$0x3FB1];
	_ =	sdelay $0x3  }
0x36: {  	p1 =	seq.s32 s10, $0x1;
	s10 =	sld [smem:$0x3FB2];
	_ =	sdelay $0x3  }
0x37: {  	[smem:$0x3FB2] =	sst s10  }
0x38: {  	s10 =	sld [smem:$0x3FB3]  }
0x39: {  	_ = 	snop;
	(pc) =	sbr.ind lr, $3  }
0x3a: {  	_ = 	snop  }
0x3b: {  	_ = 	snop  }
0x3c: {  	p2 =	seq.s32 s10, $0x1;
	s10 =	sld [smem:$0x3FB2]  }
0x3d: {  	_ =	shalt  }
0x3e: {  	_ =	shalt  }
0x3f: {  	_ =	shalt  }
0x40: {  	_ =	shalt  }
0x41: {  	_ =	shalt  }
0x42: {  	_ =	shalt  }
0x43: {  	_ =	shalt  }
0x44: {  	_ =	shalt  }
0x45: {  	_ =	shalt  }
0x46: {  	_ =	shalt  }
0x47: {  	_ =	shalt  }
0x48: {  	_ =	shalt  }
0x49: {  	_ =	shalt  }
0x4a: {  	_ =	shalt  }
0x4b: {  	_ =	shalt  }
0x4c: {  	_ =	shalt  }
0x4d: {  	_ =	shalt  }
0x4e: {  	_ =	shalt  }
0x4f: {  	_ =	shalt  }
0x50: {  	_ =	shalt  }
0x51: {  	_ =	shalt  }
0x52: {  	_ =	shalt  }
0x53: {  	_ =	shalt  }
0x54: {  	_ =	shalt  }
0x55: {  	_ =	shalt  }
0x56: {  	_ =	shalt  }
0x57: {  	_ =	shalt  }
0x58: {  	_ =	shalt  }
0x59: {  	_ =	shalt  }
0x5a: {  	_ =	shalt  }
0x5b: {  	_ =	shalt  }
0x5c: {  	_ =	shalt  }
0x5d: {  	_ =	shalt  }
0x5e: {  	_ =	shalt  }
0x5f: {  	_ =	shalt  }
0x60: {  	_ =	shalt  }
0x61: {  	_ =	shalt  }
0x62: {  	_ =	shalt  }
0x63: {  	_ =	shalt  }
0x64: {  	_ =	shalt  }
0x65: {  	_ =	shalt  }
0x66: {  	_ =	shalt  }
0x67: {  	_ =	shalt  }
0x68: {  	_ =	shalt  }
0x69: {  	_ =	shalt  }
0x6a: {  	_ =	shalt  }
0x6b: {  	_ =	shalt  }
0x6c: {  	_ =	shalt  }
0x6d: {  	_ =	shalt  }
0x6e: {  	_ =	shalt  }
0x6f: {  	_ =	shalt  }
0x70: {  	_ =	shalt  }
0x71: {  	_ =	shalt  }
0x72: {  	_ =	shalt  }
0x73: {  	_ =	shalt  }
0x74: {  	_ =	shalt  }
0x75: {  	_ =	shalt  }
0x76: {  	_ =	shalt  }
0x77: {  	_ =	shalt  }
0x78: {  	_ =	shalt  }
0x79: {  	_ =	shalt  }
0x7a: {  	_ =	shalt  }
0x7b: {  	_ =	shalt  }
0x7c: {  	_ =	shalt  }
0x7d: {  	_ =	shalt  }
0x7e: {  	_ =	shalt  }
0x7f: {  	_ =	shalt  }
0x80: {  	_ =	shalt  }
0x81: {  	_ =	shalt  }
0x82: {  	_ =	shalt  }
0x83: {  	_ =	shalt  }
0x84: {  	_ =	shalt  }
0x85: {  	_ =	shalt  }
0x86: {  	_ =	shalt  }
0x87: {  	_ =	shalt  }
.Lfunc_end0:
.L_simem_size_0:
called_computation_lowered:
.L_overlay_start_0:
0x88: {  	s2 =	sld [smem:$0x3FD9]  }
0x89: {  	s3 =	sld [smem:$0x3FFE];
	_ =	sdelay $0x1  }
0x8a: {  	s1 =	srdreg.scid  }
0x8b: {  	s0 =	sand.u32 $0x1, s1  }
0x8c: {  	s17 =	sshll.u32 s0, $0xA;
	s2 =	sadd.s32 s3, s2  }
0x8d: {  	s2 =	sadd.s32 s2, s17  }
0x8e: {  	[smem:$0x3FBE] =	sst s2  }
0x8f: {  	_ = 	snop  }
0x90: {  	s2 =	sld [smem:$0x3FD0];
	(tm) =	ssettm $0x1  }
0x91: {  	s18 =	sld [smem:$0x3FFB];
	_ =	sdelay $0x3  }
0x92: {  	_ =	strace s18  }
0x93: {  	s3 =	sld [smem:$0x3FFC];
	_ =	sdelay $0x3  }
0x94: {  	_ =	strace s3  }
0x95: {  	s3 =	sld [smem:$0x3FFD];
	_ =	sdelay $0x3  }
0x96: {  	_ =	strace s3  }
0x97: {  	_ =	strace $0x8FFFFFFF  }
0x98: {  	s19 =	sld [smem:$0x3FDB];
	_ =	sdelay $0x1  }
0x99: {  	s4 =	simm.s32 $_scs_section_size  }
0x9a: {  	s5 =	simm.s32 $_size__tile_overlayer_lowered;
	s6 =	simm.s32 $_tile_overlayer_lowered  }
0x9b: {  	s22 =	simm.s32 $0x1BFF;
	s21 =	sshll.u32 s6, $0x1;
	s3 =	sadd.s32 s4, s19  }
0x9c: {  	s7 =	simm.s32 $0x0;
	s20 =	sshll.u32 s5, $0x1;
	s5 =	sadd.s32 s21, s3  }
0x9d: {  	[timem:s7], [sflag:s22] =	dma.local [hbm:s5], s20  }
0x9e: {  	_ =	swait.ge [sflag:s22], s20  }
0x9f: {  	s4 =	ssub.s32 $0x0, s20;
	[sflag:s22] =	ssyncset.done $0x0  }
0xa0: {  	[sflag:s22] =	ssyncadd.s32 s4;
	_ =	sdelay $0x1  }
0xa1: {  	s23 =	simm.s32 $0x1B8B  }
0xa2: {  	_ =	swait.ge [sflag:s23], $0x1  }
0xa3: {  	[sflag:s23] =	ssyncset.done $0x0  }
0xa4: {  	s25 =	simm.s32 $0x1B8E;
	s24 =	sld [smem:$0x3FFE];
	[sflag:s23] =	ssyncadd.s32 $0xFFFFFFFF  }
0xa5: {  	s26 =	simm.s32 $execute0_lowered;
	[smem:$0x3FD2] =	sst s25  }
0xa6: {  	s5 =	sshll.u32 s26, $0x1;
	_ =	strace $0x80000046;
	[dreg:$0x1] =	wrdreg $0xFFFFFFFF  }
0xa7: {  	s28 =	simm.s32 $_size_execute0_lowered;
	s3 =	sadd.s32 s3, s5;
	[dreg:$0x0] =	wrdreg $0x0  }
0xa8: {  	s5 =	sshll.u32 s28, $0x1;
	[dreg:$0x2] =	wrdreg s3  }
0xa9: {  	[dreg:$0x3] =	wrdreg s5  }
0xaa: {  	[dreg:$0x4] =	wrdreg $0xC0  }
0xab: {  	_ =	task [dreg:s7], $0x5FFFF  }
0xac: {  	[dreg:$0x1] =	wrdreg $0xFFFFFFFF  }
0xad: {  	[dreg:$0x0] =	wrdreg $0x60  }
0xae: {  	[dreg:$0x2] =	wrdreg s2  }
0xaf: {  	[dreg:$0x3] =	wrdreg s24  }
0xb0: {  	[dreg:$0x4] =	wrdreg $0x9  }
0xb1: {  	_ =	task.clear_ibuf [dreg:s7], $0x5FFFF;
	_ =	strace $0x90000046  }
0xb2: {  	s29 =	simm.s32 $0x9;
	_ =	strace $0x80000048  }
0xb3: {  	_ =	swait.ge [sflag:s29], $0x1  }
0xb4: {  	[sflag:s29] =	ssyncadd.s32 $0xFFFFFFFF  }
0xb5: {  	_ =	strace $0x90000048  }
0xb6: {  	_ =	sfence  }
0xb7: {  	s30 =	sld [smem:$0x0];
	_ =	sdelay $0x2  }
0xb8: {  	s31 =	sshll.u32 s1, $0xD;
	s1 =	sshrl.u32 s1, $0x2  }
0xb9: {  	s3 =	sand.u32 $0x4000, s31;
	s1 =	sadd.s32 s1, s30  }
0xba: {  	s0 =	sor.u32 s3, s0;
	s1 =	sshll.u32 s1, $0x11  }
0xbb: {  	s0 =	sor.u32 s1, s0  }
0xbc: {  	s0 =	sadd.s32 $0x8F2B, s0  }
0xbd: {  	[sflag:s0] =	ssyncadd.remote.s32 $0x1  }
0xbe: {  	_ =	sfence.sel $0xFFFF  }
0xbf: {  	[dreg:$0x0] =	wrdreg $0xFFFFFFFF;
	(pc) =	sbr.abs _section_cstart, $3  }
0xc0: {  	[dreg:$0x1] =	wrdreg $0xFFFFFFFF  }
0xc1: {  	_ =	task.clear_ibuf [dreg:s7], $0x2FFFF;
	_ =	strace $0x9FFFFFFF  }
0xc2: {  	(tm) =	ssettm $0x7FFFFFFF  }
0xc3: {  	_ =	shalt  }
tec
execute0_lowered:
.L_overlay_start_1:
0x0: {  	(tag) =	ssettag $0x1  }
0x1: {  	s5 =	rddreg [dreg:$0x0]  }
0x2: {  	s1 =	srdreg.scid;
	s0 =	stileid.u32  }
0x3: {  	s4 =	rddreg [dreg:$0x1];
	s2 =	simm.s32 $0x0;
	s10 =	simm.s32 $0x100  }
0x4: {  	s11 =	simm.s32 $0x3;
	s12 =	simm.s32 $0x2780;
	s13 =	simm.s32 $0xED00  }
0x5: {  	s14 =	simm.s32 $0xF980;
	s15 =	simm.s32 $0x1;
	s16 =	simm.s32 $0x9E00  }
0x6: {  	s17 =	simm.s32 $0x4F00;
	s18 =	simm.s32 $0x7680;
	s19 =	simm.s32 $0xC580  }
0x7: {  	s20 =	simm.s32 $0x2;
	s3 =	sand.u32 $0x1, s1;
	s6 =	sshll.u32 s0, $0x1  }
0x8: {  	s21 =	simm.s32 $0x0;
	s1 =	rddreg [dreg:$0x2];
	s6 =	sor.u32 s3, s6  }
0x9: {  	[smem:$0x7FF] =	sst s2;
	s7 =	ssub.s32 $0x2, s3;
	s6 =	smul.u32 $0x9E0, s6  }
0xa: {  	s9 =	sadd.s32 $0xAA00, s4;
	_ =	strace $0x80000047;
	s8 =	sshrl.u32 s7, $0x1  }
0xb: {  	s3 =	sadd.s32 $0xC00, s4;
	s8 =	ssub.s32 s7, s8;
	s31 =	sor.u32 $0x10, s6  }
0xc: {  	v0 =	vimm.s32 $0xBF80BF80;
	s4 =	sadd.s32 s5, s6;
	s6 =	sadd.s32 s9, s6;
	s8 =	smax.u32 s8, $0x1  }
0xd: {  	v1 =	vlaneseq.u32;
	v2 =	vimm.f32 $1.000000000e+00;
	v3 =	vimm.f32 $0.0e+00;
	s5 =	sadd.s32 s5, s31;
	s7 =	sadd.s32 s9, s31;
	s9 =	simm.s32 $0x80  }
.LBB2_1:
0xe: {  	[tilespmem:s2], [sflag:$0x3] =	stream.strided.gather [hbm4b:s4+s9], $0x2780, s10, s9, $0x38;
	[tilespmem:$0x10600] =	vst v63  }
0xf: {  	_ =	swait.ge [sflag:s11], $0x2780  }
0x10: {  	[sflag:s11] =	ssyncset.done $0x0  }
0x11: {  	[sflag:s11] =	ssyncadd.s32 $0xFFFFD880  }
0x12: {  	[tilespmem:s12], [sflag:$0x3] =	stream.strided.gather [hbm4b:s5+s9], $0x2780, s10, s9, $0x38;
	[tilespmem:$0x10600] =	vst v63  }
0x13: {  	_ =	swait.ge [sflag:s11], $0x2780  }
0x14: {  	[sflag:s11] =	ssyncset.done $0x0  }
0x15: {  	s23 =	simm.s32 $0x4F40;
	[sflag:s11] =	ssyncadd.s32 $0xFFFFD880  }
0x16: {  	s22 =	simm.s32 $0x76C0;
	[tilespmem:s23+$0xFFFFFFC0] =	vst v0  }
0x17: {  	[tilespmem:s22+$0xFFFFFFC0] =	vst v0  }
0x18: {  	[tilespmem:s23+$0xFFFFFFD0] =	vst v0  }
0x19: {  	[tilespmem:s22+$0xFFFFFFD0] =	vst v0  }
0x1a: {  	[tilespmem:s23+$0xFFFFFFE0] =	vst v0  }
0x1b: {  	[tilespmem:s22+$0xFFFFFFE0] =	vst v0  }
0x1c: {  	[tilespmem:s23+$0xFFFFFFF0] =	vst v0  }
0x1d: {  	[tilespmem:s22+$0xFFFFFFF0] =	vst v0  }
0x1e: {  	[tilespmem:s23+$0x0] =	vst v0  }
0x1f: {  	[tilespmem:s22+$0x0] =	vst v0  }
0x20: {  	[tilespmem:s23+$0x10] =	vst v0  }
0x21: {  	[tilespmem:s22+$0x10] =	vst v0  }
0x22: {  	[tilespmem:s23+$0x20] =	vst v0  }
0x23: {  	[tilespmem:s22+$0x20] =	vst v0  }
0x24: {  	[tilespmem:s23+$0x30] =	vst v0  }
0x25: {  	s24 =	simm.s32 $0x4FC0;
	s23 =	simm.s32 $0x0;
	[tilespmem:s22+$0x30] =	vst v0  }
.LBB2_2:
0x26: {  	[tilespmem:s24+$0xFFFFFFC0] =	vst v0;
	s22 =	sadd.s32 $0x80, s22  }
0x27: {  	[tilespmem:s22+$0xFFFFFFC0] =	vst v0  }
0x28: {  	[tilespmem:s24+$0xFFFFFFD0] =	vst v0  }
0x29: {  	[tilespmem:s22+$0xFFFFFFD0] =	vst v0  }
0x2a: {  	[tilespmem:s24+$0xFFFFFFE0] =	vst v0  }
0x2b: {  	[tilespmem:s22+$0xFFFFFFE0] =	vst v0  }
0x2c: {  	[tilespmem:s24+$0xFFFFFFF0] =	vst v0  }
0x2d: {  	[tilespmem:s22+$0xFFFFFFF0] =	vst v0  }
0x2e: {  	[tilespmem:s24+$0x0] =	vst v0  }
0x2f: {  	s23 =	sadd.s32 $0x8, s23;
	[tilespmem:s22+$0x0] =	vst v0  }
0x30: {  	p0 =	slt.u32 s23, $0x268;
	[tilespmem:s24+$0x10] =	vst v0  }
.Ltmp0:
0x31: {  	[tilespmem:s22+$0x10] =	vst v0;
	(pc) =	sbr.rel @p0 .LBB2_2-.Ltmp0, $4  }
0x32: {  	[tilespmem:s24+$0x20] =	vst v0  }
0x33: {  	[tilespmem:s22+$0x20] =	vst v0  }
0x34: {  	[tilespmem:s24+$0x30] =	vst v0  }
0x35: {  	s24 =	sadd.s32 $0x80, s24;
	[tilespmem:s22+$0x30] =	vst v0  }
.Ltmp1:
0x36: {  	(pc) =	sbr.rel .LBB2_4-.Ltmp1, $4  }
0x37: {  	_ = 	snop  }
0x38: {  	[tilespmem:$0x7600] =	vst v0  }
0x39: {  	[tilespmem:$0x9D80] =	vst v0;
	s22 =	simm.s32 $0x0;
	s23 =	simm.s32 $0x0  }
0x3a: {  	[tilespmem:s13], [sflag:$0x1] =	stream.linear.gather [hbm4b:s3+s22], $0xC80, $0x38;
	[tilespmem:$0x10600] =	vst v63  }
.LBB2_32:
0x3b: {  	s23 =	sadd.s32 $0x1, s23  }
0x3c: {  	p0 =	sne.s32 s23, $0x32  }
.Ltmp2:
0x3d: {  	_ = 	snop;
	(pc) =	sbr.rel @!p0 .LBB2_33-.Ltmp2, $1  }
0x3e: {  	_ =	sdelay $0x3  }
.LBB2_4:
0x3f: {  	s24 =	smul.u32 $0x1900, s23;
	_ =	sdelay $0x1  }
0x40: {  	s25 =	sshrl.u32 s24, $0x3  }
0x41: {  	s25 =	sadd.s32 s3, s25  }
.Ltmp3:
0x42: {  	s25 =	sadd.s32 $0x190, s25;
	(pc) =	sbr.rel .LBB2_5-.Ltmp3, $4  }
0x43: {  	[tilespmem:s14], [sflag:$0x2] =	stream.linear.gather [hbm4b:s25+s22], $0xC80, $0x38;
	[tilespmem:$0x10600] =	vst v63  }
0x44: {  	_ =	swait.ge [sflag:s15], $0xC80  }
0x45: {  	[sflag:s15] =	ssyncset.done $0x0  }
0x46: {  	s25 =	simm.s32 $0x0;
	[sflag:s15] =	ssyncadd.s32 $0xFFFFF380  }
.LBB2_17:
0x47: {  	p0 =	slt.u32 s25, $0x62  }
.Ltmp4:
0x48: {  	_ = 	snop;
	(pc) =	sbr.rel @!p0 .LBB2_18-.Ltmp4, $3  }
0x49: {  	_ =	sdelay $0x1  }
0x4a: {  	s26 =	sadd.s32 $0x2, s25  }
0x4b: {  	s25 =	smov.u32 s26  }
.LBB2_5:
0x4c: {  	s26 =	sshll.u32 s25, $0x5  }
0x4d: {  	s26 =	sand.u32 $0x3FFFFFE0, s26  }
0x4e: {  	v5 =	vld [tilespmem:s26+$0xED00];
	_ =	sdelay $0x4  }
0x4f: {  	v4 =	vshra.s32 v5, $0xE;
	_ =	sdelay $0x4  }
0x50: {  	[tilespmem:v4+s16+$0x0] =	vst.idx.msk $0xffff, v1  }
0x51: {  	v7 =	vld.idx.msk [tilespmem:v4+s16+$0x0], $0xffff;
	_ =	sdelay $0x4  }
0x52: {  	vm0 =	veq.s32 v7, v1  }
0x53: {  	v6 =	vsel vm0, $0x0, v2  }
0x54: {  	(xrf0) =	vmax.scan.msk.f32 $0xffff, v6;
	_ =	sdelay $0x5  }
0x55: {  	v6 =	vand.u32 $0x3FFF, v5;
	v5, _, _ =	vpop (xrf0)  }
0x56: {  	(v2sf) =	vpush v5, $0xF;
	_ =	sdelay $0x5  }
0x57: {  	v8 =	vld.idx.msk [tilespmem:v4+s17+$0x0], $0xffff  }
0x58: {  	v5 =	vld.idx.msk [tilespmem:v6+s2+$0x0], $0xffff;
	_ =	sdelay $0x4  }
0x59: {  	v8 =	vmax.bf16 v8, v5  }
0x5a: {  	[tilespmem:v4+s17+$0x0] =	vst.idx.msk vm0, v8  }
0x5b: {  	v6 =	vld.idx.msk [tilespmem:v6+s12+$0x0], $0xffff  }
0x5c: {  	v8 =	vld.idx.msk [tilespmem:v4+s18+$0x0], $0xffff;
	s28 =	spop (v2sf)  }
0x5d: {  	p0 =	sgt.f32 s28, $0.0e+00  }
.Ltmp5:
0x5e: {  	_ = 	snop;
	(pc) =	sbr.rel @!p0 .LBB2_8-.Ltmp5, $3  }
0x5f: {  	_ =	sdelay $0x1  }
0x60: {  	v8 =	vmax.bf16 v8, v6  }
0x61: {  	[tilespmem:v4+s18+$0x0] =	vst.idx.msk vm0, v8  }
0x62: {  	vm0 =	vne.s32 v7, v1;
	_ =	sdelay $0x4  }
0x63: {  	s28 =	simm.s32 $0x0  }
.LBB2_7:
0x64: {  	[tilespmem:v4+s16+$0x0] =	vst.idx.msk vm0, v1  }
0x65: {  	v7 =	vld.idx.msk [tilespmem:v4+s16+$0x0], $0xffff;
	_ =	sdelay $0x4  }
0x66: {  	vm1 =	veq.s32 v7, v1  }
0x67: {  	vm1 =	vmand vm0, vm1  }
0x68: {  	vm0 =	vmxor vm0, vm1  }
0x69: {  	v7 =	vsel vm0, $0x3F800000, v3  }
0x6a: {  	(xrf0) =	vmax.scan.msk.f32 $0xffff, v7;
	_ =	sdelay $0x5  }
0x6b: {  	v7, _, _ =	vpop (xrf0)  }
0x6c: {  	(v2sf) =	vpush v7, $0xF;
	_ =	sdelay $0x9  }
0x6d: {  	v7 =	vld.idx.msk [tilespmem:v4+s17+$0x0], $0xffff;
	_ =	sdelay $0x4  }
0x6e: {  	p0 =	sgt.u32 s28, $0xE;
	v7 =	vmax.bf16 v7, v5;
	s29 =	spop (v2sf)  }
0x6f: {  	[tilespmem:v4+s17+$0x0] =	vst.idx.msk vm1, v7;
	p1 =	sgt.f32 @!p0 s29, $0.0e+00  }
0x70: {  	v7 =	vld.idx.msk [tilespmem:v4+s18+$0x0], $0xffff  }
0x71: {  	p0 =	por p0, !p1  }
.Ltmp6:
0x72: {  	_ = 	snop;
	(pc) =	sbr.rel @!p0 .LBB2_7-.Ltmp6, $3  }
0x73: {  	_ =	sdelay $0x1  }
0x74: {  	v7 =	vmax.bf16 v7, v6  }
0x75: {  	s28 =	sadd.s32 $0x1, s28;
	[tilespmem:v4+s18+$0x0] =	vst.idx.msk vm1, v7  }
.LBB2_8:
0x76: {  	v5 =	vld [tilespmem:s26+$0xED10];
	_ =	sdelay $0x4  }
0x77: {  	v4 =	vshra.s32 v5, $0xE;
	_ =	sdelay $0x4  }
0x78: {  	[tilespmem:v4+s19+$0x0] =	vst.idx.msk $0xffff, v1  }
0x79: {  	v7 =	vld.idx.msk [tilespmem:v4+s19+$0x0], $0xffff;
	_ =	sdelay $0x4  }
0x7a: {  	vm0 =	veq.s32 v7, v1  }
0x7b: {  	v6 =	vsel vm0, $0x0, v2  }
0x7c: {  	(xrf0) =	vmax.scan.msk.f32 $0xffff, v6;
	_ =	sdelay $0x5  }
0x7d: {  	v6 =	vand.u32 $0x3FFF, v5;
	v5, _, _ =	vpop (xrf0)  }
0x7e: {  	(v2sf) =	vpush v5, $0xF;
	_ =	sdelay $0x5  }
0x7f: {  	v8 =	vld.idx.msk [tilespmem:v4+s17+$0x0], $0xffff  }
0x80: {  	v5 =	vld.idx.msk [tilespmem:v6+s2+$0x0], $0xffff;
	_ =	sdelay $0x4  }
0x81: {  	v8 =	vmax.bf16 v8, v5  }
0x82: {  	[tilespmem:v4+s17+$0x0] =	vst.idx.msk vm0, v8  }
0x83: {  	v6 =	vld.idx.msk [tilespmem:v6+s12+$0x0], $0xffff  }
0x84: {  	v8 =	vld.idx.msk [tilespmem:v4+s18+$0x0], $0xffff;
	s28 =	spop (v2sf)  }
0x85: {  	p0 =	sgt.f32 s28, $0.0e+00  }
.Ltmp7:
0x86: {  	_ = 	snop;
	(pc) =	sbr.rel @!p0 .LBB2_11-.Ltmp7, $3  }
0x87: {  	_ =	sdelay $0x1  }
0x88: {  	v8 =	vmax.bf16 v8, v6  }
0x89: {  	[tilespmem:v4+s18+$0x0] =	vst.idx.msk vm0, v8  }
0x8a: {  	vm0 =	vne.s32 v7, v1;
	_ =	sdelay $0x4  }
0x8b: {  	s28 =	simm.s32 $0x0  }
.LBB2_10:
0x8c: {  	[tilespmem:v4+s19+$0x0] =	vst.idx.msk vm0, v1  }
0x8d: {  	v7 =	vld.idx.msk [tilespmem:v4+s19+$0x0], $0xffff;
	_ =	sdelay $0x4  }
0x8e: {  	vm1 =	veq.s32 v7, v1  }
0x8f: {  	vm1 =	vmand vm0, vm1  }
0x90: {  	vm0 =	vmxor vm0, vm1  }
0x91: {  	v7 =	vsel vm0, $0x3F800000, v3  }
0x92: {  	(xrf0) =	vmax.scan.msk.f32 $0xffff, v7;
	_ =	sdelay $0x5  }
0x93: {  	v7, _, _ =	vpop (xrf0)  }
0x94: {  	(v2sf) =	vpush v7, $0xF;
	_ =	sdelay $0x9  }
0x95: {  	v7 =	vld.idx.msk [tilespmem:v4+s17+$0x0], $0xffff;
	_ =	sdelay $0x4  }
0x96: {  	p0 =	sgt.u32 s28, $0xE;
	v7 =	vmax.bf16 v7, v5;
	s29 =	spop (v2sf)  }
0x97: {  	[tilespmem:v4+s17+$0x0] =	vst.idx.msk vm1, v7;
	p1 =	sgt.f32 @!p0 s29, $0.0e+00  }
0x98: {  	v7 =	vld.idx.msk [tilespmem:v4+s18+$0x0], $0xffff  }
0x99: {  	p0 =	por p0, !p1  }
.Ltmp8:
0x9a: {  	_ = 	snop;
	(pc) =	sbr.rel @!p0 .LBB2_10-.Ltmp8, $3  }
0x9b: {  	_ =	sdelay $0x1  }
0x9c: {  	v7 =	vmax.bf16 v7, v6  }
0x9d: {  	s28 =	sadd.s32 $0x1, s28;
	[tilespmem:v4+s18+$0x0] =	vst.idx.msk vm1, v7  }
.LBB2_11:
0x9e: {  	v5 =	vld [tilespmem:s26+$0xED20];
	_ =	sdelay $0x4  }
0x9f: {  	v4 =	vshra.s32 v5, $0xE;
	_ =	sdelay $0x4  }
0xa0: {  	[tilespmem:v4+s16+$0x0] =	vst.idx.msk $0xffff, v1  }
0xa1: {  	v7 =	vld.idx.msk [tilespmem:v4+s16+$0x0], $0xffff;
	_ =	sdelay $0x4  }
0xa2: {  	vm0 =	veq.s32 v7, v1  }
0xa3: {  	v6 =	vsel vm0, $0x0, v2  }
0xa4: {  	(xrf0) =	vmax.scan.msk.f32 $0xffff, v6;
	_ =	sdelay $0x5  }
0xa5: {  	v6 =	vand.u32 $0x3FFF, v5;
	v5, _, _ =	vpop (xrf0)  }
0xa6: {  	(v2sf) =	vpush v5, $0xF;
	_ =	sdelay $0x5  }
0xa7: {  	v8 =	vld.idx.msk [tilespmem:v4+s17+$0x0], $0xffff  }
0xa8: {  	v5 =	vld.idx.msk [tilespmem:v6+s2+$0x0], $0xffff;
	_ =	sdelay $0x4  }
0xa9: {  	v8 =	vmax.bf16 v8, v5  }
0xaa: {  	[tilespmem:v4+s17+$0x0] =	vst.idx.msk vm0, v8  }
0xab: {  	v6 =	vld.idx.msk [tilespmem:v6+s12+$0x0], $0xffff  }
0xac: {  	v8 =	vld.idx.msk [tilespmem:v4+s18+$0x0], $0xffff;
	s28 =	spop (v2sf)  }
0xad: {  	p0 =	sgt.f32 s28, $0.0e+00  }
.Ltmp9:
0xae: {  	_ = 	snop;
	(pc) =	sbr.rel @!p0 .LBB2_14-.Ltmp9, $3  }
0xaf: {  	_ =	sdelay $0x1  }
0xb0: {  	v8 =	vmax.bf16 v8, v6  }
0xb1: {  	[tilespmem:v4+s18+$0x0] =	vst.idx.msk vm0, v8  }
0xb2: {  	vm0 =	vne.s32 v7, v1;
	_ =	sdelay $0x4  }
0xb3: {  	s28 =	simm.s32 $0x0  }
.LBB2_13:
0xb4: {  	[tilespmem:v4+s16+$0x0] =	vst.idx.msk vm0, v1  }
0xb5: {  	v7 =	vld.idx.msk [tilespmem:v4+s16+$0x0], $0xffff;
	_ =	sdelay $0x4  }
0xb6: {  	vm1 =	veq.s32 v7, v1  }
0xb7: {  	vm1 =	vmand vm0, vm1  }
0xb8: {  	vm0 =	vmxor vm0, vm1  }
0xb9: {  	v7 =	vsel vm0, $0x3F800000, v3  }
0xba: {  	(xrf0) =	vmax.scan.msk.f32 $0xffff, v7;
	_ =	sdelay $0x5  }
0xbb: {  	v7, _, _ =	vpop (xrf0)  }
0xbc: {  	(v2sf) =	vpush v7, $0xF;
	_ =	sdelay $0x9  }
0xbd: {  	v7 =	vld.idx.msk [tilespmem:v4+s17+$0x0], $0xffff;
	_ =	sdelay $0x4  }
0xbe: {  	p0 =	sgt.u32 s28, $0xE;
	v7 =	vmax.bf16 v7, v5;
	s29 =	spop (v2sf)  }
0xbf: {  	[tilespmem:v4+s17+$0x0] =	vst.idx.msk vm1, v7;
	p1 =	sgt.f32 @!p0 s29, $0.0e+00  }
0xc0: {  	v7 =	vld.idx.msk [tilespmem:v4+s18+$0x0], $0xffff  }
0xc1: {  	p0 =	por p0, !p1  }
.Ltmp10:
0xc2: {  	_ = 	snop;
	(pc) =	sbr.rel @!p0 .LBB2_13-.Ltmp10, $3  }
0xc3: {  	_ =	sdelay $0x1  }
0xc4: {  	v7 =	vmax.bf16 v7, v6  }
0xc5: {  	s28 =	sadd.s32 $0x1, s28;
	[tilespmem:v4+s18+$0x0] =	vst.idx.msk vm1, v7  }
.LBB2_14:
0xc6: {  	v5 =	vld [tilespmem:s26+$0xED30];
	_ =	sdelay $0x4  }
0xc7: {  	v4 =	vshra.s32 v5, $0xE;
	_ =	sdelay $0x4  }
0xc8: {  	[tilespmem:v4+s19+$0x0] =	vst.idx.msk $0xffff, v1  }
0xc9: {  	v7 =	vld.idx.msk [tilespmem:v4+s19+$0x0], $0xffff;
	_ =	sdelay $0x4  }
0xca: {  	vm0 =	veq.s32 v7, v1  }
0xcb: {  	v6 =	vsel vm0, $0x0, v2  }
0xcc: {  	(xrf0) =	vmax.scan.msk.f32 $0xffff, v6;
	_ =	sdelay $0x5  }
0xcd: {  	v6 =	vand.u32 $0x3FFF, v5;
	v5, _, _ =	vpop (xrf0)  }
0xce: {  	(v2sf) =	vpush v5, $0xF;
	_ =	sdelay $0x5  }
0xcf: {  	v8 =	vld.idx.msk [tilespmem:v4+s17+$0x0], $0xffff  }
0xd0: {  	v5 =	vld.idx.msk [tilespmem:v6+s2+$0x0], $0xffff;
	_ =	sdelay $0x4  }
0xd1: {  	v8 =	vmax.bf16 v8, v5  }
0xd2: {  	[tilespmem:v4+s17+$0x0] =	vst.idx.msk vm0, v8  }
0xd3: {  	v6 =	vld.idx.msk [tilespmem:v6+s12+$0x0], $0xffff  }
0xd4: {  	v8 =	vld.idx.msk [tilespmem:v4+s18+$0x0], $0xffff;
	s31 =	spop (v2sf)  }
0xd5: {  	p0 =	sgt.f32 s31, $0.0e+00  }
.Ltmp11:
0xd6: {  	_ = 	snop;
	(pc) =	sbr.rel @!p0 .LBB2_17-.Ltmp11, $3  }
0xd7: {  	_ =	sdelay $0x1  }
0xd8: {  	v8 =	vmax.bf16 v8, v6  }
0xd9: {  	[tilespmem:v4+s18+$0x0] =	vst.idx.msk vm0, v8  }
0xda: {  	vm0 =	vne.s32 v7, v1;
	_ =	sdelay $0x4  }
0xdb: {  	s26 =	simm.s32 $0x0  }
.LBB2_16:
0xdc: {  	[tilespmem:v4+s19+$0x0] =	vst.idx.msk vm0, v1  }
0xdd: {  	v7 =	vld.idx.msk [tilespmem:v4+s19+$0x0], $0xffff;
	_ =	sdelay $0x4  }
0xde: {  	vm1 =	veq.s32 v7, v1  }
0xdf: {  	vm1 =	vmand vm0, vm1  }
0xe0: {  	vm0 =	vmxor vm0, vm1  }
0xe1: {  	v7 =	vsel vm0, $0x3F800000, v3  }
0xe2: {  	(xrf0) =	vmax.scan.msk.f32 $0xffff, v7;
	_ =	sdelay $0x5  }
0xe3: {  	v7, _, _ =	vpop (xrf0)  }
0xe4: {  	(v2sf) =	vpush v7, $0xF;
	_ =	sdelay $0x9  }
0xe5: {  	v7 =	vld.idx.msk [tilespmem:v4+s17+$0x0], $0xffff;
	_ =	sdelay $0x4  }
0xe6: {  	p0 =	sgt.u32 s26, $0xE;
	v7 =	vmax.bf16 v7, v5;
	s28 =	spop (v2sf)  }
0xe7: {  	[tilespmem:v4+s17+$0x0] =	vst.idx.msk vm1, v7;
	p1 =	sgt.f32 @!p0 s28, $0.0e+00  }
0xe8: {  	v7 =	vld.idx.msk [tilespmem:v4+s18+$0x0], $0xffff  }
0xe9: {  	p0 =	por p0, !p1  }
.Ltmp12:
0xea: {  	_ = 	snop;
	(pc) =	sbr.rel @!p0 .LBB2_16-.Ltmp12, $3  }
0xeb: {  	_ =	sdelay $0x1  }
0xec: {  	v7 =	vmax.bf16 v7, v6  }
0xed: {  	s26 =	sadd.s32 $0x1, s26;
	[tilespmem:v4+s18+$0x0] =	vst.idx.msk vm1, v7  }
.Ltmp13:
0xee: {  	_ = 	snop;
	(pc) =	sbr.rel .LBB2_17-.Ltmp13, $1  }
0xef: {  	_ =	sdelay $0x3  }
.LBB2_18:
0xf0: {  	p0 =	seq.s32 s23, $0x31  }
0xf1: {  	s24 =	sshrl.u32 @!p0 s24, $0x3  }
0xf2: {  	s25 =	simm.s32 @!p0 $0x0;
	s24 =	sadd.s32 @!p0 s3, s24  }
.Ltmp14:
0xf3: {  	s26 =	simm.s32 @!p0 $0xED00;
	s24 =	sadd.s32 @!p0 $0x320, s24;
	(pc) =	sbr.rel .LBB2_19-.Ltmp14, $4  }
0xf4: {  	[tilespmem:s26], [sflag:$0x1] =	stream.linear.gather @!p0 [hbm4b:s24+s25], $0xC80, $0x38;
	[tilespmem:$0x10600] =	vst v63  }
0xf5: {  	_ =	swait.ge [sflag:s20], $0xC80  }
0xf6: {  	[sflag:s20] =	ssyncset.done $0x0  }
0xf7: {  	s24 =	simm.s32 $0x0;
	[sflag:s20] =	ssyncadd.s32 $0xFFFFF380  }
.LBB2_31:
0xf8: {  	p0 =	slt.u32 s24, $0x62  }
.Ltmp15:
0xf9: {  	_ = 	snop;
	(pc) =	sbr.rel @!p0 .LBB2_32-.Ltmp15, $3  }
0xfa: {  	_ =	sdelay $0x1  }
0xfb: {  	s25 =	sadd.s32 $0x2, s24  }
0xfc: {  	s24 =	smov.u32 s25  }
.LBB2_19:
0xfd: {  	s25 =	sshll.u32 s24, $0x5  }
0xfe: {  	s25 =	sand.u32 $0x3FFFFFE0, s25  }
0xff: {  	v5 =	vld [tilespmem:s25+$0xF980];
	_ =	sdelay $0x4  }
0x100: {  	v4 =	vshra.s32 v5, $0xE;
	_ =	sdelay $0x4  }
0x101: {  	[tilespmem:v4+s16+$0x0] =	vst.idx.msk $0xffff, v1  }
0x102: {  	v7 =	vld.idx.msk [tilespmem:v4+s16+$0x0], $0xffff;
	_ =	sdelay $0x4  }
0x103: {  	vm0 =	veq.s32 v7, v1  }
0x104: {  	v6 =	vsel vm0, $0x0, v2  }
0x105: {  	(xrf0) =	vmax.scan.msk.f32 $0xffff, v6;
	_ =	sdelay $0x5  }
0x106: {  	v6 =	vand.u32 $0x3FFF, v5;
	v5, _, _ =	vpop (xrf0)  }
0x107: {  	(v2sf) =	vpush v5, $0xF;
	_ =	sdelay $0x5  }
0x108: {  	v8 =	vld.idx.msk [tilespmem:v4+s17+$0x0], $0xffff  }
0x109: {  	v5 =	vld.idx.msk [tilespmem:v6+s2+$0x0], $0xffff;
	_ =	sdelay $0x4  }
0x10a: {  	v8 =	vmax.bf16 v8, v5  }
0x10b: {  	[tilespmem:v4+s17+$0x0] =	vst.idx.msk vm0, v8  }
0x10c: {  	v6 =	vld.idx.msk [tilespmem:v6+s12+$0x0], $0xffff  }
0x10d: {  	v8 =	vld.idx.msk [tilespmem:v4+s18+$0x0], $0xffff;
	s26 =	spop (v2sf)  }
0x10e: {  	p0 =	sgt.f32 s26, $0.0e+00  }
.Ltmp16:
0x10f: {  	_ = 	snop;
	(pc) =	sbr.rel @!p0 .LBB2_22-.Ltmp16, $3  }
0x110: {  	_ =	sdelay $0x1  }
0x111: {  	v8 =	vmax.bf16 v8, v6  }
0x112: {  	[tilespmem:v4+s18+$0x0] =	vst.idx.msk vm0, v8  }
0x113: {  	vm0 =	vne.s32 v7, v1;
	_ =	sdelay $0x4  }
0x114: {  	s26 =	simm.s32 $0x0  }
.LBB2_21:
0x115: {  	[tilespmem:v4+s16+$0x0] =	vst.idx.msk vm0, v1  }
0x116: {  	v7 =	vld.idx.msk [tilespmem:v4+s16+$0x0], $0xffff;
	_ =	sdelay $0x4  }
0x117: {  	vm1 =	veq.s32 v7, v1  }
0x118: {  	vm1 =	vmand vm0, vm1  }
0x119: {  	vm0 =	vmxor vm0, vm1  }
0x11a: {  	v7 =	vsel vm0, $0x3F800000, v3  }
0x11b: {  	(xrf0) =	vmax.scan.msk.f32 $0xffff, v7;
	_ =	sdelay $0x5  }
0x11c: {  	v7, _, _ =	vpop (xrf0)  }
0x11d: {  	(v2sf) =	vpush v7, $0xF;
	_ =	sdelay $0x9  }
0x11e: {  	v7 =	vld.idx.msk [tilespmem:v4+s17+$0x0], $0xffff;
	_ =	sdelay $0x4  }
0x11f: {  	p0 =	sgt.u32 s26, $0xE;
	v7 =	vmax.bf16 v7, v5;
	s28 =	spop (v2sf)  }
0x120: {  	[tilespmem:v4+s17+$0x0] =	vst.idx.msk vm1, v7;
	p1 =	sgt.f32 @!p0 s28, $0.0e+00  }
0x121: {  	v7 =	vld.idx.msk [tilespmem:v4+s18+$0x0], $0xffff  }
0x122: {  	p0 =	por p0, !p1  }
.Ltmp17:
0x123: {  	_ = 	snop;
	(pc) =	sbr.rel @!p0 .LBB2_21-.Ltmp17, $3  }
0x124: {  	_ =	sdelay $0x1  }
0x125: {  	v7 =	vmax.bf16 v7, v6  }
0x126: {  	s26 =	sadd.s32 $0x1, s26;
	[tilespmem:v4+s18+$0x0] =	vst.idx.msk vm1, v7  }
.LBB2_22:
0x127: {  	v5 =	vld [tilespmem:s25+$0xF990];
	_ =	sdelay $0x4  }
0x128: {  	v4 =	vshra.s32 v5, $0xE;
	_ =	sdelay $0x4  }
0x129: {  	[tilespmem:v4+s19+$0x0] =	vst.idx.msk $0xffff, v1  }
0x12a: {  	v7 =	vld.idx.msk [tilespmem:v4+s19+$0x0], $0xffff;
	_ =	sdelay $0x4  }
0x12b: {  	vm0 =	veq.s32 v7, v1  }
0x12c: {  	v6 =	vsel vm0, $0x0, v2  }
0x12d: {  	(xrf0) =	vmax.scan.msk.f32 $0xffff, v6;
	_ =	sdelay $0x5  }
0x12e: {  	v6 =	vand.u32 $0x3FFF, v5;
	v5, _, _ =	vpop (xrf0)  }
0x12f: {  	(v2sf) =	vpush v5, $0xF;
	_ =	sdelay $0x5  }
0x130: {  	v8 =	vld.idx.msk [tilespmem:v4+s17+$0x0], $0xffff  }
0x131: {  	v5 =	vld.idx.msk [tilespmem:v6+s2+$0x0], $0xffff;
	_ =	sdelay $0x4  }
0x132: {  	v8 =	vmax.bf16 v8, v5  }
0x133: {  	[tilespmem:v4+s17+$0x0] =	vst.idx.msk vm0, v8  }
0x134: {  	v6 =	vld.idx.msk [tilespmem:v6+s12+$0x0], $0xffff  }
0x135: {  	v8 =	vld.idx.msk [tilespmem:v4+s18+$0x0], $0xffff;
	s26 =	spop (v2sf)  }
0x136: {  	p0 =	sgt.f32 s26, $0.0e+00  }
.Ltmp18:
0x137: {  	_ = 	snop;
	(pc) =	sbr.rel @!p0 .LBB2_25-.Ltmp18, $3  }
0x138: {  	_ =	sdelay $0x1  }
0x139: {  	v8 =	vmax.bf16 v8, v6  }
0x13a: {  	[tilespmem:v4+s18+$0x0] =	vst.idx.msk vm0, v8  }
0x13b: {  	vm0 =	vne.s32 v7, v1;
	_ =	sdelay $0x4  }
0x13c: {  	s26 =	simm.s32 $0x0  }
.LBB2_24:
0x13d: {  	[tilespmem:v4+s19+$0x0] =	vst.idx.msk vm0, v1  }
0x13e: {  	v7 =	vld.idx.msk [tilespmem:v4+s19+$0x0], $0xffff;
	_ =	sdelay $0x4  }
0x13f: {  	vm1 =	veq.s32 v7, v1  }
0x140: {  	vm1 =	vmand vm0, vm1  }
0x141: {  	vm0 =	vmxor vm0, vm1  }
0x142: {  	v7 =	vsel vm0, $0x3F800000, v3  }
0x143: {  	(xrf0) =	vmax.scan.msk.f32 $0xffff, v7;
	_ =	sdelay $0x5  }
0x144: {  	v7, _, _ =	vpop (xrf0)  }
0x145: {  	(v2sf) =	vpush v7, $0xF;
	_ =	sdelay $0x9  }
0x146: {  	v7 =	vld.idx.msk [tilespmem:v4+s17+$0x0], $0xffff;
	_ =	sdelay $0x4  }
0x147: {  	p0 =	sgt.u32 s26, $0xE;
	v7 =	vmax.bf16 v7, v5;
	s28 =	spop (v2sf)  }
0x148: {  	[tilespmem:v4+s17+$0x0] =	vst.idx.msk vm1, v7;
	p1 =	sgt.f32 @!p0 s28, $0.0e+00  }
0x149: {  	v7 =	vld.idx.msk [tilespmem:v4+s18+$0x0], $0xffff  }
0x14a: {  	p0 =	por p0, !p1  }
.Ltmp19:
0x14b: {  	_ = 	snop;
	(pc) =	sbr.rel @!p0 .LBB2_24-.Ltmp19, $3  }
0x14c: {  	_ =	sdelay $0x1  }
0x14d: {  	v7 =	vmax.bf16 v7, v6  }
0x14e: {  	s26 =	sadd.s32 $0x1, s26;
	[tilespmem:v4+s18+$0x0] =	vst.idx.msk vm1, v7  }
.LBB2_25:
0x14f: {  	v5 =	vld [tilespmem:s25+$0xF9A0];
	_ =	sdelay $0x4  }
0x150: {  	v4 =	vshra.s32 v5, $0xE;
	_ =	sdelay $0x4  }
0x151: {  	[tilespmem:v4+s16+$0x0] =	vst.idx.msk $0xffff, v1  }
0x152: {  	v7 =	vld.idx.msk [tilespmem:v4+s16+$0x0], $0xffff;
	_ =	sdelay $0x4  }
0x153: {  	vm0 =	veq.s32 v7, v1  }
0x154: {  	v6 =	vsel vm0, $0x0, v2  }
0x155: {  	(xrf0) =	vmax.scan.msk.f32 $0xffff, v6;
	_ =	sdelay $0x5  }
0x156: {  	v6 =	vand.u32 $0x3FFF, v5;
	v5, _, _ =	vpop (xrf0)  }
0x157: {  	(v2sf) =	vpush v5, $0xF;
	_ =	sdelay $0x5  }
0x158: {  	v8 =	vld.idx.msk [tilespmem:v4+s17+$0x0], $0xffff  }
0x159: {  	v5 =	vld.idx.msk [tilespmem:v6+s2+$0x0], $0xffff;
	_ =	sdelay $0x4  }
0x15a: {  	v8 =	vmax.bf16 v8, v5  }
0x15b: {  	[tilespmem:v4+s17+$0x0] =	vst.idx.msk vm0, v8  }
0x15c: {  	v6 =	vld.idx.msk [tilespmem:v6+s12+$0x0], $0xffff  }
0x15d: {  	v8 =	vld.idx.msk [tilespmem:v4+s18+$0x0], $0xffff;
	s26 =	spop (v2sf)  }
0x15e: {  	p0 =	sgt.f32 s26, $0.0e+00  }
.Ltmp20:
0x15f: {  	_ = 	snop;
	(pc) =	sbr.rel @!p0 .LBB2_28-.Ltmp20, $3  }
0x160: {  	_ =	sdelay $0x1  }
0x161: {  	v8 =	vmax.bf16 v8, v6  }
0x162: {  	[tilespmem:v4+s18+$0x0] =	vst.idx.msk vm0, v8  }
0x163: {  	vm0 =	vne.s32 v7, v1;
	_ =	sdelay $0x4  }
0x164: {  	s26 =	simm.s32 $0x0  }
.LBB2_27:
0x165: {  	[tilespmem:v4+s16+$0x0] =	vst.idx.msk vm0, v1  }
0x166: {  	v7 =	vld.idx.msk [tilespmem:v4+s16+$0x0], $0xffff;
	_ =	sdelay $0x4  }
0x167: {  	vm1 =	veq.s32 v7, v1  }
0x168: {  	vm1 =	vmand vm0, vm1  }
0x169: {  	vm0 =	vmxor vm0, vm1  }
0x16a: {  	v7 =	vsel vm0, $0x3F800000, v3  }
0x16b: {  	(xrf0) =	vmax.scan.msk.f32 $0xffff, v7;
	_ =	sdelay $0x5  }
0x16c: {  	v7, _, _ =	vpop (xrf0)  }
0x16d: {  	(v2sf) =	vpush v7, $0xF;
	_ =	sdelay $0x9  }
0x16e: {  	v7 =	vld.idx.msk [tilespmem:v4+s17+$0x0], $0xffff;
	_ =	sdelay $0x4  }
0x16f: {  	p0 =	sgt.u32 s26, $0xE;
	v7 =	vmax.bf16 v7, v5;
	s28 =	spop (v2sf)  }
0x170: {  	[tilespmem:v4+s17+$0x0] =	vst.idx.msk vm1, v7;
	p1 =	sgt.f32 @!p0 s28, $0.0e+00  }
0x171: {  	v7 =	vld.idx.msk [tilespmem:v4+s18+$0x0], $0xffff  }
0x172: {  	p0 =	por p0, !p1  }
.Ltmp21:
0x173: {  	_ = 	snop;
	(pc) =	sbr.rel @!p0 .LBB2_27-.Ltmp21, $3  }
0x174: {  	_ =	sdelay $0x1  }
0x175: {  	v7 =	vmax.bf16 v7, v6  }
0x176: {  	s26 =	sadd.s32 $0x1, s26;
	[tilespmem:v4+s18+$0x0] =	vst.idx.msk vm1, v7  }
.LBB2_28:
0x177: {  	v5 =	vld [tilespmem:s25+$0xF9B0];
	_ =	sdelay $0x4  }
0x178: {  	v4 =	vshra.s32 v5, $0xE;
	_ =	sdelay $0x4  }
0x179: {  	[tilespmem:v4+s19+$0x0] =	vst.idx.msk $0xffff, v1  }
0x17a: {  	v7 =	vld.idx.msk [tilespmem:v4+s19+$0x0], $0xffff;
	_ =	sdelay $0x4  }
0x17b: {  	vm0 =	veq.s32 v7, v1  }
0x17c: {  	v6 =	vsel vm0, $0x0, v2  }
0x17d: {  	(xrf0) =	vmax.scan.msk.f32 $0xffff, v6;
	_ =	sdelay $0x5  }
0x17e: {  	v6 =	vand.u32 $0x3FFF, v5;
	v5, _, _ =	vpop (xrf0)  }
0x17f: {  	(v2sf) =	vpush v5, $0xF;
	_ =	sdelay $0x5  }
0x180: {  	v8 =	vld.idx.msk [tilespmem:v4+s17+$0x0], $0xffff  }
0x181: {  	v5 =	vld.idx.msk [tilespmem:v6+s2+$0x0], $0xffff;
	_ =	sdelay $0x4  }
0x182: {  	v8 =	vmax.bf16 v8, v5  }
0x183: {  	[tilespmem:v4+s17+$0x0] =	vst.idx.msk vm0, v8  }
0x184: {  	v6 =	vld.idx.msk [tilespmem:v6+s12+$0x0], $0xffff  }
0x185: {  	v8 =	vld.idx.msk [tilespmem:v4+s18+$0x0], $0xffff;
	s31 =	spop (v2sf)  }
0x186: {  	p0 =	sgt.f32 s31, $0.0e+00  }
.Ltmp22:
0x187: {  	_ = 	snop;
	(pc) =	sbr.rel @!p0 .LBB2_31-.Ltmp22, $3  }
0x188: {  	_ =	sdelay $0x1  }
0x189: {  	v8 =	vmax.bf16 v8, v6  }
0x18a: {  	[tilespmem:v4+s18+$0x0] =	vst.idx.msk vm0, v8  }
0x18b: {  	vm0 =	vne.s32 v7, v1;
	_ =	sdelay $0x4  }
0x18c: {  	s25 =	simm.s32 $0x0  }
.LBB2_30:
0x18d: {  	[tilespmem:v4+s19+$0x0] =	vst.idx.msk vm0, v1  }
0x18e: {  	v7 =	vld.idx.msk [tilespmem:v4+s19+$0x0], $0xffff;
	_ =	sdelay $0x4  }
0x18f: {  	vm1 =	veq.s32 v7, v1  }
0x190: {  	vm1 =	vmand vm0, vm1  }
0x191: {  	vm0 =	vmxor vm0, vm1  }
0x192: {  	v7 =	vsel vm0, $0x3F800000, v3  }
0x193: {  	(xrf0) =	vmax.scan.msk.f32 $0xffff, v7;
	_ =	sdelay $0x5  }
0x194: {  	v7, _, _ =	vpop (xrf0)  }
0x195: {  	(v2sf) =	vpush v7, $0xF;
	_ =	sdelay $0x9  }
0x196: {  	v7 =	vld.idx.msk [tilespmem:v4+s17+$0x0], $0xffff;
	_ =	sdelay $0x4  }
0x197: {  	p0 =	sgt.u32 s25, $0xE;
	v7 =	vmax.bf16 v7, v5;
	s26 =	spop (v2sf)  }
0x198: {  	[tilespmem:v4+s17+$0x0] =	vst.idx.msk vm1, v7;
	p1 =	sgt.f32 @!p0 s26, $0.0e+00  }
0x199: {  	v7 =	vld.idx.msk [tilespmem:v4+s18+$0x0], $0xffff  }
0x19a: {  	p0 =	por p0, !p1  }
.Ltmp23:
0x19b: {  	_ = 	snop;
	(pc) =	sbr.rel @!p0 .LBB2_30-.Ltmp23, $3  }
0x19c: {  	_ =	sdelay $0x1  }
0x19d: {  	v7 =	vmax.bf16 v7, v6  }
0x19e: {  	s25 =	sadd.s32 $0x1, s25;
	[tilespmem:v4+s18+$0x0] =	vst.idx.msk vm1, v7  }
.Ltmp24:
0x19f: {  	_ = 	snop;
	(pc) =	sbr.rel .LBB2_31-.Ltmp24, $1  }
0x1a0: {  	_ =	sdelay $0x3  }
.LBB2_33:
0x1a1: {  	s22 =	simm.s32 $0x4F40  }
0x1a2: {  	s23 =	simm.s32 $0x40;
	v4 =	vld [tilespmem:s22+$0xFFFFFFC0]  }
0x1a3: {  	v5 =	vld [tilespmem:s23+$0xFFFFFFC0];
	_ =	sdelay $0x3  }
0x1a4: {  	vm0 =	vlt.bf16 v4, $0.0e+00  }
0x1a5: {  	v4 =	vsel vm0, v5, v4  }
0x1a6: {  	s24 =	simm.s32 $0x76C0;
	[tilespmem:s22+$0xFFFFFFC0] =	vst v4  }
0x1a7: {  	s25 =	simm.s32 $0x27C0;
	v4 =	vld [tilespmem:s24+$0xFFFFFFC0]  }
0x1a8: {  	v5 =	vld [tilespmem:s25+$0xFFFFFFC0];
	_ =	sdelay $0x3  }
0x1a9: {  	vm13 =	vlt.bf16 v4, $0.0e+00  }
0x1aa: {  	v4 =	vsel vm13, v5, v4  }
0x1ab: {  	[tilespmem:s24+$0xFFFFFFC0] =	vst v4  }
0x1ac: {  	v4 =	vld [tilespmem:s22+$0xFFFFFFD0]  }
0x1ad: {  	v5 =	vld [tilespmem:s23+$0xFFFFFFD0];
	_ =	sdelay $0x3  }
0x1ae: {  	vm14 =	vlt.bf16 v4, $0.0e+00  }
0x1af: {  	v4 =	vsel vm14, v5, v4  }
0x1b0: {  	[tilespmem:s22+$0xFFFFFFD0] =	vst v4  }
0x1b1: {  	v4 =	vld [tilespmem:s24+$0xFFFFFFD0]  }
0x1b2: {  	v5 =	vld [tilespmem:s25+$0xFFFFFFD0];
	_ =	sdelay $0x3  }
0x1b3: {  	vm15 =	vlt.bf16 v4, $0.0e+00  }
0x1b4: {  	v4 =	vsel vm15, v5, v4  }
0x1b5: {  	[tilespmem:s24+$0xFFFFFFD0] =	vst v4  }
0x1b6: {  	v4 =	vld [tilespmem:s22+$0xFFFFFFE0]  }
0x1b7: {  	v5 =	vld [tilespmem:s23+$0xFFFFFFE0];
	_ =	sdelay $0x3  }
0x1b8: {  	vm4 =	vlt.bf16 v4, $0.0e+00  }
0x1b9: {  	v4 =	vsel vm4, v5, v4  }
0x1ba: {  	[tilespmem:s22+$0xFFFFFFE0] =	vst v4  }
0x1bb: {  	v4 =	vld [tilespmem:s24+$0xFFFFFFE0]  }
0x1bc: {  	v5 =	vld [tilespmem:s25+$0xFFFFFFE0];
	_ =	sdelay $0x3  }
0x1bd: {  	vm5 =	vlt.bf16 v4, $0.0e+00  }
0x1be: {  	v4 =	vsel vm5, v5, v4  }
0x1bf: {  	[tilespmem:s24+$0xFFFFFFE0] =	vst v4  }
0x1c0: {  	v4 =	vld [tilespmem:s22+$0xFFFFFFF0]  }
0x1c1: {  	v5 =	vld [tilespmem:s23+$0xFFFFFFF0];
	_ =	sdelay $0x3  }
0x1c2: {  	vm6 =	vlt.bf16 v4, $0.0e+00  }
0x1c3: {  	v4 =	vsel vm6, v5, v4  }
0x1c4: {  	[tilespmem:s22+$0xFFFFFFF0] =	vst v4  }
0x1c5: {  	v4 =	vld [tilespmem:s24+$0xFFFFFFF0]  }
0x1c6: {  	v5 =	vld [tilespmem:s25+$0xFFFFFFF0];
	_ =	sdelay $0x3  }
0x1c7: {  	vm7 =	vlt.bf16 v4, $0.0e+00  }
0x1c8: {  	v4 =	vsel vm7, v5, v4  }
0x1c9: {  	[tilespmem:s24+$0xFFFFFFF0] =	vst v4  }
0x1ca: {  	v4 =	vld [tilespmem:s22+$0x0]  }
0x1cb: {  	v5 =	vld [tilespmem:s23+$0x0];
	_ =	sdelay $0x3  }
0x1cc: {  	vm8 =	vlt.bf16 v4, $0.0e+00  }
0x1cd: {  	v4 =	vsel vm8, v5, v4  }
0x1ce: {  	[tilespmem:s22+$0x0] =	vst v4  }
0x1cf: {  	v4 =	vld [tilespmem:s24+$0x0]  }
0x1d0: {  	v5 =	vld [tilespmem:s25+$0x0];
	_ =	sdelay $0x3  }
0x1d1: {  	vm9 =	vlt.bf16 v4, $0.0e+00  }
0x1d2: {  	v4 =	vsel vm9, v5, v4  }
0x1d3: {  	[tilespmem:s24+$0x0] =	vst v4  }
0x1d4: {  	v4 =	vld [tilespmem:s22+$0x10]  }
0x1d5: {  	v5 =	vld [tilespmem:s23+$0x10];
	_ =	sdelay $0x3  }
0x1d6: {  	vm10 =	vlt.bf16 v4, $0.0e+00  }
0x1d7: {  	v4 =	vsel vm10, v5, v4  }
0x1d8: {  	[tilespmem:s22+$0x10] =	vst v4  }
0x1d9: {  	v4 =	vld [tilespmem:s24+$0x10]  }
0x1da: {  	v5 =	vld [tilespmem:s25+$0x10];
	_ =	sdelay $0x3  }
0x1db: {  	vm11 =	vlt.bf16 v4, $0.0e+00  }
0x1dc: {  	v4 =	vsel vm11, v5, v4  }
0x1dd: {  	[tilespmem:s24+$0x10] =	vst v4  }
0x1de: {  	v4 =	vld [tilespmem:s22+$0x20]  }
0x1df: {  	v5 =	vld [tilespmem:s23+$0x20];
	_ =	sdelay $0x3  }
0x1e0: {  	vm12 =	vlt.bf16 v4, $0.0e+00  }
0x1e1: {  	v4 =	vsel vm12, v5, v4  }
0x1e2: {  	[tilespmem:s22+$0x20] =	vst v4  }
0x1e3: {  	v4 =	vld [tilespmem:s24+$0x20]  }
0x1e4: {  	v5 =	vld [tilespmem:s25+$0x20];
	_ =	sdelay $0x3  }
0x1e5: {  	vm13 =	vlt.bf16 v4, $0.0e+00  }
0x1e6: {  	v4 =	vsel vm13, v5, v4  }
0x1e7: {  	[tilespmem:s24+$0x20] =	vst v4  }
0x1e8: {  	v4 =	vld [tilespmem:s22+$0x30]  }
0x1e9: {  	v5 =	vld [tilespmem:s23+$0x30];
	_ =	sdelay $0x3  }
0x1ea: {  	vm14 =	vlt.bf16 v4, $0.0e+00  }
0x1eb: {  	v4 =	vsel vm14, v5, v4  }
0x1ec: {  	[tilespmem:s22+$0x30] =	vst v4  }
0x1ed: {  	v4 =	vld [tilespmem:s24+$0x30]  }
0x1ee: {  	v5 =	vld [tilespmem:s25+$0x30];
	_ =	sdelay $0x3  }
0x1ef: {  	vm15 =	vlt.bf16 v4, $0.0e+00  }
0x1f0: {  	s26 =	simm.s32 $0x7740;
	s28 =	simm.s32 $0x2840;
	s25 =	simm.s32 $0x0;
	v4 =	vsel vm15, v5, v4  }
.LBB2_34:
0x1f1: {  	s25 =	sadd.s32 $0x8, s25;
	[tilespmem:s24+$0x30] =	vst v4;
	s22 =	sadd.s32 $0x80, s22;
	s23 =	sadd.s32 $0x80, s23  }
0x1f2: {  	s24 =	smov.u32 s26;
	v4 =	vld [tilespmem:s22+$0xFFFFFFC0];
	p0 =	slt.u32 s25, $0x268  }
0x1f3: {  	v5 =	vld [tilespmem:s23+$0xFFFFFFC0];
	_ =	sdelay $0x3  }
0x1f4: {  	vm0 =	vlt.bf16 v4, $0.0e+00  }
0x1f5: {  	v4 =	vsel vm0, v5, v4  }
0x1f6: {  	[tilespmem:s22+$0xFFFFFFC0] =	vst v4  }
0x1f7: {  	v4 =	vld [tilespmem:s26+$0xFFFFFFC0]  }
0x1f8: {  	v5 =	vld [tilespmem:s28+$0xFFFFFFC0];
	_ =	sdelay $0x3  }
0x1f9: {  	vm0 =	vlt.bf16 v4, $0.0e+00  }
0x1fa: {  	v4 =	vsel vm0, v5, v4  }
0x1fb: {  	[tilespmem:s26+$0xFFFFFFC0] =	vst v4  }
0x1fc: {  	v4 =	vld [tilespmem:s22+$0xFFFFFFD0]  }
0x1fd: {  	v5 =	vld [tilespmem:s23+$0xFFFFFFD0];
	_ =	sdelay $0x3  }
0x1fe: {  	vm0 =	vlt.bf16 v4, $0.0e+00  }
0x1ff: {  	v4 =	vsel vm0, v5, v4  }
0x200: {  	[tilespmem:s22+$0xFFFFFFD0] =	vst v4  }
0x201: {  	v4 =	vld [tilespmem:s26+$0xFFFFFFD0]  }
0x202: {  	v5 =	vld [tilespmem:s28+$0xFFFFFFD0];
	_ =	sdelay $0x3  }
0x203: {  	vm0 =	vlt.bf16 v4, $0.0e+00  }
0x204: {  	v4 =	vsel vm0, v5, v4  }
0x205: {  	[tilespmem:s26+$0xFFFFFFD0] =	vst v4  }
0x206: {  	v4 =	vld [tilespmem:s22+$0xFFFFFFE0]  }
0x207: {  	v5 =	vld [tilespmem:s23+$0xFFFFFFE0];
	_ =	sdelay $0x3  }
0x208: {  	vm0 =	vlt.bf16 v4, $0.0e+00  }
0x209: {  	v4 =	vsel vm0, v5, v4  }
0x20a: {  	[tilespmem:s22+$0xFFFFFFE0] =	vst v4  }
0x20b: {  	v4 =	vld [tilespmem:s26+$0xFFFFFFE0]  }
0x20c: {  	v5 =	vld [tilespmem:s28+$0xFFFFFFE0];
	_ =	sdelay $0x3  }
0x20d: {  	vm0 =	vlt.bf16 v4, $0.0e+00  }
0x20e: {  	v4 =	vsel vm0, v5, v4  }
0x20f: {  	[tilespmem:s26+$0xFFFFFFE0] =	vst v4  }
0x210: {  	v4 =	vld [tilespmem:s22+$0xFFFFFFF0]  }
0x211: {  	v5 =	vld [tilespmem:s23+$0xFFFFFFF0];
	_ =	sdelay $0x3  }
0x212: {  	vm0 =	vlt.bf16 v4, $0.0e+00  }
0x213: {  	v4 =	vsel vm0, v5, v4  }
0x214: {  	[tilespmem:s22+$0xFFFFFFF0] =	vst v4  }
0x215: {  	v4 =	vld [tilespmem:s26+$0xFFFFFFF0]  }
0x216: {  	v5 =	vld [tilespmem:s28+$0xFFFFFFF0];
	_ =	sdelay $0x3  }
0x217: {  	vm0 =	vlt.bf16 v4, $0.0e+00  }
0x218: {  	v4 =	vsel vm0, v5, v4  }
0x219: {  	[tilespmem:s26+$0xFFFFFFF0] =	vst v4  }
0x21a: {  	v4 =	vld [tilespmem:s22+$0x0]  }
0x21b: {  	v5 =	vld [tilespmem:s23+$0x0];
	_ =	sdelay $0x3  }
0x21c: {  	vm0 =	vlt.bf16 v4, $0.0e+00  }
0x21d: {  	v4 =	vsel vm0, v5, v4  }
0x21e: {  	[tilespmem:s22+$0x0] =	vst v4  }
0x21f: {  	v4 =	vld [tilespmem:s26+$0x0]  }
0x220: {  	v5 =	vld [tilespmem:s28+$0x0];
	_ =	sdelay $0x3  }
0x221: {  	vm0 =	vlt.bf16 v4, $0.0e+00  }
0x222: {  	v4 =	vsel vm0, v5, v4  }
0x223: {  	[tilespmem:s26+$0x0] =	vst v4  }
0x224: {  	v4 =	vld [tilespmem:s22+$0x10]  }
0x225: {  	v5 =	vld [tilespmem:s23+$0x10];
	_ =	sdelay $0x3  }
0x226: {  	vm0 =	vlt.bf16 v4, $0.0e+00  }
0x227: {  	v4 =	vsel vm0, v5, v4  }
0x228: {  	[tilespmem:s22+$0x10] =	vst v4  }
0x229: {  	v4 =	vld [tilespmem:s26+$0x10]  }
0x22a: {  	v5 =	vld [tilespmem:s28+$0x10];
	_ =	sdelay $0x3  }
0x22b: {  	vm0 =	vlt.bf16 v4, $0.0e+00  }
0x22c: {  	v4 =	vsel vm0, v5, v4  }
0x22d: {  	[tilespmem:s26+$0x10] =	vst v4  }
0x22e: {  	v4 =	vld [tilespmem:s22+$0x20]  }
0x22f: {  	v5 =	vld [tilespmem:s23+$0x20];
	_ =	sdelay $0x3  }
0x230: {  	vm0 =	vlt.bf16 v4, $0.0e+00  }
0x231: {  	v4 =	vsel vm0, v5, v4  }
0x232: {  	[tilespmem:s22+$0x20] =	vst v4  }
0x233: {  	v4 =	vld [tilespmem:s26+$0x20]  }
0x234: {  	v5 =	vld [tilespmem:s28+$0x20];
	_ =	sdelay $0x3  }
0x235: {  	vm0 =	vlt.bf16 v4, $0.0e+00  }
0x236: {  	v4 =	vsel vm0, v5, v4  }
0x237: {  	[tilespmem:s26+$0x20] =	vst v4  }
0x238: {  	v4 =	vld [tilespmem:s22+$0x30]  }
0x239: {  	v5 =	vld [tilespmem:s23+$0x30];
	_ =	sdelay $0x3  }
0x23a: {  	vm0 =	vlt.bf16 v4, $0.0e+00  }
0x23b: {  	v4 =	vsel vm0, v5, v4  }
0x23c: {  	[tilespmem:s22+$0x30] =	vst v4  }
0x23d: {  	v4 =	vld [tilespmem:s26+$0x30]  }
0x23e: {  	v5 =	vld [tilespmem:s28+$0x30]  }
.Ltmp25:
0x23f: {  	(pc) =	sbr.rel @p0 .LBB2_34-.Ltmp25, $3  }
0x240: {  	_ =	sdelay $0x1  }
0x241: {  	vm0 =	vlt.bf16 v4, $0.0e+00  }
0x242: {  	s26 =	sadd.s32 $0x80, s26;
	s28 =	sadd.s32 $0x80, s28;
	v4 =	vsel vm0, v5, v4  }
0x243: {  	[tilespmem:s24+$0x30] =	vst v4  }
0x244: {  	v4 =	vld [tilespmem:$0x7600]  }
0x245: {  	v5 =	vld [tilespmem:$0x2700]  }
0x246: {  	v6 =	vld [tilespmem:$0x9D80]  }
0x247: {  	v7 =	vld [tilespmem:$0x4E80];
	_ =	sdelay $0x2  }
0x248: {  	vm0 =	vlt.bf16 v4, $0.0e+00  }
0x249: {  	vm15 =	vlt.bf16 v6, $0.0e+00;
	v4 =	vsel vm0, v5, v4  }
0x24a: {  	[tilespmem:$0x7600] =	vst v4;
	v4 =	vsel vm15, v7, v6  }
0x24b: {  	[tilespmem:$0x9D80] =	vst v4  }
0x24c: {  	[hbm4b:s6+s9] =	stream.strided.scatter [tilespmem:s17], [sflag:$0x3], $0x2780, s10, s9, $0x38;
	[tilespmem:$0x10600] =	vst v63  }
0x24d: {  	s21 =	sadd.s32 $0x1, s21;
	_ =	swait.ge [sflag:s11], $0x2780  }
0x24e: {  	p0 =	sne.s32 s21, s8;
	[sflag:s11] =	ssyncset.done $0x0  }
.Ltmp26:
0x24f: {  	[sflag:s11] =	ssyncadd.s32 $0xFFFFD880;
	(pc) =	sbr.rel @p0 .LBB2_1-.Ltmp26, $4  }
0x250: {  	[hbm4b:s7+s9] =	stream.strided.scatter [tilespmem:s18], [sflag:$0x3], $0x2780, s10, s9, $0x38;
	[tilespmem:$0x10600] =	vst v63  }
0x251: {  	_ =	swait.ge [sflag:s11], $0x2780  }
0x252: {  	[sflag:s11] =	ssyncset.done $0x0  }
0x253: {  	[sflag:s11] =	ssyncadd.s32 $0xFFFFD880  }
0x254: {  	_ =	sfence.sel $0x180000  }
0x255: {  	[bflag:$0x0] =	sbarrier.arrive $0xFFFF  }
0x256: {  	p0 =	sne.s32 s0, $0x0;
	_ =	strace $0x90000047  }
0x257: {  	s0 =	sadd.s32 @!p0 $0x100000, s1;
	[bflag:$0x2] =	sbarrier.arrive $0xFFFF  }
0x258: {  	[sflag:s0] =	ssyncadd.tile.s32 @!p0 $0x1;
	_ =	shalt  }
.Lfunc_end2:
_tile_overlayer_lowered:
.L_overlay_start_2:
0x259: {  	(tag) =	ssettag $0x2  }
0x25a: {  	s0 =	rddreg [dreg:$0x0];
	s2 =	stileid.u32  }
0x25b: {  	s1 =	rddreg [dreg:$0x1];
	p0 =	sne.s32 s2, $0x0  }
0x25c: {  	s3 =	rddreg [dreg:$0x2];
	[bflag:$0x3] =	sbarrier.arrive $0xFFFF;
	s2 =	simm.s32 @!p0 $0x1C03  }
0x25d: {  	[timem:s3], [sflag:s2] =	dma.local @!p0 [hbm:s0], s1  }
0x25e: {  	s0 =	simm.s32 @!p0 $0x3  }
0x25f: {  	_ =	swait.ge @!p0 [sflag:s0], s1  }
0x260: {  	s1 =	ssub.s32 @!p0 $0x0, s1;
	[sflag:s0] =	ssyncset.done @!p0 $0x0  }
0x261: {  	[sflag:s0] =	ssyncadd.s32 @!p0 s1  }
0x262: {  	[bflag:$0x3] =	sbarrier.arrive $0xFFFF  }
0x263: {  	_ =	shalt  }

// kernel: kernel.9.cloned.1.call-start
scs
__scs_entry_jumppad:
0x0: {  	(pc) =	sbr.rel $0x88, $3  }
0x1: {  	(tag) =	ssettag $0x0;
	lr =	simm.s32 $0x1  }
0x2: {  	[smem:$0x3F97] =	sst lr;
	_ =	strace $0xD0000000  }
0x3: {  	_ = 	snop  }
0x4: {  	_ = 	snop  }
0x5: {  	_ = 	snop  }
0x6: {  	_ = 	snop  }
0x7: {  	_ = 	snop  }
__scs_overlays_trampoline_lowered:
0x8: {  	[smem:$0x3FA6] =	sst s0  }
0x9: {  	[smem:$0x3FA7] =	sst s1  }
0xa: {  	[smem:$0x3FA8] =	sst s2  }
0xb: {  	[smem:$0x3FA9] =	sst s3  }
0xc: {  	[smem:$0x3FAA] =	sst s4  }
0xd: {  	[smem:$0x3FAB] =	sst s5  }
0xe: {  	[smem:$0x3FAC] =	sst s6  }
0xf: {  	[smem:$0x3FAD] =	sst s7  }
0x10: {  	[smem:$0x3FAE] =	sst s8  }
0x11: {  	[smem:$0x3FAF] =	sst s9;
	s0 =	simm.s32 @!p0 $0x0  }
0x12: {  	s1 =	sld [smem:$0x3F95];
	s0 =	simm.s32 @p0 $0x1  }
0x13: {  	[smem:$0x3FB0] =	sst s0;
	s0 =	simm.s32 @!p1 $0x0  }
0x14: {  	s2 =	sld [smem:$0x3F94];
	s0 =	simm.s32 @p1 $0x1  }
0x15: {  	[smem:$0x3FB1] =	sst s0;
	s0 =	simm.s32 @!p2 $0x0  }
0x16: {  	s3 =	sld [smem:$0x3FDB];
	s0 =	simm.s32 @p2 $0x1  }
0x17: {  	s4 =	simm.s32 $0x1BF5;
	[smem:$0x3FB3] =	sst s0  }
0x18: {  	s0 =	sld [smem:$0x3F96];
	_ =	swait.ge [sflag:s4], $0x0  }
0x19: {  	s7 =	sld [smem:$0x3F97]  }
0x1a: {  	s8 =	sadd.s32 $0xFFFFE003, lr  }
0x1b: {  	s9 =	sadd.s32 $0xFFFFFEF7, lr;
	s5 =	simm.s32 $0xFFFFFFFF;
	p2 =	slt.u32 s8, $0xFFFFF086  }
0x1c: {  	p1 =	slt.u32 s9, $0xF7A;
	s5 =	simm.s32 @!p2 $0x0  }
0x1d: {  	s5 =	simm.s32 @p1 $0x1;
	p0 =	seq.s32 s7, s2  }
0x1e: {  	s7 =	smul.u32 @!p0 $0xF7A, s2;
	p2 =	seq.s32 @!p0 s5, $0x0  }
0x1f: {  	s9 =	smul.u32 $0xF7A, s1;
	s8 =	simm.s32 @!p0 $0x1BF5;
	p2 =	por !p2, p0  }
0x20: {  	[sflag:s8] =	ssyncset.s32 @!p0 $0xFFFFF086;
	s6 =	sadd.s32 @!p0 s3, s7;
	s7 =	simm.s32 @!p0 $0x108  }
0x21: {  	s3 =	sadd.s32 s3, s9;
	s6 =	sadd.s32 @!p0 $0x88, s6;
	s7 =	simm.s32 @p2 $0x1082  }
0x22: {  	[simem:s7], [sflag:s8] =	dma.local @!p0 [hbm:s6], $0xF7A  }
0x23: {  	s9 =	sor.u32 $0xD0000000, s2;
	s6 =	simm.s32 $0x108;
	_ =	swait.ge @!p0 [sflag:s8], $0x0  }
0x24: {  	s3 =	sadd.s32 $0x88, s3;
	s6 =	simm.s32 @!p1 $0x1082;
	[sflag:s4] =	ssyncset.s32 $0xFFFFF086  }
0x25: {  	[simem:s6], [sflag:s4] =	dma.local [hbm:s3], $0xF7A  }
0x26: {  	[smem:$0x3F97] =	sst s1;
	(tag) =	ssettag s2;
	_ =	strace s9  }
0x27: {  	s1 =	sld [smem:$0x3FA7]  }
0x28: {  	s2 =	sld [smem:$0x3FA8]  }
0x29: {  	s4 =	sld [smem:$0x3FAA]  }
0x2a: {  	p0 =	seq.s32 s5, $0x0;
	s5 =	sld [smem:$0x3FAB]  }
0x2b: {  	s6 =	sld [smem:$0x3FAC]  }
0x2c: {  	s7 =	sld [smem:$0x3FAD]  }
0x2d: {  	s3 =	simm.s32 $0x108;
	s8 =	sld [smem:$0x3FAE]  }
0x2e: {  	s3 =	simm.s32 @!p0 $0x1082;
	s9 =	sld [smem:$0x3FAF]  }
0x2f: {  	lr =	sadd.s32 s0, s3;
	s0 =	sld [smem:$0x3FA6]  }
0x30: {  	s3 =	sld [smem:$0x3FA9]  }
0x31: {  	[smem:$0x3FB2] =	sst s10  }
0x32: {  	s10 =	sld [smem:$0x3FB0];
	_ =	sdelay $0x3  }
0x33: {  	p0 =	seq.s32 s10, $0x1;
	s10 =	sld [smem:$0x3FB2];
	_ =	sdelay $0x3  }
0x34: {  	[smem:$0x3FB2] =	sst s10  }
0x35: {  	s10 =	sld [smem:$0x3FB1];
	_ =	sdelay $0x3  }
0x36: {  	p1 =	seq.s32 s10, $0x1;
	s10 =	sld [smem:$0x3FB2];
	_ =	sdelay $0x3  }
0x37: {  	[smem:$0x3FB2] =	sst s10  }
0x38: {  	s10 =	sld [smem:$0x3FB3]  }
0x39: {  	_ = 	snop;
	(pc) =	sbr.ind lr, $3  }
0x3a: {  	_ = 	snop  }
0x3b: {  	_ = 	snop  }
0x3c: {  	p2 =	seq.s32 s10, $0x1;
	s10 =	sld [smem:$0x3FB2]  }
0x3d: {  	_ =	shalt  }
0x3e: {  	_ =	shalt  }
0x3f: {  	_ =	shalt  }
0x40: {  	_ =	shalt  }
0x41: {  	_ =	shalt  }
0x42: {  	_ =	shalt  }
0x43: {  	_ =	shalt  }
0x44: {  	_ =	shalt  }
0x45: {  	_ =	shalt  }
0x46: {  	_ =	shalt  }
0x47: {  	_ =	shalt  }
0x48: {  	_ =	shalt  }
0x49: {  	_ =	shalt  }
0x4a: {  	_ =	shalt  }
0x4b: {  	_ =	shalt  }
0x4c: {  	_ =	shalt  }
0x4d: {  	_ =	shalt  }
0x4e: {  	_ =	shalt  }
0x4f: {  	_ =	shalt  }
0x50: {  	_ =	shalt  }
0x51: {  	_ =	shalt  }
0x52: {  	_ =	shalt  }
0x53: {  	_ =	shalt  }
0x54: {  	_ =	shalt  }
0x55: {  	_ =	shalt  }
0x56: {  	_ =	shalt  }
0x57: {  	_ =	shalt  }
0x58: {  	_ =	shalt  }
0x59: {  	_ =	shalt  }
0x5a: {  	_ =	shalt  }
0x5b: {  	_ =	shalt  }
0x5c: {  	_ =	shalt  }
0x5d: {  	_ =	shalt  }
0x5e: {  	_ =	shalt  }
0x5f: {  	_ =	shalt  }
0x60: {  	_ =	shalt  }
0x61: {  	_ =	shalt  }
0x62: {  	_ =	shalt  }
0x63: {  	_ =	shalt  }
0x64: {  	_ =	shalt  }
0x65: {  	_ =	shalt  }
0x66: {  	_ =	shalt  }
0x67: {  	_ =	shalt  }
0x68: {  	_ =	shalt  }
0x69: {  	_ =	shalt  }
0x6a: {  	_ =	shalt  }
0x6b: {  	_ =	shalt  }
0x6c: {  	_ =	shalt  }
0x6d: {  	_ =	shalt  }
0x6e: {  	_ =	shalt  }
0x6f: {  	_ =	shalt  }
0x70: {  	_ =	shalt  }
0x71: {  	_ =	shalt  }
0x72: {  	_ =	shalt  }
0x73: {  	_ =	shalt  }
0x74: {  	_ =	shalt  }
0x75: {  	_ =	shalt  }
0x76: {  	_ =	shalt  }
0x77: {  	_ =	shalt  }
0x78: {  	_ =	shalt  }
0x79: {  	_ =	shalt  }
0x7a: {  	_ =	shalt  }
0x7b: {  	_ =	shalt  }
0x7c: {  	_ =	shalt  }
0x7d: {  	_ =	shalt  }
0x7e: {  	_ =	shalt  }
0x7f: {  	_ =	shalt  }
0x80: {  	_ =	shalt  }
0x81: {  	_ =	shalt  }
0x82: {  	_ =	shalt  }
0x83: {  	_ =	shalt  }
0x84: {  	_ =	shalt  }
0x85: {  	_ =	shalt  }
0x86: {  	_ =	shalt  }
0x87: {  	_ =	shalt  }
.Lfunc_end0:
.L_simem_size_0:
called_computation.1_lowered:
.L_overlay_start_0:
0x88: {  	s2 =	sld [smem:$0x3FD9]  }
0x89: {  	s3 =	sld [smem:$0x3FFE];
	_ =	sdelay $0x1  }
0x8a: {  	s1 =	srdreg.scid  }
0x8b: {  	s0 =	sand.u32 $0x1, s1  }
0x8c: {  	s17 =	sshll.u32 s0, $0xA;
	s2 =	sadd.s32 s3, s2  }
0x8d: {  	s2 =	sadd.s32 s2, s17  }
0x8e: {  	[smem:$0x3FBE] =	sst s2  }
0x8f: {  	_ = 	snop  }
0x90: {  	s2 =	sld [smem:$0x3FD0];
	(tm) =	ssettm $0x1  }
0x91: {  	s18 =	sld [smem:$0x3FFB];
	_ =	sdelay $0x3  }
0x92: {  	_ =	strace s18  }
0x93: {  	s3 =	sld [smem:$0x3FFC];
	_ =	sdelay $0x3  }
0x94: {  	_ =	strace s3  }
0x95: {  	s3 =	sld [smem:$0x3FFD];
	_ =	sdelay $0x3  }
0x96: {  	_ =	strace s3  }
0x97: {  	_ =	strace $0x8FFFFFFF  }
0x98: {  	s19 =	sld [smem:$0x3FDB];
	_ =	sdelay $0x1  }
0x99: {  	s4 =	simm.s32 $_scs_section_size  }
0x9a: {  	s5 =	simm.s32 $_size__tile_overlayer_lowered;
	s6 =	simm.s32 $_tile_overlayer_lowered  }
0x9b: {  	s22 =	simm.s32 $0x1BFF;
	s21 =	sshll.u32 s6, $0x1;
	s3 =	sadd.s32 s4, s19  }
0x9c: {  	s7 =	simm.s32 $0x0;
	s20 =	sshll.u32 s5, $0x1;
	s5 =	sadd.s32 s21, s3  }
0x9d: {  	[timem:s7], [sflag:s22] =	dma.local [hbm:s5], s20  }
0x9e: {  	_ =	swait.ge [sflag:s22], s20  }
0x9f: {  	s4 =	ssub.s32 $0x0, s20;
	[sflag:s22] =	ssyncset.done $0x0  }
0xa0: {  	[sflag:s22] =	ssyncadd.s32 s4;
	_ =	sdelay $0x1  }
0xa1: {  	s23 =	simm.s32 $0x1B8B  }
0xa2: {  	_ =	swait.ge [sflag:s23], $0x1  }
0xa3: {  	[sflag:s23] =	ssyncset.done $0x0  }
0xa4: {  	s25 =	simm.s32 $0x1B8E;
	s24 =	sld [smem:$0x3FFE];
	[sflag:s23] =	ssyncadd.s32 $0xFFFFFFFF  }
0xa5: {  	s26 =	simm.s32 $execute0_lowered;
	[smem:$0x3FD2] =	sst s25  }
0xa6: {  	s5 =	sshll.u32 s26, $0x1;
	_ =	strace $0x80000049;
	[dreg:$0x1] =	wrdreg $0xFFFFFFFF  }
0xa7: {  	s28 =	simm.s32 $_size_execute0_lowered;
	s3 =	sadd.s32 s3, s5;
	[dreg:$0x0] =	wrdreg $0x0  }
0xa8: {  	s5 =	sshll.u32 s28, $0x1;
	[dreg:$0x2] =	wrdreg s3  }
0xa9: {  	[dreg:$0x3] =	wrdreg s5  }
0xaa: {  	[dreg:$0x4] =	wrdreg $0xC0  }
0xab: {  	_ =	task [dreg:s7], $0x5FFFF  }
0xac: {  	[dreg:$0x1] =	wrdreg $0xFFFFFFFF  }
0xad: {  	[dreg:$0x0] =	wrdreg $0x60  }
0xae: {  	[dreg:$0x2] =	wrdreg s2  }
0xaf: {  	[dreg:$0x3] =	wrdreg s24  }
0xb0: {  	[dreg:$0x4] =	wrdreg $0x9  }
0xb1: {  	_ =	task.clear_ibuf [dreg:s7], $0x5FFFF;
	_ =	strace $0x90000049  }
0xb2: {  	s29 =	simm.s32 $0x9;
	_ =	strace $0x8000004B  }
0xb3: {  	_ =	swait.ge [sflag:s29], $0x1  }
0xb4: {  	[sflag:s29] =	ssyncadd.s32 $0xFFFFFFFF  }
0xb5: {  	_ =	strace $0x9000004B  }
0xb6: {  	_ =	sfence  }
0xb7: {  	s30 =	sld [smem:$0x0];
	_ =	sdelay $0x2  }
0xb8: {  	s31 =	sshll.u32 s1, $0xD;
	s1 =	sshrl.u32 s1, $0x2  }
0xb9: {  	s3 =	sand.u32 $0x4000, s31;
	s1 =	sadd.s32 s1, s30  }
0xba: {  	s0 =	sor.u32 s3, s0;
	s1 =	sshll.u32 s1, $0x11  }
0xbb: {  	s0 =	sor.u32 s1, s0  }
0xbc: {  	s0 =	sadd.s32 $0x8F2B, s0  }
0xbd: {  	[sflag:s0] =	ssyncadd.remote.s32 $0x1  }
0xbe: {  	_ =	sfence.sel $0xFFFF  }
0xbf: {  	[dreg:$0x0] =	wrdreg $0xFFFFFFFF;
	(pc) =	sbr.abs _section_cstart, $3  }
0xc0: {  	[dreg:$0x1] =	wrdreg $0xFFFFFFFF  }
0xc1: {  	_ =	task.clear_ibuf [dreg:s7], $0x2FFFF;
	_ =	strace $0x9FFFFFFF  }
0xc2: {  	(tm) =	ssettm $0x7FFFFFFF  }
0xc3: {  	_ =	shalt  }
tec
execute0_lowered:
.L_overlay_start_1:
0x0: {  	(tag) =	ssettag $0x1  }
0x1: {  	s5 =	rddreg [dreg:$0x0]  }
0x2: {  	s1 =	srdreg.scid;
	s0 =	stileid.u32  }
0x3: {  	s4 =	rddreg [dreg:$0x1];
	s2 =	simm.s32 $0x0;
	s10 =	simm.s32 $0x100  }
0x4: {  	s11 =	simm.s32 $0x3;
	s12 =	simm.s32 $0x2780;
	s13 =	simm.s32 $0xED00  }
0x5: {  	s14 =	simm.s32 $0xF980;
	s15 =	simm.s32 $0x1;
	s16 =	simm.s32 $0x9E00  }
0x6: {  	s17 =	simm.s32 $0x4F00;
	s18 =	simm.s32 $0x7680;
	s19 =	simm.s32 $0xC580  }
0x7: {  	s20 =	simm.s32 $0x2;
	s3 =	sand.u32 $0x1, s1;
	s6 =	sshll.u32 s0, $0x1  }
0x8: {  	s21 =	simm.s32 $0x0;
	s1 =	rddreg [dreg:$0x2];
	s6 =	sor.u32 s3, s6  }
0x9: {  	[smem:$0x7FF] =	sst s2;
	s7 =	ssub.s32 $0x2, s3;
	s6 =	smul.u32 $0x9E0, s6  }
0xa: {  	s9 =	sadd.s32 $0xAA00, s4;
	_ =	strace $0x8000004A;
	s8 =	sshrl.u32 s7, $0x1  }
0xb: {  	s3 =	sadd.s32 $0xC00, s4;
	s8 =	ssub.s32 s7, s8;
	s31 =	sor.u32 $0x10, s6  }
0xc: {  	v0 =	vimm.s32 $0xBF80BF80;
	s4 =	sadd.s32 s5, s6;
	s6 =	sadd.s32 s9, s6;
	s8 =	smax.u32 s8, $0x1  }
0xd: {  	v1 =	vlaneseq.u32;
	v2 =	vimm.f32 $1.000000000e+00;
	v3 =	vimm.f32 $0.0e+00;
	s5 =	sadd.s32 s5, s31;
	s7 =	sadd.s32 s9, s31;
	s9 =	simm.s32 $0x80  }
.LBB2_1:
0xe: {  	[tilespmem:s2], [sflag:$0x3] =	stream.strided.gather [hbm4b:s4+s9], $0x2780, s10, s9, $0x38;
	[tilespmem:$0x10600] =	vst v63  }
0xf: {  	_ =	swait.ge [sflag:s11], $0x2780  }
0x10: {  	[sflag:s11] =	ssyncset.done $0x0  }
0x11: {  	[sflag:s11] =	ssyncadd.s32 $0xFFFFD880  }
0x12: {  	[tilespmem:s12], [sflag:$0x3] =	stream.strided.gather [hbm4b:s5+s9], $0x2780, s10, s9, $0x38;
	[tilespmem:$0x10600] =	vst v63  }
0x13: {  	_ =	swait.ge [sflag:s11], $0x2780  }
0x14: {  	[sflag:s11] =	ssyncset.done $0x0  }
0x15: {  	s23 =	simm.s32 $0x4F40;
	[sflag:s11] =	ssyncadd.s32 $0xFFFFD880  }
0x16: {  	s22 =	simm.s32 $0x76C0;
	[tilespmem:s23+$0xFFFFFFC0] =	vst v0  }
0x17: {  	[tilespmem:s22+$0xFFFFFFC0] =	vst v0  }
0x18: {  	[tilespmem:s23+$0xFFFFFFD0] =	vst v0  }
0x19: {  	[tilespmem:s22+$0xFFFFFFD0] =	vst v0  }
0x1a: {  	[tilespmem:s23+$0xFFFFFFE0] =	vst v0  }
0x1b: {  	[tilespmem:s22+$0xFFFFFFE0] =	vst v0  }
0x1c: {  	[tilespmem:s23+$0xFFFFFFF0] =	vst v0  }
0x1d: {  	[tilespmem:s22+$0xFFFFFFF0] =	vst v0  }
0x1e: {  	[tilespmem:s23+$0x0] =	vst v0  }
0x1f: {  	[tilespmem:s22+$0x0] =	vst v0  }
0x20: {  	[tilespmem:s23+$0x10] =	vst v0  }
0x21: {  	[tilespmem:s22+$0x10] =	vst v0  }
0x22: {  	[tilespmem:s23+$0x20] =	vst v0  }
0x23: {  	[tilespmem:s22+$0x20] =	vst v0  }
0x24: {  	[tilespmem:s23+$0x30] =	vst v0  }
0x25: {  	s24 =	simm.s32 $0x4FC0;
	s23 =	simm.s32 $0x0;
	[tilespmem:s22+$0x30] =	vst v0  }
.LBB2_2:
0x26: {  	[tilespmem:s24+$0xFFFFFFC0] =	vst v0;
	s22 =	sadd.s32 $0x80, s22  }
0x27: {  	[tilespmem:s22+$0xFFFFFFC0] =	vst v0  }
0x28: {  	[tilespmem:s24+$0xFFFFFFD0] =	vst v0  }
0x29: {  	[tilespmem:s22+$0xFFFFFFD0] =	vst v0  }
0x2a: {  	[tilespmem:s24+$0xFFFFFFE0] =	vst v0  }
0x2b: {  	[tilespmem:s22+$0xFFFFFFE0] =	vst v0  }
0x2c: {  	[tilespmem:s24+$0xFFFFFFF0] =	vst v0  }
0x2d: {  	[tilespmem:s22+$0xFFFFFFF0] =	vst v0  }
0x2e: {  	[tilespmem:s24+$0x0] =	vst v0  }
0x2f: {  	s23 =	sadd.s32 $0x8, s23;
	[tilespmem:s22+$0x0] =	vst v0  }
0x30: {  	p0 =	slt.u32 s23, $0x268;
	[tilespmem:s24+$0x10] =	vst v0  }
.Ltmp0:
0x31: {  	[tilespmem:s22+$0x10] =	vst v0;
	(pc) =	sbr.rel @p0 .LBB2_2-.Ltmp0, $4  }
0x32: {  	[tilespmem:s24+$0x20] =	vst v0  }
0x33: {  	[tilespmem:s22+$0x20] =	vst v0  }
0x34: {  	[tilespmem:s24+$0x30] =	vst v0  }
0x35: {  	s24 =	sadd.s32 $0x80, s24;
	[tilespmem:s22+$0x30] =	vst v0  }
.Ltmp1:
0x36: {  	(pc) =	sbr.rel .LBB2_4-.Ltmp1, $4  }
0x37: {  	_ = 	snop  }
0x38: {  	[tilespmem:$0x7600] =	vst v0  }
0x39: {  	[tilespmem:$0x9D80] =	vst v0;
	s22 =	simm.s32 $0x0;
	s23 =	simm.s32 $0x0  }
0x3a: {  	[tilespmem:s13], [sflag:$0x1] =	stream.linear.gather [hbm4b:s3+s22], $0xC80, $0x38;
	[tilespmem:$0x10600] =	vst v63  }
.LBB2_32:
0x3b: {  	s23 =	sadd.s32 $0x1, s23  }
0x3c: {  	p0 =	sne.s32 s23, $0x32  }
.Ltmp2:
0x3d: {  	_ = 	snop;
	(pc) =	sbr.rel @!p0 .LBB2_33-.Ltmp2, $1  }
0x3e: {  	_ =	sdelay $0x3  }
.LBB2_4:
0x3f: {  	s24 =	smul.u32 $0x1900, s23;
	_ =	sdelay $0x1  }
0x40: {  	s25 =	sshrl.u32 s24, $0x3  }
0x41: {  	s25 =	sadd.s32 s3, s25  }
.Ltmp3:
0x42: {  	s25 =	sadd.s32 $0x190, s25;
	(pc) =	sbr.rel .LBB2_5-.Ltmp3, $4  }
0x43: {  	[tilespmem:s14], [sflag:$0x2] =	stream.linear.gather [hbm4b:s25+s22], $0xC80, $0x38;
	[tilespmem:$0x10600] =	vst v63  }
0x44: {  	_ =	swait.ge [sflag:s15], $0xC80  }
0x45: {  	[sflag:s15] =	ssyncset.done $0x0  }
0x46: {  	s25 =	simm.s32 $0x0;
	[sflag:s15] =	ssyncadd.s32 $0xFFFFF380  }
.LBB2_17:
0x47: {  	p0 =	slt.u32 s25, $0x62  }
.Ltmp4:
0x48: {  	_ = 	snop;
	(pc) =	sbr.rel @!p0 .LBB2_18-.Ltmp4, $3  }
0x49: {  	_ =	sdelay $0x1  }
0x4a: {  	s26 =	sadd.s32 $0x2, s25  }
0x4b: {  	s25 =	smov.u32 s26  }
.LBB2_5:
0x4c: {  	s26 =	sshll.u32 s25, $0x5  }
0x4d: {  	s26 =	sand.u32 $0x3FFFFFE0, s26  }
0x4e: {  	v5 =	vld [tilespmem:s26+$0xED00];
	_ =	sdelay $0x4  }
0x4f: {  	v4 =	vshra.s32 v5, $0xE;
	_ =	sdelay $0x4  }
0x50: {  	[tilespmem:v4+s16+$0x0] =	vst.idx.msk $0xffff, v1  }
0x51: {  	v7 =	vld.idx.msk [tilespmem:v4+s16+$0x0], $0xffff;
	_ =	sdelay $0x4  }
0x52: {  	vm0 =	veq.s32 v7, v1  }
0x53: {  	v6 =	vsel vm0, $0x0, v2  }
0x54: {  	(xrf0) =	vmax.scan.msk.f32 $0xffff, v6;
	_ =	sdelay $0x5  }
0x55: {  	v6 =	vand.u32 $0x3FFF, v5;
	v5, _, _ =	vpop (xrf0)  }
0x56: {  	(v2sf) =	vpush v5, $0xF;
	_ =	sdelay $0x5  }
0x57: {  	v8 =	vld.idx.msk [tilespmem:v4+s17+$0x0], $0xffff  }
0x58: {  	v5 =	vld.idx.msk [tilespmem:v6+s2+$0x0], $0xffff;
	_ =	sdelay $0x4  }
0x59: {  	v8 =	vmax.bf16 v8, v5  }
0x5a: {  	[tilespmem:v4+s17+$0x0] =	vst.idx.msk vm0, v8  }
0x5b: {  	v6 =	vld.idx.msk [tilespmem:v6+s12+$0x0], $0xffff  }
0x5c: {  	v8 =	vld.idx.msk [tilespmem:v4+s18+$0x0], $0xffff;
	s28 =	spop (v2sf)  }
0x5d: {  	p0 =	sgt.f32 s28, $0.0e+00  }
.Ltmp5:
0x5e: {  	_ = 	snop;
	(pc) =	sbr.rel @!p0 .LBB2_8-.Ltmp5, $3  }
0x5f: {  	_ =	sdelay $0x1  }
0x60: {  	v8 =	vmax.bf16 v8, v6  }
0x61: {  	[tilespmem:v4+s18+$0x0] =	vst.idx.msk vm0, v8  }
0x62: {  	vm0 =	vne.s32 v7, v1;
	_ =	sdelay $0x4  }
0x63: {  	s28 =	simm.s32 $0x0  }
.LBB2_7:
0x64: {  	[tilespmem:v4+s16+$0x0] =	vst.idx.msk vm0, v1  }
0x65: {  	v7 =	vld.idx.msk [tilespmem:v4+s16+$0x0], $0xffff;
	_ =	sdelay $0x4  }
0x66: {  	vm1 =	veq.s32 v7, v1  }
0x67: {  	vm1 =	vmand vm0, vm1  }
0x68: {  	vm0 =	vmxor vm0, vm1  }
0x69: {  	v7 =	vsel vm0, $0x3F800000, v3  }
0x6a: {  	(xrf0) =	vmax.scan.msk.f32 $0xffff, v7;
	_ =	sdelay $0x5  }
0x6b: {  	v7, _, _ =	vpop (xrf0)  }
0x6c: {  	(v2sf) =	vpush v7, $0xF;
	_ =	sdelay $0x9  }
0x6d: {  	v7 =	vld.idx.msk [tilespmem:v4+s17+$0x0], $0xffff;
	_ =	sdelay $0x4  }
0x6e: {  	p0 =	sgt.u32 s28, $0xE;
	v7 =	vmax.bf16 v7, v5;
	s29 =	spop (v2sf)  }
0x6f: {  	[tilespmem:v4+s17+$0x0] =	vst.idx.msk vm1, v7;
	p1 =	sgt.f32 @!p0 s29, $0.0e+00  }
0x70: {  	v7 =	vld.idx.msk [tilespmem:v4+s18+$0x0], $0xffff  }
0x71: {  	p0 =	por p0, !p1  }
.Ltmp6:
0x72: {  	_ = 	snop;
	(pc) =	sbr.rel @!p0 .LBB2_7-.Ltmp6, $3  }
0x73: {  	_ =	sdelay $0x1  }
0x74: {  	v7 =	vmax.bf16 v7, v6  }
0x75: {  	s28 =	sadd.s32 $0x1, s28;
	[tilespmem:v4+s18+$0x0] =	vst.idx.msk vm1, v7  }
.LBB2_8:
0x76: {  	v5 =	vld [tilespmem:s26+$0xED10];
	_ =	sdelay $0x4  }
0x77: {  	v4 =	vshra.s32 v5, $0xE;
	_ =	sdelay $0x4  }
0x78: {  	[tilespmem:v4+s19+$0x0] =	vst.idx.msk $0xffff, v1  }
0x79: {  	v7 =	vld.idx.msk [tilespmem:v4+s19+$0x0], $0xffff;
	_ =	sdelay $0x4  }
0x7a: {  	vm0 =	veq.s32 v7, v1  }
0x7b: {  	v6 =	vsel vm0, $0x0, v2  }
0x7c: {  	(xrf0) =	vmax.scan.msk.f32 $0xffff, v6;
	_ =	sdelay $0x5  }
0x7d: {  	v6 =	vand.u32 $0x3FFF, v5;
	v5, _, _ =	vpop (xrf0)  }
0x7e: {  	(v2sf) =	vpush v5, $0xF;
	_ =	sdelay $0x5  }
0x7f: {  	v8 =	vld.idx.msk [tilespmem:v4+s17+$0x0], $0xffff  }
0x80: {  	v5 =	vld.idx.msk [tilespmem:v6+s2+$0x0], $0xffff;
	_ =	sdelay $0x4  }
0x81: {  	v8 =	vmax.bf16 v8, v5  }
0x82: {  	[tilespmem:v4+s17+$0x0] =	vst.idx.msk vm0, v8  }
0x83: {  	v6 =	vld.idx.msk [tilespmem:v6+s12+$0x0], $0xffff  }
0x84: {  	v8 =	vld.idx.msk [tilespmem:v4+s18+$0x0], $0xffff;
	s28 =	spop (v2sf)  }
0x85: {  	p0 =	sgt.f32 s28, $0.0e+00  }
.Ltmp7:
0x86: {  	_ = 	snop;
	(pc) =	sbr.rel @!p0 .LBB2_11-.Ltmp7, $3  }
0x87: {  	_ =	sdelay $0x1  }
0x88: {  	v8 =	vmax.bf16 v8, v6  }
0x89: {  	[tilespmem:v4+s18+$0x0] =	vst.idx.msk vm0, v8  }
0x8a: {  	vm0 =	vne.s32 v7, v1;
	_ =	sdelay $0x4  }
0x8b: {  	s28 =	simm.s32 $0x0  }
.LBB2_10:
0x8c: {  	[tilespmem:v4+s19+$0x0] =	vst.idx.msk vm0, v1  }
0x8d: {  	v7 =	vld.idx.msk [tilespmem:v4+s19+$0x0], $0xffff;
	_ =	sdelay $0x4  }
0x8e: {  	vm1 =	veq.s32 v7, v1  }
0x8f: {  	vm1 =	vmand vm0, vm1  }
0x90: {  	vm0 =	vmxor vm0, vm1  }
0x91: {  	v7 =	vsel vm0, $0x3F800000, v3  }
0x92: {  	(xrf0) =	vmax.scan.msk.f32 $0xffff, v7;
	_ =	sdelay $0x5  }
0x93: {  	v7, _, _ =	vpop (xrf0)  }
0x94: {  	(v2sf) =	vpush v7, $0xF;
	_ =	sdelay $0x9  }
0x95: {  	v7 =	vld.idx.msk [tilespmem:v4+s17+$0x0], $0xffff;
	_ =	sdelay $0x4  }
0x96: {  	p0 =	sgt.u32 s28, $0xE;
	v7 =	vmax.bf16 v7, v5;
	s29 =	spop (v2sf)  }
0x97: {  	[tilespmem:v4+s17+$0x0] =	vst.idx.msk vm1, v7;
	p1 =	sgt.f32 @!p0 s29, $0.0e+00  }
0x98: {  	v7 =	vld.idx.msk [tilespmem:v4+s18+$0x0], $0xffff  }
0x99: {  	p0 =	por p0, !p1  }
.Ltmp8:
0x9a: {  	_ = 	snop;
	(pc) =	sbr.rel @!p0 .LBB2_10-.Ltmp8, $3  }
0x9b: {  	_ =	sdelay $0x1  }
0x9c: {  	v7 =	vmax.bf16 v7, v6  }
0x9d: {  	s28 =	sadd.s32 $0x1, s28;
	[tilespmem:v4+s18+$0x0] =	vst.idx.msk vm1, v7  }
.LBB2_11:
0x9e: {  	v5 =	vld [tilespmem:s26+$0xED20];
	_ =	sdelay $0x4  }
0x9f: {  	v4 =	vshra.s32 v5, $0xE;
	_ =	sdelay $0x4  }
0xa0: {  	[tilespmem:v4+s16+$0x0] =	vst.idx.msk $0xffff, v1  }
0xa1: {  	v7 =	vld.idx.msk [tilespmem:v4+s16+$0x0], $0xffff;
	_ =	sdelay $0x4  }
0xa2: {  	vm0 =	veq.s32 v7, v1  }
0xa3: {  	v6 =	vsel vm0, $0x0, v2  }
0xa4: {  	(xrf0) =	vmax.scan.msk.f32 $0xffff, v6;
	_ =	sdelay $0x5  }
0xa5: {  	v6 =	vand.u32 $0x3FFF, v5;
	v5, _, _ =	vpop (xrf0)  }
0xa6: {  	(v2sf) =	vpush v5, $0xF;
	_ =	sdelay $0x5  }
0xa7: {  	v8 =	vld.idx.msk [tilespmem:v4+s17+$0x0], $0xffff  }
0xa8: {  	v5 =	vld.idx.msk [tilespmem:v6+s2+$0x0], $0xffff;
	_ =	sdelay $0x4  }
0xa9: {  	v8 =	vmax.bf16 v8, v5  }
0xaa: {  	[tilespmem:v4+s17+$0x0] =	vst.idx.msk vm0, v8  }
0xab: {  	v6 =	vld.idx.msk [tilespmem:v6+s12+$0x0], $0xffff  }
0xac: {  	v8 =	vld.idx.msk [tilespmem:v4+s18+$0x0], $0xffff;
	s28 =	spop (v2sf)  }
0xad: {  	p0 =	sgt.f32 s28, $0.0e+00  }
.Ltmp9:
0xae: {  	_ = 	snop;
	(pc) =	sbr.rel @!p0 .LBB2_14-.Ltmp9, $3  }
0xaf: {  	_ =	sdelay $0x1  }
0xb0: {  	v8 =	vmax.bf16 v8, v6  }
0xb1: {  	[tilespmem:v4+s18+$0x0] =	vst.idx.msk vm0, v8  }
0xb2: {  	vm0 =	vne.s32 v7, v1;
	_ =	sdelay $0x4  }
0xb3: {  	s28 =	simm.s32 $0x0  }
.LBB2_13:
0xb4: {  	[tilespmem:v4+s16+$0x0] =	vst.idx.msk vm0, v1  }
0xb5: {  	v7 =	vld.idx.msk [tilespmem:v4+s16+$0x0], $0xffff;
	_ =	sdelay $0x4  }
0xb6: {  	vm1 =	veq.s32 v7, v1  }
0xb7: {  	vm1 =	vmand vm0, vm1  }
0xb8: {  	vm0 =	vmxor vm0, vm1  }
0xb9: {  	v7 =	vsel vm0, $0x3F800000, v3  }
0xba: {  	(xrf0) =	vmax.scan.msk.f32 $0xffff, v7;
	_ =	sdelay $0x5  }
0xbb: {  	v7, _, _ =	vpop (xrf0)  }
0xbc: {  	(v2sf) =	vpush v7, $0xF;
	_ =	sdelay $0x9  }
0xbd: {  	v7 =	vld.idx.msk [tilespmem:v4+s17+$0x0], $0xffff;
	_ =	sdelay $0x4  }
0xbe: {  	p0 =	sgt.u32 s28, $0xE;
	v7 =	vmax.bf16 v7, v5;
	s29 =	spop (v2sf)  }
0xbf: {  	[tilespmem:v4+s17+$0x0] =	vst.idx.msk vm1, v7;
	p1 =	sgt.f32 @!p0 s29, $0.0e+00  }
0xc0: {  	v7 =	vld.idx.msk [tilespmem:v4+s18+$0x0], $0xffff  }
0xc1: {  	p0 =	por p0, !p1  }
.Ltmp10:
0xc2: {  	_ = 	snop;
	(pc) =	sbr.rel @!p0 .LBB2_13-.Ltmp10, $3  }
0xc3: {  	_ =	sdelay $0x1  }
0xc4: {  	v7 =	vmax.bf16 v7, v6  }
0xc5: {  	s28 =	sadd.s32 $0x1, s28;
	[tilespmem:v4+s18+$0x0] =	vst.idx.msk vm1, v7  }
.LBB2_14:
0xc6: {  	v5 =	vld [tilespmem:s26+$0xED30];
	_ =	sdelay $0x4  }
0xc7: {  	v4 =	vshra.s32 v5, $0xE;
	_ =	sdelay $0x4  }
0xc8: {  	[tilespmem:v4+s19+$0x0] =	vst.idx.msk $0xffff, v1  }
0xc9: {  	v7 =	vld.idx.msk [tilespmem:v4+s19+$0x0], $0xffff;
	_ =	sdelay $0x4  }
0xca: {  	vm0 =	veq.s32 v7, v1  }
0xcb: {  	v6 =	vsel vm0, $0x0, v2  }
0xcc: {  	(xrf0) =	vmax.scan.msk.f32 $0xffff, v6;
	_ =	sdelay $0x5  }
0xcd: {  	v6 =	vand.u32 $0x3FFF, v5;
	v5, _, _ =	vpop (xrf0)  }
0xce: {  	(v2sf) =	vpush v5, $0xF;
	_ =	sdelay $0x5  }
0xcf: {  	v8 =	vld.idx.msk [tilespmem:v4+s17+$0x0], $0xffff  }
0xd0: {  	v5 =	vld.idx.msk [tilespmem:v6+s2+$0x0], $0xffff;
	_ =	sdelay $0x4  }
0xd1: {  	v8 =	vmax.bf16 v8, v5  }
0xd2: {  	[tilespmem:v4+s17+$0x0] =	vst.idx.msk vm0, v8  }
0xd3: {  	v6 =	vld.idx.msk [tilespmem:v6+s12+$0x0], $0xffff  }
0xd4: {  	v8 =	vld.idx.msk [tilespmem:v4+s18+$0x0], $0xffff;
	s31 =	spop (v2sf)  }
0xd5: {  	p0 =	sgt.f32 s31, $0.0e+00  }
.Ltmp11:
0xd6: {  	_ = 	snop;
	(pc) =	sbr.rel @!p0 .LBB2_17-.Ltmp11, $3  }
0xd7: {  	_ =	sdelay $0x1  }
0xd8: {  	v8 =	vmax.bf16 v8, v6  }
0xd9: {  	[tilespmem:v4+s18+$0x0] =	vst.idx.msk vm0, v8  }
0xda: {  	vm0 =	vne.s32 v7, v1;
	_ =	sdelay $0x4  }
0xdb: {  	s26 =	simm.s32 $0x0  }
.LBB2_16:
0xdc: {  	[tilespmem:v4+s19+$0x0] =	vst.idx.msk vm0, v1  }
0xdd: {  	v7 =	vld.idx.msk [tilespmem:v4+s19+$0x0], $0xffff;
	_ =	sdelay $0x4  }
0xde: {  	vm1 =	veq.s32 v7, v1  }
0xdf: {  	vm1 =	vmand vm0, vm1  }
0xe0: {  	vm0 =	vmxor vm0, vm1  }
0xe1: {  	v7 =	vsel vm0, $0x3F800000, v3  }
0xe2: {  	(xrf0) =	vmax.scan.msk.f32 $0xffff, v7;
	_ =	sdelay $0x5  }
0xe3: {  	v7, _, _ =	vpop (xrf0)  }
0xe4: {  	(v2sf) =	vpush v7, $0xF;
	_ =	sdelay $0x9  }
0xe5: {  	v7 =	vld.idx.msk [tilespmem:v4+s17+$0x0], $0xffff;
	_ =	sdelay $0x4  }
0xe6: {  	p0 =	sgt.u32 s26, $0xE;
	v7 =	vmax.bf16 v7, v5;
	s28 =	spop (v2sf)  }
0xe7: {  	[tilespmem:v4+s17+$0x0] =	vst.idx.msk vm1, v7;
	p1 =	sgt.f32 @!p0 s28, $0.0e+00  }
0xe8: {  	v7 =	vld.idx.msk [tilespmem:v4+s18+$0x0], $0xffff  }
0xe9: {  	p0 =	por p0, !p1  }
.Ltmp12:
0xea: {  	_ = 	snop;
	(pc) =	sbr.rel @!p0 .LBB2_16-.Ltmp12, $3  }
0xeb: {  	_ =	sdelay $0x1  }
0xec: {  	v7 =	vmax.bf16 v7, v6  }
0xed: {  	s26 =	sadd.s32 $0x1, s26;
	[tilespmem:v4+s18+$0x0] =	vst.idx.msk vm1, v7  }
.Ltmp13:
0xee: {  	_ = 	snop;
	(pc) =	sbr.rel .LBB2_17-.Ltmp13, $1  }
0xef: {  	_ =	sdelay $0x3  }
.LBB2_18:
0xf0: {  	p0 =	seq.s32 s23, $0x31  }
0xf1: {  	s24 =	sshrl.u32 @!p0 s24, $0x3  }
0xf2: {  	s25 =	simm.s32 @!p0 $0x0;
	s24 =	sadd.s32 @!p0 s3, s24  }
.Ltmp14:
0xf3: {  	s26 =	simm.s32 @!p0 $0xED00;
	s24 =	sadd.s32 @!p0 $0x320, s24;
	(pc) =	sbr.rel .LBB2_19-.Ltmp14, $4  }
0xf4: {  	[tilespmem:s26], [sflag:$0x1] =	stream.linear.gather @!p0 [hbm4b:s24+s25], $0xC80, $0x38;
	[tilespmem:$0x10600] =	vst v63  }
0xf5: {  	_ =	swait.ge [sflag:s20], $0xC80  }
0xf6: {  	[sflag:s20] =	ssyncset.done $0x0  }
0xf7: {  	s24 =	simm.s32 $0x0;
	[sflag:s20] =	ssyncadd.s32 $0xFFFFF380  }
.LBB2_31:
0xf8: {  	p0 =	slt.u32 s24, $0x62  }
.Ltmp15:
0xf9: {  	_ = 	snop;
	(pc) =	sbr.rel @!p0 .LBB2_32-.Ltmp15, $3  }
0xfa: {  	_ =	sdelay $0x1  }
0xfb: {  	s25 =	sadd.s32 $0x2, s24  }
0xfc: {  	s24 =	smov.u32 s25  }
.LBB2_19:
0xfd: {  	s25 =	sshll.u32 s24, $0x5  }
0xfe: {  	s25 =	sand.u32 $0x3FFFFFE0, s25  }
0xff: {  	v5 =	vld [tilespmem:s25+$0xF980];
	_ =	sdelay $0x4  }
0x100: {  	v4 =	vshra.s32 v5, $0xE;
	_ =	sdelay $0x4  }
0x101: {  	[tilespmem:v4+s16+$0x0] =	vst.idx.msk $0xffff, v1  }
0x102: {  	v7 =	vld.idx.msk [tilespmem:v4+s16+$0x0], $0xffff;
	_ =	sdelay $0x4  }
0x103: {  	vm0 =	veq.s32 v7, v1  }
0x104: {  	v6 =	vsel vm0, $0x0, v2  }
0x105: {  	(xrf0) =	vmax.scan.msk.f32 $0xffff, v6;
	_ =	sdelay $0x5  }
0x106: {  	v6 =	vand.u32 $0x3FFF, v5;
	v5, _, _ =	vpop (xrf0)  }
0x107: {  	(v2sf) =	vpush v5, $0xF;
	_ =	sdelay $0x5  }
0x108: {  	v8 =	vld.idx.msk [tilespmem:v4+s17+$0x0], $0xffff  }
0x109: {  	v5 =	vld.idx.msk [tilespmem:v6+s2+$0x0], $0xffff;
	_ =	sdelay $0x4  }
0x10a: {  	v8 =	vmax.bf16 v8, v5  }
0x10b: {  	[tilespmem:v4+s17+$0x0] =	vst.idx.msk vm0, v8  }
0x10c: {  	v6 =	vld.idx.msk [tilespmem:v6+s12+$0x0], $0xffff  }
0x10d: {  	v8 =	vld.idx.msk [tilespmem:v4+s18+$0x0], $0xffff;
	s26 =	spop (v2sf)  }
0x10e: {  	p0 =	sgt.f32 s26, $0.0e+00  }
.Ltmp16:
0x10f: {  	_ = 	snop;
	(pc) =	sbr.rel @!p0 .LBB2_22-.Ltmp16, $3  }
0x110: {  	_ =	sdelay $0x1  }
0x111: {  	v8 =	vmax.bf16 v8, v6  }
0x112: {  	[tilespmem:v4+s18+$0x0] =	vst.idx.msk vm0, v8  }
0x113: {  	vm0 =	vne.s32 v7, v1;
	_ =	sdelay $0x4  }
0x114: {  	s26 =	simm.s32 $0x0  }
.LBB2_21:
0x115: {  	[tilespmem:v4+s16+$0x0] =	vst.idx.msk vm0, v1  }
0x116: {  	v7 =	vld.idx.msk [tilespmem:v4+s16+$0x0], $0xffff;
	_ =	sdelay $0x4  }
0x117: {  	vm1 =	veq.s32 v7, v1  }
0x118: {  	vm1 =	vmand vm0, vm1  }
0x119: {  	vm0 =	vmxor vm0, vm1  }
0x11a: {  	v7 =	vsel vm0, $0x3F800000, v3  }
0x11b: {  	(xrf0) =	vmax.scan.msk.f32 $0xffff, v7;
	_ =	sdelay $0x5  }
0x11c: {  	v7, _, _ =	vpop (xrf0)  }
0x11d: {  	(v2sf) =	vpush v7, $0xF;
	_ =	sdelay $0x9  }
0x11e: {  	v7 =	vld.idx.msk [tilespmem:v4+s17+$0x0], $0xffff;
	_ =	sdelay $0x4  }
0x11f: {  	p0 =	sgt.u32 s26, $0xE;
	v7 =	vmax.bf16 v7, v5;
	s28 =	spop (v2sf)  }
0x120: {  	[tilespmem:v4+s17+$0x0] =	vst.idx.msk vm1, v7;
	p1 =	sgt.f32 @!p0 s28, $0.0e+00  }
0x121: {  	v7 =	vld.idx.msk [tilespmem:v4+s18+$0x0], $0xffff  }
0x122: {  	p0 =	por p0, !p1  }
.Ltmp17:
0x123: {  	_ = 	snop;
	(pc) =	sbr.rel @!p0 .LBB2_21-.Ltmp17, $3  }
0x124: {  	_ =	sdelay $0x1  }
0x125: {  	v7 =	vmax.bf16 v7, v6  }
0x126: {  	s26 =	sadd.s32 $0x1, s26;
	[tilespmem:v4+s18+$0x0] =	vst.idx.msk vm1, v7  }
.LBB2_22:
0x127: {  	v5 =	vld [tilespmem:s25+$0xF990];
	_ =	sdelay $0x4  }
0x128: {  	v4 =	vshra.s32 v5, $0xE;
	_ =	sdelay $0x4  }
0x129: {  	[tilespmem:v4+s19+$0x0] =	vst.idx.msk $0xffff, v1  }
0x12a: {  	v7 =	vld.idx.msk [tilespmem:v4+s19+$0x0], $0xffff;
	_ =	sdelay $0x4  }
0x12b: {  	vm0 =	veq.s32 v7, v1  }
0x12c: {  	v6 =	vsel vm0, $0x0, v2  }
0x12d: {  	(xrf0) =	vmax.scan.msk.f32 $0xffff, v6;
	_ =	sdelay $0x5  }
0x12e: {  	v6 =	vand.u32 $0x3FFF, v5;
	v5, _, _ =	vpop (xrf0)  }
0x12f: {  	(v2sf) =	vpush v5, $0xF;
	_ =	sdelay $0x5  }
0x130: {  	v8 =	vld.idx.msk [tilespmem:v4+s17+$0x0], $0xffff  }
0x131: {  	v5 =	vld.idx.msk [tilespmem:v6+s2+$0x0], $0xffff;
	_ =	sdelay $0x4  }
0x132: {  	v8 =	vmax.bf16 v8, v5  }
0x133: {  	[tilespmem:v4+s17+$0x0] =	vst.idx.msk vm0, v8  }
0x134: {  	v6 =	vld.idx.msk [tilespmem:v6+s12+$0x0], $0xffff  }
0x135: {  	v8 =	vld.idx.msk [tilespmem:v4+s18+$0x0], $0xffff;
	s26 =	spop (v2sf)  }
0x136: {  	p0 =	sgt.f32 s26, $0.0e+00  }
.Ltmp18:
0x137: {  	_ = 	snop;
	(pc) =	sbr.rel @!p0 .LBB2_25-.Ltmp18, $3  }
0x138: {  	_ =	sdelay $0x1  }
0x139: {  	v8 =	vmax.bf16 v8, v6  }
0x13a: {  	[tilespmem:v4+s18+$0x0] =	vst.idx.msk vm0, v8  }
0x13b: {  	vm0 =	vne.s32 v7, v1;
	_ =	sdelay $0x4  }
0x13c: {  	s26 =	simm.s32 $0x0  }
.LBB2_24:
0x13d: {  	[tilespmem:v4+s19+$0x0] =	vst.idx.msk vm0, v1  }
0x13e: {  	v7 =	vld.idx.msk [tilespmem:v4+s19+$0x0], $0xffff;
	_ =	sdelay $0x4  }
0x13f: {  	vm1 =	veq.s32 v7, v1  }
0x140: {  	vm1 =	vmand vm0, vm1  }
0x141: {  	vm0 =	vmxor vm0, vm1  }
0x142: {  	v7 =	vsel vm0, $0x3F800000, v3  }
0x143: {  	(xrf0) =	vmax.scan.msk.f32 $0xffff, v7;
	_ =	sdelay $0x5  }
0x144: {  	v7, _, _ =	vpop (xrf0)  }
0x145: {  	(v2sf) =	vpush v7, $0xF;
	_ =	sdelay $0x9  }
0x146: {  	v7 =	vld.idx.msk [tilespmem:v4+s17+$0x0], $0xffff;
	_ =	sdelay $0x4  }
0x147: {  	p0 =	sgt.u32 s26, $0xE;
	v7 =	vmax.bf16 v7, v5;
	s28 =	spop (v2sf)  }
0x148: {  	[tilespmem:v4+s17+$0x0] =	vst.idx.msk vm1, v7;
	p1 =	sgt.f32 @!p0 s28, $0.0e+00  }
0x149: {  	v7 =	vld.idx.msk [tilespmem:v4+s18+$0x0], $0xffff  }
0x14a: {  	p0 =	por p0, !p1  }
.Ltmp19:
0x14b: {  	_ = 	snop;
	(pc) =	sbr.rel @!p0 .LBB2_24-.Ltmp19, $3  }
0x14c: {  	_ =	sdelay $0x1  }
0x14d: {  	v7 =	vmax.bf16 v7, v6  }
0x14e: {  	s26 =	sadd.s32 $0x1, s26;
	[tilespmem:v4+s18+$0x0] =	vst.idx.msk vm1, v7  }
.LBB2_25:
0x14f: {  	v5 =	vld [tilespmem:s25+$0xF9A0];
	_ =	sdelay $0x4  }
0x150: {  	v4 =	vshra.s32 v5, $0xE;
	_ =	sdelay $0x4  }
0x151: {  	[tilespmem:v4+s16+$0x0] =	vst.idx.msk $0xffff, v1  }
0x152: {  	v7 =	vld.idx.msk [tilespmem:v4+s16+$0x0], $0xffff;
	_ =	sdelay $0x4  }
0x153: {  	vm0 =	veq.s32 v7, v1  }
0x154: {  	v6 =	vsel vm0, $0x0, v2  }
0x155: {  	(xrf0) =	vmax.scan.msk.f32 $0xffff, v6;
	_ =	sdelay $0x5  }
0x156: {  	v6 =	vand.u32 $0x3FFF, v5;
	v5, _, _ =	vpop (xrf0)  }
0x157: {  	(v2sf) =	vpush v5, $0xF;
	_ =	sdelay $0x5  }
0x158: {  	v8 =	vld.idx.msk [tilespmem:v4+s17+$0x0], $0xffff  }
0x159: {  	v5 =	vld.idx.msk [tilespmem:v6+s2+$0x0], $0xffff;
	_ =	sdelay $0x4  }
0x15a: {  	v8 =	vmax.bf16 v8, v5  }
0x15b: {  	[tilespmem:v4+s17+$0x0] =	vst.idx.msk vm0, v8  }
0x15c: {  	v6 =	vld.idx.msk [tilespmem:v6+s12+$0x0], $0xffff  }
0x15d: {  	v8 =	vld.idx.msk [tilespmem:v4+s18+$0x0], $0xffff;
	s26 =	spop (v2sf)  }
0x15e: {  	p0 =	sgt.f32 s26, $0.0e+00  }
.Ltmp20:
0x15f: {  	_ = 	snop;
	(pc) =	sbr.rel @!p0 .LBB2_28-.Ltmp20, $3  }
0x160: {  	_ =	sdelay $0x1  }
0x161: {  	v8 =	vmax.bf16 v8, v6  }
0x162: {  	[tilespmem:v4+s18+$0x0] =	vst.idx.msk vm0, v8  }
0x163: {  	vm0 =	vne.s32 v7, v1;
	_ =	sdelay $0x4  }
0x164: {  	s26 =	simm.s32 $0x0  }
.LBB2_27:
0x165: {  	[tilespmem:v4+s16+$0x0] =	vst.idx.msk vm0, v1  }
0x166: {  	v7 =	vld.idx.msk [tilespmem:v4+s16+$0x0], $0xffff;
	_ =	sdelay $0x4  }
0x167: {  	vm1 =	veq.s32 v7, v1  }
0x168: {  	vm1 =	vmand vm0, vm1  }
0x169: {  	vm0 =	vmxor vm0, vm1  }
0x16a: {  	v7 =	vsel vm0, $0x3F800000, v3  }
0x16b: {  	(xrf0) =	vmax.scan.msk.f32 $0xffff, v7;
	_ =	sdelay $0x5  }
0x16c: {  	v7, _, _ =	vpop (xrf0)  }
0x16d: {  	(v2sf) =	vpush v7, $0xF;
	_ =	sdelay $0x9  }
0x16e: {  	v7 =	vld.idx.msk [tilespmem:v4+s17+$0x0], $0xffff;
	_ =	sdelay $0x4  }
0x16f: {  	p0 =	sgt.u32 s26, $0xE;
	v7 =	vmax.bf16 v7, v5;
	s28 =	spop (v2sf)  }
0x170: {  	[tilespmem:v4+s17+$0x0] =	vst.idx.msk vm1, v7;
	p1 =	sgt.f32 @!p0 s28, $0.0e+00  }
0x171: {  	v7 =	vld.idx.msk [tilespmem:v4+s18+$0x0], $0xffff  }
0x172: {  	p0 =	por p0, !p1  }
.Ltmp21:
0x173: {  	_ = 	snop;
	(pc) =	sbr.rel @!p0 .LBB2_27-.Ltmp21, $3  }
0x174: {  	_ =	sdelay $0x1  }
0x175: {  	v7 =	vmax.bf16 v7, v6  }
0x176: {  	s26 =	sadd.s32 $0x1, s26;
	[tilespmem:v4+s18+$0x0] =	vst.idx.msk vm1, v7  }
.LBB2_28:
0x177: {  	v5 =	vld [tilespmem:s25+$0xF9B0];
	_ =	sdelay $0x4  }
0x178: {  	v4 =	vshra.s32 v5, $0xE;
	_ =	sdelay $0x4  }
0x179: {  	[tilespmem:v4+s19+$0x0] =	vst.idx.msk $0xffff, v1  }
0x17a: {  	v7 =	vld.idx.msk [tilespmem:v4+s19+$0x0], $0xffff;
	_ =	sdelay $0x4  }
0x17b: {  	vm0 =	veq.s32 v7, v1  }
0x17c: {  	v6 =	vsel vm0, $0x0, v2  }
0x17d: {  	(xrf0) =	vmax.scan.msk.f32 $0xffff, v6;
	_ =	sdelay $0x5  }
0x17e: {  	v6 =	vand.u32 $0x3FFF, v5;
	v5, _, _ =	vpop (xrf0)  }
0x17f: {  	(v2sf) =	vpush v5, $0xF;
	_ =	sdelay $0x5  }
0x180: {  	v8 =	vld.idx.msk [tilespmem:v4+s17+$0x0], $0xffff  }
0x181: {  	v5 =	vld.idx.msk [tilespmem:v6+s2+$0x0], $0xffff;
	_ =	sdelay $0x4  }
0x182: {  	v8 =	vmax.bf16 v8, v5  }
0x183: {  	[tilespmem:v4+s17+$0x0] =	vst.idx.msk vm0, v8  }
0x184: {  	v6 =	vld.idx.msk [tilespmem:v6+s12+$0x0], $0xffff  }
0x185: {  	v8 =	vld.idx.msk [tilespmem:v4+s18+$0x0], $0xffff;
	s31 =	spop (v2sf)  }
0x186: {  	p0 =	sgt.f32 s31, $0.0e+00  }
.Ltmp22:
0x187: {  	_ = 	snop;
	(pc) =	sbr.rel @!p0 .LBB2_31-.Ltmp22, $3  }
0x188: {  	_ =	sdelay $0x1  }
0x189: {  	v8 =	vmax.bf16 v8, v6  }
0x18a: {  	[tilespmem:v4+s18+$0x0] =	vst.idx.msk vm0, v8  }
0x18b: {  	vm0 =	vne.s32 v7, v1;
	_ =	sdelay $0x4  }
0x18c: {  	s25 =	simm.s32 $0x0  }
.LBB2_30:
0x18d: {  	[tilespmem:v4+s19+$0x0] =	vst.idx.msk vm0, v1  }
0x18e: {  	v7 =	vld.idx.msk [tilespmem:v4+s19+$0x0], $0xffff;
	_ =	sdelay $0x4  }
0x18f: {  	vm1 =	veq.s32 v7, v1  }
0x190: {  	vm1 =	vmand vm0, vm1  }
0x191: {  	vm0 =	vmxor vm0, vm1  }
0x192: {  	v7 =	vsel vm0, $0x3F800000, v3  }
0x193: {  	(xrf0) =	vmax.scan.msk.f32 $0xffff, v7;
	_ =	sdelay $0x5  }
0x194: {  	v7, _, _ =	vpop (xrf0)  }
0x195: {  	(v2sf) =	vpush v7, $0xF;
	_ =	sdelay $0x9  }
0x196: {  	v7 =	vld.idx.msk [tilespmem:v4+s17+$0x0], $0xffff;
	_ =	sdelay $0x4  }
0x197: {  	p0 =	sgt.u32 s25, $0xE;
	v7 =	vmax.bf16 v7, v5;
	s26 =	spop (v2sf)  }
0x198: {  	[tilespmem:v4+s17+$0x0] =	vst.idx.msk vm1, v7;
	p1 =	sgt.f32 @!p0 s26, $0.0e+00  }
0x199: {  	v7 =	vld.idx.msk [tilespmem:v4+s18+$0x0], $0xffff  }
0x19a: {  	p0 =	por p0, !p1  }
.Ltmp23:
0x19b: {  	_ = 	snop;
	(pc) =	sbr.rel @!p0 .LBB2_30-.Ltmp23, $3  }
0x19c: {  	_ =	sdelay $0x1  }
0x19d: {  	v7 =	vmax.bf16 v7, v6  }
0x19e: {  	s25 =	sadd.s32 $0x1, s25;
	[tilespmem:v4+s18+$0x0] =	vst.idx.msk vm1, v7  }
.Ltmp24:
0x19f: {  	_ = 	snop;
	(pc) =	sbr.rel .LBB2_31-.Ltmp24, $1  }
0x1a0: {  	_ =	sdelay $0x3  }
.LBB2_33:
0x1a1: {  	s22 =	simm.s32 $0x4F40  }
0x1a2: {  	s23 =	simm.s32 $0x40;
	v4 =	vld [tilespmem:s22+$0xFFFFFFC0]  }
0x1a3: {  	v5 =	vld [tilespmem:s23+$0xFFFFFFC0];
	_ =	sdelay $0x3  }
0x1a4: {  	vm0 =	vlt.bf16 v4, $0.0e+00  }
0x1a5: {  	v4 =	vsel vm0, v5, v4  }
0x1a6: {  	s24 =	simm.s32 $0x76C0;
	[tilespmem:s22+$0xFFFFFFC0] =	vst v4  }
0x1a7: {  	s25 =	simm.s32 $0x27C0;
	v4 =	vld [tilespmem:s24+$0xFFFFFFC0]  }
0x1a8: {  	v5 =	vld [tilespmem:s25+$0xFFFFFFC0];
	_ =	sdelay $0x3  }
0x1a9: {  	vm13 =	vlt.bf16 v4, $0.0e+00  }
0x1aa: {  	v4 =	vsel vm13, v5, v4  }
0x1ab: {  	[tilespmem:s24+$0xFFFFFFC0] =	vst v4  }
0x1ac: {  	v4 =	vld [tilespmem:s22+$0xFFFFFFD0]  }
0x1ad: {  	v5 =	vld [tilespmem:s23+$0xFFFFFFD0];
	_ =	sdelay $0x3  }
0x1ae: {  	vm14 =	vlt.bf16 v4, $0.0e+00  }
0x1af: {  	v4 =	vsel vm14, v5, v4  }
0x1b0: {  	[tilespmem:s22+$0xFFFFFFD0] =	vst v4  }
0x1b1: {  	v4 =	vld [tilespmem:s24+$0xFFFFFFD0]  }
0x1b2: {  	v5 =	vld [tilespmem:s25+$0xFFFFFFD0];
	_ =	sdelay $0x3  }
0x1b3: {  	vm15 =	vlt.bf16 v4, $0.0e+00  }
0x1b4: {  	v4 =	vsel vm15, v5, v4  }
0x1b5: {  	[tilespmem:s24+$0xFFFFFFD0] =	vst v4  }
0x1b6: {  	v4 =	vld [tilespmem:s22+$0xFFFFFFE0]  }
0x1b7: {  	v5 =	vld [tilespmem:s23+$0xFFFFFFE0];
	_ =	sdelay $0x3  }
0x1b8: {  	vm4 =	vlt.bf16 v4, $0.0e+00  }
0x1b9: {  	v4 =	vsel vm4, v5, v4  }
0x1ba: {  	[tilespmem:s22+$0xFFFFFFE0] =	vst v4  }
0x1bb: {  	v4 =	vld [tilespmem:s24+$0xFFFFFFE0]  }
0x1bc: {  	v5 =	vld [tilespmem:s25+$0xFFFFFFE0];
	_ =	sdelay $0x3  }
0x1bd: {  	vm5 =	vlt.bf16 v4, $0.0e+00  }
0x1be: {  	v4 =	vsel vm5, v5, v4  }
0x1bf: {  	[tilespmem:s24+$0xFFFFFFE0] =	vst v4  }
0x1c0: {  	v4 =	vld [tilespmem:s22+$0xFFFFFFF0]  }
0x1c1: {  	v5 =	vld [tilespmem:s23+$0xFFFFFFF0];
	_ =	sdelay $0x3  }
0x1c2: {  	vm6 =	vlt.bf16 v4, $0.0e+00  }
0x1c3: {  	v4 =	vsel vm6, v5, v4  }
0x1c4: {  	[tilespmem:s22+$0xFFFFFFF0] =	vst v4  }
0x1c5: {  	v4 =	vld [tilespmem:s24+$0xFFFFFFF0]  }
0x1c6: {  	v5 =	vld [tilespmem:s25+$0xFFFFFFF0];
	_ =	sdelay $0x3  }
0x1c7: {  	vm7 =	vlt.bf16 v4, $0.0e+00  }
0x1c8: {  	v4 =	vsel vm7, v5, v4  }
0x1c9: {  	[tilespmem:s24+$0xFFFFFFF0] =	vst v4  }
0x1ca: {  	v4 =	vld [tilespmem:s22+$0x0]  }
0x1cb: {  	v5 =	vld [tilespmem:s23+$0x0];
	_ =	sdelay $0x3  }
0x1cc: {  	vm8 =	vlt.bf16 v4, $0.0e+00  }
0x1cd: {  	v4 =	vsel vm8, v5, v4  }
0x1ce: {  	[tilespmem:s22+$0x0] =	vst v4  }
0x1cf: {  	v4 =	vld [tilespmem:s24+$0x0]  }
0x1d0: {  	v5 =	vld [tilespmem:s25+$0x0];
	_ =	sdelay $0x3  }
0x1d1: {  	vm9 =	vlt.bf16 v4, $0.0e+00  }
0x1d2: {  	v4 =	vsel vm9, v5, v4  }
0x1d3: {  	[tilespmem:s24+$0x0] =	vst v4  }
0x1d4: {  	v4 =	vld [tilespmem:s22+$0x10]  }
0x1d5: {  	v5 =	vld [tilespmem:s23+$0x10];
	_ =	sdelay $0x3  }
0x1d6: {  	vm10 =	vlt.bf16 v4, $0.0e+00  }
0x1d7: {  	v4 =	vsel vm10, v5, v4  }
0x1d8: {  	[tilespmem:s22+$0x10] =	vst v4  }
0x1d9: {  	v4 =	vld [tilespmem:s24+$0x10]  }
0x1da: {  	v5 =	vld [tilespmem:s25+$0x10];
	_ =	sdelay $0x3  }
0x1db: {  	vm11 =	vlt.bf16 v4, $0.0e+00  }
0x1dc: {  	v4 =	vsel vm11, v5, v4  }
0x1dd: {  	[tilespmem:s24+$0x10] =	vst v4  }
0x1de: {  	v4 =	vld [tilespmem:s22+$0x20]  }
0x1df: {  	v5 =	vld [tilespmem:s23+$0x20];
	_ =	sdelay $0x3  }
0x1e0: {  	vm12 =	vlt.bf16 v4, $0.0e+00  }
0x1e1: {  	v4 =	vsel vm12, v5, v4  }
0x1e2: {  	[tilespmem:s22+$0x20] =	vst v4  }
0x1e3: {  	v4 =	vld [tilespmem:s24+$0x20]  }
0x1e4: {  	v5 =	vld [tilespmem:s25+$0x20];
	_ =	sdelay $0x3  }
0x1e5: {  	vm13 =	vlt.bf16 v4, $0.0e+00  }
0x1e6: {  	v4 =	vsel vm13, v5, v4  }
0x1e7: {  	[tilespmem:s24+$0x20] =	vst v4  }
0x1e8: {  	v4 =	vld [tilespmem:s22+$0x30]  }
0x1e9: {  	v5 =	vld [tilespmem:s23+$0x30];
	_ =	sdelay $0x3  }
0x1ea: {  	vm14 =	vlt.bf16 v4, $0.0e+00  }
0x1eb: {  	v4 =	vsel vm14, v5, v4  }
0x1ec: {  	[tilespmem:s22+$0x30] =	vst v4  }
0x1ed: {  	v4 =	vld [tilespmem:s24+$0x30]  }
0x1ee: {  	v5 =	vld [tilespmem:s25+$0x30];
	_ =	sdelay $0x3  }
0x1ef: {  	vm15 =	vlt.bf16 v4, $0.0e+00  }
0x1f0: {  	s26 =	simm.s32 $0x7740;
	s28 =	simm.s32 $0x2840;
	s25 =	simm.s32 $0x0;
	v4 =	vsel vm15, v5, v4  }
.LBB2_34:
0x1f1: {  	s25 =	sadd.s32 $0x8, s25;
	[tilespmem:s24+$0x30] =	vst v4;
	s22 =	sadd.s32 $0x80, s22;
	s23 =	sadd.s32 $0x80, s23  }
0x1f2: {  	s24 =	smov.u32 s26;
	v4 =	vld [tilespmem:s22+$0xFFFFFFC0];
	p0 =	slt.u32 s25, $0x268  }
0x1f3: {  	v5 =	vld [tilespmem:s23+$0xFFFFFFC0];
	_ =	sdelay $0x3  }
0x1f4: {  	vm0 =	vlt.bf16 v4, $0.0e+00  }
0x1f5: {  	v4 =	vsel vm0, v5, v4  }
0x1f6: {  	[tilespmem:s22+$0xFFFFFFC0] =	vst v4  }
0x1f7: {  	v4 =	vld [tilespmem:s26+$0xFFFFFFC0]  }
0x1f8: {  	v5 =	vld [tilespmem:s28+$0xFFFFFFC0];
	_ =	sdelay $0x3  }
0x1f9: {  	vm0 =	vlt.bf16 v4, $0.0e+00  }
0x1fa: {  	v4 =	vsel vm0, v5, v4  }
0x1fb: {  	[tilespmem:s26+$0xFFFFFFC0] =	vst v4  }
0x1fc: {  	v4 =	vld [tilespmem:s22+$0xFFFFFFD0]  }
0x1fd: {  	v5 =	vld [tilespmem:s23+$0xFFFFFFD0];
	_ =	sdelay $0x3  }
0x1fe: {  	vm0 =	vlt.bf16 v4, $0.0e+00  }
0x1ff: {  	v4 =	vsel vm0, v5, v4  }
0x200: {  	[tilespmem:s22+$0xFFFFFFD0] =	vst v4  }
0x201: {  	v4 =	vld [tilespmem:s26+$0xFFFFFFD0]  }
0x202: {  	v5 =	vld [tilespmem:s28+$0xFFFFFFD0];
	_ =	sdelay $0x3  }
0x203: {  	vm0 =	vlt.bf16 v4, $0.0e+00  }
0x204: {  	v4 =	vsel vm0, v5, v4  }
0x205: {  	[tilespmem:s26+$0xFFFFFFD0] =	vst v4  }
0x206: {  	v4 =	vld [tilespmem:s22+$0xFFFFFFE0]  }
0x207: {  	v5 =	vld [tilespmem:s23+$0xFFFFFFE0];
	_ =	sdelay $0x3  }
0x208: {  	vm0 =	vlt.bf16 v4, $0.0e+00  }
0x209: {  	v4 =	vsel vm0, v5, v4  }
0x20a: {  	[tilespmem:s22+$0xFFFFFFE0] =	vst v4  }
0x20b: {  	v4 =	vld [tilespmem:s26+$0xFFFFFFE0]  }
0x20c: {  	v5 =	vld [tilespmem:s28+$0xFFFFFFE0];
	_ =	sdelay $0x3  }
0x20d: {  	vm0 =	vlt.bf16 v4, $0.0e+00  }
0x20e: {  	v4 =	vsel vm0, v5, v4  }
0x20f: {  	[tilespmem:s26+$0xFFFFFFE0] =	vst v4  }
0x210: {  	v4 =	vld [tilespmem:s22+$0xFFFFFFF0]  }
0x211: {  	v5 =	vld [tilespmem:s23+$0xFFFFFFF0];
	_ =	sdelay $0x3  }
0x212: {  	vm0 =	vlt.bf16 v4, $0.0e+00  }
0x213: {  	v4 =	vsel vm0, v5, v4  }
0x214: {  	[tilespmem:s22+$0xFFFFFFF0] =	vst v4  }
0x215: {  	v4 =	vld [tilespmem:s26+$0xFFFFFFF0]  }
0x216: {  	v5 =	vld [tilespmem:s28+$0xFFFFFFF0];
	_ =	sdelay $0x3  }
0x217: {  	vm0 =	vlt.bf16 v4, $0.0e+00  }
0x218: {  	v4 =	vsel vm0, v5, v4  }
0x219: {  	[tilespmem:s26+$0xFFFFFFF0] =	vst v4  }
0x21a: {  	v4 =	vld [tilespmem:s22+$0x0]  }
0x21b: {  	v5 =	vld [tilespmem:s23+$0x0];
	_ =	sdelay $0x3  }
0x21c: {  	vm0 =	vlt.bf16 v4, $0.0e+00  }
0x21d: {  	v4 =	vsel vm0, v5, v4  }
0x21e: {  	[tilespmem:s22+$0x0] =	vst v4  }
0x21f: {  	v4 =	vld [tilespmem:s26+$0x0]  }
0x220: {  	v5 =	vld [tilespmem:s28+$0x0];
	_ =	sdelay $0x3  }
0x221: {  	vm0 =	vlt.bf16 v4, $0.0e+00  }
0x222: {  	v4 =	vsel vm0, v5, v4  }
0x223: {  	[tilespmem:s26+$0x0] =	vst v4  }
0x224: {  	v4 =	vld [tilespmem:s22+$0x10]  }
0x225: {  	v5 =	vld [tilespmem:s23+$0x10];
	_ =	sdelay $0x3  }
0x226: {  	vm0 =	vlt.bf16 v4, $0.0e+00  }
0x227: {  	v4 =	vsel vm0, v5, v4  }
0x228: {  	[tilespmem:s22+$0x10] =	vst v4  }
0x229: {  	v4 =	vld [tilespmem:s26+$0x10]  }
0x22a: {  	v5 =	vld [tilespmem:s28+$0x10];
	_ =	sdelay $0x3  }
0x22b: {  	vm0 =	vlt.bf16 v4, $0.0e+00  }
0x22c: {  	v4 =	vsel vm0, v5, v4  }
0x22d: {  	[tilespmem:s26+$0x10] =	vst v4  }
0x22e: {  	v4 =	vld [tilespmem:s22+$0x20]  }
0x22f: {  	v5 =	vld [tilespmem:s23+$0x20];
	_ =	sdelay $0x3  }
0x230: {  	vm0 =	vlt.bf16 v4, $0.0e+00  }
0x231: {  	v4 =	vsel vm0, v5, v4  }
0x232: {  	[tilespmem:s22+$0x20] =	vst v4  }
0x233: {  	v4 =	vld [tilespmem:s26+$0x20]  }
0x234: {  	v5 =	vld [tilespmem:s28+$0x20];
	_ =	sdelay $0x3  }
0x235: {  	vm0 =	vlt.bf16 v4, $0.0e+00  }
0x236: {  	v4 =	vsel vm0, v5, v4  }
0x237: {  	[tilespmem:s26+$0x20] =	vst v4  }
0x238: {  	v4 =	vld [tilespmem:s22+$0x30]  }
0x239: {  	v5 =	vld [tilespmem:s23+$0x30];
	_ =	sdelay $0x3  }
0x23a: {  	vm0 =	vlt.bf16 v4, $0.0e+00  }
0x23b: {  	v4 =	vsel vm0, v5, v4  }
0x23c: {  	[tilespmem:s22+$0x30] =	vst v4  }
0x23d: {  	v4 =	vld [tilespmem:s26+$0x30]  }
0x23e: {  	v5 =	vld [tilespmem:s28+$0x30]  }
.Ltmp25:
0x23f: {  	(pc) =	sbr.rel @p0 .LBB2_34-.Ltmp25, $3  }
0x240: {  	_ =	sdelay $0x1  }
0x241: {  	vm0 =	vlt.bf16 v4, $0.0e+00  }
0x242: {  	s26 =	sadd.s32 $0x80, s26;
	s28 =	sadd.s32 $0x80, s28;
	v4 =	vsel vm0, v5, v4  }
0x243: {  	[tilespmem:s24+$0x30] =	vst v4  }
0x244: {  	v4 =	vld [tilespmem:$0x7600]  }
0x245: {  	v5 =	vld [tilespmem:$0x2700]  }
0x246: {  	v6 =	vld [tilespmem:$0x9D80]  }
0x247: {  	v7 =	vld [tilespmem:$0x4E80];
	_ =	sdelay $0x2  }
0x248: {  	vm0 =	vlt.bf16 v4, $0.0e+00  }
0x249: {  	vm15 =	vlt.bf16 v6, $0.0e+00;
	v4 =	vsel vm0, v5, v4  }
0x24a: {  	[tilespmem:$0x7600] =	vst v4;
	v4 =	vsel vm15, v7, v6  }
0x24b: {  	[tilespmem:$0x9D80] =	vst v4  }
0x24c: {  	[hbm4b:s6+s9] =	stream.strided.scatter [tilespmem:s17], [sflag:$0x3], $0x2780, s10, s9, $0x38;
	[tilespmem:$0x10600] =	vst v63  }
0x24d: {  	s21 =	sadd.s32 $0x1, s21;
	_ =	swait.ge [sflag:s11], $0x2780  }
0x24e: {  	p0 =	sne.s32 s21, s8;
	[sflag:s11] =	ssyncset.done $0x0  }
.Ltmp26:
0x24f: {  	[sflag:s11] =	ssyncadd.s32 $0xFFFFD880;
	(pc) =	sbr.rel @p0 .LBB2_1-.Ltmp26, $4  }
0x250: {  	[hbm4b:s7+s9] =	stream.strided.scatter [tilespmem:s18], [sflag:$0x3], $0x2780, s10, s9, $0x38;
	[tilespmem:$0x10600] =	vst v63  }
0x251: {  	_ =	swait.ge [sflag:s11], $0x2780  }
0x252: {  	[sflag:s11] =	ssyncset.done $0x0  }
0x253: {  	[sflag:s11] =	ssyncadd.s32 $0xFFFFD880  }
0x254: {  	_ =	sfence.sel $0x180000  }
0x255: {  	[bflag:$0x0] =	sbarrier.arrive $0xFFFF  }
0x256: {  	p0 =	sne.s32 s0, $0x0;
	_ =	strace $0x9000004A  }
0x257: {  	s0 =	sadd.s32 @!p0 $0x100000, s1;
	[bflag:$0x2] =	sbarrier.arrive $0xFFFF  }
0x258: {  	[sflag:s0] =	ssyncadd.tile.s32 @!p0 $0x1;
	_ =	shalt  }
.Lfunc_end2:
_tile_overlayer_lowered:
.L_overlay_start_2:
0x259: {  	(tag) =	ssettag $0x2  }
0x25a: {  	s0 =	rddreg [dreg:$0x0];
	s2 =	stileid.u32  }
0x25b: {  	s1 =	rddreg [dreg:$0x1];
	p0 =	sne.s32 s2, $0x0  }
0x25c: {  	s3 =	rddreg [dreg:$0x2];
	[bflag:$0x3] =	sbarrier.arrive $0xFFFF;
	s2 =	simm.s32 @!p0 $0x1C03  }
0x25d: {  	[timem:s3], [sflag:s2] =	dma.local @!p0 [hbm:s0], s1  }
0x25e: {  	s0 =	simm.s32 @!p0 $0x3  }
0x25f: {  	_ =	swait.ge @!p0 [sflag:s0], s1  }
0x260: {  	s1 =	ssub.s32 @!p0 $0x0, s1;
	[sflag:s0] =	ssyncset.done @!p0 $0x0  }
0x261: {  	[sflag:s0] =	ssyncadd.s32 @!p0 s1  }
0x262: {  	[bflag:$0x3] =	sbarrier.arrive $0xFFFF  }
0x263: {  	_ =	shalt  }

</sc_bundles>
